<compile_context>
chip_gen: v7x
topology: tpu7x:2x2x1
jax: 0.10.2.dev20260603
libtpu: 0.0.44.dev20260713+nightly
codegen_flags: <defaults>
</compile_context>

<pallas_src>
import functools

import jax
import jax.numpy as jnp
from jax import lax
from jax.experimental import pallas as pl
from jax.experimental.pallas import tpu as pltpu
from jax.experimental.pallas import tpu_sc as plsc

D = 32
N_NEGS = 20
RPB = 420
RPB_PAD = 432
GPB = RPB_PAD // 16
BPC = 4
CH_ROWS = BPC * RPB_PAD
NSIZES = ((0, 128), (128, 128), (256, 128), (384, 16))


def _sc_dots(table_i, table_o, iword_i32, ow_i32, nw_i32):
    B = iword_i32.shape[0]
    C = ow_i32.shape[1]
    info = plsc.get_sparse_core_info()
    NC, NS = info.num_cores, info.num_subcores
    NW = NC * NS
    b_w = B // NW
    n_chunks = b_w // BPC
    assert b_w % BPC == 0 and n_chunks % 2 == 0

    mesh = plsc.VectorSubcoreMesh(core_axis_name="c", subcore_axis_name="s")

    @functools.partial(
        pl.kernel, mesh=mesh,
        compiler_params=pltpu.CompilerParams(
            use_tc_tiling_on_sc=False, needs_layout_passes=False),
        out_type=jax.ShapeDtypeStruct((B, RPB_PAD), jnp.float32),
        scratch_types=[
            pltpu.VMEM((b_w,), jnp.int32),
            pltpu.VMEM((b_w, D), jnp.float32),
            pltpu.VMEM((BPC, 20), jnp.int32),
            pltpu.VMEM((BPC, 20), jnp.int32),
            pltpu.VMEM((BPC, RPB - 20), jnp.int32),
            pltpu.VMEM((BPC, RPB - 20), jnp.int32),
            pltpu.VMEM((CH_ROWS, D), jnp.float32),
            pltpu.VMEM((CH_ROWS, D), jnp.float32),
            pltpu.VMEM((BPC, RPB_PAD), jnp.float32),
            pltpu.VMEM((BPC, RPB_PAD), jnp.float32),
            pltpu.SemaphoreType.DMA,
            pltpu.SemaphoreType.DMA,
        ],
    )
    def dots_kernel(ti_hbm, to_hbm, iw_hbm, ow_hbm, nw_hbm, dots_out,
                    iw_v, iv_v, oi_a, oi_b, ni_a, ni_b, rows_a, rows_b,
                    dots_a, dots_b, sem_a, sem_b):
        wid = lax.axis_index("s") * NC + lax.axis_index("c")
        wb = wid * b_w

        pltpu.sync_copy(iw_hbm.at[pl.ds(wb, b_w)], iw_v)
        pltpu.make_async_copy(ti_hbm.at[iw_v], iv_v, sem_a).start()
        pltpu.make_async_copy(ti_hbm.at[iw_v], iv_v, sem_a).wait()

        iota16 = lax.iota(jnp.int32, 16)

        def dmas(oi_v, ni_v, rows_v, sem):
            out = []
            for r in range(BPC):
                out.append(pltpu.make_async_copy(
                    to_hbm.at[oi_v.at[r, pl.ds(0, C)]],
                    rows_v.at[pl.ds(r * RPB_PAD, C)], sem))
                for o, sz in NSIZES:
                    out.append(pltpu.make_async_copy(
                        to_hbm.at[ni_v.at[r, pl.ds(o, sz)]],
                        rows_v.at[pl.ds(r * RPB_PAD + C + o, sz)], sem))
            return out

        def fire(c, oi_v, ni_v, rows_v, sem):
            pltpu.sync_copy(ow_hbm.at[pl.ds(wb + c * BPC, BPC)], oi_v)
            pltpu.sync_copy(nw_hbm.at[pl.ds(wb + c * BPC, BPC)], ni_v)
            for cp in dmas(oi_v, ni_v, rows_v, sem):
                cp.start()

        def drain(oi_v, ni_v, rows_v, sem):
            for cp in dmas(oi_v, ni_v, rows_v, sem):
                cp.wait()

        def process(c, rows_v, dots_v):
            for bl in range(BPC):
                iv_lo = iv_v[c * BPC + bl, pl.ds(0, 16)]
                iv_hi = iv_v[c * BPC + bl, pl.ds(16, 16)]

                def grp(g, carry, bl=bl, iv_lo=iv_lo, iv_hi=iv_hi):
                    accv = jnp.zeros((16,), jnp.float32)
                    for j in range(16):
                        r = bl * RPB_PAD + g * 16 + j
                        a = rows_v[r, pl.ds(0, 16)]
                        b = rows_v[r, pl.ds(16, 16)]
                        w = a * iv_lo + b * iv_hi
                        s = plsc.cumsum(w)[15]
                        accv = jnp.where(iota16 == j, s, accv)
                    dots_v[bl, pl.ds(g * 16, 16)] = accv
                    return carry

                lax.fori_loop(0, GPB, grp, 0)

            pltpu.sync_copy(dots_v, dots_out.at[pl.ds(wb + c * BPC, BPC)])

        fire(0, oi_a, ni_a, rows_a, sem_a)

        def loop(t, carry):
            ca = 2 * t
            fire(ca + 1, oi_b, ni_b, rows_b, sem_b)
            drain(oi_a, ni_a, rows_a, sem_a)
            process(ca, rows_a, dots_a)

            @pl.when(ca + 2 < n_chunks)
            def _():
                fire(ca + 2, oi_a, ni_a, rows_a, sem_a)

            drain(oi_b, ni_b, rows_b, sem_b)
            process(ca + 1, rows_b, dots_b)
            return carry

        lax.fori_loop(0, n_chunks // 2, loop, 0)

    return dots_kernel(table_i, table_o, iword_i32, ow_i32, nw_i32)


def _tc_loss_sum(dots2d, C):
    B, _ = dots2d.shape

    def body(d_ref, out_ref):
        d = d_ref[...]
        col = lax.broadcasted_iota(jnp.int32, (B, RPB_PAD), 1)
        x = jnp.where(col < C, d, -d)
        ls = jnp.minimum(x, 0.0) - jnp.log(1.0 + jnp.exp(-jnp.abs(x)))
        out_ref[...] = jnp.full(
            (1, 1), jnp.sum(jnp.where(col < RPB, ls, 0.0)), jnp.float32)

    out = pl.pallas_call(
        body,
        out_shape=jax.ShapeDtypeStruct((1, 1), jnp.float32),
    )(dots2d)
    return out[0, 0]


def kernel(iword, owords, table_i, table_o):
    B = iword.shape[0]
    C = owords.shape[1]
    V = table_i.shape[0]

    nwords = jax.random.randint(jax.random.key(1), (B, C * N_NEGS), 0, V - 1)

    dots = _sc_dots(table_i, table_o, iword.astype(jnp.int32),
                    owords.astype(jnp.int32), nwords.astype(jnp.int32))
    total = _tc_loss_sum(dots, C)
    return -total / jnp.float32(B * C)

# --- scband reference (transcript-rebuilt; emitter-appended) ---
"""Pipeline reference for scband-sgns-58772332478762 (READ-ONLY COPY).

The authoritative reference and input builder live on the scoring server;
editing this copy changes nothing except your own understanding.
"""

import jax, jax.numpy as jnp
import numpy as np

VOCAB = 1000000
EMBED = 32
N_NEGS = 20

def setup_inputs(seed: int = 0) -> dict:
    key = jax.random.key(seed)
    k1, k2, k3, k4 = jax.random.split(key, 4)
    iword = jax.random.randint(k1, (4096,), 0, VOCAB)
    owords = jax.random.randint(k2, (4096, 20), 0, VOCAB)
    table_i = jax.random.normal(k3, (VOCAB, EMBED), dtype=jnp.float32) * 0.01
    table_o = jax.random.normal(k4, (VOCAB, EMBED), dtype=jnp.float32) * 0.01
    return {"iword": iword, "owords": owords, "table_i": table_i, "table_o": table_o}

def reference(iword, owords, table_i, table_o):
    B = iword.shape[0]
    C = owords.shape[1]
    # negative samples: uniform over vocab (weights=None branch), fixed key for determinism
    nwords = jax.random.randint(jax.random.key(1), (B, C * N_NEGS), 0, VOCAB - 1)
    # embedding.forward_i / forward_o -> gathers into input/output tables
    ivectors = jnp.take(table_i, iword, axis=0)[:, :, None]          # [B, D, 1]
    ovectors = jnp.take(table_o, owords, axis=0)                      # [B, C, D]
    nvectors = -jnp.take(table_o, nwords, axis=0)                     # [B, C*n_negs, D]
    oloss = jnp.log(jax.nn.sigmoid(jnp.squeeze(jnp.matmul(ovectors, ivectors), -1)))  # [B, C]
    nloss = jnp.log(jax.nn.sigmoid(jnp.squeeze(jnp.matmul(nvectors, ivectors), -1)))  # [B, C*n_negs]
    loss = -(oloss.mean(1) + nloss.reshape(B, C, N_NEGS).sum(2).mean(1)).mean()
    return loss

if __name__ == "__main__":
    import jax
    _d = setup_inputs()
    print(jax.jit(kernel)(*tuple(_d.values())))

</pallas_src>

<mosaic_0001>
#map = affine_map<(d0, d1) -> (0, 0)>
#map1 = affine_map<(d0, d1) -> (0)>
module attributes {stable_mosaic.version = 14 : i64} {
  func.func @dots_kernel(%arg0: i32, %arg1: i32, %arg2: memref<1000000x32xf32, #tpu.memory_space<hbm>>, %arg3: memref<1000000x32xf32, #tpu.memory_space<hbm>>, %arg4: memref<4096xi32, #tpu.memory_space<hbm>>, %arg5: memref<4096x20xi32, #tpu.memory_space<hbm>>, %arg6: memref<4096x400xi32, #tpu.memory_space<hbm>>, %arg7: memref<4096x432xf32, #tpu.memory_space<hbm>>, %arg8: memref<128xi32, #tpu.memory_space<vmem>>, %arg9: memref<128x32xf32, #tpu.memory_space<vmem>>, %arg10: memref<4x20xi32, #tpu.memory_space<vmem>>, %arg11: memref<4x20xi32, #tpu.memory_space<vmem>>, %arg12: memref<4x400xi32, #tpu.memory_space<vmem>>, %arg13: memref<4x400xi32, #tpu.memory_space<vmem>>, %arg14: memref<1728x32xf32, #tpu.memory_space<vmem>>, %arg15: memref<1728x32xf32, #tpu.memory_space<vmem>>, %arg16: memref<4x432xf32, #tpu.memory_space<vmem>>, %arg17: memref<4x432xf32, #tpu.memory_space<vmem>>, %arg18: memref<!tpu.dma_semaphore, #tpu.memory_space<semaphore_mem>>, %arg19: memref<!tpu.dma_semaphore, #tpu.memory_space<semaphore_mem>>) attributes {dimension_semantics = [#tpu.dimension_semantics<core_parallel>, #tpu.dimension_semantics<subcore_parallel>], iteration_bounds = array<i64: 2, 16>, scalar_prefetch = 0 : i64, scratch_operands = 12 : i64, tpu.core_type = #tpu.core_type<sc_vector_subcore>, window_params = [{transform_indices = #map}, {transform_indices = #map}, {transform_indices = #map1}, {transform_indices = #map}, {transform_indices = #map}, {transform_indices = #map}]} {
    %mul3A = arith.constant 2 : i32
    %mul3A_0 = arith.muli %arg1, %mul3A : i32
    %add3A = arith.addi %mul3A_0, %arg0 : i32
    %mul3A_1 = arith.constant 128 : i32
    %mul3A_2 = arith.muli %add3A, %mul3A_1 : i32
    "tpu.region"() ({
      %run_scoped3A = tpu.sem_alloc : memref<!tpu.dma_semaphore, #tpu.memory_space<semaphore_mem>>
      %dma_start3A_216 = tpu.memref_slice %arg4[%mul3A_2] : memref<4096xi32, #tpu.memory_space<hbm>> -> memref<128xi32, #tpu.memory_space<hbm>>
      %dma_start3A_217 = tpu.memref_slice %arg4[%mul3A_2] : memref<4096xi32, #tpu.memory_space<hbm>> -> memref<128xi32, #tpu.memory_space<hbm>>
      tpu.enqueue_dma source(%dma_start3A_217 : memref<128xi32, #tpu.memory_space<hbm>>) target(%arg8 : memref<128xi32, #tpu.memory_space<vmem>>) target_semaphore(%run_scoped3A : memref<!tpu.dma_semaphore, #tpu.memory_space<semaphore_mem>>)
      %dma_wait3A_218 = tpu.memref_slice %arg4[%mul3A_2] : memref<4096xi32, #tpu.memory_space<hbm>> -> memref<128xi32, #tpu.memory_space<hbm>>
      %dma_wait3A_219 = tpu.memref_slice %arg4[%mul3A_2] : memref<4096xi32, #tpu.memory_space<hbm>> -> memref<128xi32, #tpu.memory_space<hbm>>
      tpu.wait_dma2 semaphore(%run_scoped3A : memref<!tpu.dma_semaphore, #tpu.memory_space<semaphore_mem>>) src(%dma_wait3A_219 : memref<128xi32, #tpu.memory_space<hbm>>) dst(%arg8 : memref<128xi32, #tpu.memory_space<vmem>>)
      tpu.yield
    }) : () -> ()
    %dma_start3A = arith.constant 0 : i32
    %dma_start3A_3 = arith.constant 0 : i32
    %dma_start3A_4 = tpu.memref_slice %arg2[%dma_start3A, %dma_start3A_3] : memref<1000000x32xf32, #tpu.memory_space<hbm>> -> memref<1000000x32xf32, #tpu.memory_space<hbm>>
    tpu.enqueue_indirect_dma source(%dma_start3A_4 : memref<1000000x32xf32, #tpu.memory_space<hbm>>) target(%arg9 : memref<128x32xf32, #tpu.memory_space<vmem>>) offsets(%arg8 : memref<128xi32, #tpu.memory_space<vmem>>) semaphore(%arg18 : memref<!tpu.dma_semaphore, #tpu.memory_space<semaphore_mem>>)
    %dma_wait3A = arith.constant 0 : i32
    %dma_wait3A_5 = arith.constant 0 : i32
    %dma_wait3A_6 = tpu.memref_slice %arg2[%dma_wait3A, %dma_wait3A_5] : memref<1000000x32xf32, #tpu.memory_space<hbm>> -> memref<1000000x32xf32, #tpu.memory_space<hbm>>
    tpu.wait_indirect_dma semaphore(%arg18 : memref<!tpu.dma_semaphore, #tpu.memory_space<semaphore_mem>>) src(%dma_wait3A_6 : memref<1000000x32xf32, #tpu.memory_space<hbm>>) dst(%arg9 : memref<128x32xf32, #tpu.memory_space<vmem>>)
    %iota3A = tpu.iota {dimensions = array<i32: 0>} : vector<16xi32>
    %add3A_7 = arith.constant 0 : i32
    %add3A_8 = arith.addi %mul3A_2, %add3A_7 : i32
    "tpu.region"() ({
      %run_scoped3A = tpu.sem_alloc : memref<!tpu.dma_semaphore, #tpu.memory_space<semaphore_mem>>
      %dma_start3A_216 = arith.constant 0 : i32
      %dma_start3A_217 = tpu.memref_slice %arg5[%add3A_8, %dma_start3A_216] : memref<4096x20xi32, #tpu.memory_space<hbm>> -> memref<4x20xi32, #tpu.memory_space<hbm>>
      %dma_start3A_218 = arith.constant 0 : i32
      %dma_start3A_219 = tpu.memref_slice %arg5[%add3A_8, %dma_start3A_218] : memref<4096x20xi32, #tpu.memory_space<hbm>> -> memref<4x20xi32, #tpu.memory_space<hbm>>
      tpu.enqueue_dma source(%dma_start3A_219 : memref<4x20xi32, #tpu.memory_space<hbm>>) target(%arg10 : memref<4x20xi32, #tpu.memory_space<vmem>>) target_semaphore(%run_scoped3A : memref<!tpu.dma_semaphore, #tpu.memory_space<semaphore_mem>>)
      %dma_wait3A_220 = arith.constant 0 : i32
      %dma_wait3A_221 = tpu.memref_slice %arg5[%add3A_8, %dma_wait3A_220] : memref<4096x20xi32, #tpu.memory_space<hbm>> -> memref<4x20xi32, #tpu.memory_space<hbm>>
      %dma_wait3A_222 = arith.constant 0 : i32
      %dma_wait3A_223 = tpu.memref_slice %arg5[%add3A_8, %dma_wait3A_222] : memref<4096x20xi32, #tpu.memory_space<hbm>> -> memref<4x20xi32, #tpu.memory_space<hbm>>
      tpu.wait_dma2 semaphore(%run_scoped3A : memref<!tpu.dma_semaphore, #tpu.memory_space<semaphore_mem>>) src(%dma_wait3A_223 : memref<4x20xi32, #tpu.memory_space<hbm>>) dst(%arg10 : memref<4x20xi32, #tpu.memory_space<vmem>>)
      tpu.yield
    }) : () -> ()
    %add3A_9 = arith.constant 0 : i32
    %add3A_10 = arith.addi %mul3A_2, %add3A_9 : i32
    "tpu.region"() ({
      %run_scoped3A = tpu.sem_alloc : memref<!tpu.dma_semaphore, #tpu.memory_space<semaphore_mem>>
      %dma_start3A_216 = arith.constant 0 : i32
      %dma_start3A_217 = tpu.memref_slice %arg6[%add3A_10, %dma_start3A_216] : memref<4096x400xi32, #tpu.memory_space<hbm>> -> memref<4x400xi32, #tpu.memory_space<hbm>>
      %dma_start3A_218 = arith.constant 0 : i32
      %dma_start3A_219 = tpu.memref_slice %arg6[%add3A_10, %dma_start3A_218] : memref<4096x400xi32, #tpu.memory_space<hbm>> -> memref<4x400xi32, #tpu.memory_space<hbm>>
      tpu.enqueue_dma source(%dma_start3A_219 : memref<4x400xi32, #tpu.memory_space<hbm>>) target(%arg12 : memref<4x400xi32, #tpu.memory_space<vmem>>) target_semaphore(%run_scoped3A : memref<!tpu.dma_semaphore, #tpu.memory_space<semaphore_mem>>)
      %dma_wait3A_220 = arith.constant 0 : i32
      %dma_wait3A_221 = tpu.memref_slice %arg6[%add3A_10, %dma_wait3A_220] : memref<4096x400xi32, #tpu.memory_space<hbm>> -> memref<4x400xi32, #tpu.memory_space<hbm>>
      %dma_wait3A_222 = arith.constant 0 : i32
      %dma_wait3A_223 = tpu.memref_slice %arg6[%add3A_10, %dma_wait3A_222] : memref<4096x400xi32, #tpu.memory_space<hbm>> -> memref<4x400xi32, #tpu.memory_space<hbm>>
      tpu.wait_dma2 semaphore(%run_scoped3A : memref<!tpu.dma_semaphore, #tpu.memory_space<semaphore_mem>>) src(%dma_wait3A_223 : memref<4x400xi32, #tpu.memory_space<hbm>>) dst(%arg12 : memref<4x400xi32, #tpu.memory_space<vmem>>)
      tpu.yield
    }) : () -> ()
    %dma_start3A_11 = arith.constant 0 : i32
    %dma_start3A_12 = arith.constant 0 : i32
    %dma_start3A_13 = arith.constant 0 : i32
    %dma_start3A_14 = tpu.memref_slice %arg14[%dma_start3A_12, %dma_start3A_13] : memref<1728x32xf32, #tpu.memory_space<vmem>> -> memref<20x32xf32, #tpu.memory_space<vmem>>
    %dma_start3A_15 = arith.constant 0 : i32
    %dma_start3A_16 = tpu.memref_slice %arg10[%dma_start3A_11, %dma_start3A_15] : memref<4x20xi32, #tpu.memory_space<vmem>> -> memref<1x20xi32, #tpu.memory_space<vmem>>
    %dma_start3A_17 = tpu.memref_squeeze %dma_start3A_16 : memref<1x20xi32, #tpu.memory_space<vmem>> -> memref<20xi32, #tpu.memory_space<vmem>>
    %dma_start3A_18 = arith.constant 0 : i32
    %dma_start3A_19 = arith.constant 0 : i32
    %dma_start3A_20 = tpu.memref_slice %arg3[%dma_start3A_18, %dma_start3A_19] : memref<1000000x32xf32, #tpu.memory_space<hbm>> -> memref<1000000x32xf32, #tpu.memory_space<hbm>>
    tpu.enqueue_indirect_dma source(%dma_start3A_20 : memref<1000000x32xf32, #tpu.memory_space<hbm>>) target(%dma_start3A_14 : memref<20x32xf32, #tpu.memory_space<vmem>>) offsets(%dma_start3A_17 : memref<20xi32, #tpu.memory_space<vmem>>) semaphore(%arg18 : memref<!tpu.dma_semaphore, #tpu.memory_space<semaphore_mem>>)
    %dma_start3A_21 = arith.constant 0 : i32
    %dma_start3A_22 = arith.constant 20 : i32
    %dma_start3A_23 = arith.constant 0 : i32
    %dma_start3A_24 = tpu.memref_slice %arg14[%dma_start3A_22, %dma_start3A_23] : memref<1728x32xf32, #tpu.memory_space<vmem>> -> memref<128x32xf32, #tpu.memory_space<vmem>>
    %dma_start3A_25 = arith.constant 0 : i32
    %dma_start3A_26 = tpu.memref_slice %arg12[%dma_start3A_21, %dma_start3A_25] : memref<4x400xi32, #tpu.memory_space<vmem>> -> memref<1x128xi32, #tpu.memory_space<vmem>>
    %dma_start3A_27 = tpu.memref_squeeze %dma_start3A_26 : memref<1x128xi32, #tpu.memory_space<vmem>> -> memref<128xi32, #tpu.memory_space<vmem>>
    %dma_start3A_28 = arith.constant 0 : i32
    %dma_start3A_29 = arith.constant 0 : i32
    %dma_start3A_30 = tpu.memref_slice %arg3[%dma_start3A_28, %dma_start3A_29] : memref<1000000x32xf32, #tpu.memory_space<hbm>> -> memref<1000000x32xf32, #tpu.memory_space<hbm>>
    tpu.enqueue_indirect_dma source(%dma_start3A_30 : memref<1000000x32xf32, #tpu.memory_space<hbm>>) target(%dma_start3A_24 : memref<128x32xf32, #tpu.memory_space<vmem>>) offsets(%dma_start3A_27 : memref<128xi32, #tpu.memory_space<vmem>>) semaphore(%arg18 : memref<!tpu.dma_semaphore, #tpu.memory_space<semaphore_mem>>)
    %dma_start3A_31 = arith.constant 0 : i32
    %dma_start3A_32 = arith.constant 148 : i32
    %dma_start3A_33 = arith.constant 0 : i32
    %dma_start3A_34 = tpu.memref_slice %arg14[%dma_start3A_32, %dma_start3A_33] : memref<1728x32xf32, #tpu.memory_space<vmem>> -> memref<128x32xf32, #tpu.memory_space<vmem>>
    %dma_start3A_35 = arith.constant 128 : i32
    %dma_start3A_36 = tpu.memref_slice %arg12[%dma_start3A_31, %dma_start3A_35] : memref<4x400xi32, #tpu.memory_space<vmem>> -> memref<1x128xi32, #tpu.memory_space<vmem>>
    %dma_start3A_37 = tpu.memref_squeeze %dma_start3A_36 : memref<1x128xi32, #tpu.memory_space<vmem>> -> memref<128xi32, #tpu.memory_space<vmem>>
    %dma_start3A_38 = arith.constant 0 : i32
    %dma_start3A_39 = arith.constant 0 : i32
    %dma_start3A_40 = tpu.memref_slice %arg3[%dma_start3A_38, %dma_start3A_39] : memref<1000000x32xf32, #tpu.memory_space<hbm>> -> memref<1000000x32xf32, #tpu.memory_space<hbm>>
    tpu.enqueue_indirect_dma source(%dma_start3A_40 : memref<1000000x32xf32, #tpu.memory_space<hbm>>) target(%dma_start3A_34 : memref<128x32xf32, #tpu.memory_space<vmem>>) offsets(%dma_start3A_37 : memref<128xi32, #tpu.memory_space<vmem>>) semaphore(%arg18 : memref<!tpu.dma_semaphore, #tpu.memory_space<semaphore_mem>>)
    %dma_start3A_41 = arith.constant 0 : i32
    %dma_start3A_42 = arith.constant 276 : i32
    %dma_start3A_43 = arith.constant 0 : i32
    %dma_start3A_44 = tpu.memref_slice %arg14[%dma_start3A_42, %dma_start3A_43] : memref<1728x32xf32, #tpu.memory_space<vmem>> -> memref<128x32xf32, #tpu.memory_space<vmem>>
    %dma_start3A_45 = arith.constant 256 : i32
    %dma_start3A_46 = tpu.memref_slice %arg12[%dma_start3A_41, %dma_start3A_45] : memref<4x400xi32, #tpu.memory_space<vmem>> -> memref<1x128xi32, #tpu.memory_space<vmem>>
    %dma_start3A_47 = tpu.memref_squeeze %dma_start3A_46 : memref<1x128xi32, #tpu.memory_space<vmem>> -> memref<128xi32, #tpu.memory_space<vmem>>
    %dma_start3A_48 = arith.constant 0 : i32
    %dma_start3A_49 = arith.constant 0 : i32
    %dma_start3A_50 = tpu.memref_slice %arg3[%dma_start3A_48, %dma_start3A_49] : memref<1000000x32xf32, #tpu.memory_space<hbm>> -> memref<1000000x32xf32, #tpu.memory_space<hbm>>
    tpu.enqueue_indirect_dma source(%dma_start3A_50 : memref<1000000x32xf32, #tpu.memory_space<hbm>>) target(%dma_start3A_44 : memref<128x32xf32, #tpu.memory_space<vmem>>) offsets(%dma_start3A_47 : memref<128xi32, #tpu.memory_space<vmem>>) semaphore(%arg18 : memref<!tpu.dma_semaphore, #tpu.memory_space<semaphore_mem>>)
    %dma_start3A_51 = arith.constant 0 : i32
    %dma_start3A_52 = arith.constant 404 : i32
    %dma_start3A_53 = arith.constant 0 : i32
    %dma_start3A_54 = tpu.memref_slice %arg14[%dma_start3A_52, %dma_start3A_53] : memref<1728x32xf32, #tpu.memory_space<vmem>> -> memref<16x32xf32, #tpu.memory_space<vmem>>
    %dma_start3A_55 = arith.constant 384 : i32
    %dma_start3A_56 = tpu.memref_slice %arg12[%dma_start3A_51, %dma_start3A_55] : memref<4x400xi32, #tpu.memory_space<vmem>> -> memref<1x16xi32, #tpu.memory_space<vmem>>
    %dma_start3A_57 = tpu.memref_squeeze %dma_start3A_56 : memref<1x16xi32, #tpu.memory_space<vmem>> -> memref<16xi32, #tpu.memory_space<vmem>>
    %dma_start3A_58 = arith.constant 0 : i32
    %dma_start3A_59 = arith.constant 0 : i32
    %dma_start3A_60 = tpu.memref_slice %arg3[%dma_start3A_58, %dma_start3A_59] : memref<1000000x32xf32, #tpu.memory_space<hbm>> -> memref<1000000x32xf32, #tpu.memory_space<hbm>>
    tpu.enqueue_indirect_dma source(%dma_start3A_60 : memref<1000000x32xf32, #tpu.memory_space<hbm>>) target(%dma_start3A_54 : memref<16x32xf32, #tpu.memory_space<vmem>>) offsets(%dma_start3A_57 : memref<16xi32, #tpu.memory_space<vmem>>) semaphore(%arg18 : memref<!tpu.dma_semaphore, #tpu.memory_space<semaphore_mem>>)
    %dma_start3A_61 = arith.constant 1 : i32
    %dma_start3A_62 = arith.constant 432 : i32
    %dma_start3A_63 = arith.constant 0 : i32
    %dma_start3A_64 = tpu.memref_slice %arg14[%dma_start3A_62, %dma_start3A_63] : memref<1728x32xf32, #tpu.memory_space<vmem>> -> memref<20x32xf32, #tpu.memory_space<vmem>>
    %dma_start3A_65 = arith.constant 0 : i32
    %dma_start3A_66 = tpu.memref_slice %arg10[%dma_start3A_61, %dma_start3A_65] : memref<4x20xi32, #tpu.memory_space<vmem>> -> memref<1x20xi32, #tpu.memory_space<vmem>>
    %dma_start3A_67 = tpu.memref_squeeze %dma_start3A_66 : memref<1x20xi32, #tpu.memory_space<vmem>> -> memref<20xi32, #tpu.memory_space<vmem>>
    %dma_start3A_68 = arith.constant 0 : i32
    %dma_start3A_69 = arith.constant 0 : i32
    %dma_start3A_70 = tpu.memref_slice %arg3[%dma_start3A_68, %dma_start3A_69] : memref<1000000x32xf32, #tpu.memory_space<hbm>> -> memref<1000000x32xf32, #tpu.memory_space<hbm>>
    tpu.enqueue_indirect_dma source(%dma_start3A_70 : memref<1000000x32xf32, #tpu.memory_space<hbm>>) target(%dma_start3A_64 : memref<20x32xf32, #tpu.memory_space<vmem>>) offsets(%dma_start3A_67 : memref<20xi32, #tpu.memory_space<vmem>>) semaphore(%arg18 : memref<!tpu.dma_semaphore, #tpu.memory_space<semaphore_mem>>)
    %dma_start3A_71 = arith.constant 1 : i32
    %dma_start3A_72 = arith.constant 452 : i32
    %dma_start3A_73 = arith.constant 0 : i32
    %dma_start3A_74 = tpu.memref_slice %arg14[%dma_start3A_72, %dma_start3A_73] : memref<1728x32xf32, #tpu.memory_space<vmem>> -> memref<128x32xf32, #tpu.memory_space<vmem>>
    %dma_start3A_75 = arith.constant 0 : i32
    %dma_start3A_76 = tpu.memref_slice %arg12[%dma_start3A_71, %dma_start3A_75] : memref<4x400xi32, #tpu.memory_space<vmem>> -> memref<1x128xi32, #tpu.memory_space<vmem>>
    %dma_start3A_77 = tpu.memref_squeeze %dma_start3A_76 : memref<1x128xi32, #tpu.memory_space<vmem>> -> memref<128xi32, #tpu.memory_space<vmem>>
    %dma_start3A_78 = arith.constant 0 : i32
    %dma_start3A_79 = arith.constant 0 : i32
    %dma_start3A_80 = tpu.memref_slice %arg3[%dma_start3A_78, %dma_start3A_79] : memref<1000000x32xf32, #tpu.memory_space<hbm>> -> memref<1000000x32xf32, #tpu.memory_space<hbm>>
    tpu.enqueue_indirect_dma source(%dma_start3A_80 : memref<1000000x32xf32, #tpu.memory_space<hbm>>) target(%dma_start3A_74 : memref<128x32xf32, #tpu.memory_space<vmem>>) offsets(%dma_start3A_77 : memref<128xi32, #tpu.memory_space<vmem>>) semaphore(%arg18 : memref<!tpu.dma_semaphore, #tpu.memory_space<semaphore_mem>>)
    %dma_start3A_81 = arith.constant 1 : i32
    %dma_start3A_82 = arith.constant 580 : i32
    %dma_start3A_83 = arith.constant 0 : i32
    %dma_start3A_84 = tpu.memref_slice %arg14[%dma_start3A_82, %dma_start3A_83] : memref<1728x32xf32, #tpu.memory_space<vmem>> -> memref<128x32xf32, #tpu.memory_space<vmem>>
    %dma_start3A_85 = arith.constant 128 : i32
    %dma_start3A_86 = tpu.memref_slice %arg12[%dma_start3A_81, %dma_start3A_85] : memref<4x400xi32, #tpu.memory_space<vmem>> -> memref<1x128xi32, #tpu.memory_space<vmem>>
    %dma_start3A_87 = tpu.memref_squeeze %dma_start3A_86 : memref<1x128xi32, #tpu.memory_space<vmem>> -> memref<128xi32, #tpu.memory_space<vmem>>
    %dma_start3A_88 = arith.constant 0 : i32
    %dma_start3A_89 = arith.constant 0 : i32
    %dma_start3A_90 = tpu.memref_slice %arg3[%dma_start3A_88, %dma_start3A_89] : memref<1000000x32xf32, #tpu.memory_space<hbm>> -> memref<1000000x32xf32, #tpu.memory_space<hbm>>
    tpu.enqueue_indirect_dma source(%dma_start3A_90 : memref<1000000x32xf32, #tpu.memory_space<hbm>>) target(%dma_start3A_84 : memref<128x32xf32, #tpu.memory_space<vmem>>) offsets(%dma_start3A_87 : memref<128xi32, #tpu.memory_space<vmem>>) semaphore(%arg18 : memref<!tpu.dma_semaphore, #tpu.memory_space<semaphore_mem>>)
    %dma_start3A_91 = arith.constant 1 : i32
    %dma_start3A_92 = arith.constant 708 : i32
    %dma_start3A_93 = arith.constant 0 : i32
    %dma_start3A_94 = tpu.memref_slice %arg14[%dma_start3A_92, %dma_start3A_93] : memref<1728x32xf32, #tpu.memory_space<vmem>> -> memref<128x32xf32, #tpu.memory_space<vmem>>
    %dma_start3A_95 = arith.constant 256 : i32
    %dma_start3A_96 = tpu.memref_slice %arg12[%dma_start3A_91, %dma_start3A_95] : memref<4x400xi32, #tpu.memory_space<vmem>> -> memref<1x128xi32, #tpu.memory_space<vmem>>
    %dma_start3A_97 = tpu.memref_squeeze %dma_start3A_96 : memref<1x128xi32, #tpu.memory_space<vmem>> -> memref<128xi32, #tpu.memory_space<vmem>>
    %dma_start3A_98 = arith.constant 0 : i32
    %dma_start3A_99 = arith.constant 0 : i32
    %dma_start3A_100 = tpu.memref_slice %arg3[%dma_start3A_98, %dma_start3A_99] : memref<1000000x32xf32, #tpu.memory_space<hbm>> -> memref<1000000x32xf32, #tpu.memory_space<hbm>>
    tpu.enqueue_indirect_dma source(%dma_start3A_100 : memref<1000000x32xf32, #tpu.memory_space<hbm>>) target(%dma_start3A_94 : memref<128x32xf32, #tpu.memory_space<vmem>>) offsets(%dma_start3A_97 : memref<128xi32, #tpu.memory_space<vmem>>) semaphore(%arg18 : memref<!tpu.dma_semaphore, #tpu.memory_space<semaphore_mem>>)
    %dma_start3A_101 = arith.constant 1 : i32
    %dma_start3A_102 = arith.constant 836 : i32
    %dma_start3A_103 = arith.constant 0 : i32
    %dma_start3A_104 = tpu.memref_slice %arg14[%dma_start3A_102, %dma_start3A_103] : memref<1728x32xf32, #tpu.memory_space<vmem>> -> memref<16x32xf32, #tpu.memory_space<vmem>>
    %dma_start3A_105 = arith.constant 384 : i32
    %dma_start3A_106 = tpu.memref_slice %arg12[%dma_start3A_101, %dma_start3A_105] : memref<4x400xi32, #tpu.memory_space<vmem>> -> memref<1x16xi32, #tpu.memory_space<vmem>>
    %dma_start3A_107 = tpu.memref_squeeze %dma_start3A_106 : memref<1x16xi32, #tpu.memory_space<vmem>> -> memref<16xi32, #tpu.memory_space<vmem>>
    %dma_start3A_108 = arith.constant 0 : i32
    %dma_start3A_109 = arith.constant 0 : i32
    %dma_start3A_110 = tpu.memref_slice %arg3[%dma_start3A_108, %dma_start3A_109] : memref<1000000x32xf32, #tpu.memory_space<hbm>> -> memref<1000000x32xf32, #tpu.memory_space<hbm>>
    tpu.enqueue_indirect_dma source(%dma_start3A_110 : memref<1000000x32xf32, #tpu.memory_space<hbm>>) target(%dma_start3A_104 : memref<16x32xf32, #tpu.memory_space<vmem>>) offsets(%dma_start3A_107 : memref<16xi32, #tpu.memory_space<vmem>>) semaphore(%arg18 : memref<!tpu.dma_semaphore, #tpu.memory_space<semaphore_mem>>)
    %dma_start3A_111 = arith.constant 2 : i32
    %dma_start3A_112 = arith.constant 864 : i32
    %dma_start3A_113 = arith.constant 0 : i32
    %dma_start3A_114 = tpu.memref_slice %arg14[%dma_start3A_112, %dma_start3A_113] : memref<1728x32xf32, #tpu.memory_space<vmem>> -> memref<20x32xf32, #tpu.memory_space<vmem>>
    %dma_start3A_115 = arith.constant 0 : i32
    %dma_start3A_116 = tpu.memref_slice %arg10[%dma_start3A_111, %dma_start3A_115] : memref<4x20xi32, #tpu.memory_space<vmem>> -> memref<1x20xi32, #tpu.memory_space<vmem>>
    %dma_start3A_117 = tpu.memref_squeeze %dma_start3A_116 : memref<1x20xi32, #tpu.memory_space<vmem>> -> memref<20xi32, #tpu.memory_space<vmem>>
    %dma_start3A_118 = arith.constant 0 : i32
    %dma_start3A_119 = arith.constant 0 : i32
    %dma_start3A_120 = tpu.memref_slice %arg3[%dma_start3A_118, %dma_start3A_119] : memref<1000000x32xf32, #tpu.memory_space<hbm>> -> memref<1000000x32xf32, #tpu.memory_space<hbm>>
    tpu.enqueue_indirect_dma source(%dma_start3A_120 : memref<1000000x32xf32, #tpu.memory_space<hbm>>) target(%dma_start3A_114 : memref<20x32xf32, #tpu.memory_space<vmem>>) offsets(%dma_start3A_117 : memref<20xi32, #tpu.memory_space<vmem>>) semaphore(%arg18 : memref<!tpu.dma_semaphore, #tpu.memory_space<semaphore_mem>>)
    %dma_start3A_121 = arith.constant 2 : i32
    %dma_start3A_122 = arith.constant 884 : i32
    %dma_start3A_123 = arith.constant 0 : i32
    %dma_start3A_124 = tpu.memref_slice %arg14[%dma_start3A_122, %dma_start3A_123] : memref<1728x32xf32, #tpu.memory_space<vmem>> -> memref<128x32xf32, #tpu.memory_space<vmem>>
    %dma_start3A_125 = arith.constant 0 : i32
    %dma_start3A_126 = tpu.memref_slice %arg12[%dma_start3A_121, %dma_start3A_125] : memref<4x400xi32, #tpu.memory_space<vmem>> -> memref<1x128xi32, #tpu.memory_space<vmem>>
    %dma_start3A_127 = tpu.memref_squeeze %dma_start3A_126 : memref<1x128xi32, #tpu.memory_space<vmem>> -> memref<128xi32, #tpu.memory_space<vmem>>
    %dma_start3A_128 = arith.constant 0 : i32
    %dma_start3A_129 = arith.constant 0 : i32
    %dma_start3A_130 = tpu.memref_slice %arg3[%dma_start3A_128, %dma_start3A_129] : memref<1000000x32xf32, #tpu.memory_space<hbm>> -> memref<1000000x32xf32, #tpu.memory_space<hbm>>
    tpu.enqueue_indirect_dma source(%dma_start3A_130 : memref<1000000x32xf32, #tpu.memory_space<hbm>>) target(%dma_start3A_124 : memref<128x32xf32, #tpu.memory_space<vmem>>) offsets(%dma_start3A_127 : memref<128xi32, #tpu.memory_space<vmem>>) semaphore(%arg18 : memref<!tpu.dma_semaphore, #tpu.memory_space<semaphore_mem>>)
    %dma_start3A_131 = arith.constant 2 : i32
    %dma_start3A_132 = arith.constant 1012 : i32
    %dma_start3A_133 = arith.constant 0 : i32
    %dma_start3A_134 = tpu.memref_slice %arg14[%dma_start3A_132, %dma_start3A_133] : memref<1728x32xf32, #tpu.memory_space<vmem>> -> memref<128x32xf32, #tpu.memory_space<vmem>>
    %dma_start3A_135 = arith.constant 128 : i32
    %dma_start3A_136 = tpu.memref_slice %arg12[%dma_start3A_131, %dma_start3A_135] : memref<4x400xi32, #tpu.memory_space<vmem>> -> memref<1x128xi32, #tpu.memory_space<vmem>>
    %dma_start3A_137 = tpu.memref_squeeze %dma_start3A_136 : memref<1x128xi32, #tpu.memory_space<vmem>> -> memref<128xi32, #tpu.memory_space<vmem>>
    %dma_start3A_138 = arith.constant 0 : i32
    %dma_start3A_139 = arith.constant 0 : i32
    %dma_start3A_140 = tpu.memref_slice %arg3[%dma_start3A_138, %dma_start3A_139] : memref<1000000x32xf32, #tpu.memory_space<hbm>> -> memref<1000000x32xf32, #tpu.memory_space<hbm>>
    tpu.enqueue_indirect_dma source(%dma_start3A_140 : memref<1000000x32xf32, #tpu.memory_space<hbm>>) target(%dma_start3A_134 : memref<128x32xf32, #tpu.memory_space<vmem>>) offsets(%dma_start3A_137 : memref<128xi32, #tpu.memory_space<vmem>>) semaphore(%arg18 : memref<!tpu.dma_semaphore, #tpu.memory_space<semaphore_mem>>)
    %dma_start3A_141 = arith.constant 2 : i32
    %dma_start3A_142 = arith.constant 1140 : i32
    %dma_start3A_143 = arith.constant 0 : i32
    %dma_start3A_144 = tpu.memref_slice %arg14[%dma_start3A_142, %dma_start3A_143] : memref<1728x32xf32, #tpu.memory_space<vmem>> -> memref<128x32xf32, #tpu.memory_space<vmem>>
    %dma_start3A_145 = arith.constant 256 : i32
    %dma_start3A_146 = tpu.memref_slice %arg12[%dma_start3A_141, %dma_start3A_145] : memref<4x400xi32, #tpu.memory_space<vmem>> -> memref<1x128xi32, #tpu.memory_space<vmem>>
    %dma_start3A_147 = tpu.memref_squeeze %dma_start3A_146 : memref<1x128xi32, #tpu.memory_space<vmem>> -> memref<128xi32, #tpu.memory_space<vmem>>
    %dma_start3A_148 = arith.constant 0 : i32
    %dma_start3A_149 = arith.constant 0 : i32
    %dma_start3A_150 = tpu.memref_slice %arg3[%dma_start3A_148, %dma_start3A_149] : memref<1000000x32xf32, #tpu.memory_space<hbm>> -> memref<1000000x32xf32, #tpu.memory_space<hbm>>
    tpu.enqueue_indirect_dma source(%dma_start3A_150 : memref<1000000x32xf32, #tpu.memory_space<hbm>>) target(%dma_start3A_144 : memref<128x32xf32, #tpu.memory_space<vmem>>) offsets(%dma_start3A_147 : memref<128xi32, #tpu.memory_space<vmem>>) semaphore(%arg18 : memref<!tpu.dma_semaphore, #tpu.memory_space<semaphore_mem>>)
    %dma_start3A_151 = arith.constant 2 : i32
    %dma_start3A_152 = arith.constant 1268 : i32
    %dma_start3A_153 = arith.constant 0 : i32
    %dma_start3A_154 = tpu.memref_slice %arg14[%dma_start3A_152, %dma_start3A_153] : memref<1728x32xf32, #tpu.memory_space<vmem>> -> memref<16x32xf32, #tpu.memory_space<vmem>>
    %dma_start3A_155 = arith.constant 384 : i32
    %dma_start3A_156 = tpu.memref_slice %arg12[%dma_start3A_151, %dma_start3A_155] : memref<4x400xi32, #tpu.memory_space<vmem>> -> memref<1x16xi32, #tpu.memory_space<vmem>>
    %dma_start3A_157 = tpu.memref_squeeze %dma_start3A_156 : memref<1x16xi32, #tpu.memory_space<vmem>> -> memref<16xi32, #tpu.memory_space<vmem>>
    %dma_start3A_158 = arith.constant 0 : i32
    %dma_start3A_159 = arith.constant 0 : i32
    %dma_start3A_160 = tpu.memref_slice %arg3[%dma_start3A_158, %dma_start3A_159] : memref<1000000x32xf32, #tpu.memory_space<hbm>> -> memref<1000000x32xf32, #tpu.memory_space<hbm>>
    tpu.enqueue_indirect_dma source(%dma_start3A_160 : memref<1000000x32xf32, #tpu.memory_space<hbm>>) target(%dma_start3A_154 : memref<16x32xf32, #tpu.memory_space<vmem>>) offsets(%dma_start3A_157 : memref<16xi32, #tpu.memory_space<vmem>>) semaphore(%arg18 : memref<!tpu.dma_semaphore, #tpu.memory_space<semaphore_mem>>)
    %dma_start3A_161 = arith.constant 3 : i32
    %dma_start3A_162 = arith.constant 1296 : i32
    %dma_start3A_163 = arith.constant 0 : i32
    %dma_start3A_164 = tpu.memref_slice %arg14[%dma_start3A_162, %dma_start3A_163] : memref<1728x32xf32, #tpu.memory_space<vmem>> -> memref<20x32xf32, #tpu.memory_space<vmem>>
    %dma_start3A_165 = arith.constant 0 : i32
    %dma_start3A_166 = tpu.memref_slice %arg10[%dma_start3A_161, %dma_start3A_165] : memref<4x20xi32, #tpu.memory_space<vmem>> -> memref<1x20xi32, #tpu.memory_space<vmem>>
    %dma_start3A_167 = tpu.memref_squeeze %dma_start3A_166 : memref<1x20xi32, #tpu.memory_space<vmem>> -> memref<20xi32, #tpu.memory_space<vmem>>
    %dma_start3A_168 = arith.constant 0 : i32
    %dma_start3A_169 = arith.constant 0 : i32
    %dma_start3A_170 = tpu.memref_slice %arg3[%dma_start3A_168, %dma_start3A_169] : memref<1000000x32xf32, #tpu.memory_space<hbm>> -> memref<1000000x32xf32, #tpu.memory_space<hbm>>
    tpu.enqueue_indirect_dma source(%dma_start3A_170 : memref<1000000x32xf32, #tpu.memory_space<hbm>>) target(%dma_start3A_164 : memref<20x32xf32, #tpu.memory_space<vmem>>) offsets(%dma_start3A_167 : memref<20xi32, #tpu.memory_space<vmem>>) semaphore(%arg18 : memref<!tpu.dma_semaphore, #tpu.memory_space<semaphore_mem>>)
    %dma_start3A_171 = arith.constant 3 : i32
    %dma_start3A_172 = arith.constant 1316 : i32
    %dma_start3A_173 = arith.constant 0 : i32
    %dma_start3A_174 = tpu.memref_slice %arg14[%dma_start3A_172, %dma_start3A_173] : memref<1728x32xf32, #tpu.memory_space<vmem>> -> memref<128x32xf32, #tpu.memory_space<vmem>>
    %dma_start3A_175 = arith.constant 0 : i32
    %dma_start3A_176 = tpu.memref_slice %arg12[%dma_start3A_171, %dma_start3A_175] : memref<4x400xi32, #tpu.memory_space<vmem>> -> memref<1x128xi32, #tpu.memory_space<vmem>>
    %dma_start3A_177 = tpu.memref_squeeze %dma_start3A_176 : memref<1x128xi32, #tpu.memory_space<vmem>> -> memref<128xi32, #tpu.memory_space<vmem>>
    %dma_start3A_178 = arith.constant 0 : i32
    %dma_start3A_179 = arith.constant 0 : i32
    %dma_start3A_180 = tpu.memref_slice %arg3[%dma_start3A_178, %dma_start3A_179] : memref<1000000x32xf32, #tpu.memory_space<hbm>> -> memref<1000000x32xf32, #tpu.memory_space<hbm>>
    tpu.enqueue_indirect_dma source(%dma_start3A_180 : memref<1000000x32xf32, #tpu.memory_space<hbm>>) target(%dma_start3A_174 : memref<128x32xf32, #tpu.memory_space<vmem>>) offsets(%dma_start3A_177 : memref<128xi32, #tpu.memory_space<vmem>>) semaphore(%arg18 : memref<!tpu.dma_semaphore, #tpu.memory_space<semaphore_mem>>)
    %dma_start3A_181 = arith.constant 3 : i32
    %dma_start3A_182 = arith.constant 1444 : i32
    %dma_start3A_183 = arith.constant 0 : i32
    %dma_start3A_184 = tpu.memref_slice %arg14[%dma_start3A_182, %dma_start3A_183] : memref<1728x32xf32, #tpu.memory_space<vmem>> -> memref<128x32xf32, #tpu.memory_space<vmem>>
    %dma_start3A_185 = arith.constant 128 : i32
    %dma_start3A_186 = tpu.memref_slice %arg12[%dma_start3A_181, %dma_start3A_185] : memref<4x400xi32, #tpu.memory_space<vmem>> -> memref<1x128xi32, #tpu.memory_space<vmem>>
    %dma_start3A_187 = tpu.memref_squeeze %dma_start3A_186 : memref<1x128xi32, #tpu.memory_space<vmem>> -> memref<128xi32, #tpu.memory_space<vmem>>
    %dma_start3A_188 = arith.constant 0 : i32
    %dma_start3A_189 = arith.constant 0 : i32
    %dma_start3A_190 = tpu.memref_slice %arg3[%dma_start3A_188, %dma_start3A_189] : memref<1000000x32xf32, #tpu.memory_space<hbm>> -> memref<1000000x32xf32, #tpu.memory_space<hbm>>
    tpu.enqueue_indirect_dma source(%dma_start3A_190 : memref<1000000x32xf32, #tpu.memory_space<hbm>>) target(%dma_start3A_184 : memref<128x32xf32, #tpu.memory_space<vmem>>) offsets(%dma_start3A_187 : memref<128xi32, #tpu.memory_space<vmem>>) semaphore(%arg18 : memref<!tpu.dma_semaphore, #tpu.memory_space<semaphore_mem>>)
    %dma_start3A_191 = arith.constant 3 : i32
    %dma_start3A_192 = arith.constant 1572 : i32
    %dma_start3A_193 = arith.constant 0 : i32
    %dma_start3A_194 = tpu.memref_slice %arg14[%dma_start3A_192, %dma_start3A_193] : memref<1728x32xf32, #tpu.memory_space<vmem>> -> memref<128x32xf32, #tpu.memory_space<vmem>>
    %dma_start3A_195 = arith.constant 256 : i32
    %dma_start3A_196 = tpu.memref_slice %arg12[%dma_start3A_191, %dma_start3A_195] : memref<4x400xi32, #tpu.memory_space<vmem>> -> memref<1x128xi32, #tpu.memory_space<vmem>>
    %dma_start3A_197 = tpu.memref_squeeze %dma_start3A_196 : memref<1x128xi32, #tpu.memory_space<vmem>> -> memref<128xi32, #tpu.memory_space<vmem>>
    %dma_start3A_198 = arith.constant 0 : i32
    %dma_start3A_199 = arith.constant 0 : i32
    %dma_start3A_200 = tpu.memref_slice %arg3[%dma_start3A_198, %dma_start3A_199] : memref<1000000x32xf32, #tpu.memory_space<hbm>> -> memref<1000000x32xf32, #tpu.memory_space<hbm>>
    tpu.enqueue_indirect_dma source(%dma_start3A_200 : memref<1000000x32xf32, #tpu.memory_space<hbm>>) target(%dma_start3A_194 : memref<128x32xf32, #tpu.memory_space<vmem>>) offsets(%dma_start3A_197 : memref<128xi32, #tpu.memory_space<vmem>>) semaphore(%arg18 : memref<!tpu.dma_semaphore, #tpu.memory_space<semaphore_mem>>)
    %dma_start3A_201 = arith.constant 3 : i32
    %dma_start3A_202 = arith.constant 1700 : i32
    %dma_start3A_203 = arith.constant 0 : i32
    %dma_start3A_204 = tpu.memref_slice %arg14[%dma_start3A_202, %dma_start3A_203] : memref<1728x32xf32, #tpu.memory_space<vmem>> -> memref<16x32xf32, #tpu.memory_space<vmem>>
    %dma_start3A_205 = arith.constant 384 : i32
    %dma_start3A_206 = tpu.memref_slice %arg12[%dma_start3A_201, %dma_start3A_205] : memref<4x400xi32, #tpu.memory_space<vmem>> -> memref<1x16xi32, #tpu.memory_space<vmem>>
    %dma_start3A_207 = tpu.memref_squeeze %dma_start3A_206 : memref<1x16xi32, #tpu.memory_space<vmem>> -> memref<16xi32, #tpu.memory_space<vmem>>
    %dma_start3A_208 = arith.constant 0 : i32
    %dma_start3A_209 = arith.constant 0 : i32
    %dma_start3A_210 = tpu.memref_slice %arg3[%dma_start3A_208, %dma_start3A_209] : memref<1000000x32xf32, #tpu.memory_space<hbm>> -> memref<1000000x32xf32, #tpu.memory_space<hbm>>
    tpu.enqueue_indirect_dma source(%dma_start3A_210 : memref<1000000x32xf32, #tpu.memory_space<hbm>>) target(%dma_start3A_204 : memref<16x32xf32, #tpu.memory_space<vmem>>) offsets(%dma_start3A_207 : memref<16xi32, #tpu.memory_space<vmem>>) semaphore(%arg18 : memref<!tpu.dma_semaphore, #tpu.memory_space<semaphore_mem>>)
    %scan3A = arith.constant 0 : i32
    %scan3A_211 = arith.constant 0 : i32
    %scan3A_212 = arith.constant 16 : i32
    %scan3A_213 = arith.addi %scan3A_211, %scan3A_212 : i32
    %scan3A_214 = arith.constant 1 : i32
    scf.for %scan3A_216 = %scan3A_211 to %scan3A_213 step %scan3A_214  : i32 {
      %mul3A_217 = arith.constant 2 : i32
      %mul3A_218 = arith.muli %mul3A_217, %scan3A_216 : i32
      %add3A_219 = arith.constant 1 : i32
      %add3A_220 = arith.addi %mul3A_218, %add3A_219 : i32
      %mul3A_221 = arith.constant 4 : i32
      %mul3A_222 = arith.muli %add3A_220, %mul3A_221 : i32
      %add3A_223 = arith.addi %mul3A_2, %mul3A_222 : i32
      "tpu.region"() ({
        %run_scoped3A = tpu.sem_alloc : memref<!tpu.dma_semaphore, #tpu.memory_space<semaphore_mem>>
        %dma_start3A_998 = arith.constant 0 : i32
        %dma_start3A_999 = tpu.memref_slice %arg5[%add3A_223, %dma_start3A_998] : memref<4096x20xi32, #tpu.memory_space<hbm>> -> memref<4x20xi32, #tpu.memory_space<hbm>>
        %dma_start3A_1000 = arith.constant 0 : i32
        %dma_start3A_1001 = tpu.memref_slice %arg5[%add3A_223, %dma_start3A_1000] : memref<4096x20xi32, #tpu.memory_space<hbm>> -> memref<4x20xi32, #tpu.memory_space<hbm>>
        tpu.enqueue_dma source(%dma_start3A_1001 : memref<4x20xi32, #tpu.memory_space<hbm>>) target(%arg11 : memref<4x20xi32, #tpu.memory_space<vmem>>) target_semaphore(%run_scoped3A : memref<!tpu.dma_semaphore, #tpu.memory_space<semaphore_mem>>)
        %dma_wait3A_1002 = arith.constant 0 : i32
        %dma_wait3A_1003 = tpu.memref_slice %arg5[%add3A_223, %dma_wait3A_1002] : memref<4096x20xi32, #tpu.memory_space<hbm>> -> memref<4x20xi32, #tpu.memory_space<hbm>>
        %dma_wait3A_1004 = arith.constant 0 : i32
        %dma_wait3A_1005 = tpu.memref_slice %arg5[%add3A_223, %dma_wait3A_1004] : memref<4096x20xi32, #tpu.memory_space<hbm>> -> memref<4x20xi32, #tpu.memory_space<hbm>>
        tpu.wait_dma2 semaphore(%run_scoped3A : memref<!tpu.dma_semaphore, #tpu.memory_space<semaphore_mem>>) src(%dma_wait3A_1005 : memref<4x20xi32, #tpu.memory_space<hbm>>) dst(%arg11 : memref<4x20xi32, #tpu.memory_space<vmem>>)
        tpu.yield
      }) : () -> ()
      %mul3A_224 = arith.constant 4 : i32
      %mul3A_225 = arith.muli %add3A_220, %mul3A_224 : i32
      %add3A_226 = arith.addi %mul3A_2, %mul3A_225 : i32
      "tpu.region"() ({
        %run_scoped3A = tpu.sem_alloc : memref<!tpu.dma_semaphore, #tpu.memory_space<semaphore_mem>>
        %dma_start3A_998 = arith.constant 0 : i32
        %dma_start3A_999 = tpu.memref_slice %arg6[%add3A_226, %dma_start3A_998] : memref<4096x400xi32, #tpu.memory_space<hbm>> -> memref<4x400xi32, #tpu.memory_space<hbm>>
        %dma_start3A_1000 = arith.constant 0 : i32
        %dma_start3A_1001 = tpu.memref_slice %arg6[%add3A_226, %dma_start3A_1000] : memref<4096x400xi32, #tpu.memory_space<hbm>> -> memref<4x400xi32, #tpu.memory_space<hbm>>
        tpu.enqueue_dma source(%dma_start3A_1001 : memref<4x400xi32, #tpu.memory_space<hbm>>) target(%arg13 : memref<4x400xi32, #tpu.memory_space<vmem>>) target_semaphore(%run_scoped3A : memref<!tpu.dma_semaphore, #tpu.memory_space<semaphore_mem>>)
        %dma_wait3A_1002 = arith.constant 0 : i32
        %dma_wait3A_1003 = tpu.memref_slice %arg6[%add3A_226, %dma_wait3A_1002] : memref<4096x400xi32, #tpu.memory_space<hbm>> -> memref<4x400xi32, #tpu.memory_space<hbm>>
        %dma_wait3A_1004 = arith.constant 0 : i32
        %dma_wait3A_1005 = tpu.memref_slice %arg6[%add3A_226, %dma_wait3A_1004] : memref<4096x400xi32, #tpu.memory_space<hbm>> -> memref<4x400xi32, #tpu.memory_space<hbm>>
        tpu.wait_dma2 semaphore(%run_scoped3A : memref<!tpu.dma_semaphore, #tpu.memory_space<semaphore_mem>>) src(%dma_wait3A_1005 : memref<4x400xi32, #tpu.memory_space<hbm>>) dst(%arg13 : memref<4x400xi32, #tpu.memory_space<vmem>>)
        tpu.yield
      }) : () -> ()
      %dma_start3A_227 = arith.constant 0 : i32
      %dma_start3A_228 = arith.constant 0 : i32
      %dma_start3A_229 = arith.constant 0 : i32
      %dma_start3A_230 = tpu.memref_slice %arg15[%dma_start3A_228, %dma_start3A_229] : memref<1728x32xf32, #tpu.memory_space<vmem>> -> memref<20x32xf32, #tpu.memory_space<vmem>>
      %dma_start3A_231 = arith.constant 0 : i32
      %dma_start3A_232 = tpu.memref_slice %arg11[%dma_start3A_227, %dma_start3A_231] : memref<4x20xi32, #tpu.memory_space<vmem>> -> memref<1x20xi32, #tpu.memory_space<vmem>>
      %dma_start3A_233 = tpu.memref_squeeze %dma_start3A_232 : memref<1x20xi32, #tpu.memory_space<vmem>> -> memref<20xi32, #tpu.memory_space<vmem>>
      %dma_start3A_234 = arith.constant 0 : i32
      %dma_start3A_235 = arith.constant 0 : i32
      %dma_start3A_236 = tpu.memref_slice %arg3[%dma_start3A_234, %dma_start3A_235] : memref<1000000x32xf32, #tpu.memory_space<hbm>> -> memref<1000000x32xf32, #tpu.memory_space<hbm>>
      tpu.enqueue_indirect_dma source(%dma_start3A_236 : memref<1000000x32xf32, #tpu.memory_space<hbm>>) target(%dma_start3A_230 : memref<20x32xf32, #tpu.memory_space<vmem>>) offsets(%dma_start3A_233 : memref<20xi32, #tpu.memory_space<vmem>>) semaphore(%arg19 : memref<!tpu.dma_semaphore, #tpu.memory_space<semaphore_mem>>)
      %dma_start3A_237 = arith.constant 0 : i32
      %dma_start3A_238 = arith.constant 20 : i32
      %dma_start3A_239 = arith.constant 0 : i32
      %dma_start3A_240 = tpu.memref_slice %arg15[%dma_start3A_238, %dma_start3A_239] : memref<1728x32xf32, #tpu.memory_space<vmem>> -> memref<128x32xf32, #tpu.memory_space<vmem>>
      %dma_start3A_241 = arith.constant 0 : i32
      %dma_start3A_242 = tpu.memref_slice %arg13[%dma_start3A_237, %dma_start3A_241] : memref<4x400xi32, #tpu.memory_space<vmem>> -> memref<1x128xi32, #tpu.memory_space<vmem>>
      %dma_start3A_243 = tpu.memref_squeeze %dma_start3A_242 : memref<1x128xi32, #tpu.memory_space<vmem>> -> memref<128xi32, #tpu.memory_space<vmem>>
      %dma_start3A_244 = arith.constant 0 : i32
      %dma_start3A_245 = arith.constant 0 : i32
      %dma_start3A_246 = tpu.memref_slice %arg3[%dma_start3A_244, %dma_start3A_245] : memref<1000000x32xf32, #tpu.memory_space<hbm>> -> memref<1000000x32xf32, #tpu.memory_space<hbm>>
      tpu.enqueue_indirect_dma source(%dma_start3A_246 : memref<1000000x32xf32, #tpu.memory_space<hbm>>) target(%dma_start3A_240 : memref<128x32xf32, #tpu.memory_space<vmem>>) offsets(%dma_start3A_243 : memref<128xi32, #tpu.memory_space<vmem>>) semaphore(%arg19 : memref<!tpu.dma_semaphore, #tpu.memory_space<semaphore_mem>>)
      %dma_start3A_247 = arith.constant 0 : i32
      %dma_start3A_248 = arith.constant 148 : i32
      %dma_start3A_249 = arith.constant 0 : i32
      %dma_start3A_250 = tpu.memref_slice %arg15[%dma_start3A_248, %dma_start3A_249] : memref<1728x32xf32, #tpu.memory_space<vmem>> -> memref<128x32xf32, #tpu.memory_space<vmem>>
      %dma_start3A_251 = arith.constant 128 : i32
      %dma_start3A_252 = tpu.memref_slice %arg13[%dma_start3A_247, %dma_start3A_251] : memref<4x400xi32, #tpu.memory_space<vmem>> -> memref<1x128xi32, #tpu.memory_space<vmem>>
      %dma_start3A_253 = tpu.memref_squeeze %dma_start3A_252 : memref<1x128xi32, #tpu.memory_space<vmem>> -> memref<128xi32, #tpu.memory_space<vmem>>
      %dma_start3A_254 = arith.constant 0 : i32
      %dma_start3A_255 = arith.constant 0 : i32
      %dma_start3A_256 = tpu.memref_slice %arg3[%dma_start3A_254, %dma_start3A_255] : memref<1000000x32xf32, #tpu.memory_space<hbm>> -> memref<1000000x32xf32, #tpu.memory_space<hbm>>
      tpu.enqueue_indirect_dma source(%dma_start3A_256 : memref<1000000x32xf32, #tpu.memory_space<hbm>>) target(%dma_start3A_250 : memref<128x32xf32, #tpu.memory_space<vmem>>) offsets(%dma_start3A_253 : memref<128xi32, #tpu.memory_space<vmem>>) semaphore(%arg19 : memref<!tpu.dma_semaphore, #tpu.memory_space<semaphore_mem>>)
      %dma_start3A_257 = arith.constant 0 : i32
      %dma_start3A_258 = arith.constant 276 : i32
      %dma_start3A_259 = arith.constant 0 : i32
      %dma_start3A_260 = tpu.memref_slice %arg15[%dma_start3A_258, %dma_start3A_259] : memref<1728x32xf32, #tpu.memory_space<vmem>> -> memref<128x32xf32, #tpu.memory_space<vmem>>
      %dma_start3A_261 = arith.constant 256 : i32
      %dma_start3A_262 = tpu.memref_slice %arg13[%dma_start3A_257, %dma_start3A_261] : memref<4x400xi32, #tpu.memory_space<vmem>> -> memref<1x128xi32, #tpu.memory_space<vmem>>
      %dma_start3A_263 = tpu.memref_squeeze %dma_start3A_262 : memref<1x128xi32, #tpu.memory_space<vmem>> -> memref<128xi32, #tpu.memory_space<vmem>>
      %dma_start3A_264 = arith.constant 0 : i32
      %dma_start3A_265 = arith.constant 0 : i32
      %dma_start3A_266 = tpu.memref_slice %arg3[%dma_start3A_264, %dma_start3A_265] : memref<1000000x32xf32, #tpu.memory_space<hbm>> -> memref<1000000x32xf32, #tpu.memory_space<hbm>>
      tpu.enqueue_indirect_dma source(%dma_start3A_266 : memref<1000000x32xf32, #tpu.memory_space<hbm>>) target(%dma_start3A_260 : memref<128x32xf32, #tpu.memory_space<vmem>>) offsets(%dma_start3A_263 : memref<128xi32, #tpu.memory_space<vmem>>) semaphore(%arg19 : memref<!tpu.dma_semaphore, #tpu.memory_space<semaphore_mem>>)
      %dma_start3A_267 = arith.constant 0 : i32
      %dma_start3A_268 = arith.constant 404 : i32
      %dma_start3A_269 = arith.constant 0 : i32
      %dma_start3A_270 = tpu.memref_slice %arg15[%dma_start3A_268, %dma_start3A_269] : memref<1728x32xf32, #tpu.memory_space<vmem>> -> memref<16x32xf32, #tpu.memory_space<vmem>>
      %dma_start3A_271 = arith.constant 384 : i32
      %dma_start3A_272 = tpu.memref_slice %arg13[%dma_start3A_267, %dma_start3A_271] : memref<4x400xi32, #tpu.memory_space<vmem>> -> memref<1x16xi32, #tpu.memory_space<vmem>>
      %dma_start3A_273 = tpu.memref_squeeze %dma_start3A_272 : memref<1x16xi32, #tpu.memory_space<vmem>> -> memref<16xi32, #tpu.memory_space<vmem>>
      %dma_start3A_274 = arith.constant 0 : i32
      %dma_start3A_275 = arith.constant 0 : i32
      %dma_start3A_276 = tpu.memref_slice %arg3[%dma_start3A_274, %dma_start3A_275] : memref<1000000x32xf32, #tpu.memory_space<hbm>> -> memref<1000000x32xf32, #tpu.memory_space<hbm>>
      tpu.enqueue_indirect_dma source(%dma_start3A_276 : memref<1000000x32xf32, #tpu.memory_space<hbm>>) target(%dma_start3A_270 : memref<16x32xf32, #tpu.memory_space<vmem>>) offsets(%dma_start3A_273 : memref<16xi32, #tpu.memory_space<vmem>>) semaphore(%arg19 : memref<!tpu.dma_semaphore, #tpu.memory_space<semaphore_mem>>)
      %dma_start3A_277 = arith.constant 1 : i32
      %dma_start3A_278 = arith.constant 432 : i32
      %dma_start3A_279 = arith.constant 0 : i32
      %dma_start3A_280 = tpu.memref_slice %arg15[%dma_start3A_278, %dma_start3A_279] : memref<1728x32xf32, #tpu.memory_space<vmem>> -> memref<20x32xf32, #tpu.memory_space<vmem>>
      %dma_start3A_281 = arith.constant 0 : i32
      %dma_start3A_282 = tpu.memref_slice %arg11[%dma_start3A_277, %dma_start3A_281] : memref<4x20xi32, #tpu.memory_space<vmem>> -> memref<1x20xi32, #tpu.memory_space<vmem>>
      %dma_start3A_283 = tpu.memref_squeeze %dma_start3A_282 : memref<1x20xi32, #tpu.memory_space<vmem>> -> memref<20xi32, #tpu.memory_space<vmem>>
      %dma_start3A_284 = arith.constant 0 : i32
      %dma_start3A_285 = arith.constant 0 : i32
      %dma_start3A_286 = tpu.memref_slice %arg3[%dma_start3A_284, %dma_start3A_285] : memref<1000000x32xf32, #tpu.memory_space<hbm>> -> memref<1000000x32xf32, #tpu.memory_space<hbm>>
      tpu.enqueue_indirect_dma source(%dma_start3A_286 : memref<1000000x32xf32, #tpu.memory_space<hbm>>) target(%dma_start3A_280 : memref<20x32xf32, #tpu.memory_space<vmem>>) offsets(%dma_start3A_283 : memref<20xi32, #tpu.memory_space<vmem>>) semaphore(%arg19 : memref<!tpu.dma_semaphore, #tpu.memory_space<semaphore_mem>>)
      %dma_start3A_287 = arith.constant 1 : i32
      %dma_start3A_288 = arith.constant 452 : i32
      %dma_start3A_289 = arith.constant 0 : i32
      %dma_start3A_290 = tpu.memref_slice %arg15[%dma_start3A_288, %dma_start3A_289] : memref<1728x32xf32, #tpu.memory_space<vmem>> -> memref<128x32xf32, #tpu.memory_space<vmem>>
      %dma_start3A_291 = arith.constant 0 : i32
      %dma_start3A_292 = tpu.memref_slice %arg13[%dma_start3A_287, %dma_start3A_291] : memref<4x400xi32, #tpu.memory_space<vmem>> -> memref<1x128xi32, #tpu.memory_space<vmem>>
      %dma_start3A_293 = tpu.memref_squeeze %dma_start3A_292 : memref<1x128xi32, #tpu.memory_space<vmem>> -> memref<128xi32, #tpu.memory_space<vmem>>
      %dma_start3A_294 = arith.constant 0 : i32
      %dma_start3A_295 = arith.constant 0 : i32
      %dma_start3A_296 = tpu.memref_slice %arg3[%dma_start3A_294, %dma_start3A_295] : memref<1000000x32xf32, #tpu.memory_space<hbm>> -> memref<1000000x32xf32, #tpu.memory_space<hbm>>
      tpu.enqueue_indirect_dma source(%dma_start3A_296 : memref<1000000x32xf32, #tpu.memory_space<hbm>>) target(%dma_start3A_290 : memref<128x32xf32, #tpu.memory_space<vmem>>) offsets(%dma_start3A_293 : memref<128xi32, #tpu.memory_space<vmem>>) semaphore(%arg19 : memref<!tpu.dma_semaphore, #tpu.memory_space<semaphore_mem>>)
      %dma_start3A_297 = arith.constant 1 : i32
      %dma_start3A_298 = arith.constant 580 : i32
      %dma_start3A_299 = arith.constant 0 : i32
      %dma_start3A_300 = tpu.memref_slice %arg15[%dma_start3A_298, %dma_start3A_299] : memref<1728x32xf32, #tpu.memory_space<vmem>> -> memref<128x32xf32, #tpu.memory_space<vmem>>
      %dma_start3A_301 = arith.constant 128 : i32
      %dma_start3A_302 = tpu.memref_slice %arg13[%dma_start3A_297, %dma_start3A_301] : memref<4x400xi32, #tpu.memory_space<vmem>> -> memref<1x128xi32, #tpu.memory_space<vmem>>
      %dma_start3A_303 = tpu.memref_squeeze %dma_start3A_302 : memref<1x128xi32, #tpu.memory_space<vmem>> -> memref<128xi32, #tpu.memory_space<vmem>>
      %dma_start3A_304 = arith.constant 0 : i32
      %dma_start3A_305 = arith.constant 0 : i32
      %dma_start3A_306 = tpu.memref_slice %arg3[%dma_start3A_304, %dma_start3A_305] : memref<1000000x32xf32, #tpu.memory_space<hbm>> -> memref<1000000x32xf32, #tpu.memory_space<hbm>>
      tpu.enqueue_indirect_dma source(%dma_start3A_306 : memref<1000000x32xf32, #tpu.memory_space<hbm>>) target(%dma_start3A_300 : memref<128x32xf32, #tpu.memory_space<vmem>>) offsets(%dma_start3A_303 : memref<128xi32, #tpu.memory_space<vmem>>) semaphore(%arg19 : memref<!tpu.dma_semaphore, #tpu.memory_space<semaphore_mem>>)
      %dma_start3A_307 = arith.constant 1 : i32
      %dma_start3A_308 = arith.constant 708 : i32
      %dma_start3A_309 = arith.constant 0 : i32
      %dma_start3A_310 = tpu.memref_slice %arg15[%dma_start3A_308, %dma_start3A_309] : memref<1728x32xf32, #tpu.memory_space<vmem>> -> memref<128x32xf32, #tpu.memory_space<vmem>>
      %dma_start3A_311 = arith.constant 256 : i32
      %dma_start3A_312 = tpu.memref_slice %arg13[%dma_start3A_307, %dma_start3A_311] : memref<4x400xi32, #tpu.memory_space<vmem>> -> memref<1x128xi32, #tpu.memory_space<vmem>>
      %dma_start3A_313 = tpu.memref_squeeze %dma_start3A_312 : memref<1x128xi32, #tpu.memory_space<vmem>> -> memref<128xi32, #tpu.memory_space<vmem>>
      %dma_start3A_314 = arith.constant 0 : i32
      %dma_start3A_315 = arith.constant 0 : i32
      %dma_start3A_316 = tpu.memref_slice %arg3[%dma_start3A_314, %dma_start3A_315] : memref<1000000x32xf32, #tpu.memory_space<hbm>> -> memref<1000000x32xf32, #tpu.memory_space<hbm>>
      tpu.enqueue_indirect_dma source(%dma_start3A_316 : memref<1000000x32xf32, #tpu.memory_space<hbm>>) target(%dma_start3A_310 : memref<128x32xf32, #tpu.memory_space<vmem>>) offsets(%dma_start3A_313 : memref<128xi32, #tpu.memory_space<vmem>>) semaphore(%arg19 : memref<!tpu.dma_semaphore, #tpu.memory_space<semaphore_mem>>)
      %dma_start3A_317 = arith.constant 1 : i32
      %dma_start3A_318 = arith.constant 836 : i32
      %dma_start3A_319 = arith.constant 0 : i32
      %dma_start3A_320 = tpu.memref_slice %arg15[%dma_start3A_318, %dma_start3A_319] : memref<1728x32xf32, #tpu.memory_space<vmem>> -> memref<16x32xf32, #tpu.memory_space<vmem>>
      %dma_start3A_321 = arith.constant 384 : i32
      %dma_start3A_322 = tpu.memref_slice %arg13[%dma_start3A_317, %dma_start3A_321] : memref<4x400xi32, #tpu.memory_space<vmem>> -> memref<1x16xi32, #tpu.memory_space<vmem>>
      %dma_start3A_323 = tpu.memref_squeeze %dma_start3A_322 : memref<1x16xi32, #tpu.memory_space<vmem>> -> memref<16xi32, #tpu.memory_space<vmem>>
      %dma_start3A_324 = arith.constant 0 : i32
      %dma_start3A_325 = arith.constant 0 : i32
      %dma_start3A_326 = tpu.memref_slice %arg3[%dma_start3A_324, %dma_start3A_325] : memref<1000000x32xf32, #tpu.memory_space<hbm>> -> memref<1000000x32xf32, #tpu.memory_space<hbm>>
      tpu.enqueue_indirect_dma source(%dma_start3A_326 : memref<1000000x32xf32, #tpu.memory_space<hbm>>) target(%dma_start3A_320 : memref<16x32xf32, #tpu.memory_space<vmem>>) offsets(%dma_start3A_323 : memref<16xi32, #tpu.memory_space<vmem>>) semaphore(%arg19 : memref<!tpu.dma_semaphore, #tpu.memory_space<semaphore_mem>>)
      %dma_start3A_327 = arith.constant 2 : i32
      %dma_start3A_328 = arith.constant 864 : i32
      %dma_start3A_329 = arith.constant 0 : i32
      %dma_start3A_330 = tpu.memref_slice %arg15[%dma_start3A_328, %dma_start3A_329] : memref<1728x32xf32, #tpu.memory_space<vmem>> -> memref<20x32xf32, #tpu.memory_space<vmem>>
      %dma_start3A_331 = arith.constant 0 : i32
      %dma_start3A_332 = tpu.memref_slice %arg11[%dma_start3A_327, %dma_start3A_331] : memref<4x20xi32, #tpu.memory_space<vmem>> -> memref<1x20xi32, #tpu.memory_space<vmem>>
      %dma_start3A_333 = tpu.memref_squeeze %dma_start3A_332 : memref<1x20xi32, #tpu.memory_space<vmem>> -> memref<20xi32, #tpu.memory_space<vmem>>
      %dma_start3A_334 = arith.constant 0 : i32
      %dma_start3A_335 = arith.constant 0 : i32
      %dma_start3A_336 = tpu.memref_slice %arg3[%dma_start3A_334, %dma_start3A_335] : memref<1000000x32xf32, #tpu.memory_space<hbm>> -> memref<1000000x32xf32, #tpu.memory_space<hbm>>
      tpu.enqueue_indirect_dma source(%dma_start3A_336 : memref<1000000x32xf32, #tpu.memory_space<hbm>>) target(%dma_start3A_330 : memref<20x32xf32, #tpu.memory_space<vmem>>) offsets(%dma_start3A_333 : memref<20xi32, #tpu.memory_space<vmem>>) semaphore(%arg19 : memref<!tpu.dma_semaphore, #tpu.memory_space<semaphore_mem>>)
      %dma_start3A_337 = arith.constant 2 : i32
      %dma_start3A_338 = arith.constant 884 : i32
      %dma_start3A_339 = arith.constant 0 : i32
      %dma_start3A_340 = tpu.memref_slice %arg15[%dma_start3A_338, %dma_start3A_339] : memref<1728x32xf32, #tpu.memory_space<vmem>> -> memref<128x32xf32, #tpu.memory_space<vmem>>
      %dma_start3A_341 = arith.constant 0 : i32
      %dma_start3A_342 = tpu.memref_slice %arg13[%dma_start3A_337, %dma_start3A_341] : memref<4x400xi32, #tpu.memory_space<vmem>> -> memref<1x128xi32, #tpu.memory_space<vmem>>
      %dma_start3A_343 = tpu.memref_squeeze %dma_start3A_342 : memref<1x128xi32, #tpu.memory_space<vmem>> -> memref<128xi32, #tpu.memory_space<vmem>>
      %dma_start3A_344 = arith.constant 0 : i32
      %dma_start3A_345 = arith.constant 0 : i32
      %dma_start3A_346 = tpu.memref_slice %arg3[%dma_start3A_344, %dma_start3A_345] : memref<1000000x32xf32, #tpu.memory_space<hbm>> -> memref<1000000x32xf32, #tpu.memory_space<hbm>>
      tpu.enqueue_indirect_dma source(%dma_start3A_346 : memref<1000000x32xf32, #tpu.memory_space<hbm>>) target(%dma_start3A_340 : memref<128x32xf32, #tpu.memory_space<vmem>>) offsets(%dma_start3A_343 : memref<128xi32, #tpu.memory_space<vmem>>) semaphore(%arg19 : memref<!tpu.dma_semaphore, #tpu.memory_space<semaphore_mem>>)
      %dma_start3A_347 = arith.constant 2 : i32
      %dma_start3A_348 = arith.constant 1012 : i32
      %dma_start3A_349 = arith.constant 0 : i32
      %dma_start3A_350 = tpu.memref_slice %arg15[%dma_start3A_348, %dma_start3A_349] : memref<1728x32xf32, #tpu.memory_space<vmem>> -> memref<128x32xf32, #tpu.memory_space<vmem>>
      %dma_start3A_351 = arith.constant 128 : i32
      %dma_start3A_352 = tpu.memref_slice %arg13[%dma_start3A_347, %dma_start3A_351] : memref<4x400xi32, #tpu.memory_space<vmem>> -> memref<1x128xi32, #tpu.memory_space<vmem>>
      %dma_start3A_353 = tpu.memref_squeeze %dma_start3A_352 : memref<1x128xi32, #tpu.memory_space<vmem>> -> memref<128xi32, #tpu.memory_space<vmem>>
      %dma_start3A_354 = arith.constant 0 : i32
      %dma_start3A_355 = arith.constant 0 : i32
      %dma_start3A_356 = tpu.memref_slice %arg3[%dma_start3A_354, %dma_start3A_355] : memref<1000000x32xf32, #tpu.memory_space<hbm>> -> memref<1000000x32xf32, #tpu.memory_space<hbm>>
      tpu.enqueue_indirect_dma source(%dma_start3A_356 : memref<1000000x32xf32, #tpu.memory_space<hbm>>) target(%dma_start3A_350 : memref<128x32xf32, #tpu.memory_space<vmem>>) offsets(%dma_start3A_353 : memref<128xi32, #tpu.memory_space<vmem>>) semaphore(%arg19 : memref<!tpu.dma_semaphore, #tpu.memory_space<semaphore_mem>>)
      %dma_start3A_357 = arith.constant 2 : i32
      %dma_start3A_358 = arith.constant 1140 : i32
      %dma_start3A_359 = arith.constant 0 : i32
      %dma_start3A_360 = tpu.memref_slice %arg15[%dma_start3A_358, %dma_start3A_359] : memref<1728x32xf32, #tpu.memory_space<vmem>> -> memref<128x32xf32, #tpu.memory_space<vmem>>
      %dma_start3A_361 = arith.constant 256 : i32
      %dma_start3A_362 = tpu.memref_slice %arg13[%dma_start3A_357, %dma_start3A_361] : memref<4x400xi32, #tpu.memory_space<vmem>> -> memref<1x128xi32, #tpu.memory_space<vmem>>
      %dma_start3A_363 = tpu.memref_squeeze %dma_start3A_362 : memref<1x128xi32, #tpu.memory_space<vmem>> -> memref<128xi32, #tpu.memory_space<vmem>>
      %dma_start3A_364 = arith.constant 0 : i32
      %dma_start3A_365 = arith.constant 0 : i32
      %dma_start3A_366 = tpu.memref_slice %arg3[%dma_start3A_364, %dma_start3A_365] : memref<1000000x32xf32, #tpu.memory_space<hbm>> -> memref<1000000x32xf32, #tpu.memory_space<hbm>>
      tpu.enqueue_indirect_dma source(%dma_start3A_366 : memref<1000000x32xf32, #tpu.memory_space<hbm>>) target(%dma_start3A_360 : memref<128x32xf32, #tpu.memory_space<vmem>>) offsets(%dma_start3A_363 : memref<128xi32, #tpu.memory_space<vmem>>) semaphore(%arg19 : memref<!tpu.dma_semaphore, #tpu.memory_space<semaphore_mem>>)
      %dma_start3A_367 = arith.constant 2 : i32
      %dma_start3A_368 = arith.constant 1268 : i32
      %dma_start3A_369 = arith.constant 0 : i32
      %dma_start3A_370 = tpu.memref_slice %arg15[%dma_start3A_368, %dma_start3A_369] : memref<1728x32xf32, #tpu.memory_space<vmem>> -> memref<16x32xf32, #tpu.memory_space<vmem>>
      %dma_start3A_371 = arith.constant 384 : i32
      %dma_start3A_372 = tpu.memref_slice %arg13[%dma_start3A_367, %dma_start3A_371] : memref<4x400xi32, #tpu.memory_space<vmem>> -> memref<1x16xi32, #tpu.memory_space<vmem>>
      %dma_start3A_373 = tpu.memref_squeeze %dma_start3A_372 : memref<1x16xi32, #tpu.memory_space<vmem>> -> memref<16xi32, #tpu.memory_space<vmem>>
      %dma_start3A_374 = arith.constant 0 : i32
      %dma_start3A_375 = arith.constant 0 : i32
      %dma_start3A_376 = tpu.memref_slice %arg3[%dma_start3A_374, %dma_start3A_375] : memref<1000000x32xf32, #tpu.memory_space<hbm>> -> memref<1000000x32xf32, #tpu.memory_space<hbm>>
      tpu.enqueue_indirect_dma source(%dma_start3A_376 : memref<1000000x32xf32, #tpu.memory_space<hbm>>) target(%dma_start3A_370 : memref<16x32xf32, #tpu.memory_space<vmem>>) offsets(%dma_start3A_373 : memref<16xi32, #tpu.memory_space<vmem>>) semaphore(%arg19 : memref<!tpu.dma_semaphore, #tpu.memory_space<semaphore_mem>>)
      %dma_start3A_377 = arith.constant 3 : i32
      %dma_start3A_378 = arith.constant 1296 : i32
      %dma_start3A_379 = arith.constant 0 : i32
      %dma_start3A_380 = tpu.memref_slice %arg15[%dma_start3A_378, %dma_start3A_379] : memref<1728x32xf32, #tpu.memory_space<vmem>> -> memref<20x32xf32, #tpu.memory_space<vmem>>
      %dma_start3A_381 = arith.constant 0 : i32
      %dma_start3A_382 = tpu.memref_slice %arg11[%dma_start3A_377, %dma_start3A_381] : memref<4x20xi32, #tpu.memory_space<vmem>> -> memref<1x20xi32, #tpu.memory_space<vmem>>
      %dma_start3A_383 = tpu.memref_squeeze %dma_start3A_382 : memref<1x20xi32, #tpu.memory_space<vmem>> -> memref<20xi32, #tpu.memory_space<vmem>>
      %dma_start3A_384 = arith.constant 0 : i32
      %dma_start3A_385 = arith.constant 0 : i32
      %dma_start3A_386 = tpu.memref_slice %arg3[%dma_start3A_384, %dma_start3A_385] : memref<1000000x32xf32, #tpu.memory_space<hbm>> -> memref<1000000x32xf32, #tpu.memory_space<hbm>>
      tpu.enqueue_indirect_dma source(%dma_start3A_386 : memref<1000000x32xf32, #tpu.memory_space<hbm>>) target(%dma_start3A_380 : memref<20x32xf32, #tpu.memory_space<vmem>>) offsets(%dma_start3A_383 : memref<20xi32, #tpu.memory_space<vmem>>) semaphore(%arg19 : memref<!tpu.dma_semaphore, #tpu.memory_space<semaphore_mem>>)
      %dma_start3A_387 = arith.constant 3 : i32
      %dma_start3A_388 = arith.constant 1316 : i32
      %dma_start3A_389 = arith.constant 0 : i32
      %dma_start3A_390 = tpu.memref_slice %arg15[%dma_start3A_388, %dma_start3A_389] : memref<1728x32xf32, #tpu.memory_space<vmem>> -> memref<128x32xf32, #tpu.memory_space<vmem>>
      %dma_start3A_391 = arith.constant 0 : i32
      %dma_start3A_392 = tpu.memref_slice %arg13[%dma_start3A_387, %dma_start3A_391] : memref<4x400xi32, #tpu.memory_space<vmem>> -> memref<1x128xi32, #tpu.memory_space<vmem>>
      %dma_start3A_393 = tpu.memref_squeeze %dma_start3A_392 : memref<1x128xi32, #tpu.memory_space<vmem>> -> memref<128xi32, #tpu.memory_space<vmem>>
      %dma_start3A_394 = arith.constant 0 : i32
      %dma_start3A_395 = arith.constant 0 : i32
      %dma_start3A_396 = tpu.memref_slice %arg3[%dma_start3A_394, %dma_start3A_395] : memref<1000000x32xf32, #tpu.memory_space<hbm>> -> memref<1000000x32xf32, #tpu.memory_space<hbm>>
      tpu.enqueue_indirect_dma source(%dma_start3A_396 : memref<1000000x32xf32, #tpu.memory_space<hbm>>) target(%dma_start3A_390 : memref<128x32xf32, #tpu.memory_space<vmem>>) offsets(%dma_start3A_393 : memref<128xi32, #tpu.memory_space<vmem>>) semaphore(%arg19 : memref<!tpu.dma_semaphore, #tpu.memory_space<semaphore_mem>>)
      %dma_start3A_397 = arith.constant 3 : i32
      %dma_start3A_398 = arith.constant 1444 : i32
      %dma_start3A_399 = arith.constant 0 : i32
      %dma_start3A_400 = tpu.memref_slice %arg15[%dma_start3A_398, %dma_start3A_399] : memref<1728x32xf32, #tpu.memory_space<vmem>> -> memref<128x32xf32, #tpu.memory_space<vmem>>
      %dma_start3A_401 = arith.constant 128 : i32
      %dma_start3A_402 = tpu.memref_slice %arg13[%dma_start3A_397, %dma_start3A_401] : memref<4x400xi32, #tpu.memory_space<vmem>> -> memref<1x128xi32, #tpu.memory_space<vmem>>
      %dma_start3A_403 = tpu.memref_squeeze %dma_start3A_402 : memref<1x128xi32, #tpu.memory_space<vmem>> -> memref<128xi32, #tpu.memory_space<vmem>>
      %dma_start3A_404 = arith.constant 0 : i32
      %dma_start3A_405 = arith.constant 0 : i32
      %dma_start3A_406 = tpu.memref_slice %arg3[%dma_start3A_404, %dma_start3A_405] : memref<1000000x32xf32, #tpu.memory_space<hbm>> -> memref<1000000x32xf32, #tpu.memory_space<hbm>>
      tpu.enqueue_indirect_dma source(%dma_start3A_406 : memref<1000000x32xf32, #tpu.memory_space<hbm>>) target(%dma_start3A_400 : memref<128x32xf32, #tpu.memory_space<vmem>>) offsets(%dma_start3A_403 : memref<128xi32, #tpu.memory_space<vmem>>) semaphore(%arg19 : memref<!tpu.dma_semaphore, #tpu.memory_space<semaphore_mem>>)
      %dma_start3A_407 = arith.constant 3 : i32
      %dma_start3A_408 = arith.constant 1572 : i32
      %dma_start3A_409 = arith.constant 0 : i32
      %dma_start3A_410 = tpu.memref_slice %arg15[%dma_start3A_408, %dma_start3A_409] : memref<1728x32xf32, #tpu.memory_space<vmem>> -> memref<128x32xf32, #tpu.memory_space<vmem>>
      %dma_start3A_411 = arith.constant 256 : i32
      %dma_start3A_412 = tpu.memref_slice %arg13[%dma_start3A_407, %dma_start3A_411] : memref<4x400xi32, #tpu.memory_space<vmem>> -> memref<1x128xi32, #tpu.memory_space<vmem>>
      %dma_start3A_413 = tpu.memref_squeeze %dma_start3A_412 : memref<1x128xi32, #tpu.memory_space<vmem>> -> memref<128xi32, #tpu.memory_space<vmem>>
      %dma_start3A_414 = arith.constant 0 : i32
      %dma_start3A_415 = arith.constant 0 : i32
      %dma_start3A_416 = tpu.memref_slice %arg3[%dma_start3A_414, %dma_start3A_415] : memref<1000000x32xf32, #tpu.memory_space<hbm>> -> memref<1000000x32xf32, #tpu.memory_space<hbm>>
      tpu.enqueue_indirect_dma source(%dma_start3A_416 : memref<1000000x32xf32, #tpu.memory_space<hbm>>) target(%dma_start3A_410 : memref<128x32xf32, #tpu.memory_space<vmem>>) offsets(%dma_start3A_413 : memref<128xi32, #tpu.memory_space<vmem>>) semaphore(%arg19 : memref<!tpu.dma_semaphore, #tpu.memory_space<semaphore_mem>>)
      %dma_start3A_417 = arith.constant 3 : i32
      %dma_start3A_418 = arith.constant 1700 : i32
      %dma_start3A_419 = arith.constant 0 : i32
      %dma_start3A_420 = tpu.memref_slice %arg15[%dma_start3A_418, %dma_start3A_419] : memref<1728x32xf32, #tpu.memory_space<vmem>> -> memref<16x32xf32, #tpu.memory_space<vmem>>
      %dma_start3A_421 = arith.constant 384 : i32
      %dma_start3A_422 = tpu.memref_slice %arg13[%dma_start3A_417, %dma_start3A_421] : memref<4x400xi32, #tpu.memory_space<vmem>> -> memref<1x16xi32, #tpu.memory_space<vmem>>
      %dma_start3A_423 = tpu.memref_squeeze %dma_start3A_422 : memref<1x16xi32, #tpu.memory_space<vmem>> -> memref<16xi32, #tpu.memory_space<vmem>>
      %dma_start3A_424 = arith.constant 0 : i32
      %dma_start3A_425 = arith.constant 0 : i32
      %dma_start3A_426 = tpu.memref_slice %arg3[%dma_start3A_424, %dma_start3A_425] : memref<1000000x32xf32, #tpu.memory_space<hbm>> -> memref<1000000x32xf32, #tpu.memory_space<hbm>>
      tpu.enqueue_indirect_dma source(%dma_start3A_426 : memref<1000000x32xf32, #tpu.memory_space<hbm>>) target(%dma_start3A_420 : memref<16x32xf32, #tpu.memory_space<vmem>>) offsets(%dma_start3A_423 : memref<16xi32, #tpu.memory_space<vmem>>) semaphore(%arg19 : memref<!tpu.dma_semaphore, #tpu.memory_space<semaphore_mem>>)
      %dma_wait3A_427 = arith.constant 0 : i32
      %dma_wait3A_428 = arith.constant 0 : i32
      %dma_wait3A_429 = arith.constant 0 : i32
      %dma_wait3A_430 = tpu.memref_slice %arg14[%dma_wait3A_428, %dma_wait3A_429] : memref<1728x32xf32, #tpu.memory_space<vmem>> -> memref<20x32xf32, #tpu.memory_space<vmem>>
      %dma_wait3A_431 = arith.constant 0 : i32
      %dma_wait3A_432 = tpu.memref_slice %arg10[%dma_wait3A_427, %dma_wait3A_431] : memref<4x20xi32, #tpu.memory_space<vmem>> -> memref<1x20xi32, #tpu.memory_space<vmem>>
      %dma_wait3A_433 = tpu.memref_squeeze %dma_wait3A_432 : memref<1x20xi32, #tpu.memory_space<vmem>> -> memref<20xi32, #tpu.memory_space<vmem>>
      %dma_wait3A_434 = arith.constant 0 : i32
      %dma_wait3A_435 = arith.constant 0 : i32
      %dma_wait3A_436 = tpu.memref_slice %arg3[%dma_wait3A_434, %dma_wait3A_435] : memref<1000000x32xf32, #tpu.memory_space<hbm>> -> memref<1000000x32xf32, #tpu.memory_space<hbm>>
      tpu.wait_indirect_dma semaphore(%arg18 : memref<!tpu.dma_semaphore, #tpu.memory_space<semaphore_mem>>) src(%dma_wait3A_436 : memref<1000000x32xf32, #tpu.memory_space<hbm>>) dst(%dma_wait3A_430 : memref<20x32xf32, #tpu.memory_space<vmem>>)
      %dma_wait3A_437 = arith.constant 0 : i32
      %dma_wait3A_438 = arith.constant 20 : i32
      %dma_wait3A_439 = arith.constant 0 : i32
      %dma_wait3A_440 = tpu.memref_slice %arg14[%dma_wait3A_438, %dma_wait3A_439] : memref<1728x32xf32, #tpu.memory_space<vmem>> -> memref<128x32xf32, #tpu.memory_space<vmem>>
      %dma_wait3A_441 = arith.constant 0 : i32
      %dma_wait3A_442 = tpu.memref_slice %arg12[%dma_wait3A_437, %dma_wait3A_441] : memref<4x400xi32, #tpu.memory_space<vmem>> -> memref<1x128xi32, #tpu.memory_space<vmem>>
      %dma_wait3A_443 = tpu.memref_squeeze %dma_wait3A_442 : memref<1x128xi32, #tpu.memory_space<vmem>> -> memref<128xi32, #tpu.memory_space<vmem>>
      %dma_wait3A_444 = arith.constant 0 : i32
      %dma_wait3A_445 = arith.constant 0 : i32
      %dma_wait3A_446 = tpu.memref_slice %arg3[%dma_wait3A_444, %dma_wait3A_445] : memref<1000000x32xf32, #tpu.memory_space<hbm>> -> memref<1000000x32xf32, #tpu.memory_space<hbm>>
      tpu.wait_indirect_dma semaphore(%arg18 : memref<!tpu.dma_semaphore, #tpu.memory_space<semaphore_mem>>) src(%dma_wait3A_446 : memref<1000000x32xf32, #tpu.memory_space<hbm>>) dst(%dma_wait3A_440 : memref<128x32xf32, #tpu.memory_space<vmem>>)
      %dma_wait3A_447 = arith.constant 0 : i32
      %dma_wait3A_448 = arith.constant 148 : i32
      %dma_wait3A_449 = arith.constant 0 : i32
      %dma_wait3A_450 = tpu.memref_slice %arg14[%dma_wait3A_448, %dma_wait3A_449] : memref<1728x32xf32, #tpu.memory_space<vmem>> -> memref<128x32xf32, #tpu.memory_space<vmem>>
      %dma_wait3A_451 = arith.constant 128 : i32
      %dma_wait3A_452 = tpu.memref_slice %arg12[%dma_wait3A_447, %dma_wait3A_451] : memref<4x400xi32, #tpu.memory_space<vmem>> -> memref<1x128xi32, #tpu.memory_space<vmem>>
      %dma_wait3A_453 = tpu.memref_squeeze %dma_wait3A_452 : memref<1x128xi32, #tpu.memory_space<vmem>> -> memref<128xi32, #tpu.memory_space<vmem>>
      %dma_wait3A_454 = arith.constant 0 : i32
      %dma_wait3A_455 = arith.constant 0 : i32
      %dma_wait3A_456 = tpu.memref_slice %arg3[%dma_wait3A_454, %dma_wait3A_455] : memref<1000000x32xf32, #tpu.memory_space<hbm>> -> memref<1000000x32xf32, #tpu.memory_space<hbm>>
      tpu.wait_indirect_dma semaphore(%arg18 : memref<!tpu.dma_semaphore, #tpu.memory_space<semaphore_mem>>) src(%dma_wait3A_456 : memref<1000000x32xf32, #tpu.memory_space<hbm>>) dst(%dma_wait3A_450 : memref<128x32xf32, #tpu.memory_space<vmem>>)
      %dma_wait3A_457 = arith.constant 0 : i32
      %dma_wait3A_458 = arith.constant 276 : i32
      %dma_wait3A_459 = arith.constant 0 : i32
      %dma_wait3A_460 = tpu.memref_slice %arg14[%dma_wait3A_458, %dma_wait3A_459] : memref<1728x32xf32, #tpu.memory_space<vmem>> -> memref<128x32xf32, #tpu.memory_space<vmem>>
      %dma_wait3A_461 = arith.constant 256 : i32
      %dma_wait3A_462 = tpu.memref_slice %arg12[%dma_wait3A_457, %dma_wait3A_461] : memref<4x400xi32, #tpu.memory_space<vmem>> -> memref<1x128xi32, #tpu.memory_space<vmem>>
      %dma_wait3A_463 = tpu.memref_squeeze %dma_wait3A_462 : memref<1x128xi32, #tpu.memory_space<vmem>> -> memref<128xi32, #tpu.memory_space<vmem>>
      %dma_wait3A_464 = arith.constant 0 : i32
      %dma_wait3A_465 = arith.constant 0 : i32
      %dma_wait3A_466 = tpu.memref_slice %arg3[%dma_wait3A_464, %dma_wait3A_465] : memref<1000000x32xf32, #tpu.memory_space<hbm>> -> memref<1000000x32xf32, #tpu.memory_space<hbm>>
      tpu.wait_indirect_dma semaphore(%arg18 : memref<!tpu.dma_semaphore, #tpu.memory_space<semaphore_mem>>) src(%dma_wait3A_466 : memref<1000000x32xf32, #tpu.memory_space<hbm>>) dst(%dma_wait3A_460 : memref<128x32xf32, #tpu.memory_space<vmem>>)
      %dma_wait3A_467 = arith.constant 0 : i32
      %dma_wait3A_468 = arith.constant 404 : i32
      %dma_wait3A_469 = arith.constant 0 : i32
      %dma_wait3A_470 = tpu.memref_slice %arg14[%dma_wait3A_468, %dma_wait3A_469] : memref<1728x32xf32, #tpu.memory_space<vmem>> -> memref<16x32xf32, #tpu.memory_space<vmem>>
      %dma_wait3A_471 = arith.constant 384 : i32
      %dma_wait3A_472 = tpu.memref_slice %arg12[%dma_wait3A_467, %dma_wait3A_471] : memref<4x400xi32, #tpu.memory_space<vmem>> -> memref<1x16xi32, #tpu.memory_space<vmem>>
      %dma_wait3A_473 = tpu.memref_squeeze %dma_wait3A_472 : memref<1x16xi32, #tpu.memory_space<vmem>> -> memref<16xi32, #tpu.memory_space<vmem>>
      %dma_wait3A_474 = arith.constant 0 : i32
      %dma_wait3A_475 = arith.constant 0 : i32
      %dma_wait3A_476 = tpu.memref_slice %arg3[%dma_wait3A_474, %dma_wait3A_475] : memref<1000000x32xf32, #tpu.memory_space<hbm>> -> memref<1000000x32xf32, #tpu.memory_space<hbm>>
      tpu.wait_indirect_dma semaphore(%arg18 : memref<!tpu.dma_semaphore, #tpu.memory_space<semaphore_mem>>) src(%dma_wait3A_476 : memref<1000000x32xf32, #tpu.memory_space<hbm>>) dst(%dma_wait3A_470 : memref<16x32xf32, #tpu.memory_space<vmem>>)
      %dma_wait3A_477 = arith.constant 1 : i32
      %dma_wait3A_478 = arith.constant 432 : i32
      %dma_wait3A_479 = arith.constant 0 : i32
      %dma_wait3A_480 = tpu.memref_slice %arg14[%dma_wait3A_478, %dma_wait3A_479] : memref<1728x32xf32, #tpu.memory_space<vmem>> -> memref<20x32xf32, #tpu.memory_space<vmem>>
      %dma_wait3A_481 = arith.constant 0 : i32
      %dma_wait3A_482 = tpu.memref_slice %arg10[%dma_wait3A_477, %dma_wait3A_481] : memref<4x20xi32, #tpu.memory_space<vmem>> -> memref<1x20xi32, #tpu.memory_space<vmem>>
      %dma_wait3A_483 = tpu.memref_squeeze %dma_wait3A_482 : memref<1x20xi32, #tpu.memory_space<vmem>> -> memref<20xi32, #tpu.memory_space<vmem>>
      %dma_wait3A_484 = arith.constant 0 : i32
      %dma_wait3A_485 = arith.constant 0 : i32
      %dma_wait3A_486 = tpu.memref_slice %arg3[%dma_wait3A_484, %dma_wait3A_485] : memref<1000000x32xf32, #tpu.memory_space<hbm>> -> memref<1000000x32xf32, #tpu.memory_space<hbm>>
      tpu.wait_indirect_dma semaphore(%arg18 : memref<!tpu.dma_semaphore, #tpu.memory_space<semaphore_mem>>) src(%dma_wait3A_486 : memref<1000000x32xf32, #tpu.memory_space<hbm>>) dst(%dma_wait3A_480 : memref<20x32xf32, #tpu.memory_space<vmem>>)
      %dma_wait3A_487 = arith.constant 1 : i32
      %dma_wait3A_488 = arith.constant 452 : i32
      %dma_wait3A_489 = arith.constant 0 : i32
      %dma_wait3A_490 = tpu.memref_slice %arg14[%dma_wait3A_488, %dma_wait3A_489] : memref<1728x32xf32, #tpu.memory_space<vmem>> -> memref<128x32xf32, #tpu.memory_space<vmem>>
      %dma_wait3A_491 = arith.constant 0 : i32
      %dma_wait3A_492 = tpu.memref_slice %arg12[%dma_wait3A_487, %dma_wait3A_491] : memref<4x400xi32, #tpu.memory_space<vmem>> -> memref<1x128xi32, #tpu.memory_space<vmem>>
      %dma_wait3A_493 = tpu.memref_squeeze %dma_wait3A_492 : memref<1x128xi32, #tpu.memory_space<vmem>> -> memref<128xi32, #tpu.memory_space<vmem>>
      %dma_wait3A_494 = arith.constant 0 : i32
      %dma_wait3A_495 = arith.constant 0 : i32
      %dma_wait3A_496 = tpu.memref_slice %arg3[%dma_wait3A_494, %dma_wait3A_495] : memref<1000000x32xf32, #tpu.memory_space<hbm>> -> memref<1000000x32xf32, #tpu.memory_space<hbm>>
      tpu.wait_indirect_dma semaphore(%arg18 : memref<!tpu.dma_semaphore, #tpu.memory_space<semaphore_mem>>) src(%dma_wait3A_496 : memref<1000000x32xf32, #tpu.memory_space<hbm>>) dst(%dma_wait3A_490 : memref<128x32xf32, #tpu.memory_space<vmem>>)
      %dma_wait3A_497 = arith.constant 1 : i32
      %dma_wait3A_498 = arith.constant 580 : i32
      %dma_wait3A_499 = arith.constant 0 : i32
      %dma_wait3A_500 = tpu.memref_slice %arg14[%dma_wait3A_498, %dma_wait3A_499] : memref<1728x32xf32, #tpu.memory_space<vmem>> -> memref<128x32xf32, #tpu.memory_space<vmem>>
      %dma_wait3A_501 = arith.constant 128 : i32
      %dma_wait3A_502 = tpu.memref_slice %arg12[%dma_wait3A_497, %dma_wait3A_501] : memref<4x400xi32, #tpu.memory_space<vmem>> -> memref<1x128xi32, #tpu.memory_space<vmem>>
      %dma_wait3A_503 = tpu.memref_squeeze %dma_wait3A_502 : memref<1x128xi32, #tpu.memory_space<vmem>> -> memref<128xi32, #tpu.memory_space<vmem>>
      %dma_wait3A_504 = arith.constant 0 : i32
      %dma_wait3A_505 = arith.constant 0 : i32
      %dma_wait3A_506 = tpu.memref_slice %arg3[%dma_wait3A_504, %dma_wait3A_505] : memref<1000000x32xf32, #tpu.memory_space<hbm>> -> memref<1000000x32xf32, #tpu.memory_space<hbm>>
      tpu.wait_indirect_dma semaphore(%arg18 : memref<!tpu.dma_semaphore, #tpu.memory_space<semaphore_mem>>) src(%dma_wait3A_506 : memref<1000000x32xf32, #tpu.memory_space<hbm>>) dst(%dma_wait3A_500 : memref<128x32xf32, #tpu.memory_space<vmem>>)
      %dma_wait3A_507 = arith.constant 1 : i32
      %dma_wait3A_508 = arith.constant 708 : i32
      %dma_wait3A_509 = arith.constant 0 : i32
      %dma_wait3A_510 = tpu.memref_slice %arg14[%dma_wait3A_508, %dma_wait3A_509] : memref<1728x32xf32, #tpu.memory_space<vmem>> -> memref<128x32xf32, #tpu.memory_space<vmem>>
      %dma_wait3A_511 = arith.constant 256 : i32
      %dma_wait3A_512 = tpu.memref_slice %arg12[%dma_wait3A_507, %dma_wait3A_511] : memref<4x400xi32, #tpu.memory_space<vmem>> -> memref<1x128xi32, #tpu.memory_space<vmem>>
      %dma_wait3A_513 = tpu.memref_squeeze %dma_wait3A_512 : memref<1x128xi32, #tpu.memory_space<vmem>> -> memref<128xi32, #tpu.memory_space<vmem>>
      %dma_wait3A_514 = arith.constant 0 : i32
      %dma_wait3A_515 = arith.constant 0 : i32
      %dma_wait3A_516 = tpu.memref_slice %arg3[%dma_wait3A_514, %dma_wait3A_515] : memref<1000000x32xf32, #tpu.memory_space<hbm>> -> memref<1000000x32xf32, #tpu.memory_space<hbm>>
      tpu.wait_indirect_dma semaphore(%arg18 : memref<!tpu.dma_semaphore, #tpu.memory_space<semaphore_mem>>) src(%dma_wait3A_516 : memref<1000000x32xf32, #tpu.memory_space<hbm>>) dst(%dma_wait3A_510 : memref<128x32xf32, #tpu.memory_space<vmem>>)
      %dma_wait3A_517 = arith.constant 1 : i32
      %dma_wait3A_518 = arith.constant 836 : i32
      %dma_wait3A_519 = arith.constant 0 : i32
      %dma_wait3A_520 = tpu.memref_slice %arg14[%dma_wait3A_518, %dma_wait3A_519] : memref<1728x32xf32, #tpu.memory_space<vmem>> -> memref<16x32xf32, #tpu.memory_space<vmem>>
      %dma_wait3A_521 = arith.constant 384 : i32
      %dma_wait3A_522 = tpu.memref_slice %arg12[%dma_wait3A_517, %dma_wait3A_521] : memref<4x400xi32, #tpu.memory_space<vmem>> -> memref<1x16xi32, #tpu.memory_space<vmem>>
      %dma_wait3A_523 = tpu.memref_squeeze %dma_wait3A_522 : memref<1x16xi32, #tpu.memory_space<vmem>> -> memref<16xi32, #tpu.memory_space<vmem>>
      %dma_wait3A_524 = arith.constant 0 : i32
      %dma_wait3A_525 = arith.constant 0 : i32
      %dma_wait3A_526 = tpu.memref_slice %arg3[%dma_wait3A_524, %dma_wait3A_525] : memref<1000000x32xf32, #tpu.memory_space<hbm>> -> memref<1000000x32xf32, #tpu.memory_space<hbm>>
      tpu.wait_indirect_dma semaphore(%arg18 : memref<!tpu.dma_semaphore, #tpu.memory_space<semaphore_mem>>) src(%dma_wait3A_526 : memref<1000000x32xf32, #tpu.memory_space<hbm>>) dst(%dma_wait3A_520 : memref<16x32xf32, #tpu.memory_space<vmem>>)
      %dma_wait3A_527 = arith.constant 2 : i32
      %dma_wait3A_528 = arith.constant 864 : i32
      %dma_wait3A_529 = arith.constant 0 : i32
      %dma_wait3A_530 = tpu.memref_slice %arg14[%dma_wait3A_528, %dma_wait3A_529] : memref<1728x32xf32, #tpu.memory_space<vmem>> -> memref<20x32xf32, #tpu.memory_space<vmem>>
      %dma_wait3A_531 = arith.constant 0 : i32
      %dma_wait3A_532 = tpu.memref_slice %arg10[%dma_wait3A_527, %dma_wait3A_531] : memref<4x20xi32, #tpu.memory_space<vmem>> -> memref<1x20xi32, #tpu.memory_space<vmem>>
      %dma_wait3A_533 = tpu.memref_squeeze %dma_wait3A_532 : memref<1x20xi32, #tpu.memory_space<vmem>> -> memref<20xi32, #tpu.memory_space<vmem>>
      %dma_wait3A_534 = arith.constant 0 : i32
      %dma_wait3A_535 = arith.constant 0 : i32
      %dma_wait3A_536 = tpu.memref_slice %arg3[%dma_wait3A_534, %dma_wait3A_535] : memref<1000000x32xf32, #tpu.memory_space<hbm>> -> memref<1000000x32xf32, #tpu.memory_space<hbm>>
      tpu.wait_indirect_dma semaphore(%arg18 : memref<!tpu.dma_semaphore, #tpu.memory_space<semaphore_mem>>) src(%dma_wait3A_536 : memref<1000000x32xf32, #tpu.memory_space<hbm>>) dst(%dma_wait3A_530 : memref<20x32xf32, #tpu.memory_space<vmem>>)
      %dma_wait3A_537 = arith.constant 2 : i32
      %dma_wait3A_538 = arith.constant 884 : i32
      %dma_wait3A_539 = arith.constant 0 : i32
      %dma_wait3A_540 = tpu.memref_slice %arg14[%dma_wait3A_538, %dma_wait3A_539] : memref<1728x32xf32, #tpu.memory_space<vmem>> -> memref<128x32xf32, #tpu.memory_space<vmem>>
      %dma_wait3A_541 = arith.constant 0 : i32
      %dma_wait3A_542 = tpu.memref_slice %arg12[%dma_wait3A_537, %dma_wait3A_541] : memref<4x400xi32, #tpu.memory_space<vmem>> -> memref<1x128xi32, #tpu.memory_space<vmem>>
      %dma_wait3A_543 = tpu.memref_squeeze %dma_wait3A_542 : memref<1x128xi32, #tpu.memory_space<vmem>> -> memref<128xi32, #tpu.memory_space<vmem>>
      %dma_wait3A_544 = arith.constant 0 : i32
      %dma_wait3A_545 = arith.constant 0 : i32
      %dma_wait3A_546 = tpu.memref_slice %arg3[%dma_wait3A_544, %dma_wait3A_545] : memref<1000000x32xf32, #tpu.memory_space<hbm>> -> memref<1000000x32xf32, #tpu.memory_space<hbm>>
      tpu.wait_indirect_dma semaphore(%arg18 : memref<!tpu.dma_semaphore, #tpu.memory_space<semaphore_mem>>) src(%dma_wait3A_546 : memref<1000000x32xf32, #tpu.memory_space<hbm>>) dst(%dma_wait3A_540 : memref<128x32xf32, #tpu.memory_space<vmem>>)
      %dma_wait3A_547 = arith.constant 2 : i32
      %dma_wait3A_548 = arith.constant 1012 : i32
      %dma_wait3A_549 = arith.constant 0 : i32
      %dma_wait3A_550 = tpu.memref_slice %arg14[%dma_wait3A_548, %dma_wait3A_549] : memref<1728x32xf32, #tpu.memory_space<vmem>> -> memref<128x32xf32, #tpu.memory_space<vmem>>
      %dma_wait3A_551 = arith.constant 128 : i32
      %dma_wait3A_552 = tpu.memref_slice %arg12[%dma_wait3A_547, %dma_wait3A_551] : memref<4x400xi32, #tpu.memory_space<vmem>> -> memref<1x128xi32, #tpu.memory_space<vmem>>
      %dma_wait3A_553 = tpu.memref_squeeze %dma_wait3A_552 : memref<1x128xi32, #tpu.memory_space<vmem>> -> memref<128xi32, #tpu.memory_space<vmem>>
      %dma_wait3A_554 = arith.constant 0 : i32
      %dma_wait3A_555 = arith.constant 0 : i32
      %dma_wait3A_556 = tpu.memref_slice %arg3[%dma_wait3A_554, %dma_wait3A_555] : memref<1000000x32xf32, #tpu.memory_space<hbm>> -> memref<1000000x32xf32, #tpu.memory_space<hbm>>
      tpu.wait_indirect_dma semaphore(%arg18 : memref<!tpu.dma_semaphore, #tpu.memory_space<semaphore_mem>>) src(%dma_wait3A_556 : memref<1000000x32xf32, #tpu.memory_space<hbm>>) dst(%dma_wait3A_550 : memref<128x32xf32, #tpu.memory_space<vmem>>)
      %dma_wait3A_557 = arith.constant 2 : i32
      %dma_wait3A_558 = arith.constant 1140 : i32
      %dma_wait3A_559 = arith.constant 0 : i32
      %dma_wait3A_560 = tpu.memref_slice %arg14[%dma_wait3A_558, %dma_wait3A_559] : memref<1728x32xf32, #tpu.memory_space<vmem>> -> memref<128x32xf32, #tpu.memory_space<vmem>>
      %dma_wait3A_561 = arith.constant 256 : i32
      %dma_wait3A_562 = tpu.memref_slice %arg12[%dma_wait3A_557, %dma_wait3A_561] : memref<4x400xi32, #tpu.memory_space<vmem>> -> memref<1x128xi32, #tpu.memory_space<vmem>>
      %dma_wait3A_563 = tpu.memref_squeeze %dma_wait3A_562 : memref<1x128xi32, #tpu.memory_space<vmem>> -> memref<128xi32, #tpu.memory_space<vmem>>
      %dma_wait3A_564 = arith.constant 0 : i32
      %dma_wait3A_565 = arith.constant 0 : i32
      %dma_wait3A_566 = tpu.memref_slice %arg3[%dma_wait3A_564, %dma_wait3A_565] : memref<1000000x32xf32, #tpu.memory_space<hbm>> -> memref<1000000x32xf32, #tpu.memory_space<hbm>>
      tpu.wait_indirect_dma semaphore(%arg18 : memref<!tpu.dma_semaphore, #tpu.memory_space<semaphore_mem>>) src(%dma_wait3A_566 : memref<1000000x32xf32, #tpu.memory_space<hbm>>) dst(%dma_wait3A_560 : memref<128x32xf32, #tpu.memory_space<vmem>>)
      %dma_wait3A_567 = arith.constant 2 : i32
      %dma_wait3A_568 = arith.constant 1268 : i32
      %dma_wait3A_569 = arith.constant 0 : i32
      %dma_wait3A_570 = tpu.memref_slice %arg14[%dma_wait3A_568, %dma_wait3A_569] : memref<1728x32xf32, #tpu.memory_space<vmem>> -> memref<16x32xf32, #tpu.memory_space<vmem>>
      %dma_wait3A_571 = arith.constant 384 : i32
      %dma_wait3A_572 = tpu.memref_slice %arg12[%dma_wait3A_567, %dma_wait3A_571] : memref<4x400xi32, #tpu.memory_space<vmem>> -> memref<1x16xi32, #tpu.memory_space<vmem>>
      %dma_wait3A_573 = tpu.memref_squeeze %dma_wait3A_572 : memref<1x16xi32, #tpu.memory_space<vmem>> -> memref<16xi32, #tpu.memory_space<vmem>>
      %dma_wait3A_574 = arith.constant 0 : i32
      %dma_wait3A_575 = arith.constant 0 : i32
      %dma_wait3A_576 = tpu.memref_slice %arg3[%dma_wait3A_574, %dma_wait3A_575] : memref<1000000x32xf32, #tpu.memory_space<hbm>> -> memref<1000000x32xf32, #tpu.memory_space<hbm>>
      tpu.wait_indirect_dma semaphore(%arg18 : memref<!tpu.dma_semaphore, #tpu.memory_space<semaphore_mem>>) src(%dma_wait3A_576 : memref<1000000x32xf32, #tpu.memory_space<hbm>>) dst(%dma_wait3A_570 : memref<16x32xf32, #tpu.memory_space<vmem>>)
      %dma_wait3A_577 = arith.constant 3 : i32
      %dma_wait3A_578 = arith.constant 1296 : i32
      %dma_wait3A_579 = arith.constant 0 : i32
      %dma_wait3A_580 = tpu.memref_slice %arg14[%dma_wait3A_578, %dma_wait3A_579] : memref<1728x32xf32, #tpu.memory_space<vmem>> -> memref<20x32xf32, #tpu.memory_space<vmem>>
      %dma_wait3A_581 = arith.constant 0 : i32
      %dma_wait3A_582 = tpu.memref_slice %arg10[%dma_wait3A_577, %dma_wait3A_581] : memref<4x20xi32, #tpu.memory_space<vmem>> -> memref<1x20xi32, #tpu.memory_space<vmem>>
      %dma_wait3A_583 = tpu.memref_squeeze %dma_wait3A_582 : memref<1x20xi32, #tpu.memory_space<vmem>> -> memref<20xi32, #tpu.memory_space<vmem>>
      %dma_wait3A_584 = arith.constant 0 : i32
      %dma_wait3A_585 = arith.constant 0 : i32
      %dma_wait3A_586 = tpu.memref_slice %arg3[%dma_wait3A_584, %dma_wait3A_585] : memref<1000000x32xf32, #tpu.memory_space<hbm>> -> memref<1000000x32xf32, #tpu.memory_space<hbm>>
      tpu.wait_indirect_dma semaphore(%arg18 : memref<!tpu.dma_semaphore, #tpu.memory_space<semaphore_mem>>) src(%dma_wait3A_586 : memref<1000000x32xf32, #tpu.memory_space<hbm>>) dst(%dma_wait3A_580 : memref<20x32xf32, #tpu.memory_space<vmem>>)
      %dma_wait3A_587 = arith.constant 3 : i32
      %dma_wait3A_588 = arith.constant 1316 : i32
      %dma_wait3A_589 = arith.constant 0 : i32
      %dma_wait3A_590 = tpu.memref_slice %arg14[%dma_wait3A_588, %dma_wait3A_589] : memref<1728x32xf32, #tpu.memory_space<vmem>> -> memref<128x32xf32, #tpu.memory_space<vmem>>
      %dma_wait3A_591 = arith.constant 0 : i32
      %dma_wait3A_592 = tpu.memref_slice %arg12[%dma_wait3A_587, %dma_wait3A_591] : memref<4x400xi32, #tpu.memory_space<vmem>> -> memref<1x128xi32, #tpu.memory_space<vmem>>
      %dma_wait3A_593 = tpu.memref_squeeze %dma_wait3A_592 : memref<1x128xi32, #tpu.memory_space<vmem>> -> memref<128xi32, #tpu.memory_space<vmem>>
      %dma_wait3A_594 = arith.constant 0 : i32
      %dma_wait3A_595 = arith.constant 0 : i32
      %dma_wait3A_596 = tpu.memref_slice %arg3[%dma_wait3A_594, %dma_wait3A_595] : memref<1000000x32xf32, #tpu.memory_space<hbm>> -> memref<1000000x32xf32, #tpu.memory_space<hbm>>
      tpu.wait_indirect_dma semaphore(%arg18 : memref<!tpu.dma_semaphore, #tpu.memory_space<semaphore_mem>>) src(%dma_wait3A_596 : memref<1000000x32xf32, #tpu.memory_space<hbm>>) dst(%dma_wait3A_590 : memref<128x32xf32, #tpu.memory_space<vmem>>)
      %dma_wait3A_597 = arith.constant 3 : i32
      %dma_wait3A_598 = arith.constant 1444 : i32
      %dma_wait3A_599 = arith.constant 0 : i32
      %dma_wait3A_600 = tpu.memref_slice %arg14[%dma_wait3A_598, %dma_wait3A_599] : memref<1728x32xf32, #tpu.memory_space<vmem>> -> memref<128x32xf32, #tpu.memory_space<vmem>>
      %dma_wait3A_601 = arith.constant 128 : i32
      %dma_wait3A_602 = tpu.memref_slice %arg12[%dma_wait3A_597, %dma_wait3A_601] : memref<4x400xi32, #tpu.memory_space<vmem>> -> memref<1x128xi32, #tpu.memory_space<vmem>>
      %dma_wait3A_603 = tpu.memref_squeeze %dma_wait3A_602 : memref<1x128xi32, #tpu.memory_space<vmem>> -> memref<128xi32, #tpu.memory_space<vmem>>
      %dma_wait3A_604 = arith.constant 0 : i32
      %dma_wait3A_605 = arith.constant 0 : i32
      %dma_wait3A_606 = tpu.memref_slice %arg3[%dma_wait3A_604, %dma_wait3A_605] : memref<1000000x32xf32, #tpu.memory_space<hbm>> -> memref<1000000x32xf32, #tpu.memory_space<hbm>>
      tpu.wait_indirect_dma semaphore(%arg18 : memref<!tpu.dma_semaphore, #tpu.memory_space<semaphore_mem>>) src(%dma_wait3A_606 : memref<1000000x32xf32, #tpu.memory_space<hbm>>) dst(%dma_wait3A_600 : memref<128x32xf32, #tpu.memory_space<vmem>>)
      %dma_wait3A_607 = arith.constant 3 : i32
      %dma_wait3A_608 = arith.constant 1572 : i32
      %dma_wait3A_609 = arith.constant 0 : i32
      %dma_wait3A_610 = tpu.memref_slice %arg14[%dma_wait3A_608, %dma_wait3A_609] : memref<1728x32xf32, #tpu.memory_space<vmem>> -> memref<128x32xf32, #tpu.memory_space<vmem>>
      %dma_wait3A_611 = arith.constant 256 : i32
      %dma_wait3A_612 = tpu.memref_slice %arg12[%dma_wait3A_607, %dma_wait3A_611] : memref<4x400xi32, #tpu.memory_space<vmem>> -> memref<1x128xi32, #tpu.memory_space<vmem>>
      %dma_wait3A_613 = tpu.memref_squeeze %dma_wait3A_612 : memref<1x128xi32, #tpu.memory_space<vmem>> -> memref<128xi32, #tpu.memory_space<vmem>>
      %dma_wait3A_614 = arith.constant 0 : i32
      %dma_wait3A_615 = arith.constant 0 : i32
      %dma_wait3A_616 = tpu.memref_slice %arg3[%dma_wait3A_614, %dma_wait3A_615] : memref<1000000x32xf32, #tpu.memory_space<hbm>> -> memref<1000000x32xf32, #tpu.memory_space<hbm>>
      tpu.wait_indirect_dma semaphore(%arg18 : memref<!tpu.dma_semaphore, #tpu.memory_space<semaphore_mem>>) src(%dma_wait3A_616 : memref<1000000x32xf32, #tpu.memory_space<hbm>>) dst(%dma_wait3A_610 : memref<128x32xf32, #tpu.memory_space<vmem>>)
      %dma_wait3A_617 = arith.constant 3 : i32
      %dma_wait3A_618 = arith.constant 1700 : i32
      %dma_wait3A_619 = arith.constant 0 : i32
      %dma_wait3A_620 = tpu.memref_slice %arg14[%dma_wait3A_618, %dma_wait3A_619] : memref<1728x32xf32, #tpu.memory_space<vmem>> -> memref<16x32xf32, #tpu.memory_space<vmem>>
      %dma_wait3A_621 = arith.constant 384 : i32
      %dma_wait3A_622 = tpu.memref_slice %arg12[%dma_wait3A_617, %dma_wait3A_621] : memref<4x400xi32, #tpu.memory_space<vmem>> -> memref<1x16xi32, #tpu.memory_space<vmem>>
      %dma_wait3A_623 = tpu.memref_squeeze %dma_wait3A_622 : memref<1x16xi32, #tpu.memory_space<vmem>> -> memref<16xi32, #tpu.memory_space<vmem>>
      %dma_wait3A_624 = arith.constant 0 : i32
      %dma_wait3A_625 = arith.constant 0 : i32
      %dma_wait3A_626 = tpu.memref_slice %arg3[%dma_wait3A_624, %dma_wait3A_625] : memref<1000000x32xf32, #tpu.memory_space<hbm>> -> memref<1000000x32xf32, #tpu.memory_space<hbm>>
      tpu.wait_indirect_dma semaphore(%arg18 : memref<!tpu.dma_semaphore, #tpu.memory_space<semaphore_mem>>) src(%dma_wait3A_626 : memref<1000000x32xf32, #tpu.memory_space<hbm>>) dst(%dma_wait3A_620 : memref<16x32xf32, #tpu.memory_space<vmem>>)
      %mul3A_627 = arith.constant 4 : i32
      %mul3A_628 = arith.muli %mul3A_218, %mul3A_627 : i32
      %add3A_629 = arith.constant 0 : i32
      %add3A_630 = arith.addi %mul3A_628, %add3A_629 : i32
      %get3A = arith.index_cast %add3A_630 : i32 to index
      %get3A_631 = arith.constant 0 : index
      %get3A_632 = tpu.vector_load %arg9[%get3A, %get3A_631] {strides = array<i32>} : memref<128x32xf32, #tpu.memory_space<vmem>>, vector<16xf32>,
      %mul3A_633 = arith.constant 4 : i32
      %mul3A_634 = arith.muli %mul3A_218, %mul3A_633 : i32
      %add3A_635 = arith.constant 0 : i32
      %add3A_636 = arith.addi %mul3A_634, %add3A_635 : i32
      %get3A_637 = arith.index_cast %add3A_636 : i32 to index
      %get3A_638 = arith.constant 16 : index
      %get3A_639 = tpu.vector_load %arg9[%get3A_637, %get3A_638] {strides = array<i32>} : memref<128x32xf32, #tpu.memory_space<vmem>>, vector<16xf32>,
      %scan3A_640 = arith.constant 0 : i32
      %scan3A_641 = arith.constant 0 : i32
      %scan3A_642 = arith.constant 27 : i32
      %scan3A_643 = arith.addi %scan3A_641, %scan3A_642 : i32
      %scan3A_644 = arith.constant 1 : i32
      scf.for %scan3A_998 = %scan3A_641 to %scan3A_643 step %scan3A_644  : i32 {
        %broadcast_in_dim3A = arith.constant 0.000000e+00 : f32
        %broadcast_in_dim3A_999 = vector.broadcast %broadcast_in_dim3A : f32 to vector<16xf32>
        %mul3A_1000 = arith.constant 16 : i32
        %mul3A_1001 = arith.muli %scan3A_998, %mul3A_1000 : i32
        %add3A_1002 = arith.constant 0 : i32
        %add3A_1003 = arith.addi %add3A_1002, %mul3A_1001 : i32
        %add3A_1004 = arith.constant 0 : i32
        %add3A_1005 = arith.addi %add3A_1003, %add3A_1004 : i32
        %get3A_1006 = arith.index_cast %add3A_1005 : i32 to index
        %get3A_1007 = arith.constant 0 : index
        %get3A_1008 = tpu.vector_load %arg14[%get3A_1006, %get3A_1007] {strides = array<i32>} : memref<1728x32xf32, #tpu.memory_space<vmem>>, vector<16xf32>,
        %get3A_1009 = arith.index_cast %add3A_1005 : i32 to index
        %get3A_1010 = arith.constant 16 : index
        %get3A_1011 = tpu.vector_load %arg14[%get3A_1009, %get3A_1010] {strides = array<i32>} : memref<1728x32xf32, #tpu.memory_space<vmem>>, vector<16xf32>,
        %mul3A_1012 = arith.mulf %get3A_1008, %get3A_632 : vector<16xf32>
        %mul3A_1013 = arith.mulf %get3A_1011, %get3A_639 : vector<16xf32>
        %add3A_1014 = arith.addf %mul3A_1012, %mul3A_1013 : vector<16xf32>
        %broadcast_in_dim3A_1015 = arith.constant true
        %broadcast_in_dim3A_1016 = vector.broadcast %broadcast_in_dim3A_1015 : i1 to vector<16xi1>
        %masked_cumsum3A = tpu.scan <sum>, %add3A_1014 masked %broadcast_in_dim3A_1016 : vector<16xf32>, vector<16xi1> -> vector<16xf32>
        %slice3A = vector.extract_strided_slice %masked_cumsum3A {offsets = [15], sizes = [1], strides = [1]} : vector<16xf32> to vector<1xf32>
        %squeeze3A = vector.extract %slice3A[0] : f32 from vector<1xf32>
        %eq3A = arith.constant 0 : i32
        %eq3A_1017 = vector.broadcast %eq3A : i32 to vector<16xi32>
        %eq3A_1018 = arith.cmpi eq, %iota3A, %eq3A_1017 : vector<16xi32>
        %broadcast_in_dim3A_1019 = vector.broadcast %squeeze3A : f32 to vector<16xf32>
        %select_n3A = arith.select %eq3A_1018, %broadcast_in_dim3A_1019, %broadcast_in_dim3A_999 : vector<16xi1>, vector<16xf32>
        %mul3A_1020 = arith.constant 16 : i32
        %mul3A_1021 = arith.muli %scan3A_998, %mul3A_1020 : i32
        %add3A_1022 = arith.constant 0 : i32
        %add3A_1023 = arith.addi %add3A_1022, %mul3A_1021 : i32
        %add3A_1024 = arith.constant 1 : i32
        %add3A_1025 = arith.addi %add3A_1023, %add3A_1024 : i32
        %get3A_1026 = arith.index_cast %add3A_1025 : i32 to index
        %get3A_1027 = arith.constant 0 : index
        %get3A_1028 = tpu.vector_load %arg14[%get3A_1026, %get3A_1027] {strides = array<i32>} : memref<1728x32xf32, #tpu.memory_space<vmem>>, vector<16xf32>,
        %get3A_1029 = arith.index_cast %add3A_1025 : i32 to index
        %get3A_1030 = arith.constant 16 : index
        %get3A_1031 = tpu.vector_load %arg14[%get3A_1029, %get3A_1030] {strides = array<i32>} : memref<1728x32xf32, #tpu.memory_space<vmem>>, vector<16xf32>,
        %mul3A_1032 = arith.mulf %get3A_1028, %get3A_632 : vector<16xf32>
        %mul3A_1033 = arith.mulf %get3A_1031, %get3A_639 : vector<16xf32>
        %add3A_1034 = arith.addf %mul3A_1032, %mul3A_1033 : vector<16xf32>
        %broadcast_in_dim3A_1035 = arith.constant true
        %broadcast_in_dim3A_1036 = vector.broadcast %broadcast_in_dim3A_1035 : i1 to vector<16xi1>
        %masked_cumsum3A_1037 = tpu.scan <sum>, %add3A_1034 masked %broadcast_in_dim3A_1036 : vector<16xf32>, vector<16xi1> -> vector<16xf32>
        %slice3A_1038 = vector.extract_strided_slice %masked_cumsum3A_1037 {offsets = [15], sizes = [1], strides = [1]} : vector<16xf32> to vector<1xf32>
        %squeeze3A_1039 = vector.extract %slice3A_1038[0] : f32 from vector<1xf32>
        %eq3A_1040 = arith.constant 1 : i32
        %eq3A_1041 = vector.broadcast %eq3A_1040 : i32 to vector<16xi32>
        %eq3A_1042 = arith.cmpi eq, %iota3A, %eq3A_1041 : vector<16xi32>
        %broadcast_in_dim3A_1043 = vector.broadcast %squeeze3A_1039 : f32 to vector<16xf32>
        %select_n3A_1044 = arith.select %eq3A_1042, %broadcast_in_dim3A_1043, %select_n3A : vector<16xi1>, vector<16xf32>
        %mul3A_1045 = arith.constant 16 : i32
        %mul3A_1046 = arith.muli %scan3A_998, %mul3A_1045 : i32
        %add3A_1047 = arith.constant 0 : i32
        %add3A_1048 = arith.addi %add3A_1047, %mul3A_1046 : i32
        %add3A_1049 = arith.constant 2 : i32
        %add3A_1050 = arith.addi %add3A_1048, %add3A_1049 : i32
        %get3A_1051 = arith.index_cast %add3A_1050 : i32 to index
        %get3A_1052 = arith.constant 0 : index
        %get3A_1053 = tpu.vector_load %arg14[%get3A_1051, %get3A_1052] {strides = array<i32>} : memref<1728x32xf32, #tpu.memory_space<vmem>>, vector<16xf32>,
        %get3A_1054 = arith.index_cast %add3A_1050 : i32 to index
        %get3A_1055 = arith.constant 16 : index
        %get3A_1056 = tpu.vector_load %arg14[%get3A_1054, %get3A_1055] {strides = array<i32>} : memref<1728x32xf32, #tpu.memory_space<vmem>>, vector<16xf32>,
        %mul3A_1057 = arith.mulf %get3A_1053, %get3A_632 : vector<16xf32>
        %mul3A_1058 = arith.mulf %get3A_1056, %get3A_639 : vector<16xf32>
        %add3A_1059 = arith.addf %mul3A_1057, %mul3A_1058 : vector<16xf32>
        %broadcast_in_dim3A_1060 = arith.constant true
        %broadcast_in_dim3A_1061 = vector.broadcast %broadcast_in_dim3A_1060 : i1 to vector<16xi1>
        %masked_cumsum3A_1062 = tpu.scan <sum>, %add3A_1059 masked %broadcast_in_dim3A_1061 : vector<16xf32>, vector<16xi1> -> vector<16xf32>
        %slice3A_1063 = vector.extract_strided_slice %masked_cumsum3A_1062 {offsets = [15], sizes = [1], strides = [1]} : vector<16xf32> to vector<1xf32>
        %squeeze3A_1064 = vector.extract %slice3A_1063[0] : f32 from vector<1xf32>
        %eq3A_1065 = arith.constant 2 : i32
        %eq3A_1066 = vector.broadcast %eq3A_1065 : i32 to vector<16xi32>
        %eq3A_1067 = arith.cmpi eq, %iota3A, %eq3A_1066 : vector<16xi32>
        %broadcast_in_dim3A_1068 = vector.broadcast %squeeze3A_1064 : f32 to vector<16xf32>
        %select_n3A_1069 = arith.select %eq3A_1067, %broadcast_in_dim3A_1068, %select_n3A_1044 : vector<16xi1>, vector<16xf32>
        %mul3A_1070 = arith.constant 16 : i32
        %mul3A_1071 = arith.muli %scan3A_998, %mul3A_1070 : i32
        %add3A_1072 = arith.constant 0 : i32
        %add3A_1073 = arith.addi %add3A_1072, %mul3A_1071 : i32
        %add3A_1074 = arith.constant 3 : i32
        %add3A_1075 = arith.addi %add3A_1073, %add3A_1074 : i32
        %get3A_1076 = arith.index_cast %add3A_1075 : i32 to index
        %get3A_1077 = arith.constant 0 : index
        %get3A_1078 = tpu.vector_load %arg14[%get3A_1076, %get3A_1077] {strides = array<i32>} : memref<1728x32xf32, #tpu.memory_space<vmem>>, vector<16xf32>,
        %get3A_1079 = arith.index_cast %add3A_1075 : i32 to index
        %get3A_1080 = arith.constant 16 : index
        %get3A_1081 = tpu.vector_load %arg14[%get3A_1079, %get3A_1080] {strides = array<i32>} : memref<1728x32xf32, #tpu.memory_space<vmem>>, vector<16xf32>,
        %mul3A_1082 = arith.mulf %get3A_1078, %get3A_632 : vector<16xf32>
        %mul3A_1083 = arith.mulf %get3A_1081, %get3A_639 : vector<16xf32>
        %add3A_1084 = arith.addf %mul3A_1082, %mul3A_1083 : vector<16xf32>
        %broadcast_in_dim3A_1085 = arith.constant true
        %broadcast_in_dim3A_1086 = vector.broadcast %broadcast_in_dim3A_1085 : i1 to vector<16xi1>
        %masked_cumsum3A_1087 = tpu.scan <sum>, %add3A_1084 masked %broadcast_in_dim3A_1086 : vector<16xf32>, vector<16xi1> -> vector<16xf32>
        %slice3A_1088 = vector.extract_strided_slice %masked_cumsum3A_1087 {offsets = [15], sizes = [1], strides = [1]} : vector<16xf32> to vector<1xf32>
        %squeeze3A_1089 = vector.extract %slice3A_1088[0] : f32 from vector<1xf32>
        %eq3A_1090 = arith.constant 3 : i32
        %eq3A_1091 = vector.broadcast %eq3A_1090 : i32 to vector<16xi32>
        %eq3A_1092 = arith.cmpi eq, %iota3A, %eq3A_1091 : vector<16xi32>
        %broadcast_in_dim3A_1093 = vector.broadcast %squeeze3A_1089 : f32 to vector<16xf32>
        %select_n3A_1094 = arith.select %eq3A_1092, %broadcast_in_dim3A_1093, %select_n3A_1069 : vector<16xi1>, vector<16xf32>
        %mul3A_1095 = arith.constant 16 : i32
        %mul3A_1096 = arith.muli %scan3A_998, %mul3A_1095 : i32
        %add3A_1097 = arith.constant 0 : i32
        %add3A_1098 = arith.addi %add3A_1097, %mul3A_1096 : i32
        %add3A_1099 = arith.constant 4 : i32
        %add3A_1100 = arith.addi %add3A_1098, %add3A_1099 : i32
        %get3A_1101 = arith.index_cast %add3A_1100 : i32 to index
        %get3A_1102 = arith.constant 0 : index
        %get3A_1103 = tpu.vector_load %arg14[%get3A_1101, %get3A_1102] {strides = array<i32>} : memref<1728x32xf32, #tpu.memory_space<vmem>>, vector<16xf32>,
        %get3A_1104 = arith.index_cast %add3A_1100 : i32 to index
        %get3A_1105 = arith.constant 16 : index
        %get3A_1106 = tpu.vector_load %arg14[%get3A_1104, %get3A_1105] {strides = array<i32>} : memref<1728x32xf32, #tpu.memory_space<vmem>>, vector<16xf32>,
        %mul3A_1107 = arith.mulf %get3A_1103, %get3A_632 : vector<16xf32>
        %mul3A_1108 = arith.mulf %get3A_1106, %get3A_639 : vector<16xf32>
        %add3A_1109 = arith.addf %mul3A_1107, %mul3A_1108 : vector<16xf32>
        %broadcast_in_dim3A_1110 = arith.constant true
        %broadcast_in_dim3A_1111 = vector.broadcast %broadcast_in_dim3A_1110 : i1 to vector<16xi1>
        %masked_cumsum3A_1112 = tpu.scan <sum>, %add3A_1109 masked %broadcast_in_dim3A_1111 : vector<16xf32>, vector<16xi1> -> vector<16xf32>
        %slice3A_1113 = vector.extract_strided_slice %masked_cumsum3A_1112 {offsets = [15], sizes = [1], strides = [1]} : vector<16xf32> to vector<1xf32>
        %squeeze3A_1114 = vector.extract %slice3A_1113[0] : f32 from vector<1xf32>
        %eq3A_1115 = arith.constant 4 : i32
        %eq3A_1116 = vector.broadcast %eq3A_1115 : i32 to vector<16xi32>
        %eq3A_1117 = arith.cmpi eq, %iota3A, %eq3A_1116 : vector<16xi32>
        %broadcast_in_dim3A_1118 = vector.broadcast %squeeze3A_1114 : f32 to vector<16xf32>
        %select_n3A_1119 = arith.select %eq3A_1117, %broadcast_in_dim3A_1118, %select_n3A_1094 : vector<16xi1>, vector<16xf32>
        %mul3A_1120 = arith.constant 16 : i32
        %mul3A_1121 = arith.muli %scan3A_998, %mul3A_1120 : i32
        %add3A_1122 = arith.constant 0 : i32
        %add3A_1123 = arith.addi %add3A_1122, %mul3A_1121 : i32
        %add3A_1124 = arith.constant 5 : i32
        %add3A_1125 = arith.addi %add3A_1123, %add3A_1124 : i32
        %get3A_1126 = arith.index_cast %add3A_1125 : i32 to index
        %get3A_1127 = arith.constant 0 : index
        %get3A_1128 = tpu.vector_load %arg14[%get3A_1126, %get3A_1127] {strides = array<i32>} : memref<1728x32xf32, #tpu.memory_space<vmem>>, vector<16xf32>,
        %get3A_1129 = arith.index_cast %add3A_1125 : i32 to index
        %get3A_1130 = arith.constant 16 : index
        %get3A_1131 = tpu.vector_load %arg14[%get3A_1129, %get3A_1130] {strides = array<i32>} : memref<1728x32xf32, #tpu.memory_space<vmem>>, vector<16xf32>,
        %mul3A_1132 = arith.mulf %get3A_1128, %get3A_632 : vector<16xf32>
        %mul3A_1133 = arith.mulf %get3A_1131, %get3A_639 : vector<16xf32>
        %add3A_1134 = arith.addf %mul3A_1132, %mul3A_1133 : vector<16xf32>
        %broadcast_in_dim3A_1135 = arith.constant true
        %broadcast_in_dim3A_1136 = vector.broadcast %broadcast_in_dim3A_1135 : i1 to vector<16xi1>
        %masked_cumsum3A_1137 = tpu.scan <sum>, %add3A_1134 masked %broadcast_in_dim3A_1136 : vector<16xf32>, vector<16xi1> -> vector<16xf32>
        %slice3A_1138 = vector.extract_strided_slice %masked_cumsum3A_1137 {offsets = [15], sizes = [1], strides = [1]} : vector<16xf32> to vector<1xf32>
        %squeeze3A_1139 = vector.extract %slice3A_1138[0] : f32 from vector<1xf32>
        %eq3A_1140 = arith.constant 5 : i32
        %eq3A_1141 = vector.broadcast %eq3A_1140 : i32 to vector<16xi32>
        %eq3A_1142 = arith.cmpi eq, %iota3A, %eq3A_1141 : vector<16xi32>
        %broadcast_in_dim3A_1143 = vector.broadcast %squeeze3A_1139 : f32 to vector<16xf32>
        %select_n3A_1144 = arith.select %eq3A_1142, %broadcast_in_dim3A_1143, %select_n3A_1119 : vector<16xi1>, vector<16xf32>
        %mul3A_1145 = arith.constant 16 : i32
        %mul3A_1146 = arith.muli %scan3A_998, %mul3A_1145 : i32
        %add3A_1147 = arith.constant 0 : i32
        %add3A_1148 = arith.addi %add3A_1147, %mul3A_1146 : i32
        %add3A_1149 = arith.constant 6 : i32
        %add3A_1150 = arith.addi %add3A_1148, %add3A_1149 : i32
        %get3A_1151 = arith.index_cast %add3A_1150 : i32 to index
        %get3A_1152 = arith.constant 0 : index
        %get3A_1153 = tpu.vector_load %arg14[%get3A_1151, %get3A_1152] {strides = array<i32>} : memref<1728x32xf32, #tpu.memory_space<vmem>>, vector<16xf32>,
        %get3A_1154 = arith.index_cast %add3A_1150 : i32 to index
        %get3A_1155 = arith.constant 16 : index
        %get3A_1156 = tpu.vector_load %arg14[%get3A_1154, %get3A_1155] {strides = array<i32>} : memref<1728x32xf32, #tpu.memory_space<vmem>>, vector<16xf32>,
        %mul3A_1157 = arith.mulf %get3A_1153, %get3A_632 : vector<16xf32>
        %mul3A_1158 = arith.mulf %get3A_1156, %get3A_639 : vector<16xf32>
        %add3A_1159 = arith.addf %mul3A_1157, %mul3A_1158 : vector<16xf32>
        %broadcast_in_dim3A_1160 = arith.constant true
        %broadcast_in_dim3A_1161 = vector.broadcast %broadcast_in_dim3A_1160 : i1 to vector<16xi1>
        %masked_cumsum3A_1162 = tpu.scan <sum>, %add3A_1159 masked %broadcast_in_dim3A_1161 : vector<16xf32>, vector<16xi1> -> vector<16xf32>
        %slice3A_1163 = vector.extract_strided_slice %masked_cumsum3A_1162 {offsets = [15], sizes = [1], strides = [1]} : vector<16xf32> to vector<1xf32>
        %squeeze3A_1164 = vector.extract %slice3A_1163[0] : f32 from vector<1xf32>
        %eq3A_1165 = arith.constant 6 : i32
        %eq3A_1166 = vector.broadcast %eq3A_1165 : i32 to vector<16xi32>
        %eq3A_1167 = arith.cmpi eq, %iota3A, %eq3A_1166 : vector<16xi32>
        %broadcast_in_dim3A_1168 = vector.broadcast %squeeze3A_1164 : f32 to vector<16xf32>
        %select_n3A_1169 = arith.select %eq3A_1167, %broadcast_in_dim3A_1168, %select_n3A_1144 : vector<16xi1>, vector<16xf32>
        %mul3A_1170 = arith.constant 16 : i32
        %mul3A_1171 = arith.muli %scan3A_998, %mul3A_1170 : i32
        %add3A_1172 = arith.constant 0 : i32
        %add3A_1173 = arith.addi %add3A_1172, %mul3A_1171 : i32
        %add3A_1174 = arith.constant 7 : i32
        %add3A_1175 = arith.addi %add3A_1173, %add3A_1174 : i32
        %get3A_1176 = arith.index_cast %add3A_1175 : i32 to index
        %get3A_1177 = arith.constant 0 : index
        %get3A_1178 = tpu.vector_load %arg14[%get3A_1176, %get3A_1177] {strides = array<i32>} : memref<1728x32xf32, #tpu.memory_space<vmem>>, vector<16xf32>,
        %get3A_1179 = arith.index_cast %add3A_1175 : i32 to index
        %get3A_1180 = arith.constant 16 : index
        %get3A_1181 = tpu.vector_load %arg14[%get3A_1179, %get3A_1180] {strides = array<i32>} : memref<1728x32xf32, #tpu.memory_space<vmem>>, vector<16xf32>,
        %mul3A_1182 = arith.mulf %get3A_1178, %get3A_632 : vector<16xf32>
        %mul3A_1183 = arith.mulf %get3A_1181, %get3A_639 : vector<16xf32>
        %add3A_1184 = arith.addf %mul3A_1182, %mul3A_1183 : vector<16xf32>
        %broadcast_in_dim3A_1185 = arith.constant true
        %broadcast_in_dim3A_1186 = vector.broadcast %broadcast_in_dim3A_1185 : i1 to vector<16xi1>
        %masked_cumsum3A_1187 = tpu.scan <sum>, %add3A_1184 masked %broadcast_in_dim3A_1186 : vector<16xf32>, vector<16xi1> -> vector<16xf32>
        %slice3A_1188 = vector.extract_strided_slice %masked_cumsum3A_1187 {offsets = [15], sizes = [1], strides = [1]} : vector<16xf32> to vector<1xf32>
        %squeeze3A_1189 = vector.extract %slice3A_1188[0] : f32 from vector<1xf32>
        %eq3A_1190 = arith.constant 7 : i32
        %eq3A_1191 = vector.broadcast %eq3A_1190 : i32 to vector<16xi32>
        %eq3A_1192 = arith.cmpi eq, %iota3A, %eq3A_1191 : vector<16xi32>
        %broadcast_in_dim3A_1193 = vector.broadcast %squeeze3A_1189 : f32 to vector<16xf32>
        %select_n3A_1194 = arith.select %eq3A_1192, %broadcast_in_dim3A_1193, %select_n3A_1169 : vector<16xi1>, vector<16xf32>
        %mul3A_1195 = arith.constant 16 : i32
        %mul3A_1196 = arith.muli %scan3A_998, %mul3A_1195 : i32
        %add3A_1197 = arith.constant 0 : i32
        %add3A_1198 = arith.addi %add3A_1197, %mul3A_1196 : i32
        %add3A_1199 = arith.constant 8 : i32
        %add3A_1200 = arith.addi %add3A_1198, %add3A_1199 : i32
        %get3A_1201 = arith.index_cast %add3A_1200 : i32 to index
        %get3A_1202 = arith.constant 0 : index
        %get3A_1203 = tpu.vector_load %arg14[%get3A_1201, %get3A_1202] {strides = array<i32>} : memref<1728x32xf32, #tpu.memory_space<vmem>>, vector<16xf32>,
        %get3A_1204 = arith.index_cast %add3A_1200 : i32 to index
        %get3A_1205 = arith.constant 16 : index
        %get3A_1206 = tpu.vector_load %arg14[%get3A_1204, %get3A_1205] {strides = array<i32>} : memref<1728x32xf32, #tpu.memory_space<vmem>>, vector<16xf32>,
        %mul3A_1207 = arith.mulf %get3A_1203, %get3A_632 : vector<16xf32>
        %mul3A_1208 = arith.mulf %get3A_1206, %get3A_639 : vector<16xf32>
        %add3A_1209 = arith.addf %mul3A_1207, %mul3A_1208 : vector<16xf32>
        %broadcast_in_dim3A_1210 = arith.constant true
        %broadcast_in_dim3A_1211 = vector.broadcast %broadcast_in_dim3A_1210 : i1 to vector<16xi1>
        %masked_cumsum3A_1212 = tpu.scan <sum>, %add3A_1209 masked %broadcast_in_dim3A_1211 : vector<16xf32>, vector<16xi1> -> vector<16xf32>
        %slice3A_1213 = vector.extract_strided_slice %masked_cumsum3A_1212 {offsets = [15], sizes = [1], strides = [1]} : vector<16xf32> to vector<1xf32>
        %squeeze3A_1214 = vector.extract %slice3A_1213[0] : f32 from vector<1xf32>
        %eq3A_1215 = arith.constant 8 : i32
        %eq3A_1216 = vector.broadcast %eq3A_1215 : i32 to vector<16xi32>
        %eq3A_1217 = arith.cmpi eq, %iota3A, %eq3A_1216 : vector<16xi32>
        %broadcast_in_dim3A_1218 = vector.broadcast %squeeze3A_1214 : f32 to vector<16xf32>
        %select_n3A_1219 = arith.select %eq3A_1217, %broadcast_in_dim3A_1218, %select_n3A_1194 : vector<16xi1>, vector<16xf32>
        %mul3A_1220 = arith.constant 16 : i32
        %mul3A_1221 = arith.muli %scan3A_998, %mul3A_1220 : i32
        %add3A_1222 = arith.constant 0 : i32
        %add3A_1223 = arith.addi %add3A_1222, %mul3A_1221 : i32
        %add3A_1224 = arith.constant 9 : i32
        %add3A_1225 = arith.addi %add3A_1223, %add3A_1224 : i32
        %get3A_1226 = arith.index_cast %add3A_1225 : i32 to index
        %get3A_1227 = arith.constant 0 : index
        %get3A_1228 = tpu.vector_load %arg14[%get3A_1226, %get3A_1227] {strides = array<i32>} : memref<1728x32xf32, #tpu.memory_space<vmem>>, vector<16xf32>,
        %get3A_1229 = arith.index_cast %add3A_1225 : i32 to index
        %get3A_1230 = arith.constant 16 : index
        %get3A_1231 = tpu.vector_load %arg14[%get3A_1229, %get3A_1230] {strides = array<i32>} : memref<1728x32xf32, #tpu.memory_space<vmem>>, vector<16xf32>,
        %mul3A_1232 = arith.mulf %get3A_1228, %get3A_632 : vector<16xf32>
        %mul3A_1233 = arith.mulf %get3A_1231, %get3A_639 : vector<16xf32>
        %add3A_1234 = arith.addf %mul3A_1232, %mul3A_1233 : vector<16xf32>
        %broadcast_in_dim3A_1235 = arith.constant true
        %broadcast_in_dim3A_1236 = vector.broadcast %broadcast_in_dim3A_1235 : i1 to vector<16xi1>
        %masked_cumsum3A_1237 = tpu.scan <sum>, %add3A_1234 masked %broadcast_in_dim3A_1236 : vector<16xf32>, vector<16xi1> -> vector<16xf32>
        %slice3A_1238 = vector.extract_strided_slice %masked_cumsum3A_1237 {offsets = [15], sizes = [1], strides = [1]} : vector<16xf32> to vector<1xf32>
        %squeeze3A_1239 = vector.extract %slice3A_1238[0] : f32 from vector<1xf32>
        %eq3A_1240 = arith.constant 9 : i32
        %eq3A_1241 = vector.broadcast %eq3A_1240 : i32 to vector<16xi32>
        %eq3A_1242 = arith.cmpi eq, %iota3A, %eq3A_1241 : vector<16xi32>
        %broadcast_in_dim3A_1243 = vector.broadcast %squeeze3A_1239 : f32 to vector<16xf32>
        %select_n3A_1244 = arith.select %eq3A_1242, %broadcast_in_dim3A_1243, %select_n3A_1219 : vector<16xi1>, vector<16xf32>
        %mul3A_1245 = arith.constant 16 : i32
        %mul3A_1246 = arith.muli %scan3A_998, %mul3A_1245 : i32
        %add3A_1247 = arith.constant 0 : i32
        %add3A_1248 = arith.addi %add3A_1247, %mul3A_1246 : i32
        %add3A_1249 = arith.constant 10 : i32
        %add3A_1250 = arith.addi %add3A_1248, %add3A_1249 : i32
        %get3A_1251 = arith.index_cast %add3A_1250 : i32 to index
        %get3A_1252 = arith.constant 0 : index
        %get3A_1253 = tpu.vector_load %arg14[%get3A_1251, %get3A_1252] {strides = array<i32>} : memref<1728x32xf32, #tpu.memory_space<vmem>>, vector<16xf32>,
        %get3A_1254 = arith.index_cast %add3A_1250 : i32 to index
        %get3A_1255 = arith.constant 16 : index
        %get3A_1256 = tpu.vector_load %arg14[%get3A_1254, %get3A_1255] {strides = array<i32>} : memref<1728x32xf32, #tpu.memory_space<vmem>>, vector<16xf32>,
        %mul3A_1257 = arith.mulf %get3A_1253, %get3A_632 : vector<16xf32>
        %mul3A_1258 = arith.mulf %get3A_1256, %get3A_639 : vector<16xf32>
        %add3A_1259 = arith.addf %mul3A_1257, %mul3A_1258 : vector<16xf32>
        %broadcast_in_dim3A_1260 = arith.constant true
        %broadcast_in_dim3A_1261 = vector.broadcast %broadcast_in_dim3A_1260 : i1 to vector<16xi1>
        %masked_cumsum3A_1262 = tpu.scan <sum>, %add3A_1259 masked %broadcast_in_dim3A_1261 : vector<16xf32>, vector<16xi1> -> vector<16xf32>
        %slice3A_1263 = vector.extract_strided_slice %masked_cumsum3A_1262 {offsets = [15], sizes = [1], strides = [1]} : vector<16xf32> to vector<1xf32>
        %squeeze3A_1264 = vector.extract %slice3A_1263[0] : f32 from vector<1xf32>
        %eq3A_1265 = arith.constant 10 : i32
        %eq3A_1266 = vector.broadcast %eq3A_1265 : i32 to vector<16xi32>
        %eq3A_1267 = arith.cmpi eq, %iota3A, %eq3A_1266 : vector<16xi32>
        %broadcast_in_dim3A_1268 = vector.broadcast %squeeze3A_1264 : f32 to vector<16xf32>
        %select_n3A_1269 = arith.select %eq3A_1267, %broadcast_in_dim3A_1268, %select_n3A_1244 : vector<16xi1>, vector<16xf32>
        %mul3A_1270 = arith.constant 16 : i32
        %mul3A_1271 = arith.muli %scan3A_998, %mul3A_1270 : i32
        %add3A_1272 = arith.constant 0 : i32
        %add3A_1273 = arith.addi %add3A_1272, %mul3A_1271 : i32
        %add3A_1274 = arith.constant 11 : i32
        %add3A_1275 = arith.addi %add3A_1273, %add3A_1274 : i32
        %get3A_1276 = arith.index_cast %add3A_1275 : i32 to index
        %get3A_1277 = arith.constant 0 : index
        %get3A_1278 = tpu.vector_load %arg14[%get3A_1276, %get3A_1277] {strides = array<i32>} : memref<1728x32xf32, #tpu.memory_space<vmem>>, vector<16xf32>,
        %get3A_1279 = arith.index_cast %add3A_1275 : i32 to index
        %get3A_1280 = arith.constant 16 : index
        %get3A_1281 = tpu.vector_load %arg14[%get3A_1279, %get3A_1280] {strides = array<i32>} : memref<1728x32xf32, #tpu.memory_space<vmem>>, vector<16xf32>,
        %mul3A_1282 = arith.mulf %get3A_1278, %get3A_632 : vector<16xf32>
        %mul3A_1283 = arith.mulf %get3A_1281, %get3A_639 : vector<16xf32>
        %add3A_1284 = arith.addf %mul3A_1282, %mul3A_1283 : vector<16xf32>
        %broadcast_in_dim3A_1285 = arith.constant true
        %broadcast_in_dim3A_1286 = vector.broadcast %broadcast_in_dim3A_1285 : i1 to vector<16xi1>
        %masked_cumsum3A_1287 = tpu.scan <sum>, %add3A_1284 masked %broadcast_in_dim3A_1286 : vector<16xf32>, vector<16xi1> -> vector<16xf32>
        %slice3A_1288 = vector.extract_strided_slice %masked_cumsum3A_1287 {offsets = [15], sizes = [1], strides = [1]} : vector<16xf32> to vector<1xf32>
        %squeeze3A_1289 = vector.extract %slice3A_1288[0] : f32 from vector<1xf32>
        %eq3A_1290 = arith.constant 11 : i32
        %eq3A_1291 = vector.broadcast %eq3A_1290 : i32 to vector<16xi32>
        %eq3A_1292 = arith.cmpi eq, %iota3A, %eq3A_1291 : vector<16xi32>
        %broadcast_in_dim3A_1293 = vector.broadcast %squeeze3A_1289 : f32 to vector<16xf32>
        %select_n3A_1294 = arith.select %eq3A_1292, %broadcast_in_dim3A_1293, %select_n3A_1269 : vector<16xi1>, vector<16xf32>
        %mul3A_1295 = arith.constant 16 : i32
        %mul3A_1296 = arith.muli %scan3A_998, %mul3A_1295 : i32
        %add3A_1297 = arith.constant 0 : i32
        %add3A_1298 = arith.addi %add3A_1297, %mul3A_1296 : i32
        %add3A_1299 = arith.constant 12 : i32
        %add3A_1300 = arith.addi %add3A_1298, %add3A_1299 : i32
        %get3A_1301 = arith.index_cast %add3A_1300 : i32 to index
        %get3A_1302 = arith.constant 0 : index
        %get3A_1303 = tpu.vector_load %arg14[%get3A_1301, %get3A_1302] {strides = array<i32>} : memref<1728x32xf32, #tpu.memory_space<vmem>>, vector<16xf32>,
        %get3A_1304 = arith.index_cast %add3A_1300 : i32 to index
        %get3A_1305 = arith.constant 16 : index
        %get3A_1306 = tpu.vector_load %arg14[%get3A_1304, %get3A_1305] {strides = array<i32>} : memref<1728x32xf32, #tpu.memory_space<vmem>>, vector<16xf32>,
        %mul3A_1307 = arith.mulf %get3A_1303, %get3A_632 : vector<16xf32>
        %mul3A_1308 = arith.mulf %get3A_1306, %get3A_639 : vector<16xf32>
        %add3A_1309 = arith.addf %mul3A_1307, %mul3A_1308 : vector<16xf32>
        %broadcast_in_dim3A_1310 = arith.constant true
        %broadcast_in_dim3A_1311 = vector.broadcast %broadcast_in_dim3A_1310 : i1 to vector<16xi1>
        %masked_cumsum3A_1312 = tpu.scan <sum>, %add3A_1309 masked %broadcast_in_dim3A_1311 : vector<16xf32>, vector<16xi1> -> vector<16xf32>
        %slice3A_1313 = vector.extract_strided_slice %masked_cumsum3A_1312 {offsets = [15], sizes = [1], strides = [1]} : vector<16xf32> to vector<1xf32>
        %squeeze3A_1314 = vector.extract %slice3A_1313[0] : f32 from vector<1xf32>
        %eq3A_1315 = arith.constant 12 : i32
        %eq3A_1316 = vector.broadcast %eq3A_1315 : i32 to vector<16xi32>
        %eq3A_1317 = arith.cmpi eq, %iota3A, %eq3A_1316 : vector<16xi32>
        %broadcast_in_dim3A_1318 = vector.broadcast %squeeze3A_1314 : f32 to vector<16xf32>
        %select_n3A_1319 = arith.select %eq3A_1317, %broadcast_in_dim3A_1318, %select_n3A_1294 : vector<16xi1>, vector<16xf32>
        %mul3A_1320 = arith.constant 16 : i32
        %mul3A_1321 = arith.muli %scan3A_998, %mul3A_1320 : i32
        %add3A_1322 = arith.constant 0 : i32
        %add3A_1323 = arith.addi %add3A_1322, %mul3A_1321 : i32
        %add3A_1324 = arith.constant 13 : i32
        %add3A_1325 = arith.addi %add3A_1323, %add3A_1324 : i32
        %get3A_1326 = arith.index_cast %add3A_1325 : i32 to index
        %get3A_1327 = arith.constant 0 : index
        %get3A_1328 = tpu.vector_load %arg14[%get3A_1326, %get3A_1327] {strides = array<i32>} : memref<1728x32xf32, #tpu.memory_space<vmem>>, vector<16xf32>,
        %get3A_1329 = arith.index_cast %add3A_1325 : i32 to index
        %get3A_1330 = arith.constant 16 : index
        %get3A_1331 = tpu.vector_load %arg14[%get3A_1329, %get3A_1330] {strides = array<i32>} : memref<1728x32xf32, #tpu.memory_space<vmem>>, vector<16xf32>,
        %mul3A_1332 = arith.mulf %get3A_1328, %get3A_632 : vector<16xf32>
        %mul3A_1333 = arith.mulf %get3A_1331, %get3A_639 : vector<16xf32>
        %add3A_1334 = arith.addf %mul3A_1332, %mul3A_1333 : vector<16xf32>
        %broadcast_in_dim3A_1335 = arith.constant true
        %broadcast_in_dim3A_1336 = vector.broadcast %broadcast_in_dim3A_1335 : i1 to vector<16xi1>
        %masked_cumsum3A_1337 = tpu.scan <sum>, %add3A_1334 masked %broadcast_in_dim3A_1336 : vector<16xf32>, vector<16xi1> -> vector<16xf32>
        %slice3A_1338 = vector.extract_strided_slice %masked_cumsum3A_1337 {offsets = [15], sizes = [1], strides = [1]} : vector<16xf32> to vector<1xf32>
        %squeeze3A_1339 = vector.extract %slice3A_1338[0] : f32 from vector<1xf32>
        %eq3A_1340 = arith.constant 13 : i32
        %eq3A_1341 = vector.broadcast %eq3A_1340 : i32 to vector<16xi32>
        %eq3A_1342 = arith.cmpi eq, %iota3A, %eq3A_1341 : vector<16xi32>
        %broadcast_in_dim3A_1343 = vector.broadcast %squeeze3A_1339 : f32 to vector<16xf32>
        %select_n3A_1344 = arith.select %eq3A_1342, %broadcast_in_dim3A_1343, %select_n3A_1319 : vector<16xi1>, vector<16xf32>
        %mul3A_1345 = arith.constant 16 : i32
        %mul3A_1346 = arith.muli %scan3A_998, %mul3A_1345 : i32
        %add3A_1347 = arith.constant 0 : i32
        %add3A_1348 = arith.addi %add3A_1347, %mul3A_1346 : i32
        %add3A_1349 = arith.constant 14 : i32
        %add3A_1350 = arith.addi %add3A_1348, %add3A_1349 : i32
        %get3A_1351 = arith.index_cast %add3A_1350 : i32 to index
        %get3A_1352 = arith.constant 0 : index
        %get3A_1353 = tpu.vector_load %arg14[%get3A_1351, %get3A_1352] {strides = array<i32>} : memref<1728x32xf32, #tpu.memory_space<vmem>>, vector<16xf32>,
        %get3A_1354 = arith.index_cast %add3A_1350 : i32 to index
        %get3A_1355 = arith.constant 16 : index
        %get3A_1356 = tpu.vector_load %arg14[%get3A_1354, %get3A_1355] {strides = array<i32>} : memref<1728x32xf32, #tpu.memory_space<vmem>>, vector<16xf32>,
        %mul3A_1357 = arith.mulf %get3A_1353, %get3A_632 : vector<16xf32>
        %mul3A_1358 = arith.mulf %get3A_1356, %get3A_639 : vector<16xf32>
        %add3A_1359 = arith.addf %mul3A_1357, %mul3A_1358 : vector<16xf32>
        %broadcast_in_dim3A_1360 = arith.constant true
        %broadcast_in_dim3A_1361 = vector.broadcast %broadcast_in_dim3A_1360 : i1 to vector<16xi1>
        %masked_cumsum3A_1362 = tpu.scan <sum>, %add3A_1359 masked %broadcast_in_dim3A_1361 : vector<16xf32>, vector<16xi1> -> vector<16xf32>
        %slice3A_1363 = vector.extract_strided_slice %masked_cumsum3A_1362 {offsets = [15], sizes = [1], strides = [1]} : vector<16xf32> to vector<1xf32>
        %squeeze3A_1364 = vector.extract %slice3A_1363[0] : f32 from vector<1xf32>
        %eq3A_1365 = arith.constant 14 : i32
        %eq3A_1366 = vector.broadcast %eq3A_1365 : i32 to vector<16xi32>
        %eq3A_1367 = arith.cmpi eq, %iota3A, %eq3A_1366 : vector<16xi32>
        %broadcast_in_dim3A_1368 = vector.broadcast %squeeze3A_1364 : f32 to vector<16xf32>
        %select_n3A_1369 = arith.select %eq3A_1367, %broadcast_in_dim3A_1368, %select_n3A_1344 : vector<16xi1>, vector<16xf32>
        %mul3A_1370 = arith.constant 16 : i32
        %mul3A_1371 = arith.muli %scan3A_998, %mul3A_1370 : i32
        %add3A_1372 = arith.constant 0 : i32
        %add3A_1373 = arith.addi %add3A_1372, %mul3A_1371 : i32
        %add3A_1374 = arith.constant 15 : i32
        %add3A_1375 = arith.addi %add3A_1373, %add3A_1374 : i32
        %get3A_1376 = arith.index_cast %add3A_1375 : i32 to index
        %get3A_1377 = arith.constant 0 : index
        %get3A_1378 = tpu.vector_load %arg14[%get3A_1376, %get3A_1377] {strides = array<i32>} : memref<1728x32xf32, #tpu.memory_space<vmem>>, vector<16xf32>,
        %get3A_1379 = arith.index_cast %add3A_1375 : i32 to index
        %get3A_1380 = arith.constant 16 : index
        %get3A_1381 = tpu.vector_load %arg14[%get3A_1379, %get3A_1380] {strides = array<i32>} : memref<1728x32xf32, #tpu.memory_space<vmem>>, vector<16xf32>,
        %mul3A_1382 = arith.mulf %get3A_1378, %get3A_632 : vector<16xf32>
        %mul3A_1383 = arith.mulf %get3A_1381, %get3A_639 : vector<16xf32>
        %add3A_1384 = arith.addf %mul3A_1382, %mul3A_1383 : vector<16xf32>
        %broadcast_in_dim3A_1385 = arith.constant true
        %broadcast_in_dim3A_1386 = vector.broadcast %broadcast_in_dim3A_1385 : i1 to vector<16xi1>
        %masked_cumsum3A_1387 = tpu.scan <sum>, %add3A_1384 masked %broadcast_in_dim3A_1386 : vector<16xf32>, vector<16xi1> -> vector<16xf32>
        %slice3A_1388 = vector.extract_strided_slice %masked_cumsum3A_1387 {offsets = [15], sizes = [1], strides = [1]} : vector<16xf32> to vector<1xf32>
        %squeeze3A_1389 = vector.extract %slice3A_1388[0] : f32 from vector<1xf32>
        %eq3A_1390 = arith.constant 15 : i32
        %eq3A_1391 = vector.broadcast %eq3A_1390 : i32 to vector<16xi32>
        %eq3A_1392 = arith.cmpi eq, %iota3A, %eq3A_1391 : vector<16xi32>
        %broadcast_in_dim3A_1393 = vector.broadcast %squeeze3A_1389 : f32 to vector<16xf32>
        %select_n3A_1394 = arith.select %eq3A_1392, %broadcast_in_dim3A_1393, %select_n3A_1369 : vector<16xi1>, vector<16xf32>
        %mul3A_1395 = arith.constant 16 : i32
        %mul3A_1396 = arith.muli %scan3A_998, %mul3A_1395 : i32
        %swap3A = arith.constant 0 : i32
        %swap3A_1397 = arith.index_cast %swap3A : i32 to index
        %swap3A_1398 = arith.index_cast %mul3A_1396 : i32 to index
        %swap3A_1399 = tpu.vector_load %arg16[%swap3A_1397, %swap3A_1398] {strides = array<i32>} : memref<4x432xf32, #tpu.memory_space<vmem>>, vector<16xf32>,
        tpu.vector_store %arg16[%swap3A_1397, %swap3A_1398], %select_n3A_1394 {strides = array<i32>} : memref<4x432xf32, #tpu.memory_space<vmem>>, vector<16xf32>,
      }
      %scan3A_645 = arith.constant 27 : i32
      %mul3A_646 = arith.constant 4 : i32
      %mul3A_647 = arith.muli %mul3A_218, %mul3A_646 : i32
      %add3A_648 = arith.constant 1 : i32
      %add3A_649 = arith.addi %mul3A_647, %add3A_648 : i32
      %get3A_650 = arith.index_cast %add3A_649 : i32 to index
      %get3A_651 = arith.constant 0 : index
      %get3A_652 = tpu.vector_load %arg9[%get3A_650, %get3A_651] {strides = array<i32>} : memref<128x32xf32, #tpu.memory_space<vmem>>, vector<16xf32>,
      %mul3A_653 = arith.constant 4 : i32
      %mul3A_654 = arith.muli %mul3A_218, %mul3A_653 : i32
      %add3A_655 = arith.constant 1 : i32
      %add3A_656 = arith.addi %mul3A_654, %add3A_655 : i32
      %get3A_657 = arith.index_cast %add3A_656 : i32 to index
      %get3A_658 = arith.constant 16 : index
      %get3A_659 = tpu.vector_load %arg9[%get3A_657, %get3A_658] {strides = array<i32>} : memref<128x32xf32, #tpu.memory_space<vmem>>, vector<16xf32>,
      %scan3A_660 = arith.constant 0 : i32
      %scan3A_661 = arith.constant 0 : i32
      %scan3A_662 = arith.constant 27 : i32
      %scan3A_663 = arith.addi %scan3A_661, %scan3A_662 : i32
      %scan3A_664 = arith.constant 1 : i32
      scf.for %scan3A_998 = %scan3A_661 to %scan3A_663 step %scan3A_664  : i32 {
        %broadcast_in_dim3A = arith.constant 0.000000e+00 : f32
        %broadcast_in_dim3A_999 = vector.broadcast %broadcast_in_dim3A : f32 to vector<16xf32>
        %mul3A_1000 = arith.constant 16 : i32
        %mul3A_1001 = arith.muli %scan3A_998, %mul3A_1000 : i32
        %add3A_1002 = arith.constant 432 : i32
        %add3A_1003 = arith.addi %add3A_1002, %mul3A_1001 : i32
        %add3A_1004 = arith.constant 0 : i32
        %add3A_1005 = arith.addi %add3A_1003, %add3A_1004 : i32
        %get3A_1006 = arith.index_cast %add3A_1005 : i32 to index
        %get3A_1007 = arith.constant 0 : index
        %get3A_1008 = tpu.vector_load %arg14[%get3A_1006, %get3A_1007] {strides = array<i32>} : memref<1728x32xf32, #tpu.memory_space<vmem>>, vector<16xf32>,
        %get3A_1009 = arith.index_cast %add3A_1005 : i32 to index
        %get3A_1010 = arith.constant 16 : index
        %get3A_1011 = tpu.vector_load %arg14[%get3A_1009, %get3A_1010] {strides = array<i32>} : memref<1728x32xf32, #tpu.memory_space<vmem>>, vector<16xf32>,
        %mul3A_1012 = arith.mulf %get3A_1008, %get3A_652 : vector<16xf32>
        %mul3A_1013 = arith.mulf %get3A_1011, %get3A_659 : vector<16xf32>
        %add3A_1014 = arith.addf %mul3A_1012, %mul3A_1013 : vector<16xf32>
        %broadcast_in_dim3A_1015 = arith.constant true
        %broadcast_in_dim3A_1016 = vector.broadcast %broadcast_in_dim3A_1015 : i1 to vector<16xi1>
        %masked_cumsum3A = tpu.scan <sum>, %add3A_1014 masked %broadcast_in_dim3A_1016 : vector<16xf32>, vector<16xi1> -> vector<16xf32>
        %slice3A = vector.extract_strided_slice %masked_cumsum3A {offsets = [15], sizes = [1], strides = [1]} : vector<16xf32> to vector<1xf32>
        %squeeze3A = vector.extract %slice3A[0] : f32 from vector<1xf32>
        %eq3A = arith.constant 0 : i32
        %eq3A_1017 = vector.broadcast %eq3A : i32 to vector<16xi32>
        %eq3A_1018 = arith.cmpi eq, %iota3A, %eq3A_1017 : vector<16xi32>
        %broadcast_in_dim3A_1019 = vector.broadcast %squeeze3A : f32 to vector<16xf32>
        %select_n3A = arith.select %eq3A_1018, %broadcast_in_dim3A_1019, %broadcast_in_dim3A_999 : vector<16xi1>, vector<16xf32>
        %mul3A_1020 = arith.constant 16 : i32
        %mul3A_1021 = arith.muli %scan3A_998, %mul3A_1020 : i32
        %add3A_1022 = arith.constant 432 : i32
        %add3A_1023 = arith.addi %add3A_1022, %mul3A_1021 : i32
        %add3A_1024 = arith.constant 1 : i32
        %add3A_1025 = arith.addi %add3A_1023, %add3A_1024 : i32
        %get3A_1026 = arith.index_cast %add3A_1025 : i32 to index
        %get3A_1027 = arith.constant 0 : index
        %get3A_1028 = tpu.vector_load %arg14[%get3A_1026, %get3A_1027] {strides = array<i32>} : memref<1728x32xf32, #tpu.memory_space<vmem>>, vector<16xf32>,
        %get3A_1029 = arith.index_cast %add3A_1025 : i32 to index
        %get3A_1030 = arith.constant 16 : index
        %get3A_1031 = tpu.vector_load %arg14[%get3A_1029, %get3A_1030] {strides = array<i32>} : memref<1728x32xf32, #tpu.memory_space<vmem>>, vector<16xf32>,
        %mul3A_1032 = arith.mulf %get3A_1028, %get3A_652 : vector<16xf32>
        %mul3A_1033 = arith.mulf %get3A_1031, %get3A_659 : vector<16xf32>
        %add3A_1034 = arith.addf %mul3A_1032, %mul3A_1033 : vector<16xf32>
        %broadcast_in_dim3A_1035 = arith.constant true
        %broadcast_in_dim3A_1036 = vector.broadcast %broadcast_in_dim3A_1035 : i1 to vector<16xi1>
        %masked_cumsum3A_1037 = tpu.scan <sum>, %add3A_1034 masked %broadcast_in_dim3A_1036 : vector<16xf32>, vector<16xi1> -> vector<16xf32>
        %slice3A_1038 = vector.extract_strided_slice %masked_cumsum3A_1037 {offsets = [15], sizes = [1], strides = [1]} : vector<16xf32> to vector<1xf32>
        %squeeze3A_1039 = vector.extract %slice3A_1038[0] : f32 from vector<1xf32>
        %eq3A_1040 = arith.constant 1 : i32
        %eq3A_1041 = vector.broadcast %eq3A_1040 : i32 to vector<16xi32>
        %eq3A_1042 = arith.cmpi eq, %iota3A, %eq3A_1041 : vector<16xi32>
        %broadcast_in_dim3A_1043 = vector.broadcast %squeeze3A_1039 : f32 to vector<16xf32>
        %select_n3A_1044 = arith.select %eq3A_1042, %broadcast_in_dim3A_1043, %select_n3A : vector<16xi1>, vector<16xf32>
        %mul3A_1045 = arith.constant 16 : i32
        %mul3A_1046 = arith.muli %scan3A_998, %mul3A_1045 : i32
        %add3A_1047 = arith.constant 432 : i32
        %add3A_1048 = arith.addi %add3A_1047, %mul3A_1046 : i32
        %add3A_1049 = arith.constant 2 : i32
        %add3A_1050 = arith.addi %add3A_1048, %add3A_1049 : i32
        %get3A_1051 = arith.index_cast %add3A_1050 : i32 to index
        %get3A_1052 = arith.constant 0 : index
        %get3A_1053 = tpu.vector_load %arg14[%get3A_1051, %get3A_1052] {strides = array<i32>} : memref<1728x32xf32, #tpu.memory_space<vmem>>, vector<16xf32>,
        %get3A_1054 = arith.index_cast %add3A_1050 : i32 to index
        %get3A_1055 = arith.constant 16 : index
        %get3A_1056 = tpu.vector_load %arg14[%get3A_1054, %get3A_1055] {strides = array<i32>} : memref<1728x32xf32, #tpu.memory_space<vmem>>, vector<16xf32>,
        %mul3A_1057 = arith.mulf %get3A_1053, %get3A_652 : vector<16xf32>
        %mul3A_1058 = arith.mulf %get3A_1056, %get3A_659 : vector<16xf32>
        %add3A_1059 = arith.addf %mul3A_1057, %mul3A_1058 : vector<16xf32>
        %broadcast_in_dim3A_1060 = arith.constant true
        %broadcast_in_dim3A_1061 = vector.broadcast %broadcast_in_dim3A_1060 : i1 to vector<16xi1>
        %masked_cumsum3A_1062 = tpu.scan <sum>, %add3A_1059 masked %broadcast_in_dim3A_1061 : vector<16xf32>, vector<16xi1> -> vector<16xf32>
        %slice3A_1063 = vector.extract_strided_slice %masked_cumsum3A_1062 {offsets = [15], sizes = [1], strides = [1]} : vector<16xf32> to vector<1xf32>
        %squeeze3A_1064 = vector.extract %slice3A_1063[0] : f32 from vector<1xf32>
        %eq3A_1065 = arith.constant 2 : i32
        %eq3A_1066 = vector.broadcast %eq3A_1065 : i32 to vector<16xi32>
        %eq3A_1067 = arith.cmpi eq, %iota3A, %eq3A_1066 : vector<16xi32>
        %broadcast_in_dim3A_1068 = vector.broadcast %squeeze3A_1064 : f32 to vector<16xf32>
        %select_n3A_1069 = arith.select %eq3A_1067, %broadcast_in_dim3A_1068, %select_n3A_1044 : vector<16xi1>, vector<16xf32>
        %mul3A_1070 = arith.constant 16 : i32
        %mul3A_1071 = arith.muli %scan3A_998, %mul3A_1070 : i32
        %add3A_1072 = arith.constant 432 : i32
        %add3A_1073 = arith.addi %add3A_1072, %mul3A_1071 : i32
        %add3A_1074 = arith.constant 3 : i32
        %add3A_1075 = arith.addi %add3A_1073, %add3A_1074 : i32
        %get3A_1076 = arith.index_cast %add3A_1075 : i32 to index
        %get3A_1077 = arith.constant 0 : index
        %get3A_1078 = tpu.vector_load %arg14[%get3A_1076, %get3A_1077] {strides = array<i32>} : memref<1728x32xf32, #tpu.memory_space<vmem>>, vector<16xf32>,
        %get3A_1079 = arith.index_cast %add3A_1075 : i32 to index
        %get3A_1080 = arith.constant 16 : index
        %get3A_1081 = tpu.vector_load %arg14[%get3A_1079, %get3A_1080] {strides = array<i32>} : memref<1728x32xf32, #tpu.memory_space<vmem>>, vector<16xf32>,
        %mul3A_1082 = arith.mulf %get3A_1078, %get3A_652 : vector<16xf32>
        %mul3A_1083 = arith.mulf %get3A_1081, %get3A_659 : vector<16xf32>
        %add3A_1084 = arith.addf %mul3A_1082, %mul3A_1083 : vector<16xf32>
        %broadcast_in_dim3A_1085 = arith.constant true
        %broadcast_in_dim3A_1086 = vector.broadcast %broadcast_in_dim3A_1085 : i1 to vector<16xi1>
        %masked_cumsum3A_1087 = tpu.scan <sum>, %add3A_1084 masked %broadcast_in_dim3A_1086 : vector<16xf32>, vector<16xi1> -> vector<16xf32>
        %slice3A_1088 = vector.extract_strided_slice %masked_cumsum3A_1087 {offsets = [15], sizes = [1], strides = [1]} : vector<16xf32> to vector<1xf32>
        %squeeze3A_1089 = vector.extract %slice3A_1088[0] : f32 from vector<1xf32>
        %eq3A_1090 = arith.constant 3 : i32
        %eq3A_1091 = vector.broadcast %eq3A_1090 : i32 to vector<16xi32>
        %eq3A_1092 = arith.cmpi eq, %iota3A, %eq3A_1091 : vector<16xi32>
        %broadcast_in_dim3A_1093 = vector.broadcast %squeeze3A_1089 : f32 to vector<16xf32>
        %select_n3A_1094 = arith.select %eq3A_1092, %broadcast_in_dim3A_1093, %select_n3A_1069 : vector<16xi1>, vector<16xf32>
        %mul3A_1095 = arith.constant 16 : i32
        %mul3A_1096 = arith.muli %scan3A_998, %mul3A_1095 : i32
        %add3A_1097 = arith.constant 432 : i32
        %add3A_1098 = arith.addi %add3A_1097, %mul3A_1096 : i32
        %add3A_1099 = arith.constant 4 : i32
        %add3A_1100 = arith.addi %add3A_1098, %add3A_1099 : i32
        %get3A_1101 = arith.index_cast %add3A_1100 : i32 to index
        %get3A_1102 = arith.constant 0 : index
        %get3A_1103 = tpu.vector_load %arg14[%get3A_1101, %get3A_1102] {strides = array<i32>} : memref<1728x32xf32, #tpu.memory_space<vmem>>, vector<16xf32>,
        %get3A_1104 = arith.index_cast %add3A_1100 : i32 to index
        %get3A_1105 = arith.constant 16 : index
        %get3A_1106 = tpu.vector_load %arg14[%get3A_1104, %get3A_1105] {strides = array<i32>} : memref<1728x32xf32, #tpu.memory_space<vmem>>, vector<16xf32>,
        %mul3A_1107 = arith.mulf %get3A_1103, %get3A_652 : vector<16xf32>
        %mul3A_1108 = arith.mulf %get3A_1106, %get3A_659 : vector<16xf32>
        %add3A_1109 = arith.addf %mul3A_1107, %mul3A_1108 : vector<16xf32>
        %broadcast_in_dim3A_1110 = arith.constant true
        %broadcast_in_dim3A_1111 = vector.broadcast %broadcast_in_dim3A_1110 : i1 to vector<16xi1>
        %masked_cumsum3A_1112 = tpu.scan <sum>, %add3A_1109 masked %broadcast_in_dim3A_1111 : vector<16xf32>, vector<16xi1> -> vector<16xf32>
        %slice3A_1113 = vector.extract_strided_slice %masked_cumsum3A_1112 {offsets = [15], sizes = [1], strides = [1]} : vector<16xf32> to vector<1xf32>
        %squeeze3A_1114 = vector.extract %slice3A_1113[0] : f32 from vector<1xf32>
        %eq3A_1115 = arith.constant 4 : i32
        %eq3A_1116 = vector.broadcast %eq3A_1115 : i32 to vector<16xi32>
        %eq3A_1117 = arith.cmpi eq, %iota3A, %eq3A_1116 : vector<16xi32>
        %broadcast_in_dim3A_1118 = vector.broadcast %squeeze3A_1114 : f32 to vector<16xf32>
        %select_n3A_1119 = arith.select %eq3A_1117, %broadcast_in_dim3A_1118, %select_n3A_1094 : vector<16xi1>, vector<16xf32>
        %mul3A_1120 = arith.constant 16 : i32
        %mul3A_1121 = arith.muli %scan3A_998, %mul3A_1120 : i32
        %add3A_1122 = arith.constant 432 : i32
        %add3A_1123 = arith.addi %add3A_1122, %mul3A_1121 : i32
        %add3A_1124 = arith.constant 5 : i32
        %add3A_1125 = arith.addi %add3A_1123, %add3A_1124 : i32
        %get3A_1126 = arith.index_cast %add3A_1125 : i32 to index
        %get3A_1127 = arith.constant 0 : index
        %get3A_1128 = tpu.vector_load %arg14[%get3A_1126, %get3A_1127] {strides = array<i32>} : memref<1728x32xf32, #tpu.memory_space<vmem>>, vector<16xf32>,
        %get3A_1129 = arith.index_cast %add3A_1125 : i32 to index
        %get3A_1130 = arith.constant 16 : index
        %get3A_1131 = tpu.vector_load %arg14[%get3A_1129, %get3A_1130] {strides = array<i32>} : memref<1728x32xf32, #tpu.memory_space<vmem>>, vector<16xf32>,
        %mul3A_1132 = arith.mulf %get3A_1128, %get3A_652 : vector<16xf32>
        %mul3A_1133 = arith.mulf %get3A_1131, %get3A_659 : vector<16xf32>
        %add3A_1134 = arith.addf %mul3A_1132, %mul3A_1133 : vector<16xf32>
        %broadcast_in_dim3A_1135 = arith.constant true
        %broadcast_in_dim3A_1136 = vector.broadcast %broadcast_in_dim3A_1135 : i1 to vector<16xi1>
        %masked_cumsum3A_1137 = tpu.scan <sum>, %add3A_1134 masked %broadcast_in_dim3A_1136 : vector<16xf32>, vector<16xi1> -> vector<16xf32>
        %slice3A_1138 = vector.extract_strided_slice %masked_cumsum3A_1137 {offsets = [15], sizes = [1], strides = [1]} : vector<16xf32> to vector<1xf32>
        %squeeze3A_1139 = vector.extract %slice3A_1138[0] : f32 from vector<1xf32>
        %eq3A_1140 = arith.constant 5 : i32
        %eq3A_1141 = vector.broadcast %eq3A_1140 : i32 to vector<16xi32>
        %eq3A_1142 = arith.cmpi eq, %iota3A, %eq3A_1141 : vector<16xi32>
        %broadcast_in_dim3A_1143 = vector.broadcast %squeeze3A_1139 : f32 to vector<16xf32>
        %select_n3A_1144 = arith.select %eq3A_1142, %broadcast_in_dim3A_1143, %select_n3A_1119 : vector<16xi1>, vector<16xf32>
        %mul3A_1145 = arith.constant 16 : i32
        %mul3A_1146 = arith.muli %scan3A_998, %mul3A_1145 : i32
        %add3A_1147 = arith.constant 432 : i32
        %add3A_1148 = arith.addi %add3A_1147, %mul3A_1146 : i32
        %add3A_1149 = arith.constant 6 : i32
        %add3A_1150 = arith.addi %add3A_1148, %add3A_1149 : i32
        %get3A_1151 = arith.index_cast %add3A_1150 : i32 to index
        %get3A_1152 = arith.constant 0 : index
        %get3A_1153 = tpu.vector_load %arg14[%get3A_1151, %get3A_1152] {strides = array<i32>} : memref<1728x32xf32, #tpu.memory_space<vmem>>, vector<16xf32>,
        %get3A_1154 = arith.index_cast %add3A_1150 : i32 to index
        %get3A_1155 = arith.constant 16 : index
        %get3A_1156 = tpu.vector_load %arg14[%get3A_1154, %get3A_1155] {strides = array<i32>} : memref<1728x32xf32, #tpu.memory_space<vmem>>, vector<16xf32>,
        %mul3A_1157 = arith.mulf %get3A_1153, %get3A_652 : vector<16xf32>
        %mul3A_1158 = arith.mulf %get3A_1156, %get3A_659 : vector<16xf32>
        %add3A_1159 = arith.addf %mul3A_1157, %mul3A_1158 : vector<16xf32>
        %broadcast_in_dim3A_1160 = arith.constant true
        %broadcast_in_dim3A_1161 = vector.broadcast %broadcast_in_dim3A_1160 : i1 to vector<16xi1>
        %masked_cumsum3A_1162 = tpu.scan <sum>, %add3A_1159 masked %broadcast_in_dim3A_1161 : vector<16xf32>, vector<16xi1> -> vector<16xf32>
        %slice3A_1163 = vector.extract_strided_slice %masked_cumsum3A_1162 {offsets = [15], sizes = [1], strides = [1]} : vector<16xf32> to vector<1xf32>
        %squeeze3A_1164 = vector.extract %slice3A_1163[0] : f32 from vector<1xf32>
        %eq3A_1165 = arith.constant 6 : i32
        %eq3A_1166 = vector.broadcast %eq3A_1165 : i32 to vector<16xi32>
        %eq3A_1167 = arith.cmpi eq, %iota3A, %eq3A_1166 : vector<16xi32>
        %broadcast_in_dim3A_1168 = vector.broadcast %squeeze3A_1164 : f32 to vector<16xf32>
        %select_n3A_1169 = arith.select %eq3A_1167, %broadcast_in_dim3A_1168, %select_n3A_1144 : vector<16xi1>, vector<16xf32>
        %mul3A_1170 = arith.constant 16 : i32
        %mul3A_1171 = arith.muli %scan3A_998, %mul3A_1170 : i32
        %add3A_1172 = arith.constant 432 : i32
        %add3A_1173 = arith.addi %add3A_1172, %mul3A_1171 : i32
        %add3A_1174 = arith.constant 7 : i32
        %add3A_1175 = arith.addi %add3A_1173, %add3A_1174 : i32
        %get3A_1176 = arith.index_cast %add3A_1175 : i32 to index
        %get3A_1177 = arith.constant 0 : index
        %get3A_1178 = tpu.vector_load %arg14[%get3A_1176, %get3A_1177] {strides = array<i32>} : memref<1728x32xf32, #tpu.memory_space<vmem>>, vector<16xf32>,
        %get3A_1179 = arith.index_cast %add3A_1175 : i32 to index
        %get3A_1180 = arith.constant 16 : index
        %get3A_1181 = tpu.vector_load %arg14[%get3A_1179, %get3A_1180] {strides = array<i32>} : memref<1728x32xf32, #tpu.memory_space<vmem>>, vector<16xf32>,
        %mul3A_1182 = arith.mulf %get3A_1178, %get3A_652 : vector<16xf32>
        %mul3A_1183 = arith.mulf %get3A_1181, %get3A_659 : vector<16xf32>
        %add3A_1184 = arith.addf %mul3A_1182, %mul3A_1183 : vector<16xf32>
        %broadcast_in_dim3A_1185 = arith.constant true
        %broadcast_in_dim3A_1186 = vector.broadcast %broadcast_in_dim3A_1185 : i1 to vector<16xi1>
        %masked_cumsum3A_1187 = tpu.scan <sum>, %add3A_1184 masked %broadcast_in_dim3A_1186 : vector<16xf32>, vector<16xi1> -> vector<16xf32>
        %slice3A_1188 = vector.extract_strided_slice %masked_cumsum3A_1187 {offsets = [15], sizes = [1], strides = [1]} : vector<16xf32> to vector<1xf32>
        %squeeze3A_1189 = vector.extract %slice3A_1188[0] : f32 from vector<1xf32>
        %eq3A_1190 = arith.constant 7 : i32
        %eq3A_1191 = vector.broadcast %eq3A_1190 : i32 to vector<16xi32>
        %eq3A_1192 = arith.cmpi eq, %iota3A, %eq3A_1191 : vector<16xi32>
        %broadcast_in_dim3A_1193 = vector.broadcast %squeeze3A_1189 : f32 to vector<16xf32>
        %select_n3A_1194 = arith.select %eq3A_1192, %broadcast_in_dim3A_1193, %select_n3A_1169 : vector<16xi1>, vector<16xf32>
        %mul3A_1195 = arith.constant 16 : i32
        %mul3A_1196 = arith.muli %scan3A_998, %mul3A_1195 : i32
        %add3A_1197 = arith.constant 432 : i32
        %add3A_1198 = arith.addi %add3A_1197, %mul3A_1196 : i32
        %add3A_1199 = arith.constant 8 : i32
        %add3A_1200 = arith.addi %add3A_1198, %add3A_1199 : i32
        %get3A_1201 = arith.index_cast %add3A_1200 : i32 to index
        %get3A_1202 = arith.constant 0 : index
        %get3A_1203 = tpu.vector_load %arg14[%get3A_1201, %get3A_1202] {strides = array<i32>} : memref<1728x32xf32, #tpu.memory_space<vmem>>, vector<16xf32>,
        %get3A_1204 = arith.index_cast %add3A_1200 : i32 to index
        %get3A_1205 = arith.constant 16 : index
        %get3A_1206 = tpu.vector_load %arg14[%get3A_1204, %get3A_1205] {strides = array<i32>} : memref<1728x32xf32, #tpu.memory_space<vmem>>, vector<16xf32>,
        %mul3A_1207 = arith.mulf %get3A_1203, %get3A_652 : vector<16xf32>
        %mul3A_1208 = arith.mulf %get3A_1206, %get3A_659 : vector<16xf32>
        %add3A_1209 = arith.addf %mul3A_1207, %mul3A_1208 : vector<16xf32>
        %broadcast_in_dim3A_1210 = arith.constant true
        %broadcast_in_dim3A_1211 = vector.broadcast %broadcast_in_dim3A_1210 : i1 to vector<16xi1>
        %masked_cumsum3A_1212 = tpu.scan <sum>, %add3A_1209 masked %broadcast_in_dim3A_1211 : vector<16xf32>, vector<16xi1> -> vector<16xf32>
        %slice3A_1213 = vector.extract_strided_slice %masked_cumsum3A_1212 {offsets = [15], sizes = [1], strides = [1]} : vector<16xf32> to vector<1xf32>
        %squeeze3A_1214 = vector.extract %slice3A_1213[0] : f32 from vector<1xf32>
        %eq3A_1215 = arith.constant 8 : i32
        %eq3A_1216 = vector.broadcast %eq3A_1215 : i32 to vector<16xi32>
        %eq3A_1217 = arith.cmpi eq, %iota3A, %eq3A_1216 : vector<16xi32>
        %broadcast_in_dim3A_1218 = vector.broadcast %squeeze3A_1214 : f32 to vector<16xf32>
        %select_n3A_1219 = arith.select %eq3A_1217, %broadcast_in_dim3A_1218, %select_n3A_1194 : vector<16xi1>, vector<16xf32>
        %mul3A_1220 = arith.constant 16 : i32
        %mul3A_1221 = arith.muli %scan3A_998, %mul3A_1220 : i32
        %add3A_1222 = arith.constant 432 : i32
        %add3A_1223 = arith.addi %add3A_1222, %mul3A_1221 : i32
        %add3A_1224 = arith.constant 9 : i32
        %add3A_1225 = arith.addi %add3A_1223, %add3A_1224 : i32
        %get3A_1226 = arith.index_cast %add3A_1225 : i32 to index
        %get3A_1227 = arith.constant 0 : index
        %get3A_1228 = tpu.vector_load %arg14[%get3A_1226, %get3A_1227] {strides = array<i32>} : memref<1728x32xf32, #tpu.memory_space<vmem>>, vector<16xf32>,
        %get3A_1229 = arith.index_cast %add3A_1225 : i32 to index
        %get3A_1230 = arith.constant 16 : index
        %get3A_1231 = tpu.vector_load %arg14[%get3A_1229, %get3A_1230] {strides = array<i32>} : memref<1728x32xf32, #tpu.memory_space<vmem>>, vector<16xf32>,
        %mul3A_1232 = arith.mulf %get3A_1228, %get3A_652 : vector<16xf32>
        %mul3A_1233 = arith.mulf %get3A_1231, %get3A_659 : vector<16xf32>
        %add3A_1234 = arith.addf %mul3A_1232, %mul3A_1233 : vector<16xf32>
        %broadcast_in_dim3A_1235 = arith.constant true
        %broadcast_in_dim3A_1236 = vector.broadcast %broadcast_in_dim3A_1235 : i1 to vector<16xi1>
        %masked_cumsum3A_1237 = tpu.scan <sum>, %add3A_1234 masked %broadcast_in_dim3A_1236 : vector<16xf32>, vector<16xi1> -> vector<16xf32>
        %slice3A_1238 = vector.extract_strided_slice %masked_cumsum3A_1237 {offsets = [15], sizes = [1], strides = [1]} : vector<16xf32> to vector<1xf32>
        %squeeze3A_1239 = vector.extract %slice3A_1238[0] : f32 from vector<1xf32>
        %eq3A_1240 = arith.constant 9 : i32
        %eq3A_1241 = vector.broadcast %eq3A_1240 : i32 to vector<16xi32>
        %eq3A_1242 = arith.cmpi eq, %iota3A, %eq3A_1241 : vector<16xi32>
        %broadcast_in_dim3A_1243 = vector.broadcast %squeeze3A_1239 : f32 to vector<16xf32>
        %select_n3A_1244 = arith.select %eq3A_1242, %broadcast_in_dim3A_1243, %select_n3A_1219 : vector<16xi1>, vector<16xf32>
        %mul3A_1245 = arith.constant 16 : i32
        %mul3A_1246 = arith.muli %scan3A_998, %mul3A_1245 : i32
        %add3A_1247 = arith.constant 432 : i32
        %add3A_1248 = arith.addi %add3A_1247, %mul3A_1246 : i32
        %add3A_1249 = arith.constant 10 : i32
        %add3A_1250 = arith.addi %add3A_1248, %add3A_1249 : i32
        %get3A_1251 = arith.index_cast %add3A_1250 : i32 to index
        %get3A_1252 = arith.constant 0 : index
        %get3A_1253 = tpu.vector_load %arg14[%get3A_1251, %get3A_1252] {strides = array<i32>} : memref<1728x32xf32, #tpu.memory_space<vmem>>, vector<16xf32>,
        %get3A_1254 = arith.index_cast %add3A_1250 : i32 to index
        %get3A_1255 = arith.constant 16 : index
        %get3A_1256 = tpu.vector_load %arg14[%get3A_1254, %get3A_1255] {strides = array<i32>} : memref<1728x32xf32, #tpu.memory_space<vmem>>, vector<16xf32>,
        %mul3A_1257 = arith.mulf %get3A_1253, %get3A_652 : vector<16xf32>
        %mul3A_1258 = arith.mulf %get3A_1256, %get3A_659 : vector<16xf32>
        %add3A_1259 = arith.addf %mul3A_1257, %mul3A_1258 : vector<16xf32>
        %broadcast_in_dim3A_1260 = arith.constant true
        %broadcast_in_dim3A_1261 = vector.broadcast %broadcast_in_dim3A_1260 : i1 to vector<16xi1>
        %masked_cumsum3A_1262 = tpu.scan <sum>, %add3A_1259 masked %broadcast_in_dim3A_1261 : vector<16xf32>, vector<16xi1> -> vector<16xf32>
        %slice3A_1263 = vector.extract_strided_slice %masked_cumsum3A_1262 {offsets = [15], sizes = [1], strides = [1]} : vector<16xf32> to vector<1xf32>
        %squeeze3A_1264 = vector.extract %slice3A_1263[0] : f32 from vector<1xf32>
        %eq3A_1265 = arith.constant 10 : i32
        %eq3A_1266 = vector.broadcast %eq3A_1265 : i32 to vector<16xi32>
        %eq3A_1267 = arith.cmpi eq, %iota3A, %eq3A_1266 : vector<16xi32>
        %broadcast_in_dim3A_1268 = vector.broadcast %squeeze3A_1264 : f32 to vector<16xf32>
        %select_n3A_1269 = arith.select %eq3A_1267, %broadcast_in_dim3A_1268, %select_n3A_1244 : vector<16xi1>, vector<16xf32>
        %mul3A_1270 = arith.constant 16 : i32
        %mul3A_1271 = arith.muli %scan3A_998, %mul3A_1270 : i32
        %add3A_1272 = arith.constant 432 : i32
        %add3A_1273 = arith.addi %add3A_1272, %mul3A_1271 : i32
        %add3A_1274 = arith.constant 11 : i32
        %add3A_1275 = arith.addi %add3A_1273, %add3A_1274 : i32
        %get3A_1276 = arith.index_cast %add3A_1275 : i32 to index
        %get3A_1277 = arith.constant 0 : index
        %get3A_1278 = tpu.vector_load %arg14[%get3A_1276, %get3A_1277] {strides = array<i32>} : memref<1728x32xf32, #tpu.memory_space<vmem>>, vector<16xf32>,
        %get3A_1279 = arith.index_cast %add3A_1275 : i32 to index
        %get3A_1280 = arith.constant 16 : index
        %get3A_1281 = tpu.vector_load %arg14[%get3A_1279, %get3A_1280] {strides = array<i32>} : memref<1728x32xf32, #tpu.memory_space<vmem>>, vector<16xf32>,
        %mul3A_1282 = arith.mulf %get3A_1278, %get3A_652 : vector<16xf32>
        %mul3A_1283 = arith.mulf %get3A_1281, %get3A_659 : vector<16xf32>
        %add3A_1284 = arith.addf %mul3A_1282, %mul3A_1283 : vector<16xf32>
        %broadcast_in_dim3A_1285 = arith.constant true
        %broadcast_in_dim3A_1286 = vector.broadcast %broadcast_in_dim3A_1285 : i1 to vector<16xi1>
        %masked_cumsum3A_1287 = tpu.scan <sum>, %add3A_1284 masked %broadcast_in_dim3A_1286 : vector<16xf32>, vector<16xi1> -> vector<16xf32>
        %slice3A_1288 = vector.extract_strided_slice %masked_cumsum3A_1287 {offsets = [15], sizes = [1], strides = [1]} : vector<16xf32> to vector<1xf32>
        %squeeze3A_1289 = vector.extract %slice3A_1288[0] : f32 from vector<1xf32>
        %eq3A_1290 = arith.constant 11 : i32
        %eq3A_1291 = vector.broadcast %eq3A_1290 : i32 to vector<16xi32>
        %eq3A_1292 = arith.cmpi eq, %iota3A, %eq3A_1291 : vector<16xi32>
        %broadcast_in_dim3A_1293 = vector.broadcast %squeeze3A_1289 : f32 to vector<16xf32>
        %select_n3A_1294 = arith.select %eq3A_1292, %broadcast_in_dim3A_1293, %select_n3A_1269 : vector<16xi1>, vector<16xf32>
        %mul3A_1295 = arith.constant 16 : i32
        %mul3A_1296 = arith.muli %scan3A_998, %mul3A_1295 : i32
        %add3A_1297 = arith.constant 432 : i32
        %add3A_1298 = arith.addi %add3A_1297, %mul3A_1296 : i32
        %add3A_1299 = arith.constant 12 : i32
        %add3A_1300 = arith.addi %add3A_1298, %add3A_1299 : i32
        %get3A_1301 = arith.index_cast %add3A_1300 : i32 to index
        %get3A_1302 = arith.constant 0 : index
        %get3A_1303 = tpu.vector_load %arg14[%get3A_1301, %get3A_1302] {strides = array<i32>} : memref<1728x32xf32, #tpu.memory_space<vmem>>, vector<16xf32>,
        %get3A_1304 = arith.index_cast %add3A_1300 : i32 to index
        %get3A_1305 = arith.constant 16 : index
        %get3A_1306 = tpu.vector_load %arg14[%get3A_1304, %get3A_1305] {strides = array<i32>} : memref<1728x32xf32, #tpu.memory_space<vmem>>, vector<16xf32>,
        %mul3A_1307 = arith.mulf %get3A_1303, %get3A_652 : vector<16xf32>
        %mul3A_1308 = arith.mulf %get3A_1306, %get3A_659 : vector<16xf32>
        %add3A_1309 = arith.addf %mul3A_1307, %mul3A_1308 : vector<16xf32>
        %broadcast_in_dim3A_1310 = arith.constant true
        %broadcast_in_dim3A_1311 = vector.broadcast %broadcast_in_dim3A_1310 : i1 to vector<16xi1>
        %masked_cumsum3A_1312 = tpu.scan <sum>, %add3A_1309 masked %broadcast_in_dim3A_1311 : vector<16xf32>, vector<16xi1> -> vector<16xf32>
        %slice3A_1313 = vector.extract_strided_slice %masked_cumsum3A_1312 {offsets = [15], sizes = [1], strides = [1]} : vector<16xf32> to vector<1xf32>
        %squeeze3A_1314 = vector.extract %slice3A_1313[0] : f32 from vector<1xf32>
        %eq3A_1315 = arith.constant 12 : i32
        %eq3A_1316 = vector.broadcast %eq3A_1315 : i32 to vector<16xi32>
        %eq3A_1317 = arith.cmpi eq, %iota3A, %eq3A_1316 : vector<16xi32>
        %broadcast_in_dim3A_1318 = vector.broadcast %squeeze3A_1314 : f32 to vector<16xf32>
        %select_n3A_1319 = arith.select %eq3A_1317, %broadcast_in_dim3A_1318, %select_n3A_1294 : vector<16xi1>, vector<16xf32>
        %mul3A_1320 = arith.constant 16 : i32
        %mul3A_1321 = arith.muli %scan3A_998, %mul3A_1320 : i32
        %add3A_1322 = arith.constant 432 : i32
        %add3A_1323 = arith.addi %add3A_1322, %mul3A_1321 : i32
        %add3A_1324 = arith.constant 13 : i32
        %add3A_1325 = arith.addi %add3A_1323, %add3A_1324 : i32
        %get3A_1326 = arith.index_cast %add3A_1325 : i32 to index
        %get3A_1327 = arith.constant 0 : index
        %get3A_1328 = tpu.vector_load %arg14[%get3A_1326, %get3A_1327] {strides = array<i32>} : memref<1728x32xf32, #tpu.memory_space<vmem>>, vector<16xf32>,
        %get3A_1329 = arith.index_cast %add3A_1325 : i32 to index
        %get3A_1330 = arith.constant 16 : index
        %get3A_1331 = tpu.vector_load %arg14[%get3A_1329, %get3A_1330] {strides = array<i32>} : memref<1728x32xf32, #tpu.memory_space<vmem>>, vector<16xf32>,
        %mul3A_1332 = arith.mulf %get3A_1328, %get3A_652 : vector<16xf32>
        %mul3A_1333 = arith.mulf %get3A_1331, %get3A_659 : vector<16xf32>
        %add3A_1334 = arith.addf %mul3A_1332, %mul3A_1333 : vector<16xf32>
        %broadcast_in_dim3A_1335 = arith.constant true
        %broadcast_in_dim3A_1336 = vector.broadcast %broadcast_in_dim3A_1335 : i1 to vector<16xi1>
        %masked_cumsum3A_1337 = tpu.scan <sum>, %add3A_1334 masked %broadcast_in_dim3A_1336 : vector<16xf32>, vector<16xi1> -> vector<16xf32>
        %slice3A_1338 = vector.extract_strided_slice %masked_cumsum3A_1337 {offsets = [15], sizes = [1], strides = [1]} : vector<16xf32> to vector<1xf32>
        %squeeze3A_1339 = vector.extract %slice3A_1338[0] : f32 from vector<1xf32>
        %eq3A_1340 = arith.constant 13 : i32
        %eq3A_1341 = vector.broadcast %eq3A_1340 : i32 to vector<16xi32>
        %eq3A_1342 = arith.cmpi eq, %iota3A, %eq3A_1341 : vector<16xi32>
        %broadcast_in_dim3A_1343 = vector.broadcast %squeeze3A_1339 : f32 to vector<16xf32>
        %select_n3A_1344 = arith.select %eq3A_1342, %broadcast_in_dim3A_1343, %select_n3A_1319 : vector<16xi1>, vector<16xf32>
        %mul3A_1345 = arith.constant 16 : i32
        %mul3A_1346 = arith.muli %scan3A_998, %mul3A_1345 : i32
        %add3A_1347 = arith.constant 432 : i32
        %add3A_1348 = arith.addi %add3A_1347, %mul3A_1346 : i32
        %add3A_1349 = arith.constant 14 : i32
        %add3A_1350 = arith.addi %add3A_1348, %add3A_1349 : i32
        %get3A_1351 = arith.index_cast %add3A_1350 : i32 to index
        %get3A_1352 = arith.constant 0 : index
        %get3A_1353 = tpu.vector_load %arg14[%get3A_1351, %get3A_1352] {strides = array<i32>} : memref<1728x32xf32, #tpu.memory_space<vmem>>, vector<16xf32>,
        %get3A_1354 = arith.index_cast %add3A_1350 : i32 to index
        %get3A_1355 = arith.constant 16 : index
        %get3A_1356 = tpu.vector_load %arg14[%get3A_1354, %get3A_1355] {strides = array<i32>} : memref<1728x32xf32, #tpu.memory_space<vmem>>, vector<16xf32>,
        %mul3A_1357 = arith.mulf %get3A_1353, %get3A_652 : vector<16xf32>
        %mul3A_1358 = arith.mulf %get3A_1356, %get3A_659 : vector<16xf32>
        %add3A_1359 = arith.addf %mul3A_1357, %mul3A_1358 : vector<16xf32>
        %broadcast_in_dim3A_1360 = arith.constant true
        %broadcast_in_dim3A_1361 = vector.broadcast %broadcast_in_dim3A_1360 : i1 to vector<16xi1>
        %masked_cumsum3A_1362 = tpu.scan <sum>, %add3A_1359 masked %broadcast_in_dim3A_1361 : vector<16xf32>, vector<16xi1> -> vector<16xf32>
        %slice3A_1363 = vector.extract_strided_slice %masked_cumsum3A_1362 {offsets = [15], sizes = [1], strides = [1]} : vector<16xf32> to vector<1xf32>
        %squeeze3A_1364 = vector.extract %slice3A_1363[0] : f32 from vector<1xf32>
        %eq3A_1365 = arith.constant 14 : i32
        %eq3A_1366 = vector.broadcast %eq3A_1365 : i32 to vector<16xi32>
        %eq3A_1367 = arith.cmpi eq, %iota3A, %eq3A_1366 : vector<16xi32>
        %broadcast_in_dim3A_1368 = vector.broadcast %squeeze3A_1364 : f32 to vector<16xf32>
        %select_n3A_1369 = arith.select %eq3A_1367, %broadcast_in_dim3A_1368, %select_n3A_1344 : vector<16xi1>, vector<16xf32>
        %mul3A_1370 = arith.constant 16 : i32
        %mul3A_1371 = arith.muli %scan3A_998, %mul3A_1370 : i32
        %add3A_1372 = arith.constant 432 : i32
        %add3A_1373 = arith.addi %add3A_1372, %mul3A_1371 : i32
        %add3A_1374 = arith.constant 15 : i32
        %add3A_1375 = arith.addi %add3A_1373, %add3A_1374 : i32
        %get3A_1376 = arith.index_cast %add3A_1375 : i32 to index
        %get3A_1377 = arith.constant 0 : index
        %get3A_1378 = tpu.vector_load %arg14[%get3A_1376, %get3A_1377] {strides = array<i32>} : memref<1728x32xf32, #tpu.memory_space<vmem>>, vector<16xf32>,
        %get3A_1379 = arith.index_cast %add3A_1375 : i32 to index
        %get3A_1380 = arith.constant 16 : index
        %get3A_1381 = tpu.vector_load %arg14[%get3A_1379, %get3A_1380] {strides = array<i32>} : memref<1728x32xf32, #tpu.memory_space<vmem>>, vector<16xf32>,
        %mul3A_1382 = arith.mulf %get3A_1378, %get3A_652 : vector<16xf32>
        %mul3A_1383 = arith.mulf %get3A_1381, %get3A_659 : vector<16xf32>
        %add3A_1384 = arith.addf %mul3A_1382, %mul3A_1383 : vector<16xf32>
        %broadcast_in_dim3A_1385 = arith.constant true
        %broadcast_in_dim3A_1386 = vector.broadcast %broadcast_in_dim3A_1385 : i1 to vector<16xi1>
        %masked_cumsum3A_1387 = tpu.scan <sum>, %add3A_1384 masked %broadcast_in_dim3A_1386 : vector<16xf32>, vector<16xi1> -> vector<16xf32>
        %slice3A_1388 = vector.extract_strided_slice %masked_cumsum3A_1387 {offsets = [15], sizes = [1], strides = [1]} : vector<16xf32> to vector<1xf32>
        %squeeze3A_1389 = vector.extract %slice3A_1388[0] : f32 from vector<1xf32>
        %eq3A_1390 = arith.constant 15 : i32
        %eq3A_1391 = vector.broadcast %eq3A_1390 : i32 to vector<16xi32>
        %eq3A_1392 = arith.cmpi eq, %iota3A, %eq3A_1391 : vector<16xi32>
        %broadcast_in_dim3A_1393 = vector.broadcast %squeeze3A_1389 : f32 to vector<16xf32>
        %select_n3A_1394 = arith.select %eq3A_1392, %broadcast_in_dim3A_1393, %select_n3A_1369 : vector<16xi1>, vector<16xf32>
        %mul3A_1395 = arith.constant 16 : i32
        %mul3A_1396 = arith.muli %scan3A_998, %mul3A_1395 : i32
        %swap3A = arith.constant 1 : i32
        %swap3A_1397 = arith.index_cast %swap3A : i32 to index
        %swap3A_1398 = arith.index_cast %mul3A_1396 : i32 to index
        %swap3A_1399 = tpu.vector_load %arg16[%swap3A_1397, %swap3A_1398] {strides = array<i32>} : memref<4x432xf32, #tpu.memory_space<vmem>>, vector<16xf32>,
        tpu.vector_store %arg16[%swap3A_1397, %swap3A_1398], %select_n3A_1394 {strides = array<i32>} : memref<4x432xf32, #tpu.memory_space<vmem>>, vector<16xf32>,
      }
      %scan3A_665 = arith.constant 27 : i32
      %mul3A_666 = arith.constant 4 : i32
      %mul3A_667 = arith.muli %mul3A_218, %mul3A_666 : i32
      %add3A_668 = arith.constant 2 : i32
      %add3A_669 = arith.addi %mul3A_667, %add3A_668 : i32
      %get3A_670 = arith.index_cast %add3A_669 : i32 to index
      %get3A_671 = arith.constant 0 : index
      %get3A_672 = tpu.vector_load %arg9[%get3A_670, %get3A_671] {strides = array<i32>} : memref<128x32xf32, #tpu.memory_space<vmem>>, vector<16xf32>,
      %mul3A_673 = arith.constant 4 : i32
      %mul3A_674 = arith.muli %mul3A_218, %mul3A_673 : i32
      %add3A_675 = arith.constant 2 : i32
      %add3A_676 = arith.addi %mul3A_674, %add3A_675 : i32
      %get3A_677 = arith.index_cast %add3A_676 : i32 to index
      %get3A_678 = arith.constant 16 : index
      %get3A_679 = tpu.vector_load %arg9[%get3A_677, %get3A_678] {strides = array<i32>} : memref<128x32xf32, #tpu.memory_space<vmem>>, vector<16xf32>,
      %scan3A_680 = arith.constant 0 : i32
      %scan3A_681 = arith.constant 0 : i32
      %scan3A_682 = arith.constant 27 : i32
      %scan3A_683 = arith.addi %scan3A_681, %scan3A_682 : i32
      %scan3A_684 = arith.constant 1 : i32
      scf.for %scan3A_998 = %scan3A_681 to %scan3A_683 step %scan3A_684  : i32 {
        %broadcast_in_dim3A = arith.constant 0.000000e+00 : f32
        %broadcast_in_dim3A_999 = vector.broadcast %broadcast_in_dim3A : f32 to vector<16xf32>
        %mul3A_1000 = arith.constant 16 : i32
        %mul3A_1001 = arith.muli %scan3A_998, %mul3A_1000 : i32
        %add3A_1002 = arith.constant 864 : i32
        %add3A_1003 = arith.addi %add3A_1002, %mul3A_1001 : i32
        %add3A_1004 = arith.constant 0 : i32
        %add3A_1005 = arith.addi %add3A_1003, %add3A_1004 : i32
        %get3A_1006 = arith.index_cast %add3A_1005 : i32 to index
        %get3A_1007 = arith.constant 0 : index
        %get3A_1008 = tpu.vector_load %arg14[%get3A_1006, %get3A_1007] {strides = array<i32>} : memref<1728x32xf32, #tpu.memory_space<vmem>>, vector<16xf32>,
        %get3A_1009 = arith.index_cast %add3A_1005 : i32 to index
        %get3A_1010 = arith.constant 16 : index
        %get3A_1011 = tpu.vector_load %arg14[%get3A_1009, %get3A_1010] {strides = array<i32>} : memref<1728x32xf32, #tpu.memory_space<vmem>>, vector<16xf32>,
        %mul3A_1012 = arith.mulf %get3A_1008, %get3A_672 : vector<16xf32>
        %mul3A_1013 = arith.mulf %get3A_1011, %get3A_679 : vector<16xf32>
        %add3A_1014 = arith.addf %mul3A_1012, %mul3A_1013 : vector<16xf32>
        %broadcast_in_dim3A_1015 = arith.constant true
        %broadcast_in_dim3A_1016 = vector.broadcast %broadcast_in_dim3A_1015 : i1 to vector<16xi1>
        %masked_cumsum3A = tpu.scan <sum>, %add3A_1014 masked %broadcast_in_dim3A_1016 : vector<16xf32>, vector<16xi1> -> vector<16xf32>
        %slice3A = vector.extract_strided_slice %masked_cumsum3A {offsets = [15], sizes = [1], strides = [1]} : vector<16xf32> to vector<1xf32>
        %squeeze3A = vector.extract %slice3A[0] : f32 from vector<1xf32>
        %eq3A = arith.constant 0 : i32
        %eq3A_1017 = vector.broadcast %eq3A : i32 to vector<16xi32>
        %eq3A_1018 = arith.cmpi eq, %iota3A, %eq3A_1017 : vector<16xi32>
        %broadcast_in_dim3A_1019 = vector.broadcast %squeeze3A : f32 to vector<16xf32>
        %select_n3A = arith.select %eq3A_1018, %broadcast_in_dim3A_1019, %broadcast_in_dim3A_999 : vector<16xi1>, vector<16xf32>
        %mul3A_1020 = arith.constant 16 : i32
        %mul3A_1021 = arith.muli %scan3A_998, %mul3A_1020 : i32
        %add3A_1022 = arith.constant 864 : i32
        %add3A_1023 = arith.addi %add3A_1022, %mul3A_1021 : i32
        %add3A_1024 = arith.constant 1 : i32
        %add3A_1025 = arith.addi %add3A_1023, %add3A_1024 : i32
        %get3A_1026 = arith.index_cast %add3A_1025 : i32 to index
        %get3A_1027 = arith.constant 0 : index
        %get3A_1028 = tpu.vector_load %arg14[%get3A_1026, %get3A_1027] {strides = array<i32>} : memref<1728x32xf32, #tpu.memory_space<vmem>>, vector<16xf32>,
        %get3A_1029 = arith.index_cast %add3A_1025 : i32 to index
        %get3A_1030 = arith.constant 16 : index
        %get3A_1031 = tpu.vector_load %arg14[%get3A_1029, %get3A_1030] {strides = array<i32>} : memref<1728x32xf32, #tpu.memory_space<vmem>>, vector<16xf32>,
        %mul3A_1032 = arith.mulf %get3A_1028, %get3A_672 : vector<16xf32>
        %mul3A_1033 = arith.mulf %get3A_1031, %get3A_679 : vector<16xf32>
        %add3A_1034 = arith.addf %mul3A_1032, %mul3A_1033 : vector<16xf32>
        %broadcast_in_dim3A_1035 = arith.constant true
        %broadcast_in_dim3A_1036 = vector.broadcast %broadcast_in_dim3A_1035 : i1 to vector<16xi1>
        %masked_cumsum3A_1037 = tpu.scan <sum>, %add3A_1034 masked %broadcast_in_dim3A_1036 : vector<16xf32>, vector<16xi1> -> vector<16xf32>
        %slice3A_1038 = vector.extract_strided_slice %masked_cumsum3A_1037 {offsets = [15], sizes = [1], strides = [1]} : vector<16xf32> to vector<1xf32>
        %squeeze3A_1039 = vector.extract %slice3A_1038[0] : f32 from vector<1xf32>
        %eq3A_1040 = arith.constant 1 : i32
        %eq3A_1041 = vector.broadcast %eq3A_1040 : i32 to vector<16xi32>
        %eq3A_1042 = arith.cmpi eq, %iota3A, %eq3A_1041 : vector<16xi32>
        %broadcast_in_dim3A_1043 = vector.broadcast %squeeze3A_1039 : f32 to vector<16xf32>
        %select_n3A_1044 = arith.select %eq3A_1042, %broadcast_in_dim3A_1043, %select_n3A : vector<16xi1>, vector<16xf32>
        %mul3A_1045 = arith.constant 16 : i32
        %mul3A_1046 = arith.muli %scan3A_998, %mul3A_1045 : i32
        %add3A_1047 = arith.constant 864 : i32
        %add3A_1048 = arith.addi %add3A_1047, %mul3A_1046 : i32
        %add3A_1049 = arith.constant 2 : i32
        %add3A_1050 = arith.addi %add3A_1048, %add3A_1049 : i32
        %get3A_1051 = arith.index_cast %add3A_1050 : i32 to index
        %get3A_1052 = arith.constant 0 : index
        %get3A_1053 = tpu.vector_load %arg14[%get3A_1051, %get3A_1052] {strides = array<i32>} : memref<1728x32xf32, #tpu.memory_space<vmem>>, vector<16xf32>,
        %get3A_1054 = arith.index_cast %add3A_1050 : i32 to index
        %get3A_1055 = arith.constant 16 : index
        %get3A_1056 = tpu.vector_load %arg14[%get3A_1054, %get3A_1055] {strides = array<i32>} : memref<1728x32xf32, #tpu.memory_space<vmem>>, vector<16xf32>,
        %mul3A_1057 = arith.mulf %get3A_1053, %get3A_672 : vector<16xf32>
        %mul3A_1058 = arith.mulf %get3A_1056, %get3A_679 : vector<16xf32>
        %add3A_1059 = arith.addf %mul3A_1057, %mul3A_1058 : vector<16xf32>
        %broadcast_in_dim3A_1060 = arith.constant true
        %broadcast_in_dim3A_1061 = vector.broadcast %broadcast_in_dim3A_1060 : i1 to vector<16xi1>
        %masked_cumsum3A_1062 = tpu.scan <sum>, %add3A_1059 masked %broadcast_in_dim3A_1061 : vector<16xf32>, vector<16xi1> -> vector<16xf32>
        %slice3A_1063 = vector.extract_strided_slice %masked_cumsum3A_1062 {offsets = [15], sizes = [1], strides = [1]} : vector<16xf32> to vector<1xf32>
        %squeeze3A_1064 = vector.extract %slice3A_1063[0] : f32 from vector<1xf32>
        %eq3A_1065 = arith.constant 2 : i32
        %eq3A_1066 = vector.broadcast %eq3A_1065 : i32 to vector<16xi32>
        %eq3A_1067 = arith.cmpi eq, %iota3A, %eq3A_1066 : vector<16xi32>
        %broadcast_in_dim3A_1068 = vector.broadcast %squeeze3A_1064 : f32 to vector<16xf32>
        %select_n3A_1069 = arith.select %eq3A_1067, %broadcast_in_dim3A_1068, %select_n3A_1044 : vector<16xi1>, vector<16xf32>
        %mul3A_1070 = arith.constant 16 : i32
        %mul3A_1071 = arith.muli %scan3A_998, %mul3A_1070 : i32
        %add3A_1072 = arith.constant 864 : i32
        %add3A_1073 = arith.addi %add3A_1072, %mul3A_1071 : i32
        %add3A_1074 = arith.constant 3 : i32
        %add3A_1075 = arith.addi %add3A_1073, %add3A_1074 : i32
        %get3A_1076 = arith.index_cast %add3A_1075 : i32 to index
        %get3A_1077 = arith.constant 0 : index
        %get3A_1078 = tpu.vector_load %arg14[%get3A_1076, %get3A_1077] {strides = array<i32>} : memref<1728x32xf32, #tpu.memory_space<vmem>>, vector<16xf32>,
        %get3A_1079 = arith.index_cast %add3A_1075 : i32 to index
        %get3A_1080 = arith.constant 16 : index
        %get3A_1081 = tpu.vector_load %arg14[%get3A_1079, %get3A_1080] {strides = array<i32>} : memref<1728x32xf32, #tpu.memory_space<vmem>>, vector<16xf32>,
        %mul3A_1082 = arith.mulf %get3A_1078, %get3A_672 : vector<16xf32>
        %mul3A_1083 = arith.mulf %get3A_1081, %get3A_679 : vector<16xf32>
        %add3A_1084 = arith.addf %mul3A_1082, %mul3A_1083 : vector<16xf32>
        %broadcast_in_dim3A_1085 = arith.constant true
        %broadcast_in_dim3A_1086 = vector.broadcast %broadcast_in_dim3A_1085 : i1 to vector<16xi1>
        %masked_cumsum3A_1087 = tpu.scan <sum>, %add3A_1084 masked %broadcast_in_dim3A_1086 : vector<16xf32>, vector<16xi1> -> vector<16xf32>
        %slice3A_1088 = vector.extract_strided_slice %masked_cumsum3A_1087 {offsets = [15], sizes = [1], strides = [1]} : vector<16xf32> to vector<1xf32>
        %squeeze3A_1089 = vector.extract %slice3A_1088[0] : f32 from vector<1xf32>
        %eq3A_1090 = arith.constant 3 : i32
        %eq3A_1091 = vector.broadcast %eq3A_1090 : i32 to vector<16xi32>
        %eq3A_1092 = arith.cmpi eq, %iota3A, %eq3A_1091 : vector<16xi32>
        %broadcast_in_dim3A_1093 = vector.broadcast %squeeze3A_1089 : f32 to vector<16xf32>
        %select_n3A_1094 = arith.select %eq3A_1092, %broadcast_in_dim3A_1093, %select_n3A_1069 : vector<16xi1>, vector<16xf32>
        %mul3A_1095 = arith.constant 16 : i32
        %mul3A_1096 = arith.muli %scan3A_998, %mul3A_1095 : i32
        %add3A_1097 = arith.constant 864 : i32
        %add3A_1098 = arith.addi %add3A_1097, %mul3A_1096 : i32
        %add3A_1099 = arith.constant 4 : i32
        %add3A_1100 = arith.addi %add3A_1098, %add3A_1099 : i32
        %get3A_1101 = arith.index_cast %add3A_1100 : i32 to index
        %get3A_1102 = arith.constant 0 : index
        %get3A_1103 = tpu.vector_load %arg14[%get3A_1101, %get3A_1102] {strides = array<i32>} : memref<1728x32xf32, #tpu.memory_space<vmem>>, vector<16xf32>,
        %get3A_1104 = arith.index_cast %add3A_1100 : i32 to index
        %get3A_1105 = arith.constant 16 : index
        %get3A_1106 = tpu.vector_load %arg14[%get3A_1104, %get3A_1105] {strides = array<i32>} : memref<1728x32xf32, #tpu.memory_space<vmem>>, vector<16xf32>,
        %mul3A_1107 = arith.mulf %get3A_1103, %get3A_672 : vector<16xf32>
        %mul3A_1108 = arith.mulf %get3A_1106, %get3A_679 : vector<16xf32>
        %add3A_1109 = arith.addf %mul3A_1107, %mul3A_1108 : vector<16xf32>
        %broadcast_in_dim3A_1110 = arith.constant true
        %broadcast_in_dim3A_1111 = vector.broadcast %broadcast_in_dim3A_1110 : i1 to vector<16xi1>
        %masked_cumsum3A_1112 = tpu.scan <sum>, %add3A_1109 masked %broadcast_in_dim3A_1111 : vector<16xf32>, vector<16xi1> -> vector<16xf32>
        %slice3A_1113 = vector.extract_strided_slice %masked_cumsum3A_1112 {offsets = [15], sizes = [1], strides = [1]} : vector<16xf32> to vector<1xf32>
        %squeeze3A_1114 = vector.extract %slice3A_1113[0] : f32 from vector<1xf32>
        %eq3A_1115 = arith.constant 4 : i32
        %eq3A_1116 = vector.broadcast %eq3A_1115 : i32 to vector<16xi32>
        %eq3A_1117 = arith.cmpi eq, %iota3A, %eq3A_1116 : vector<16xi32>
        %broadcast_in_dim3A_1118 = vector.broadcast %squeeze3A_1114 : f32 to vector<16xf32>
        %select_n3A_1119 = arith.select %eq3A_1117, %broadcast_in_dim3A_1118, %select_n3A_1094 : vector<16xi1>, vector<16xf32>
        %mul3A_1120 = arith.constant 16 : i32
        %mul3A_1121 = arith.muli %scan3A_998, %mul3A_1120 : i32
        %add3A_1122 = arith.constant 864 : i32
        %add3A_1123 = arith.addi %add3A_1122, %mul3A_1121 : i32
        %add3A_1124 = arith.constant 5 : i32
        %add3A_1125 = arith.addi %add3A_1123, %add3A_1124 : i32
        %get3A_1126 = arith.index_cast %add3A_1125 : i32 to index
        %get3A_1127 = arith.constant 0 : index
        %get3A_1128 = tpu.vector_load %arg14[%get3A_1126, %get3A_1127] {strides = array<i32>} : memref<1728x32xf32, #tpu.memory_space<vmem>>, vector<16xf32>,
        %get3A_1129 = arith.index_cast %add3A_1125 : i32 to index
        %get3A_1130 = arith.constant 16 : index
        %get3A_1131 = tpu.vector_load %arg14[%get3A_1129, %get3A_1130] {strides = array<i32>} : memref<1728x32xf32, #tpu.memory_space<vmem>>, vector<16xf32>,
        %mul3A_1132 = arith.mulf %get3A_1128, %get3A_672 : vector<16xf32>
        %mul3A_1133 = arith.mulf %get3A_1131, %get3A_679 : vector<16xf32>
        %add3A_1134 = arith.addf %mul3A_1132, %mul3A_1133 : vector<16xf32>
        %broadcast_in_dim3A_1135 = arith.constant true
        %broadcast_in_dim3A_1136 = vector.broadcast %broadcast_in_dim3A_1135 : i1 to vector<16xi1>
        %masked_cumsum3A_1137 = tpu.scan <sum>, %add3A_1134 masked %broadcast_in_dim3A_1136 : vector<16xf32>, vector<16xi1> -> vector<16xf32>
        %slice3A_1138 = vector.extract_strided_slice %masked_cumsum3A_1137 {offsets = [15], sizes = [1], strides = [1]} : vector<16xf32> to vector<1xf32>
        %squeeze3A_1139 = vector.extract %slice3A_1138[0] : f32 from vector<1xf32>
        %eq3A_1140 = arith.constant 5 : i32
        %eq3A_1141 = vector.broadcast %eq3A_1140 : i32 to vector<16xi32>
        %eq3A_1142 = arith.cmpi eq, %iota3A, %eq3A_1141 : vector<16xi32>
        %broadcast_in_dim3A_1143 = vector.broadcast %squeeze3A_1139 : f32 to vector<16xf32>
        %select_n3A_1144 = arith.select %eq3A_1142, %broadcast_in_dim3A_1143, %select_n3A_1119 : vector<16xi1>, vector<16xf32>
        %mul3A_1145 = arith.constant 16 : i32
        %mul3A_1146 = arith.muli %scan3A_998, %mul3A_1145 : i32
        %add3A_1147 = arith.constant 864 : i32
        %add3A_1148 = arith.addi %add3A_1147, %mul3A_1146 : i32
        %add3A_1149 = arith.constant 6 : i32
        %add3A_1150 = arith.addi %add3A_1148, %add3A_1149 : i32
        %get3A_1151 = arith.index_cast %add3A_1150 : i32 to index
        %get3A_1152 = arith.constant 0 : index
        %get3A_1153 = tpu.vector_load %arg14[%get3A_1151, %get3A_1152] {strides = array<i32>} : memref<1728x32xf32, #tpu.memory_space<vmem>>, vector<16xf32>,
        %get3A_1154 = arith.index_cast %add3A_1150 : i32 to index
        %get3A_1155 = arith.constant 16 : index
        %get3A_1156 = tpu.vector_load %arg14[%get3A_1154, %get3A_1155] {strides = array<i32>} : memref<1728x32xf32, #tpu.memory_space<vmem>>, vector<16xf32>,
        %mul3A_1157 = arith.mulf %get3A_1153, %get3A_672 : vector<16xf32>
        %mul3A_1158 = arith.mulf %get3A_1156, %get3A_679 : vector<16xf32>
        %add3A_1159 = arith.addf %mul3A_1157, %mul3A_1158 : vector<16xf32>
        %broadcast_in_dim3A_1160 = arith.constant true
        %broadcast_in_dim3A_1161 = vector.broadcast %broadcast_in_dim3A_1160 : i1 to vector<16xi1>
        %masked_cumsum3A_1162 = tpu.scan <sum>, %add3A_1159 masked %broadcast_in_dim3A_1161 : vector<16xf32>, vector<16xi1> -> vector<16xf32>
        %slice3A_1163 = vector.extract_strided_slice %masked_cumsum3A_1162 {offsets = [15], sizes = [1], strides = [1]} : vector<16xf32> to vector<1xf32>
        %squeeze3A_1164 = vector.extract %slice3A_1163[0] : f32 from vector<1xf32>
        %eq3A_1165 = arith.constant 6 : i32
        %eq3A_1166 = vector.broadcast %eq3A_1165 : i32 to vector<16xi32>
        %eq3A_1167 = arith.cmpi eq, %iota3A, %eq3A_1166 : vector<16xi32>
        %broadcast_in_dim3A_1168 = vector.broadcast %squeeze3A_1164 : f32 to vector<16xf32>
        %select_n3A_1169 = arith.select %eq3A_1167, %broadcast_in_dim3A_1168, %select_n3A_1144 : vector<16xi1>, vector<16xf32>
        %mul3A_1170 = arith.constant 16 : i32
        %mul3A_1171 = arith.muli %scan3A_998, %mul3A_1170 : i32
        %add3A_1172 = arith.constant 864 : i32
        %add3A_1173 = arith.addi %add3A_1172, %mul3A_1171 : i32
        %add3A_1174 = arith.constant 7 : i32
        %add3A_1175 = arith.addi %add3A_1173, %add3A_1174 : i32
        %get3A_1176 = arith.index_cast %add3A_1175 : i32 to index
        %get3A_1177 = arith.constant 0 : index
        %get3A_1178 = tpu.vector_load %arg14[%get3A_1176, %get3A_1177] {strides = array<i32>} : memref<1728x32xf32, #tpu.memory_space<vmem>>, vector<16xf32>,
        %get3A_1179 = arith.index_cast %add3A_1175 : i32 to index
        %get3A_1180 = arith.constant 16 : index
        %get3A_1181 = tpu.vector_load %arg14[%get3A_1179, %get3A_1180] {strides = array<i32>} : memref<1728x32xf32, #tpu.memory_space<vmem>>, vector<16xf32>,
        %mul3A_1182 = arith.mulf %get3A_1178, %get3A_672 : vector<16xf32>
        %mul3A_1183 = arith.mulf %get3A_1181, %get3A_679 : vector<16xf32>
        %add3A_1184 = arith.addf %mul3A_1182, %mul3A_1183 : vector<16xf32>
        %broadcast_in_dim3A_1185 = arith.constant true
        %broadcast_in_dim3A_1186 = vector.broadcast %broadcast_in_dim3A_1185 : i1 to vector<16xi1>
        %masked_cumsum3A_1187 = tpu.scan <sum>, %add3A_1184 masked %broadcast_in_dim3A_1186 : vector<16xf32>, vector<16xi1> -> vector<16xf32>
        %slice3A_1188 = vector.extract_strided_slice %masked_cumsum3A_1187 {offsets = [15], sizes = [1], strides = [1]} : vector<16xf32> to vector<1xf32>
        %squeeze3A_1189 = vector.extract %slice3A_1188[0] : f32 from vector<1xf32>
        %eq3A_1190 = arith.constant 7 : i32
        %eq3A_1191 = vector.broadcast %eq3A_1190 : i32 to vector<16xi32>
        %eq3A_1192 = arith.cmpi eq, %iota3A, %eq3A_1191 : vector<16xi32>
        %broadcast_in_dim3A_1193 = vector.broadcast %squeeze3A_1189 : f32 to vector<16xf32>
        %select_n3A_1194 = arith.select %eq3A_1192, %broadcast_in_dim3A_1193, %select_n3A_1169 : vector<16xi1>, vector<16xf32>
        %mul3A_1195 = arith.constant 16 : i32
        %mul3A_1196 = arith.muli %scan3A_998, %mul3A_1195 : i32
        %add3A_1197 = arith.constant 864 : i32
        %add3A_1198 = arith.addi %add3A_1197, %mul3A_1196 : i32
        %add3A_1199 = arith.constant 8 : i32
        %add3A_1200 = arith.addi %add3A_1198, %add3A_1199 : i32
        %get3A_1201 = arith.index_cast %add3A_1200 : i32 to index
        %get3A_1202 = arith.constant 0 : index
        %get3A_1203 = tpu.vector_load %arg14[%get3A_1201, %get3A_1202] {strides = array<i32>} : memref<1728x32xf32, #tpu.memory_space<vmem>>, vector<16xf32>,
        %get3A_1204 = arith.index_cast %add3A_1200 : i32 to index
        %get3A_1205 = arith.constant 16 : index
        %get3A_1206 = tpu.vector_load %arg14[%get3A_1204, %get3A_1205] {strides = array<i32>} : memref<1728x32xf32, #tpu.memory_space<vmem>>, vector<16xf32>,
        %mul3A_1207 = arith.mulf %get3A_1203, %get3A_672 : vector<16xf32>
        %mul3A_1208 = arith.mulf %get3A_1206, %get3A_679 : vector<16xf32>
        %add3A_1209 = arith.addf %mul3A_1207, %mul3A_1208 : vector<16xf32>
        %broadcast_in_dim3A_1210 = arith.constant true
        %broadcast_in_dim3A_1211 = vector.broadcast %broadcast_in_dim3A_1210 : i1 to vector<16xi1>
        %masked_cumsum3A_1212 = tpu.scan <sum>, %add3A_1209 masked %broadcast_in_dim3A_1211 : vector<16xf32>, vector<16xi1> -> vector<16xf32>
        %slice3A_1213 = vector.extract_strided_slice %masked_cumsum3A_1212 {offsets = [15], sizes = [1], strides = [1]} : vector<16xf32> to vector<1xf32>
        %squeeze3A_1214 = vector.extract %slice3A_1213[0] : f32 from vector<1xf32>
        %eq3A_1215 = arith.constant 8 : i32
        %eq3A_1216 = vector.broadcast %eq3A_1215 : i32 to vector<16xi32>
        %eq3A_1217 = arith.cmpi eq, %iota3A, %eq3A_1216 : vector<16xi32>
        %broadcast_in_dim3A_1218 = vector.broadcast %squeeze3A_1214 : f32 to vector<16xf32>
        %select_n3A_1219 = arith.select %eq3A_1217, %broadcast_in_dim3A_1218, %select_n3A_1194 : vector<16xi1>, vector<16xf32>
        %mul3A_1220 = arith.constant 16 : i32
        %mul3A_1221 = arith.muli %scan3A_998, %mul3A_1220 : i32
        %add3A_1222 = arith.constant 864 : i32
        %add3A_1223 = arith.addi %add3A_1222, %mul3A_1221 : i32
        %add3A_1224 = arith.constant 9 : i32
        %add3A_1225 = arith.addi %add3A_1223, %add3A_1224 : i32
        %get3A_1226 = arith.index_cast %add3A_1225 : i32 to index
        %get3A_1227 = arith.constant 0 : index
        %get3A_1228 = tpu.vector_load %arg14[%get3A_1226, %get3A_1227] {strides = array<i32>} : memref<1728x32xf32, #tpu.memory_space<vmem>>, vector<16xf32>,
        %get3A_1229 = arith.index_cast %add3A_1225 : i32 to index
        %get3A_1230 = arith.constant 16 : index
        %get3A_1231 = tpu.vector_load %arg14[%get3A_1229, %get3A_1230] {strides = array<i32>} : memref<1728x32xf32, #tpu.memory_space<vmem>>, vector<16xf32>,
        %mul3A_1232 = arith.mulf %get3A_1228, %get3A_672 : vector<16xf32>
        %mul3A_1233 = arith.mulf %get3A_1231, %get3A_679 : vector<16xf32>
        %add3A_1234 = arith.addf %mul3A_1232, %mul3A_1233 : vector<16xf32>
        %broadcast_in_dim3A_1235 = arith.constant true
        %broadcast_in_dim3A_1236 = vector.broadcast %broadcast_in_dim3A_1235 : i1 to vector<16xi1>
        %masked_cumsum3A_1237 = tpu.scan <sum>, %add3A_1234 masked %broadcast_in_dim3A_1236 : vector<16xf32>, vector<16xi1> -> vector<16xf32>
        %slice3A_1238 = vector.extract_strided_slice %masked_cumsum3A_1237 {offsets = [15], sizes = [1], strides = [1]} : vector<16xf32> to vector<1xf32>
        %squeeze3A_1239 = vector.extract %slice3A_1238[0] : f32 from vector<1xf32>
        %eq3A_1240 = arith.constant 9 : i32
        %eq3A_1241 = vector.broadcast %eq3A_1240 : i32 to vector<16xi32>
        %eq3A_1242 = arith.cmpi eq, %iota3A, %eq3A_1241 : vector<16xi32>
        %broadcast_in_dim3A_1243 = vector.broadcast %squeeze3A_1239 : f32 to vector<16xf32>
        %select_n3A_1244 = arith.select %eq3A_1242, %broadcast_in_dim3A_1243, %select_n3A_1219 : vector<16xi1>, vector<16xf32>
        %mul3A_1245 = arith.constant 16 : i32
        %mul3A_1246 = arith.muli %scan3A_998, %mul3A_1245 : i32
        %add3A_1247 = arith.constant 864 : i32
        %add3A_1248 = arith.addi %add3A_1247, %mul3A_1246 : i32
        %add3A_1249 = arith.constant 10 : i32
        %add3A_1250 = arith.addi %add3A_1248, %add3A_1249 : i32
        %get3A_1251 = arith.index_cast %add3A_1250 : i32 to index
        %get3A_1252 = arith.constant 0 : index
        %get3A_1253 = tpu.vector_load %arg14[%get3A_1251, %get3A_1252] {strides = array<i32>} : memref<1728x32xf32, #tpu.memory_space<vmem>>, vector<16xf32>,
        %get3A_1254 = arith.index_cast %add3A_1250 : i32 to index
        %get3A_1255 = arith.constant 16 : index
        %get3A_1256 = tpu.vector_load %arg14[%get3A_1254, %get3A_1255] {strides = array<i32>} : memref<1728x32xf32, #tpu.memory_space<vmem>>, vector<16xf32>,
        %mul3A_1257 = arith.mulf %get3A_1253, %get3A_672 : vector<16xf32>
        %mul3A_1258 = arith.mulf %get3A_1256, %get3A_679 : vector<16xf32>
        %add3A_1259 = arith.addf %mul3A_1257, %mul3A_1258 : vector<16xf32>
        %broadcast_in_dim3A_1260 = arith.constant true
        %broadcast_in_dim3A_1261 = vector.broadcast %broadcast_in_dim3A_1260 : i1 to vector<16xi1>
        %masked_cumsum3A_1262 = tpu.scan <sum>, %add3A_1259 masked %broadcast_in_dim3A_1261 : vector<16xf32>, vector<16xi1> -> vector<16xf32>
        %slice3A_1263 = vector.extract_strided_slice %masked_cumsum3A_1262 {offsets = [15], sizes = [1], strides = [1]} : vector<16xf32> to vector<1xf32>
        %squeeze3A_1264 = vector.extract %slice3A_1263[0] : f32 from vector<1xf32>
        %eq3A_1265 = arith.constant 10 : i32
        %eq3A_1266 = vector.broadcast %eq3A_1265 : i32 to vector<16xi32>
        %eq3A_1267 = arith.cmpi eq, %iota3A, %eq3A_1266 : vector<16xi32>
        %broadcast_in_dim3A_1268 = vector.broadcast %squeeze3A_1264 : f32 to vector<16xf32>
        %select_n3A_1269 = arith.select %eq3A_1267, %broadcast_in_dim3A_1268, %select_n3A_1244 : vector<16xi1>, vector<16xf32>
        %mul3A_1270 = arith.constant 16 : i32
        %mul3A_1271 = arith.muli %scan3A_998, %mul3A_1270 : i32
        %add3A_1272 = arith.constant 864 : i32
        %add3A_1273 = arith.addi %add3A_1272, %mul3A_1271 : i32
        %add3A_1274 = arith.constant 11 : i32
        %add3A_1275 = arith.addi %add3A_1273, %add3A_1274 : i32
        %get3A_1276 = arith.index_cast %add3A_1275 : i32 to index
        %get3A_1277 = arith.constant 0 : index
        %get3A_1278 = tpu.vector_load %arg14[%get3A_1276, %get3A_1277] {strides = array<i32>} : memref<1728x32xf32, #tpu.memory_space<vmem>>, vector<16xf32>,
        %get3A_1279 = arith.index_cast %add3A_1275 : i32 to index
        %get3A_1280 = arith.constant 16 : index
        %get3A_1281 = tpu.vector_load %arg14[%get3A_1279, %get3A_1280] {strides = array<i32>} : memref<1728x32xf32, #tpu.memory_space<vmem>>, vector<16xf32>,
        %mul3A_1282 = arith.mulf %get3A_1278, %get3A_672 : vector<16xf32>
        %mul3A_1283 = arith.mulf %get3A_1281, %get3A_679 : vector<16xf32>
        %add3A_1284 = arith.addf %mul3A_1282, %mul3A_1283 : vector<16xf32>
        %broadcast_in_dim3A_1285 = arith.constant true
        %broadcast_in_dim3A_1286 = vector.broadcast %broadcast_in_dim3A_1285 : i1 to vector<16xi1>
        %masked_cumsum3A_1287 = tpu.scan <sum>, %add3A_1284 masked %broadcast_in_dim3A_1286 : vector<16xf32>, vector<16xi1> -> vector<16xf32>
        %slice3A_1288 = vector.extract_strided_slice %masked_cumsum3A_1287 {offsets = [15], sizes = [1], strides = [1]} : vector<16xf32> to vector<1xf32>
        %squeeze3A_1289 = vector.extract %slice3A_1288[0] : f32 from vector<1xf32>
        %eq3A_1290 = arith.constant 11 : i32
        %eq3A_1291 = vector.broadcast %eq3A_1290 : i32 to vector<16xi32>
        %eq3A_1292 = arith.cmpi eq, %iota3A, %eq3A_1291 : vector<16xi32>
        %broadcast_in_dim3A_1293 = vector.broadcast %squeeze3A_1289 : f32 to vector<16xf32>
        %select_n3A_1294 = arith.select %eq3A_1292, %broadcast_in_dim3A_1293, %select_n3A_1269 : vector<16xi1>, vector<16xf32>
        %mul3A_1295 = arith.constant 16 : i32
        %mul3A_1296 = arith.muli %scan3A_998, %mul3A_1295 : i32
        %add3A_1297 = arith.constant 864 : i32
        %add3A_1298 = arith.addi %add3A_1297, %mul3A_1296 : i32
        %add3A_1299 = arith.constant 12 : i32
        %add3A_1300 = arith.addi %add3A_1298, %add3A_1299 : i32
        %get3A_1301 = arith.index_cast %add3A_1300 : i32 to index
        %get3A_1302 = arith.constant 0 : index
        %get3A_1303 = tpu.vector_load %arg14[%get3A_1301, %get3A_1302] {strides = array<i32>} : memref<1728x32xf32, #tpu.memory_space<vmem>>, vector<16xf32>,
        %get3A_1304 = arith.index_cast %add3A_1300 : i32 to index
        %get3A_1305 = arith.constant 16 : index
        %get3A_1306 = tpu.vector_load %arg14[%get3A_1304, %get3A_1305] {strides = array<i32>} : memref<1728x32xf32, #tpu.memory_space<vmem>>, vector<16xf32>,
        %mul3A_1307 = arith.mulf %get3A_1303, %get3A_672 : vector<16xf32>
        %mul3A_1308 = arith.mulf %get3A_1306, %get3A_679 : vector<16xf32>
        %add3A_1309 = arith.addf %mul3A_1307, %mul3A_1308 : vector<16xf32>
        %broadcast_in_dim3A_1310 = arith.constant true
        %broadcast_in_dim3A_1311 = vector.broadcast %broadcast_in_dim3A_1310 : i1 to vector<16xi1>
        %masked_cumsum3A_1312 = tpu.scan <sum>, %add3A_1309 masked %broadcast_in_dim3A_1311 : vector<16xf32>, vector<16xi1> -> vector<16xf32>
        %slice3A_1313 = vector.extract_strided_slice %masked_cumsum3A_1312 {offsets = [15], sizes = [1], strides = [1]} : vector<16xf32> to vector<1xf32>
        %squeeze3A_1314 = vector.extract %slice3A_1313[0] : f32 from vector<1xf32>
        %eq3A_1315 = arith.constant 12 : i32
        %eq3A_1316 = vector.broadcast %eq3A_1315 : i32 to vector<16xi32>
        %eq3A_1317 = arith.cmpi eq, %iota3A, %eq3A_1316 : vector<16xi32>
        %broadcast_in_dim3A_1318 = vector.broadcast %squeeze3A_1314 : f32 to vector<16xf32>
        %select_n3A_1319 = arith.select %eq3A_1317, %broadcast_in_dim3A_1318, %select_n3A_1294 : vector<16xi1>, vector<16xf32>
        %mul3A_1320 = arith.constant 16 : i32
        %mul3A_1321 = arith.muli %scan3A_998, %mul3A_1320 : i32
        %add3A_1322 = arith.constant 864 : i32
        %add3A_1323 = arith.addi %add3A_1322, %mul3A_1321 : i32
        %add3A_1324 = arith.constant 13 : i32
        %add3A_1325 = arith.addi %add3A_1323, %add3A_1324 : i32
        %get3A_1326 = arith.index_cast %add3A_1325 : i32 to index
        %get3A_1327 = arith.constant 0 : index
        %get3A_1328 = tpu.vector_load %arg14[%get3A_1326, %get3A_1327] {strides = array<i32>} : memref<1728x32xf32, #tpu.memory_space<vmem>>, vector<16xf32>,
        %get3A_1329 = arith.index_cast %add3A_1325 : i32 to index
        %get3A_1330 = arith.constant 16 : index
        %get3A_1331 = tpu.vector_load %arg14[%get3A_1329, %get3A_1330] {strides = array<i32>} : memref<1728x32xf32, #tpu.memory_space<vmem>>, vector<16xf32>,
        %mul3A_1332 = arith.mulf %get3A_1328, %get3A_672 : vector<16xf32>
        %mul3A_1333 = arith.mulf %get3A_1331, %get3A_679 : vector<16xf32>
        %add3A_1334 = arith.addf %mul3A_1332, %mul3A_1333 : vector<16xf32>
        %broadcast_in_dim3A_1335 = arith.constant true
        %broadcast_in_dim3A_1336 = vector.broadcast %broadcast_in_dim3A_1335 : i1 to vector<16xi1>
        %masked_cumsum3A_1337 = tpu.scan <sum>, %add3A_1334 masked %broadcast_in_dim3A_1336 : vector<16xf32>, vector<16xi1> -> vector<16xf32>
        %slice3A_1338 = vector.extract_strided_slice %masked_cumsum3A_1337 {offsets = [15], sizes = [1], strides = [1]} : vector<16xf32> to vector<1xf32>
        %squeeze3A_1339 = vector.extract %slice3A_1338[0] : f32 from vector<1xf32>
        %eq3A_1340 = arith.constant 13 : i32
        %eq3A_1341 = vector.broadcast %eq3A_1340 : i32 to vector<16xi32>
        %eq3A_1342 = arith.cmpi eq, %iota3A, %eq3A_1341 : vector<16xi32>
        %broadcast_in_dim3A_1343 = vector.broadcast %squeeze3A_1339 : f32 to vector<16xf32>
        %select_n3A_1344 = arith.select %eq3A_1342, %broadcast_in_dim3A_1343, %select_n3A_1319 : vector<16xi1>, vector<16xf32>
        %mul3A_1345 = arith.constant 16 : i32
        %mul3A_1346 = arith.muli %scan3A_998, %mul3A_1345 : i32
        %add3A_1347 = arith.constant 864 : i32
        %add3A_1348 = arith.addi %add3A_1347, %mul3A_1346 : i32
        %add3A_1349 = arith.constant 14 : i32
        %add3A_1350 = arith.addi %add3A_1348, %add3A_1349 : i32
        %get3A_1351 = arith.index_cast %add3A_1350 : i32 to index
        %get3A_1352 = arith.constant 0 : index
        %get3A_1353 = tpu.vector_load %arg14[%get3A_1351, %get3A_1352] {strides = array<i32>} : memref<1728x32xf32, #tpu.memory_space<vmem>>, vector<16xf32>,
        %get3A_1354 = arith.index_cast %add3A_1350 : i32 to index
        %get3A_1355 = arith.constant 16 : index
        %get3A_1356 = tpu.vector_load %arg14[%get3A_1354, %get3A_1355] {strides = array<i32>} : memref<1728x32xf32, #tpu.memory_space<vmem>>, vector<16xf32>,
        %mul3A_1357 = arith.mulf %get3A_1353, %get3A_672 : vector<16xf32>
        %mul3A_1358 = arith.mulf %get3A_1356, %get3A_679 : vector<16xf32>
        %add3A_1359 = arith.addf %mul3A_1357, %mul3A_1358 : vector<16xf32>
        %broadcast_in_dim3A_1360 = arith.constant true
        %broadcast_in_dim3A_1361 = vector.broadcast %broadcast_in_dim3A_1360 : i1 to vector<16xi1>
        %masked_cumsum3A_1362 = tpu.scan <sum>, %add3A_1359 masked %broadcast_in_dim3A_1361 : vector<16xf32>, vector<16xi1> -> vector<16xf32>
        %slice3A_1363 = vector.extract_strided_slice %masked_cumsum3A_1362 {offsets = [15], sizes = [1], strides = [1]} : vector<16xf32> to vector<1xf32>
        %squeeze3A_1364 = vector.extract %slice3A_1363[0] : f32 from vector<1xf32>
        %eq3A_1365 = arith.constant 14 : i32
        %eq3A_1366 = vector.broadcast %eq3A_1365 : i32 to vector<16xi32>
        %eq3A_1367 = arith.cmpi eq, %iota3A, %eq3A_1366 : vector<16xi32>
        %broadcast_in_dim3A_1368 = vector.broadcast %squeeze3A_1364 : f32 to vector<16xf32>
        %select_n3A_1369 = arith.select %eq3A_1367, %broadcast_in_dim3A_1368, %select_n3A_1344 : vector<16xi1>, vector<16xf32>
        %mul3A_1370 = arith.constant 16 : i32
        %mul3A_1371 = arith.muli %scan3A_998, %mul3A_1370 : i32
        %add3A_1372 = arith.constant 864 : i32
        %add3A_1373 = arith.addi %add3A_1372, %mul3A_1371 : i32
        %add3A_1374 = arith.constant 15 : i32
        %add3A_1375 = arith.addi %add3A_1373, %add3A_1374 : i32
        %get3A_1376 = arith.index_cast %add3A_1375 : i32 to index
        %get3A_1377 = arith.constant 0 : index
        %get3A_1378 = tpu.vector_load %arg14[%get3A_1376, %get3A_1377] {strides = array<i32>} : memref<1728x32xf32, #tpu.memory_space<vmem>>, vector<16xf32>,
        %get3A_1379 = arith.index_cast %add3A_1375 : i32 to index
        %get3A_1380 = arith.constant 16 : index
        %get3A_1381 = tpu.vector_load %arg14[%get3A_1379, %get3A_1380] {strides = array<i32>} : memref<1728x32xf32, #tpu.memory_space<vmem>>, vector<16xf32>,
        %mul3A_1382 = arith.mulf %get3A_1378, %get3A_672 : vector<16xf32>
        %mul3A_1383 = arith.mulf %get3A_1381, %get3A_679 : vector<16xf32>
        %add3A_1384 = arith.addf %mul3A_1382, %mul3A_1383 : vector<16xf32>
        %broadcast_in_dim3A_1385 = arith.constant true
        %broadcast_in_dim3A_1386 = vector.broadcast %broadcast_in_dim3A_1385 : i1 to vector<16xi1>
        %masked_cumsum3A_1387 = tpu.scan <sum>, %add3A_1384 masked %broadcast_in_dim3A_1386 : vector<16xf32>, vector<16xi1> -> vector<16xf32>
        %slice3A_1388 = vector.extract_strided_slice %masked_cumsum3A_1387 {offsets = [15], sizes = [1], strides = [1]} : vector<16xf32> to vector<1xf32>
        %squeeze3A_1389 = vector.extract %slice3A_1388[0] : f32 from vector<1xf32>
        %eq3A_1390 = arith.constant 15 : i32
        %eq3A_1391 = vector.broadcast %eq3A_1390 : i32 to vector<16xi32>
        %eq3A_1392 = arith.cmpi eq, %iota3A, %eq3A_1391 : vector<16xi32>
        %broadcast_in_dim3A_1393 = vector.broadcast %squeeze3A_1389 : f32 to vector<16xf32>
        %select_n3A_1394 = arith.select %eq3A_1392, %broadcast_in_dim3A_1393, %select_n3A_1369 : vector<16xi1>, vector<16xf32>
        %mul3A_1395 = arith.constant 16 : i32
        %mul3A_1396 = arith.muli %scan3A_998, %mul3A_1395 : i32
        %swap3A = arith.constant 2 : i32
        %swap3A_1397 = arith.index_cast %swap3A : i32 to index
        %swap3A_1398 = arith.index_cast %mul3A_1396 : i32 to index
        %swap3A_1399 = tpu.vector_load %arg16[%swap3A_1397, %swap3A_1398] {strides = array<i32>} : memref<4x432xf32, #tpu.memory_space<vmem>>, vector<16xf32>,
        tpu.vector_store %arg16[%swap3A_1397, %swap3A_1398], %select_n3A_1394 {strides = array<i32>} : memref<4x432xf32, #tpu.memory_space<vmem>>, vector<16xf32>,
      }
      %scan3A_685 = arith.constant 27 : i32
      %mul3A_686 = arith.constant 4 : i32
      %mul3A_687 = arith.muli %mul3A_218, %mul3A_686 : i32
      %add3A_688 = arith.constant 3 : i32
      %add3A_689 = arith.addi %mul3A_687, %add3A_688 : i32
      %get3A_690 = arith.index_cast %add3A_689 : i32 to index
      %get3A_691 = arith.constant 0 : index
      %get3A_692 = tpu.vector_load %arg9[%get3A_690, %get3A_691] {strides = array<i32>} : memref<128x32xf32, #tpu.memory_space<vmem>>, vector<16xf32>,
      %mul3A_693 = arith.constant 4 : i32
      %mul3A_694 = arith.muli %mul3A_218, %mul3A_693 : i32
      %add3A_695 = arith.constant 3 : i32
      %add3A_696 = arith.addi %mul3A_694, %add3A_695 : i32
      %get3A_697 = arith.index_cast %add3A_696 : i32 to index
      %get3A_698 = arith.constant 16 : index
      %get3A_699 = tpu.vector_load %arg9[%get3A_697, %get3A_698] {strides = array<i32>} : memref<128x32xf32, #tpu.memory_space<vmem>>, vector<16xf32>,
      %scan3A_700 = arith.constant 0 : i32
      %scan3A_701 = arith.constant 0 : i32
      %scan3A_702 = arith.constant 27 : i32
      %scan3A_703 = arith.addi %scan3A_701, %scan3A_702 : i32
      %scan3A_704 = arith.constant 1 : i32
      scf.for %scan3A_998 = %scan3A_701 to %scan3A_703 step %scan3A_704  : i32 {
        %broadcast_in_dim3A = arith.constant 0.000000e+00 : f32
        %broadcast_in_dim3A_999 = vector.broadcast %broadcast_in_dim3A : f32 to vector<16xf32>
        %mul3A_1000 = arith.constant 16 : i32
        %mul3A_1001 = arith.muli %scan3A_998, %mul3A_1000 : i32
        %add3A_1002 = arith.constant 1296 : i32
        %add3A_1003 = arith.addi %add3A_1002, %mul3A_1001 : i32
        %add3A_1004 = arith.constant 0 : i32
        %add3A_1005 = arith.addi %add3A_1003, %add3A_1004 : i32
        %get3A_1006 = arith.index_cast %add3A_1005 : i32 to index
        %get3A_1007 = arith.constant 0 : index
        %get3A_1008 = tpu.vector_load %arg14[%get3A_1006, %get3A_1007] {strides = array<i32>} : memref<1728x32xf32, #tpu.memory_space<vmem>>, vector<16xf32>,
        %get3A_1009 = arith.index_cast %add3A_1005 : i32 to index
        %get3A_1010 = arith.constant 16 : index
        %get3A_1011 = tpu.vector_load %arg14[%get3A_1009, %get3A_1010] {strides = array<i32>} : memref<1728x32xf32, #tpu.memory_space<vmem>>, vector<16xf32>,
        %mul3A_1012 = arith.mulf %get3A_1008, %get3A_692 : vector<16xf32>
        %mul3A_1013 = arith.mulf %get3A_1011, %get3A_699 : vector<16xf32>
        %add3A_1014 = arith.addf %mul3A_1012, %mul3A_1013 : vector<16xf32>
        %broadcast_in_dim3A_1015 = arith.constant true
        %broadcast_in_dim3A_1016 = vector.broadcast %broadcast_in_dim3A_1015 : i1 to vector<16xi1>
        %masked_cumsum3A = tpu.scan <sum>, %add3A_1014 masked %broadcast_in_dim3A_1016 : vector<16xf32>, vector<16xi1> -> vector<16xf32>
        %slice3A = vector.extract_strided_slice %masked_cumsum3A {offsets = [15], sizes = [1], strides = [1]} : vector<16xf32> to vector<1xf32>
        %squeeze3A = vector.extract %slice3A[0] : f32 from vector<1xf32>
        %eq3A = arith.constant 0 : i32
        %eq3A_1017 = vector.broadcast %eq3A : i32 to vector<16xi32>
        %eq3A_1018 = arith.cmpi eq, %iota3A, %eq3A_1017 : vector<16xi32>
        %broadcast_in_dim3A_1019 = vector.broadcast %squeeze3A : f32 to vector<16xf32>
        %select_n3A = arith.select %eq3A_1018, %broadcast_in_dim3A_1019, %broadcast_in_dim3A_999 : vector<16xi1>, vector<16xf32>
        %mul3A_1020 = arith.constant 16 : i32
        %mul3A_1021 = arith.muli %scan3A_998, %mul3A_1020 : i32
        %add3A_1022 = arith.constant 1296 : i32
        %add3A_1023 = arith.addi %add3A_1022, %mul3A_1021 : i32
        %add3A_1024 = arith.constant 1 : i32
        %add3A_1025 = arith.addi %add3A_1023, %add3A_1024 : i32
        %get3A_1026 = arith.index_cast %add3A_1025 : i32 to index
        %get3A_1027 = arith.constant 0 : index
        %get3A_1028 = tpu.vector_load %arg14[%get3A_1026, %get3A_1027] {strides = array<i32>} : memref<1728x32xf32, #tpu.memory_space<vmem>>, vector<16xf32>,
        %get3A_1029 = arith.index_cast %add3A_1025 : i32 to index
        %get3A_1030 = arith.constant 16 : index
        %get3A_1031 = tpu.vector_load %arg14[%get3A_1029, %get3A_1030] {strides = array<i32>} : memref<1728x32xf32, #tpu.memory_space<vmem>>, vector<16xf32>,
        %mul3A_1032 = arith.mulf %get3A_1028, %get3A_692 : vector<16xf32>
        %mul3A_1033 = arith.mulf %get3A_1031, %get3A_699 : vector<16xf32>
        %add3A_1034 = arith.addf %mul3A_1032, %mul3A_1033 : vector<16xf32>
        %broadcast_in_dim3A_1035 = arith.constant true
        %broadcast_in_dim3A_1036 = vector.broadcast %broadcast_in_dim3A_1035 : i1 to vector<16xi1>
        %masked_cumsum3A_1037 = tpu.scan <sum>, %add3A_1034 masked %broadcast_in_dim3A_1036 : vector<16xf32>, vector<16xi1> -> vector<16xf32>
        %slice3A_1038 = vector.extract_strided_slice %masked_cumsum3A_1037 {offsets = [15], sizes = [1], strides = [1]} : vector<16xf32> to vector<1xf32>
        %squeeze3A_1039 = vector.extract %slice3A_1038[0] : f32 from vector<1xf32>
        %eq3A_1040 = arith.constant 1 : i32
        %eq3A_1041 = vector.broadcast %eq3A_1040 : i32 to vector<16xi32>
        %eq3A_1042 = arith.cmpi eq, %iota3A, %eq3A_1041 : vector<16xi32>
        %broadcast_in_dim3A_1043 = vector.broadcast %squeeze3A_1039 : f32 to vector<16xf32>
        %select_n3A_1044 = arith.select %eq3A_1042, %broadcast_in_dim3A_1043, %select_n3A : vector<16xi1>, vector<16xf32>
        %mul3A_1045 = arith.constant 16 : i32
        %mul3A_1046 = arith.muli %scan3A_998, %mul3A_1045 : i32
        %add3A_1047 = arith.constant 1296 : i32
        %add3A_1048 = arith.addi %add3A_1047, %mul3A_1046 : i32
        %add3A_1049 = arith.constant 2 : i32
        %add3A_1050 = arith.addi %add3A_1048, %add3A_1049 : i32
        %get3A_1051 = arith.index_cast %add3A_1050 : i32 to index
        %get3A_1052 = arith.constant 0 : index
        %get3A_1053 = tpu.vector_load %arg14[%get3A_1051, %get3A_1052] {strides = array<i32>} : memref<1728x32xf32, #tpu.memory_space<vmem>>, vector<16xf32>,
        %get3A_1054 = arith.index_cast %add3A_1050 : i32 to index
        %get3A_1055 = arith.constant 16 : index
        %get3A_1056 = tpu.vector_load %arg14[%get3A_1054, %get3A_1055] {strides = array<i32>} : memref<1728x32xf32, #tpu.memory_space<vmem>>, vector<16xf32>,
        %mul3A_1057 = arith.mulf %get3A_1053, %get3A_692 : vector<16xf32>
        %mul3A_1058 = arith.mulf %get3A_1056, %get3A_699 : vector<16xf32>
        %add3A_1059 = arith.addf %mul3A_1057, %mul3A_1058 : vector<16xf32>
        %broadcast_in_dim3A_1060 = arith.constant true
        %broadcast_in_dim3A_1061 = vector.broadcast %broadcast_in_dim3A_1060 : i1 to vector<16xi1>
        %masked_cumsum3A_1062 = tpu.scan <sum>, %add3A_1059 masked %broadcast_in_dim3A_1061 : vector<16xf32>, vector<16xi1> -> vector<16xf32>
        %slice3A_1063 = vector.extract_strided_slice %masked_cumsum3A_1062 {offsets = [15], sizes = [1], strides = [1]} : vector<16xf32> to vector<1xf32>
        %squeeze3A_1064 = vector.extract %slice3A_1063[0] : f32 from vector<1xf32>
        %eq3A_1065 = arith.constant 2 : i32
        %eq3A_1066 = vector.broadcast %eq3A_1065 : i32 to vector<16xi32>
        %eq3A_1067 = arith.cmpi eq, %iota3A, %eq3A_1066 : vector<16xi32>
        %broadcast_in_dim3A_1068 = vector.broadcast %squeeze3A_1064 : f32 to vector<16xf32>
        %select_n3A_1069 = arith.select %eq3A_1067, %broadcast_in_dim3A_1068, %select_n3A_1044 : vector<16xi1>, vector<16xf32>
        %mul3A_1070 = arith.constant 16 : i32
        %mul3A_1071 = arith.muli %scan3A_998, %mul3A_1070 : i32
        %add3A_1072 = arith.constant 1296 : i32
        %add3A_1073 = arith.addi %add3A_1072, %mul3A_1071 : i32
        %add3A_1074 = arith.constant 3 : i32
        %add3A_1075 = arith.addi %add3A_1073, %add3A_1074 : i32
        %get3A_1076 = arith.index_cast %add3A_1075 : i32 to index
        %get3A_1077 = arith.constant 0 : index
        %get3A_1078 = tpu.vector_load %arg14[%get3A_1076, %get3A_1077] {strides = array<i32>} : memref<1728x32xf32, #tpu.memory_space<vmem>>, vector<16xf32>,
        %get3A_1079 = arith.index_cast %add3A_1075 : i32 to index
        %get3A_1080 = arith.constant 16 : index
        %get3A_1081 = tpu.vector_load %arg14[%get3A_1079, %get3A_1080] {strides = array<i32>} : memref<1728x32xf32, #tpu.memory_space<vmem>>, vector<16xf32>,
        %mul3A_1082 = arith.mulf %get3A_1078, %get3A_692 : vector<16xf32>
        %mul3A_1083 = arith.mulf %get3A_1081, %get3A_699 : vector<16xf32>
        %add3A_1084 = arith.addf %mul3A_1082, %mul3A_1083 : vector<16xf32>
        %broadcast_in_dim3A_1085 = arith.constant true
        %broadcast_in_dim3A_1086 = vector.broadcast %broadcast_in_dim3A_1085 : i1 to vector<16xi1>
        %masked_cumsum3A_1087 = tpu.scan <sum>, %add3A_1084 masked %broadcast_in_dim3A_1086 : vector<16xf32>, vector<16xi1> -> vector<16xf32>
        %slice3A_1088 = vector.extract_strided_slice %masked_cumsum3A_1087 {offsets = [15], sizes = [1], strides = [1]} : vector<16xf32> to vector<1xf32>
        %squeeze3A_1089 = vector.extract %slice3A_1088[0] : f32 from vector<1xf32>
        %eq3A_1090 = arith.constant 3 : i32
        %eq3A_1091 = vector.broadcast %eq3A_1090 : i32 to vector<16xi32>
        %eq3A_1092 = arith.cmpi eq, %iota3A, %eq3A_1091 : vector<16xi32>
        %broadcast_in_dim3A_1093 = vector.broadcast %squeeze3A_1089 : f32 to vector<16xf32>
        %select_n3A_1094 = arith.select %eq3A_1092, %broadcast_in_dim3A_1093, %select_n3A_1069 : vector<16xi1>, vector<16xf32>
        %mul3A_1095 = arith.constant 16 : i32
        %mul3A_1096 = arith.muli %scan3A_998, %mul3A_1095 : i32
        %add3A_1097 = arith.constant 1296 : i32
        %add3A_1098 = arith.addi %add3A_1097, %mul3A_1096 : i32
        %add3A_1099 = arith.constant 4 : i32
        %add3A_1100 = arith.addi %add3A_1098, %add3A_1099 : i32
        %get3A_1101 = arith.index_cast %add3A_1100 : i32 to index
        %get3A_1102 = arith.constant 0 : index
        %get3A_1103 = tpu.vector_load %arg14[%get3A_1101, %get3A_1102] {strides = array<i32>} : memref<1728x32xf32, #tpu.memory_space<vmem>>, vector<16xf32>,
        %get3A_1104 = arith.index_cast %add3A_1100 : i32 to index
        %get3A_1105 = arith.constant 16 : index
        %get3A_1106 = tpu.vector_load %arg14[%get3A_1104, %get3A_1105] {strides = array<i32>} : memref<1728x32xf32, #tpu.memory_space<vmem>>, vector<16xf32>,
        %mul3A_1107 = arith.mulf %get3A_1103, %get3A_692 : vector<16xf32>
        %mul3A_1108 = arith.mulf %get3A_1106, %get3A_699 : vector<16xf32>
        %add3A_1109 = arith.addf %mul3A_1107, %mul3A_1108 : vector<16xf32>
        %broadcast_in_dim3A_1110 = arith.constant true
        %broadcast_in_dim3A_1111 = vector.broadcast %broadcast_in_dim3A_1110 : i1 to vector<16xi1>
        %masked_cumsum3A_1112 = tpu.scan <sum>, %add3A_1109 masked %broadcast_in_dim3A_1111 : vector<16xf32>, vector<16xi1> -> vector<16xf32>
        %slice3A_1113 = vector.extract_strided_slice %masked_cumsum3A_1112 {offsets = [15], sizes = [1], strides = [1]} : vector<16xf32> to vector<1xf32>
        %squeeze3A_1114 = vector.extract %slice3A_1113[0] : f32 from vector<1xf32>
        %eq3A_1115 = arith.constant 4 : i32
        %eq3A_1116 = vector.broadcast %eq3A_1115 : i32 to vector<16xi32>
        %eq3A_1117 = arith.cmpi eq, %iota3A, %eq3A_1116 : vector<16xi32>
        %broadcast_in_dim3A_1118 = vector.broadcast %squeeze3A_1114 : f32 to vector<16xf32>
        %select_n3A_1119 = arith.select %eq3A_1117, %broadcast_in_dim3A_1118, %select_n3A_1094 : vector<16xi1>, vector<16xf32>
        %mul3A_1120 = arith.constant 16 : i32
        %mul3A_1121 = arith.muli %scan3A_998, %mul3A_1120 : i32
        %add3A_1122 = arith.constant 1296 : i32
        %add3A_1123 = arith.addi %add3A_1122, %mul3A_1121 : i32
        %add3A_1124 = arith.constant 5 : i32
        %add3A_1125 = arith.addi %add3A_1123, %add3A_1124 : i32
        %get3A_1126 = arith.index_cast %add3A_1125 : i32 to index
        %get3A_1127 = arith.constant 0 : index
        %get3A_1128 = tpu.vector_load %arg14[%get3A_1126, %get3A_1127] {strides = array<i32>} : memref<1728x32xf32, #tpu.memory_space<vmem>>, vector<16xf32>,
        %get3A_1129 = arith.index_cast %add3A_1125 : i32 to index
        %get3A_1130 = arith.constant 16 : index
        %get3A_1131 = tpu.vector_load %arg14[%get3A_1129, %get3A_1130] {strides = array<i32>} : memref<1728x32xf32, #tpu.memory_space<vmem>>, vector<16xf32>,
        %mul3A_1132 = arith.mulf %get3A_1128, %get3A_692 : vector<16xf32>
        %mul3A_1133 = arith.mulf %get3A_1131, %get3A_699 : vector<16xf32>
        %add3A_1134 = arith.addf %mul3A_1132, %mul3A_1133 : vector<16xf32>
        %broadcast_in_dim3A_1135 = arith.constant true
        %broadcast_in_dim3A_1136 = vector.broadcast %broadcast_in_dim3A_1135 : i1 to vector<16xi1>
        %masked_cumsum3A_1137 = tpu.scan <sum>, %add3A_1134 masked %broadcast_in_dim3A_1136 : vector<16xf32>, vector<16xi1> -> vector<16xf32>
        %slice3A_1138 = vector.extract_strided_slice %masked_cumsum3A_1137 {offsets = [15], sizes = [1], strides = [1]} : vector<16xf32> to vector<1xf32>
        %squeeze3A_1139 = vector.extract %slice3A_1138[0] : f32 from vector<1xf32>
        %eq3A_1140 = arith.constant 5 : i32
        %eq3A_1141 = vector.broadcast %eq3A_1140 : i32 to vector<16xi32>
        %eq3A_1142 = arith.cmpi eq, %iota3A, %eq3A_1141 : vector<16xi32>
        %broadcast_in_dim3A_1143 = vector.broadcast %squeeze3A_1139 : f32 to vector<16xf32>
        %select_n3A_1144 = arith.select %eq3A_1142, %broadcast_in_dim3A_1143, %select_n3A_1119 : vector<16xi1>, vector<16xf32>
        %mul3A_1145 = arith.constant 16 : i32
        %mul3A_1146 = arith.muli %scan3A_998, %mul3A_1145 : i32
        %add3A_1147 = arith.constant 1296 : i32
        %add3A_1148 = arith.addi %add3A_1147, %mul3A_1146 : i32
        %add3A_1149 = arith.constant 6 : i32
        %add3A_1150 = arith.addi %add3A_1148, %add3A_1149 : i32
        %get3A_1151 = arith.index_cast %add3A_1150 : i32 to index
        %get3A_1152 = arith.constant 0 : index
        %get3A_1153 = tpu.vector_load %arg14[%get3A_1151, %get3A_1152] {strides = array<i32>} : memref<1728x32xf32, #tpu.memory_space<vmem>>, vector<16xf32>,
        %get3A_1154 = arith.index_cast %add3A_1150 : i32 to index
        %get3A_1155 = arith.constant 16 : index
        %get3A_1156 = tpu.vector_load %arg14[%get3A_1154, %get3A_1155] {strides = array<i32>} : memref<1728x32xf32, #tpu.memory_space<vmem>>, vector<16xf32>,
        %mul3A_1157 = arith.mulf %get3A_1153, %get3A_692 : vector<16xf32>
        %mul3A_1158 = arith.mulf %get3A_1156, %get3A_699 : vector<16xf32>
        %add3A_1159 = arith.addf %mul3A_1157, %mul3A_1158 : vector<16xf32>
        %broadcast_in_dim3A_1160 = arith.constant true
        %broadcast_in_dim3A_1161 = vector.broadcast %broadcast_in_dim3A_1160 : i1 to vector<16xi1>
        %masked_cumsum3A_1162 = tpu.scan <sum>, %add3A_1159 masked %broadcast_in_dim3A_1161 : vector<16xf32>, vector<16xi1> -> vector<16xf32>
        %slice3A_1163 = vector.extract_strided_slice %masked_cumsum3A_1162 {offsets = [15], sizes = [1], strides = [1]} : vector<16xf32> to vector<1xf32>
        %squeeze3A_1164 = vector.extract %slice3A_1163[0] : f32 from vector<1xf32>
        %eq3A_1165 = arith.constant 6 : i32
        %eq3A_1166 = vector.broadcast %eq3A_1165 : i32 to vector<16xi32>
        %eq3A_1167 = arith.cmpi eq, %iota3A, %eq3A_1166 : vector<16xi32>
        %broadcast_in_dim3A_1168 = vector.broadcast %squeeze3A_1164 : f32 to vector<16xf32>
        %select_n3A_1169 = arith.select %eq3A_1167, %broadcast_in_dim3A_1168, %select_n3A_1144 : vector<16xi1>, vector<16xf32>
        %mul3A_1170 = arith.constant 16 : i32
        %mul3A_1171 = arith.muli %scan3A_998, %mul3A_1170 : i32
        %add3A_1172 = arith.constant 1296 : i32
        %add3A_1173 = arith.addi %add3A_1172, %mul3A_1171 : i32
        %add3A_1174 = arith.constant 7 : i32
        %add3A_1175 = arith.addi %add3A_1173, %add3A_1174 : i32
        %get3A_1176 = arith.index_cast %add3A_1175 : i32 to index
        %get3A_1177 = arith.constant 0 : index
        %get3A_1178 = tpu.vector_load %arg14[%get3A_1176, %get3A_1177] {strides = array<i32>} : memref<1728x32xf32, #tpu.memory_space<vmem>>, vector<16xf32>,
        %get3A_1179 = arith.index_cast %add3A_1175 : i32 to index
        %get3A_1180 = arith.constant 16 : index
        %get3A_1181 = tpu.vector_load %arg14[%get3A_1179, %get3A_1180] {strides = array<i32>} : memref<1728x32xf32, #tpu.memory_space<vmem>>, vector<16xf32>,
        %mul3A_1182 = arith.mulf %get3A_1178, %get3A_692 : vector<16xf32>
        %mul3A_1183 = arith.mulf %get3A_1181, %get3A_699 : vector<16xf32>
        %add3A_1184 = arith.addf %mul3A_1182, %mul3A_1183 : vector<16xf32>
        %broadcast_in_dim3A_1185 = arith.constant true
        %broadcast_in_dim3A_1186 = vector.broadcast %broadcast_in_dim3A_1185 : i1 to vector<16xi1>
        %masked_cumsum3A_1187 = tpu.scan <sum>, %add3A_1184 masked %broadcast_in_dim3A_1186 : vector<16xf32>, vector<16xi1> -> vector<16xf32>
        %slice3A_1188 = vector.extract_strided_slice %masked_cumsum3A_1187 {offsets = [15], sizes = [1], strides = [1]} : vector<16xf32> to vector<1xf32>
        %squeeze3A_1189 = vector.extract %slice3A_1188[0] : f32 from vector<1xf32>
        %eq3A_1190 = arith.constant 7 : i32
        %eq3A_1191 = vector.broadcast %eq3A_1190 : i32 to vector<16xi32>
        %eq3A_1192 = arith.cmpi eq, %iota3A, %eq3A_1191 : vector<16xi32>
        %broadcast_in_dim3A_1193 = vector.broadcast %squeeze3A_1189 : f32 to vector<16xf32>
        %select_n3A_1194 = arith.select %eq3A_1192, %broadcast_in_dim3A_1193, %select_n3A_1169 : vector<16xi1>, vector<16xf32>
        %mul3A_1195 = arith.constant 16 : i32
        %mul3A_1196 = arith.muli %scan3A_998, %mul3A_1195 : i32
        %add3A_1197 = arith.constant 1296 : i32
        %add3A_1198 = arith.addi %add3A_1197, %mul3A_1196 : i32
        %add3A_1199 = arith.constant 8 : i32
        %add3A_1200 = arith.addi %add3A_1198, %add3A_1199 : i32
        %get3A_1201 = arith.index_cast %add3A_1200 : i32 to index
        %get3A_1202 = arith.constant 0 : index
        %get3A_1203 = tpu.vector_load %arg14[%get3A_1201, %get3A_1202] {strides = array<i32>} : memref<1728x32xf32, #tpu.memory_space<vmem>>, vector<16xf32>,
        %get3A_1204 = arith.index_cast %add3A_1200 : i32 to index
        %get3A_1205 = arith.constant 16 : index
        %get3A_1206 = tpu.vector_load %arg14[%get3A_1204, %get3A_1205] {strides = array<i32>} : memref<1728x32xf32, #tpu.memory_space<vmem>>, vector<16xf32>,
        %mul3A_1207 = arith.mulf %get3A_1203, %get3A_692 : vector<16xf32>
        %mul3A_1208 = arith.mulf %get3A_1206, %get3A_699 : vector<16xf32>
        %add3A_1209 = arith.addf %mul3A_1207, %mul3A_1208 : vector<16xf32>
        %broadcast_in_dim3A_1210 = arith.constant true
        %broadcast_in_dim3A_1211 = vector.broadcast %broadcast_in_dim3A_1210 : i1 to vector<16xi1>
        %masked_cumsum3A_1212 = tpu.scan <sum>, %add3A_1209 masked %broadcast_in_dim3A_1211 : vector<16xf32>, vector<16xi1> -> vector<16xf32>
        %slice3A_1213 = vector.extract_strided_slice %masked_cumsum3A_1212 {offsets = [15], sizes = [1], strides = [1]} : vector<16xf32> to vector<1xf32>
        %squeeze3A_1214 = vector.extract %slice3A_1213[0] : f32 from vector<1xf32>
        %eq3A_1215 = arith.constant 8 : i32
        %eq3A_1216 = vector.broadcast %eq3A_1215 : i32 to vector<16xi32>
        %eq3A_1217 = arith.cmpi eq, %iota3A, %eq3A_1216 : vector<16xi32>
        %broadcast_in_dim3A_1218 = vector.broadcast %squeeze3A_1214 : f32 to vector<16xf32>
        %select_n3A_1219 = arith.select %eq3A_1217, %broadcast_in_dim3A_1218, %select_n3A_1194 : vector<16xi1>, vector<16xf32>
        %mul3A_1220 = arith.constant 16 : i32
        %mul3A_1221 = arith.muli %scan3A_998, %mul3A_1220 : i32
        %add3A_1222 = arith.constant 1296 : i32
        %add3A_1223 = arith.addi %add3A_1222, %mul3A_1221 : i32
        %add3A_1224 = arith.constant 9 : i32
        %add3A_1225 = arith.addi %add3A_1223, %add3A_1224 : i32
        %get3A_1226 = arith.index_cast %add3A_1225 : i32 to index
        %get3A_1227 = arith.constant 0 : index
        %get3A_1228 = tpu.vector_load %arg14[%get3A_1226, %get3A_1227] {strides = array<i32>} : memref<1728x32xf32, #tpu.memory_space<vmem>>, vector<16xf32>,
        %get3A_1229 = arith.index_cast %add3A_1225 : i32 to index
        %get3A_1230 = arith.constant 16 : index
        %get3A_1231 = tpu.vector_load %arg14[%get3A_1229, %get3A_1230] {strides = array<i32>} : memref<1728x32xf32, #tpu.memory_space<vmem>>, vector<16xf32>,
        %mul3A_1232 = arith.mulf %get3A_1228, %get3A_692 : vector<16xf32>
        %mul3A_1233 = arith.mulf %get3A_1231, %get3A_699 : vector<16xf32>
        %add3A_1234 = arith.addf %mul3A_1232, %mul3A_1233 : vector<16xf32>
        %broadcast_in_dim3A_1235 = arith.constant true
        %broadcast_in_dim3A_1236 = vector.broadcast %broadcast_in_dim3A_1235 : i1 to vector<16xi1>
        %masked_cumsum3A_1237 = tpu.scan <sum>, %add3A_1234 masked %broadcast_in_dim3A_1236 : vector<16xf32>, vector<16xi1> -> vector<16xf32>
        %slice3A_1238 = vector.extract_strided_slice %masked_cumsum3A_1237 {offsets = [15], sizes = [1], strides = [1]} : vector<16xf32> to vector<1xf32>
        %squeeze3A_1239 = vector.extract %slice3A_1238[0] : f32 from vector<1xf32>
        %eq3A_1240 = arith.constant 9 : i32
        %eq3A_1241 = vector.broadcast %eq3A_1240 : i32 to vector<16xi32>
        %eq3A_1242 = arith.cmpi eq, %iota3A, %eq3A_1241 : vector<16xi32>
        %broadcast_in_dim3A_1243 = vector.broadcast %squeeze3A_1239 : f32 to vector<16xf32>
        %select_n3A_1244 = arith.select %eq3A_1242, %broadcast_in_dim3A_1243, %select_n3A_1219 : vector<16xi1>, vector<16xf32>
        %mul3A_1245 = arith.constant 16 : i32
        %mul3A_1246 = arith.muli %scan3A_998, %mul3A_1245 : i32
        %add3A_1247 = arith.constant 1296 : i32
        %add3A_1248 = arith.addi %add3A_1247, %mul3A_1246 : i32
        %add3A_1249 = arith.constant 10 : i32
        %add3A_1250 = arith.addi %add3A_1248, %add3A_1249 : i32
        %get3A_1251 = arith.index_cast %add3A_1250 : i32 to index
        %get3A_1252 = arith.constant 0 : index
        %get3A_1253 = tpu.vector_load %arg14[%get3A_1251, %get3A_1252] {strides = array<i32>} : memref<1728x32xf32, #tpu.memory_space<vmem>>, vector<16xf32>,
        %get3A_1254 = arith.index_cast %add3A_1250 : i32 to index
        %get3A_1255 = arith.constant 16 : index
        %get3A_1256 = tpu.vector_load %arg14[%get3A_1254, %get3A_1255] {strides = array<i32>} : memref<1728x32xf32, #tpu.memory_space<vmem>>, vector<16xf32>,
        %mul3A_1257 = arith.mulf %get3A_1253, %get3A_692 : vector<16xf32>
        %mul3A_1258 = arith.mulf %get3A_1256, %get3A_699 : vector<16xf32>
        %add3A_1259 = arith.addf %mul3A_1257, %mul3A_1258 : vector<16xf32>
        %broadcast_in_dim3A_1260 = arith.constant true
        %broadcast_in_dim3A_1261 = vector.broadcast %broadcast_in_dim3A_1260 : i1 to vector<16xi1>
        %masked_cumsum3A_1262 = tpu.scan <sum>, %add3A_1259 masked %broadcast_in_dim3A_1261 : vector<16xf32>, vector<16xi1> -> vector<16xf32>
        %slice3A_1263 = vector.extract_strided_slice %masked_cumsum3A_1262 {offsets = [15], sizes = [1], strides = [1]} : vector<16xf32> to vector<1xf32>
        %squeeze3A_1264 = vector.extract %slice3A_1263[0] : f32 from vector<1xf32>
        %eq3A_1265 = arith.constant 10 : i32
        %eq3A_1266 = vector.broadcast %eq3A_1265 : i32 to vector<16xi32>
        %eq3A_1267 = arith.cmpi eq, %iota3A, %eq3A_1266 : vector<16xi32>
        %broadcast_in_dim3A_1268 = vector.broadcast %squeeze3A_1264 : f32 to vector<16xf32>
        %select_n3A_1269 = arith.select %eq3A_1267, %broadcast_in_dim3A_1268, %select_n3A_1244 : vector<16xi1>, vector<16xf32>
        %mul3A_1270 = arith.constant 16 : i32
        %mul3A_1271 = arith.muli %scan3A_998, %mul3A_1270 : i32
        %add3A_1272 = arith.constant 1296 : i32
        %add3A_1273 = arith.addi %add3A_1272, %mul3A_1271 : i32
        %add3A_1274 = arith.constant 11 : i32
        %add3A_1275 = arith.addi %add3A_1273, %add3A_1274 : i32
        %get3A_1276 = arith.index_cast %add3A_1275 : i32 to index
        %get3A_1277 = arith.constant 0 : index
        %get3A_1278 = tpu.vector_load %arg14[%get3A_1276, %get3A_1277] {strides = array<i32>} : memref<1728x32xf32, #tpu.memory_space<vmem>>, vector<16xf32>,
        %get3A_1279 = arith.index_cast %add3A_1275 : i32 to index
        %get3A_1280 = arith.constant 16 : index
        %get3A_1281 = tpu.vector_load %arg14[%get3A_1279, %get3A_1280] {strides = array<i32>} : memref<1728x32xf32, #tpu.memory_space<vmem>>, vector<16xf32>,
        %mul3A_1282 = arith.mulf %get3A_1278, %get3A_692 : vector<16xf32>
        %mul3A_1283 = arith.mulf %get3A_1281, %get3A_699 : vector<16xf32>
        %add3A_1284 = arith.addf %mul3A_1282, %mul3A_1283 : vector<16xf32>
        %broadcast_in_dim3A_1285 = arith.constant true
        %broadcast_in_dim3A_1286 = vector.broadcast %broadcast_in_dim3A_1285 : i1 to vector<16xi1>
        %masked_cumsum3A_1287 = tpu.scan <sum>, %add3A_1284 masked %broadcast_in_dim3A_1286 : vector<16xf32>, vector<16xi1> -> vector<16xf32>
        %slice3A_1288 = vector.extract_strided_slice %masked_cumsum3A_1287 {offsets = [15], sizes = [1], strides = [1]} : vector<16xf32> to vector<1xf32>
        %squeeze3A_1289 = vector.extract %slice3A_1288[0] : f32 from vector<1xf32>
        %eq3A_1290 = arith.constant 11 : i32
        %eq3A_1291 = vector.broadcast %eq3A_1290 : i32 to vector<16xi32>
        %eq3A_1292 = arith.cmpi eq, %iota3A, %eq3A_1291 : vector<16xi32>
        %broadcast_in_dim3A_1293 = vector.broadcast %squeeze3A_1289 : f32 to vector<16xf32>
        %select_n3A_1294 = arith.select %eq3A_1292, %broadcast_in_dim3A_1293, %select_n3A_1269 : vector<16xi1>, vector<16xf32>
        %mul3A_1295 = arith.constant 16 : i32
        %mul3A_1296 = arith.muli %scan3A_998, %mul3A_1295 : i32
        %add3A_1297 = arith.constant 1296 : i32
        %add3A_1298 = arith.addi %add3A_1297, %mul3A_1296 : i32
        %add3A_1299 = arith.constant 12 : i32
        %add3A_1300 = arith.addi %add3A_1298, %add3A_1299 : i32
        %get3A_1301 = arith.index_cast %add3A_1300 : i32 to index
        %get3A_1302 = arith.constant 0 : index
        %get3A_1303 = tpu.vector_load %arg14[%get3A_1301, %get3A_1302] {strides = array<i32>} : memref<1728x32xf32, #tpu.memory_space<vmem>>, vector<16xf32>,
        %get3A_1304 = arith.index_cast %add3A_1300 : i32 to index
        %get3A_1305 = arith.constant 16 : index
        %get3A_1306 = tpu.vector_load %arg14[%get3A_1304, %get3A_1305] {strides = array<i32>} : memref<1728x32xf32, #tpu.memory_space<vmem>>, vector<16xf32>,
        %mul3A_1307 = arith.mulf %get3A_1303, %get3A_692 : vector<16xf32>
        %mul3A_1308 = arith.mulf %get3A_1306, %get3A_699 : vector<16xf32>
        %add3A_1309 = arith.addf %mul3A_1307, %mul3A_1308 : vector<16xf32>
        %broadcast_in_dim3A_1310 = arith.constant true
        %broadcast_in_dim3A_1311 = vector.broadcast %broadcast_in_dim3A_1310 : i1 to vector<16xi1>
        %masked_cumsum3A_1312 = tpu.scan <sum>, %add3A_1309 masked %broadcast_in_dim3A_1311 : vector<16xf32>, vector<16xi1> -> vector<16xf32>
        %slice3A_1313 = vector.extract_strided_slice %masked_cumsum3A_1312 {offsets = [15], sizes = [1], strides = [1]} : vector<16xf32> to vector<1xf32>
        %squeeze3A_1314 = vector.extract %slice3A_1313[0] : f32 from vector<1xf32>
        %eq3A_1315 = arith.constant 12 : i32
        %eq3A_1316 = vector.broadcast %eq3A_1315 : i32 to vector<16xi32>
        %eq3A_1317 = arith.cmpi eq, %iota3A, %eq3A_1316 : vector<16xi32>
        %broadcast_in_dim3A_1318 = vector.broadcast %squeeze3A_1314 : f32 to vector<16xf32>
        %select_n3A_1319 = arith.select %eq3A_1317, %broadcast_in_dim3A_1318, %select_n3A_1294 : vector<16xi1>, vector<16xf32>
        %mul3A_1320 = arith.constant 16 : i32
        %mul3A_1321 = arith.muli %scan3A_998, %mul3A_1320 : i32
        %add3A_1322 = arith.constant 1296 : i32
        %add3A_1323 = arith.addi %add3A_1322, %mul3A_1321 : i32
        %add3A_1324 = arith.constant 13 : i32
        %add3A_1325 = arith.addi %add3A_1323, %add3A_1324 : i32
        %get3A_1326 = arith.index_cast %add3A_1325 : i32 to index
        %get3A_1327 = arith.constant 0 : index
        %get3A_1328 = tpu.vector_load %arg14[%get3A_1326, %get3A_1327] {strides = array<i32>} : memref<1728x32xf32, #tpu.memory_space<vmem>>, vector<16xf32>,
        %get3A_1329 = arith.index_cast %add3A_1325 : i32 to index
        %get3A_1330 = arith.constant 16 : index
        %get3A_1331 = tpu.vector_load %arg14[%get3A_1329, %get3A_1330] {strides = array<i32>} : memref<1728x32xf32, #tpu.memory_space<vmem>>, vector<16xf32>,
        %mul3A_1332 = arith.mulf %get3A_1328, %get3A_692 : vector<16xf32>
        %mul3A_1333 = arith.mulf %get3A_1331, %get3A_699 : vector<16xf32>
        %add3A_1334 = arith.addf %mul3A_1332, %mul3A_1333 : vector<16xf32>
        %broadcast_in_dim3A_1335 = arith.constant true
        %broadcast_in_dim3A_1336 = vector.broadcast %broadcast_in_dim3A_1335 : i1 to vector<16xi1>
        %masked_cumsum3A_1337 = tpu.scan <sum>, %add3A_1334 masked %broadcast_in_dim3A_1336 : vector<16xf32>, vector<16xi1> -> vector<16xf32>
        %slice3A_1338 = vector.extract_strided_slice %masked_cumsum3A_1337 {offsets = [15], sizes = [1], strides = [1]} : vector<16xf32> to vector<1xf32>
        %squeeze3A_1339 = vector.extract %slice3A_1338[0] : f32 from vector<1xf32>
        %eq3A_1340 = arith.constant 13 : i32
        %eq3A_1341 = vector.broadcast %eq3A_1340 : i32 to vector<16xi32>
        %eq3A_1342 = arith.cmpi eq, %iota3A, %eq3A_1341 : vector<16xi32>
        %broadcast_in_dim3A_1343 = vector.broadcast %squeeze3A_1339 : f32 to vector<16xf32>
        %select_n3A_1344 = arith.select %eq3A_1342, %broadcast_in_dim3A_1343, %select_n3A_1319 : vector<16xi1>, vector<16xf32>
        %mul3A_1345 = arith.constant 16 : i32
        %mul3A_1346 = arith.muli %scan3A_998, %mul3A_1345 : i32
        %add3A_1347 = arith.constant 1296 : i32
        %add3A_1348 = arith.addi %add3A_1347, %mul3A_1346 : i32
        %add3A_1349 = arith.constant 14 : i32
        %add3A_1350 = arith.addi %add3A_1348, %add3A_1349 : i32
        %get3A_1351 = arith.index_cast %add3A_1350 : i32 to index
        %get3A_1352 = arith.constant 0 : index
        %get3A_1353 = tpu.vector_load %arg14[%get3A_1351, %get3A_1352] {strides = array<i32>} : memref<1728x32xf32, #tpu.memory_space<vmem>>, vector<16xf32>,
        %get3A_1354 = arith.index_cast %add3A_1350 : i32 to index
        %get3A_1355 = arith.constant 16 : index
        %get3A_1356 = tpu.vector_load %arg14[%get3A_1354, %get3A_1355] {strides = array<i32>} : memref<1728x32xf32, #tpu.memory_space<vmem>>, vector<16xf32>,
        %mul3A_1357 = arith.mulf %get3A_1353, %get3A_692 : vector<16xf32>
        %mul3A_1358 = arith.mulf %get3A_1356, %get3A_699 : vector<16xf32>
        %add3A_1359 = arith.addf %mul3A_1357, %mul3A_1358 : vector<16xf32>
        %broadcast_in_dim3A_1360 = arith.constant true
        %broadcast_in_dim3A_1361 = vector.broadcast %broadcast_in_dim3A_1360 : i1 to vector<16xi1>
        %masked_cumsum3A_1362 = tpu.scan <sum>, %add3A_1359 masked %broadcast_in_dim3A_1361 : vector<16xf32>, vector<16xi1> -> vector<16xf32>
        %slice3A_1363 = vector.extract_strided_slice %masked_cumsum3A_1362 {offsets = [15], sizes = [1], strides = [1]} : vector<16xf32> to vector<1xf32>
        %squeeze3A_1364 = vector.extract %slice3A_1363[0] : f32 from vector<1xf32>
        %eq3A_1365 = arith.constant 14 : i32
        %eq3A_1366 = vector.broadcast %eq3A_1365 : i32 to vector<16xi32>
        %eq3A_1367 = arith.cmpi eq, %iota3A, %eq3A_1366 : vector<16xi32>
        %broadcast_in_dim3A_1368 = vector.broadcast %squeeze3A_1364 : f32 to vector<16xf32>
        %select_n3A_1369 = arith.select %eq3A_1367, %broadcast_in_dim3A_1368, %select_n3A_1344 : vector<16xi1>, vector<16xf32>
        %mul3A_1370 = arith.constant 16 : i32
        %mul3A_1371 = arith.muli %scan3A_998, %mul3A_1370 : i32
        %add3A_1372 = arith.constant 1296 : i32
        %add3A_1373 = arith.addi %add3A_1372, %mul3A_1371 : i32
        %add3A_1374 = arith.constant 15 : i32
        %add3A_1375 = arith.addi %add3A_1373, %add3A_1374 : i32
        %get3A_1376 = arith.index_cast %add3A_1375 : i32 to index
        %get3A_1377 = arith.constant 0 : index
        %get3A_1378 = tpu.vector_load %arg14[%get3A_1376, %get3A_1377] {strides = array<i32>} : memref<1728x32xf32, #tpu.memory_space<vmem>>, vector<16xf32>,
        %get3A_1379 = arith.index_cast %add3A_1375 : i32 to index
        %get3A_1380 = arith.constant 16 : index
        %get3A_1381 = tpu.vector_load %arg14[%get3A_1379, %get3A_1380] {strides = array<i32>} : memref<1728x32xf32, #tpu.memory_space<vmem>>, vector<16xf32>,
        %mul3A_1382 = arith.mulf %get3A_1378, %get3A_692 : vector<16xf32>
        %mul3A_1383 = arith.mulf %get3A_1381, %get3A_699 : vector<16xf32>
        %add3A_1384 = arith.addf %mul3A_1382, %mul3A_1383 : vector<16xf32>
        %broadcast_in_dim3A_1385 = arith.constant true
        %broadcast_in_dim3A_1386 = vector.broadcast %broadcast_in_dim3A_1385 : i1 to vector<16xi1>
        %masked_cumsum3A_1387 = tpu.scan <sum>, %add3A_1384 masked %broadcast_in_dim3A_1386 : vector<16xf32>, vector<16xi1> -> vector<16xf32>
        %slice3A_1388 = vector.extract_strided_slice %masked_cumsum3A_1387 {offsets = [15], sizes = [1], strides = [1]} : vector<16xf32> to vector<1xf32>
        %squeeze3A_1389 = vector.extract %slice3A_1388[0] : f32 from vector<1xf32>
        %eq3A_1390 = arith.constant 15 : i32
        %eq3A_1391 = vector.broadcast %eq3A_1390 : i32 to vector<16xi32>
        %eq3A_1392 = arith.cmpi eq, %iota3A, %eq3A_1391 : vector<16xi32>
        %broadcast_in_dim3A_1393 = vector.broadcast %squeeze3A_1389 : f32 to vector<16xf32>
        %select_n3A_1394 = arith.select %eq3A_1392, %broadcast_in_dim3A_1393, %select_n3A_1369 : vector<16xi1>, vector<16xf32>
        %mul3A_1395 = arith.constant 16 : i32
        %mul3A_1396 = arith.muli %scan3A_998, %mul3A_1395 : i32
        %swap3A = arith.constant 3 : i32
        %swap3A_1397 = arith.index_cast %swap3A : i32 to index
        %swap3A_1398 = arith.index_cast %mul3A_1396 : i32 to index
        %swap3A_1399 = tpu.vector_load %arg16[%swap3A_1397, %swap3A_1398] {strides = array<i32>} : memref<4x432xf32, #tpu.memory_space<vmem>>, vector<16xf32>,
        tpu.vector_store %arg16[%swap3A_1397, %swap3A_1398], %select_n3A_1394 {strides = array<i32>} : memref<4x432xf32, #tpu.memory_space<vmem>>, vector<16xf32>,
      }
      %scan3A_705 = arith.constant 27 : i32
      %mul3A_706 = arith.constant 4 : i32
      %mul3A_707 = arith.muli %mul3A_218, %mul3A_706 : i32
      %add3A_708 = arith.addi %mul3A_2, %mul3A_707 : i32
      "tpu.region"() ({
        %run_scoped3A = tpu.sem_alloc : memref<!tpu.dma_semaphore, #tpu.memory_space<semaphore_mem>>
        %dma_start3A_998 = arith.constant 0 : i32
        %dma_start3A_999 = tpu.memref_slice %arg7[%add3A_708, %dma_start3A_998] : memref<4096x432xf32, #tpu.memory_space<hbm>> -> memref<4x432xf32, #tpu.memory_space<hbm>>
        %dma_start3A_1000 = arith.constant 0 : i32
        %dma_start3A_1001 = tpu.memref_slice %arg7[%add3A_708, %dma_start3A_1000] : memref<4096x432xf32, #tpu.memory_space<hbm>> -> memref<4x432xf32, #tpu.memory_space<hbm>>
        tpu.enqueue_dma source(%arg16 : memref<4x432xf32, #tpu.memory_space<vmem>>) target(%dma_start3A_1001 : memref<4x432xf32, #tpu.memory_space<hbm>>) target_semaphore(%run_scoped3A : memref<!tpu.dma_semaphore, #tpu.memory_space<semaphore_mem>>)
        %dma_wait3A_1002 = arith.constant 0 : i32
        %dma_wait3A_1003 = tpu.memref_slice %arg7[%add3A_708, %dma_wait3A_1002] : memref<4096x432xf32, #tpu.memory_space<hbm>> -> memref<4x432xf32, #tpu.memory_space<hbm>>
        %dma_wait3A_1004 = arith.constant 0 : i32
        %dma_wait3A_1005 = tpu.memref_slice %arg7[%add3A_708, %dma_wait3A_1004] : memref<4096x432xf32, #tpu.memory_space<hbm>> -> memref<4x432xf32, #tpu.memory_space<hbm>>
        tpu.wait_dma2 semaphore(%run_scoped3A : memref<!tpu.dma_semaphore, #tpu.memory_space<semaphore_mem>>) src(%arg16 : memref<4x432xf32, #tpu.memory_space<vmem>>) dst(%dma_wait3A_1005 : memref<4x432xf32, #tpu.memory_space<hbm>>)
        tpu.yield
      }) : () -> ()
      %add3A_709 = arith.constant 2 : i32
      %add3A_710 = arith.addi %mul3A_218, %add3A_709 : i32
      %lt3A = arith.constant 32 : i32
      %lt3A_711 = arith.cmpi slt, %add3A_710, %lt3A : i32
      %convert_element_type3A = arith.extui %lt3A_711 : i1 to i32
      %cond3A = arith.constant 0 : i32
      %cond3A_712 = arith.cmpi ne, %convert_element_type3A, %cond3A : i32
      scf.if %cond3A_712 {
        %add3A_998 = arith.constant 2 : i32
        %add3A_999 = arith.addi %mul3A_218, %add3A_998 : i32
        %mul3A_1000 = arith.constant 4 : i32
        %mul3A_1001 = arith.muli %add3A_999, %mul3A_1000 : i32
        %add3A_1002 = arith.addi %mul3A_2, %mul3A_1001 : i32
        "tpu.region"() ({
          %run_scoped3A = tpu.sem_alloc : memref<!tpu.dma_semaphore, #tpu.memory_space<semaphore_mem>>
          %dma_start3A_1206 = arith.constant 0 : i32
          %dma_start3A_1207 = tpu.memref_slice %arg5[%add3A_1002, %dma_start3A_1206] : memref<4096x20xi32, #tpu.memory_space<hbm>> -> memref<4x20xi32, #tpu.memory_space<hbm>>
          %dma_start3A_1208 = arith.constant 0 : i32
          %dma_start3A_1209 = tpu.memref_slice %arg5[%add3A_1002, %dma_start3A_1208] : memref<4096x20xi32, #tpu.memory_space<hbm>> -> memref<4x20xi32, #tpu.memory_space<hbm>>
          tpu.enqueue_dma source(%dma_start3A_1209 : memref<4x20xi32, #tpu.memory_space<hbm>>) target(%arg10 : memref<4x20xi32, #tpu.memory_space<vmem>>) target_semaphore(%run_scoped3A : memref<!tpu.dma_semaphore, #tpu.memory_space<semaphore_mem>>)
          %dma_wait3A_1210 = arith.constant 0 : i32
          %dma_wait3A_1211 = tpu.memref_slice %arg5[%add3A_1002, %dma_wait3A_1210] : memref<4096x20xi32, #tpu.memory_space<hbm>> -> memref<4x20xi32, #tpu.memory_space<hbm>>
          %dma_wait3A_1212 = arith.constant 0 : i32
          %dma_wait3A_1213 = tpu.memref_slice %arg5[%add3A_1002, %dma_wait3A_1212] : memref<4096x20xi32, #tpu.memory_space<hbm>> -> memref<4x20xi32, #tpu.memory_space<hbm>>
          tpu.wait_dma2 semaphore(%run_scoped3A : memref<!tpu.dma_semaphore, #tpu.memory_space<semaphore_mem>>) src(%dma_wait3A_1213 : memref<4x20xi32, #tpu.memory_space<hbm>>) dst(%arg10 : memref<4x20xi32, #tpu.memory_space<vmem>>)
          tpu.yield
        }) : () -> ()
        %mul3A_1003 = arith.constant 4 : i32
        %mul3A_1004 = arith.muli %add3A_999, %mul3A_1003 : i32
        %add3A_1005 = arith.addi %mul3A_2, %mul3A_1004 : i32
        "tpu.region"() ({
          %run_scoped3A = tpu.sem_alloc : memref<!tpu.dma_semaphore, #tpu.memory_space<semaphore_mem>>
          %dma_start3A_1206 = arith.constant 0 : i32
          %dma_start3A_1207 = tpu.memref_slice %arg6[%add3A_1005, %dma_start3A_1206] : memref<4096x400xi32, #tpu.memory_space<hbm>> -> memref<4x400xi32, #tpu.memory_space<hbm>>
          %dma_start3A_1208 = arith.constant 0 : i32
          %dma_start3A_1209 = tpu.memref_slice %arg6[%add3A_1005, %dma_start3A_1208] : memref<4096x400xi32, #tpu.memory_space<hbm>> -> memref<4x400xi32, #tpu.memory_space<hbm>>
          tpu.enqueue_dma source(%dma_start3A_1209 : memref<4x400xi32, #tpu.memory_space<hbm>>) target(%arg12 : memref<4x400xi32, #tpu.memory_space<vmem>>) target_semaphore(%run_scoped3A : memref<!tpu.dma_semaphore, #tpu.memory_space<semaphore_mem>>)
          %dma_wait3A_1210 = arith.constant 0 : i32
          %dma_wait3A_1211 = tpu.memref_slice %arg6[%add3A_1005, %dma_wait3A_1210] : memref<4096x400xi32, #tpu.memory_space<hbm>> -> memref<4x400xi32, #tpu.memory_space<hbm>>
          %dma_wait3A_1212 = arith.constant 0 : i32
          %dma_wait3A_1213 = tpu.memref_slice %arg6[%add3A_1005, %dma_wait3A_1212] : memref<4096x400xi32, #tpu.memory_space<hbm>> -> memref<4x400xi32, #tpu.memory_space<hbm>>
          tpu.wait_dma2 semaphore(%run_scoped3A : memref<!tpu.dma_semaphore, #tpu.memory_space<semaphore_mem>>) src(%dma_wait3A_1213 : memref<4x400xi32, #tpu.memory_space<hbm>>) dst(%arg12 : memref<4x400xi32, #tpu.memory_space<vmem>>)
          tpu.yield
        }) : () -> ()
        %dma_start3A_1006 = arith.constant 0 : i32
        %dma_start3A_1007 = arith.constant 0 : i32
        %dma_start3A_1008 = arith.constant 0 : i32
        %dma_start3A_1009 = tpu.memref_slice %arg14[%dma_start3A_1007, %dma_start3A_1008] : memref<1728x32xf32, #tpu.memory_space<vmem>> -> memref<20x32xf32, #tpu.memory_space<vmem>>
        %dma_start3A_1010 = arith.constant 0 : i32
        %dma_start3A_1011 = tpu.memref_slice %arg10[%dma_start3A_1006, %dma_start3A_1010] : memref<4x20xi32, #tpu.memory_space<vmem>> -> memref<1x20xi32, #tpu.memory_space<vmem>>
        %dma_start3A_1012 = tpu.memref_squeeze %dma_start3A_1011 : memref<1x20xi32, #tpu.memory_space<vmem>> -> memref<20xi32, #tpu.memory_space<vmem>>
        %dma_start3A_1013 = arith.constant 0 : i32
        %dma_start3A_1014 = arith.constant 0 : i32
        %dma_start3A_1015 = tpu.memref_slice %arg3[%dma_start3A_1013, %dma_start3A_1014] : memref<1000000x32xf32, #tpu.memory_space<hbm>> -> memref<1000000x32xf32, #tpu.memory_space<hbm>>
        tpu.enqueue_indirect_dma source(%dma_start3A_1015 : memref<1000000x32xf32, #tpu.memory_space<hbm>>) target(%dma_start3A_1009 : memref<20x32xf32, #tpu.memory_space<vmem>>) offsets(%dma_start3A_1012 : memref<20xi32, #tpu.memory_space<vmem>>) semaphore(%arg18 : memref<!tpu.dma_semaphore, #tpu.memory_space<semaphore_mem>>)
        %dma_start3A_1016 = arith.constant 0 : i32
        %dma_start3A_1017 = arith.constant 20 : i32
        %dma_start3A_1018 = arith.constant 0 : i32
        %dma_start3A_1019 = tpu.memref_slice %arg14[%dma_start3A_1017, %dma_start3A_1018] : memref<1728x32xf32, #tpu.memory_space<vmem>> -> memref<128x32xf32, #tpu.memory_space<vmem>>
        %dma_start3A_1020 = arith.constant 0 : i32
        %dma_start3A_1021 = tpu.memref_slice %arg12[%dma_start3A_1016, %dma_start3A_1020] : memref<4x400xi32, #tpu.memory_space<vmem>> -> memref<1x128xi32, #tpu.memory_space<vmem>>
        %dma_start3A_1022 = tpu.memref_squeeze %dma_start3A_1021 : memref<1x128xi32, #tpu.memory_space<vmem>> -> memref<128xi32, #tpu.memory_space<vmem>>
        %dma_start3A_1023 = arith.constant 0 : i32
        %dma_start3A_1024 = arith.constant 0 : i32
        %dma_start3A_1025 = tpu.memref_slice %arg3[%dma_start3A_1023, %dma_start3A_1024] : memref<1000000x32xf32, #tpu.memory_space<hbm>> -> memref<1000000x32xf32, #tpu.memory_space<hbm>>
        tpu.enqueue_indirect_dma source(%dma_start3A_1025 : memref<1000000x32xf32, #tpu.memory_space<hbm>>) target(%dma_start3A_1019 : memref<128x32xf32, #tpu.memory_space<vmem>>) offsets(%dma_start3A_1022 : memref<128xi32, #tpu.memory_space<vmem>>) semaphore(%arg18 : memref<!tpu.dma_semaphore, #tpu.memory_space<semaphore_mem>>)
        %dma_start3A_1026 = arith.constant 0 : i32
        %dma_start3A_1027 = arith.constant 148 : i32
        %dma_start3A_1028 = arith.constant 0 : i32
        %dma_start3A_1029 = tpu.memref_slice %arg14[%dma_start3A_1027, %dma_start3A_1028] : memref<1728x32xf32, #tpu.memory_space<vmem>> -> memref<128x32xf32, #tpu.memory_space<vmem>>
        %dma_start3A_1030 = arith.constant 128 : i32
        %dma_start3A_1031 = tpu.memref_slice %arg12[%dma_start3A_1026, %dma_start3A_1030] : memref<4x400xi32, #tpu.memory_space<vmem>> -> memref<1x128xi32, #tpu.memory_space<vmem>>
        %dma_start3A_1032 = tpu.memref_squeeze %dma_start3A_1031 : memref<1x128xi32, #tpu.memory_space<vmem>> -> memref<128xi32, #tpu.memory_space<vmem>>
        %dma_start3A_1033 = arith.constant 0 : i32
        %dma_start3A_1034 = arith.constant 0 : i32
        %dma_start3A_1035 = tpu.memref_slice %arg3[%dma_start3A_1033, %dma_start3A_1034] : memref<1000000x32xf32, #tpu.memory_space<hbm>> -> memref<1000000x32xf32, #tpu.memory_space<hbm>>
        tpu.enqueue_indirect_dma source(%dma_start3A_1035 : memref<1000000x32xf32, #tpu.memory_space<hbm>>) target(%dma_start3A_1029 : memref<128x32xf32, #tpu.memory_space<vmem>>) offsets(%dma_start3A_1032 : memref<128xi32, #tpu.memory_space<vmem>>) semaphore(%arg18 : memref<!tpu.dma_semaphore, #tpu.memory_space<semaphore_mem>>)
        %dma_start3A_1036 = arith.constant 0 : i32
        %dma_start3A_1037 = arith.constant 276 : i32
        %dma_start3A_1038 = arith.constant 0 : i32
        %dma_start3A_1039 = tpu.memref_slice %arg14[%dma_start3A_1037, %dma_start3A_1038] : memref<1728x32xf32, #tpu.memory_space<vmem>> -> memref<128x32xf32, #tpu.memory_space<vmem>>
        %dma_start3A_1040 = arith.constant 256 : i32
        %dma_start3A_1041 = tpu.memref_slice %arg12[%dma_start3A_1036, %dma_start3A_1040] : memref<4x400xi32, #tpu.memory_space<vmem>> -> memref<1x128xi32, #tpu.memory_space<vmem>>
        %dma_start3A_1042 = tpu.memref_squeeze %dma_start3A_1041 : memref<1x128xi32, #tpu.memory_space<vmem>> -> memref<128xi32, #tpu.memory_space<vmem>>
        %dma_start3A_1043 = arith.constant 0 : i32
        %dma_start3A_1044 = arith.constant 0 : i32
        %dma_start3A_1045 = tpu.memref_slice %arg3[%dma_start3A_1043, %dma_start3A_1044] : memref<1000000x32xf32, #tpu.memory_space<hbm>> -> memref<1000000x32xf32, #tpu.memory_space<hbm>>
        tpu.enqueue_indirect_dma source(%dma_start3A_1045 : memref<1000000x32xf32, #tpu.memory_space<hbm>>) target(%dma_start3A_1039 : memref<128x32xf32, #tpu.memory_space<vmem>>) offsets(%dma_start3A_1042 : memref<128xi32, #tpu.memory_space<vmem>>) semaphore(%arg18 : memref<!tpu.dma_semaphore, #tpu.memory_space<semaphore_mem>>)
        %dma_start3A_1046 = arith.constant 0 : i32
        %dma_start3A_1047 = arith.constant 404 : i32
        %dma_start3A_1048 = arith.constant 0 : i32
        %dma_start3A_1049 = tpu.memref_slice %arg14[%dma_start3A_1047, %dma_start3A_1048] : memref<1728x32xf32, #tpu.memory_space<vmem>> -> memref<16x32xf32, #tpu.memory_space<vmem>>
        %dma_start3A_1050 = arith.constant 384 : i32
        %dma_start3A_1051 = tpu.memref_slice %arg12[%dma_start3A_1046, %dma_start3A_1050] : memref<4x400xi32, #tpu.memory_space<vmem>> -> memref<1x16xi32, #tpu.memory_space<vmem>>
        %dma_start3A_1052 = tpu.memref_squeeze %dma_start3A_1051 : memref<1x16xi32, #tpu.memory_space<vmem>> -> memref<16xi32, #tpu.memory_space<vmem>>
        %dma_start3A_1053 = arith.constant 0 : i32
        %dma_start3A_1054 = arith.constant 0 : i32
        %dma_start3A_1055 = tpu.memref_slice %arg3[%dma_start3A_1053, %dma_start3A_1054] : memref<1000000x32xf32, #tpu.memory_space<hbm>> -> memref<1000000x32xf32, #tpu.memory_space<hbm>>
        tpu.enqueue_indirect_dma source(%dma_start3A_1055 : memref<1000000x32xf32, #tpu.memory_space<hbm>>) target(%dma_start3A_1049 : memref<16x32xf32, #tpu.memory_space<vmem>>) offsets(%dma_start3A_1052 : memref<16xi32, #tpu.memory_space<vmem>>) semaphore(%arg18 : memref<!tpu.dma_semaphore, #tpu.memory_space<semaphore_mem>>)
        %dma_start3A_1056 = arith.constant 1 : i32
        %dma_start3A_1057 = arith.constant 432 : i32
        %dma_start3A_1058 = arith.constant 0 : i32
        %dma_start3A_1059 = tpu.memref_slice %arg14[%dma_start3A_1057, %dma_start3A_1058] : memref<1728x32xf32, #tpu.memory_space<vmem>> -> memref<20x32xf32, #tpu.memory_space<vmem>>
        %dma_start3A_1060 = arith.constant 0 : i32
        %dma_start3A_1061 = tpu.memref_slice %arg10[%dma_start3A_1056, %dma_start3A_1060] : memref<4x20xi32, #tpu.memory_space<vmem>> -> memref<1x20xi32, #tpu.memory_space<vmem>>
        %dma_start3A_1062 = tpu.memref_squeeze %dma_start3A_1061 : memref<1x20xi32, #tpu.memory_space<vmem>> -> memref<20xi32, #tpu.memory_space<vmem>>
        %dma_start3A_1063 = arith.constant 0 : i32
        %dma_start3A_1064 = arith.constant 0 : i32
        %dma_start3A_1065 = tpu.memref_slice %arg3[%dma_start3A_1063, %dma_start3A_1064] : memref<1000000x32xf32, #tpu.memory_space<hbm>> -> memref<1000000x32xf32, #tpu.memory_space<hbm>>
        tpu.enqueue_indirect_dma source(%dma_start3A_1065 : memref<1000000x32xf32, #tpu.memory_space<hbm>>) target(%dma_start3A_1059 : memref<20x32xf32, #tpu.memory_space<vmem>>) offsets(%dma_start3A_1062 : memref<20xi32, #tpu.memory_space<vmem>>) semaphore(%arg18 : memref<!tpu.dma_semaphore, #tpu.memory_space<semaphore_mem>>)
        %dma_start3A_1066 = arith.constant 1 : i32
        %dma_start3A_1067 = arith.constant 452 : i32
        %dma_start3A_1068 = arith.constant 0 : i32
        %dma_start3A_1069 = tpu.memref_slice %arg14[%dma_start3A_1067, %dma_start3A_1068] : memref<1728x32xf32, #tpu.memory_space<vmem>> -> memref<128x32xf32, #tpu.memory_space<vmem>>
        %dma_start3A_1070 = arith.constant 0 : i32
        %dma_start3A_1071 = tpu.memref_slice %arg12[%dma_start3A_1066, %dma_start3A_1070] : memref<4x400xi32, #tpu.memory_space<vmem>> -> memref<1x128xi32, #tpu.memory_space<vmem>>
        %dma_start3A_1072 = tpu.memref_squeeze %dma_start3A_1071 : memref<1x128xi32, #tpu.memory_space<vmem>> -> memref<128xi32, #tpu.memory_space<vmem>>
        %dma_start3A_1073 = arith.constant 0 : i32
        %dma_start3A_1074 = arith.constant 0 : i32
        %dma_start3A_1075 = tpu.memref_slice %arg3[%dma_start3A_1073, %dma_start3A_1074] : memref<1000000x32xf32, #tpu.memory_space<hbm>> -> memref<1000000x32xf32, #tpu.memory_space<hbm>>
        tpu.enqueue_indirect_dma source(%dma_start3A_1075 : memref<1000000x32xf32, #tpu.memory_space<hbm>>) target(%dma_start3A_1069 : memref<128x32xf32, #tpu.memory_space<vmem>>) offsets(%dma_start3A_1072 : memref<128xi32, #tpu.memory_space<vmem>>) semaphore(%arg18 : memref<!tpu.dma_semaphore, #tpu.memory_space<semaphore_mem>>)
        %dma_start3A_1076 = arith.constant 1 : i32
        %dma_start3A_1077 = arith.constant 580 : i32
        %dma_start3A_1078 = arith.constant 0 : i32
        %dma_start3A_1079 = tpu.memref_slice %arg14[%dma_start3A_1077, %dma_start3A_1078] : memref<1728x32xf32, #tpu.memory_space<vmem>> -> memref<128x32xf32, #tpu.memory_space<vmem>>
        %dma_start3A_1080 = arith.constant 128 : i32
        %dma_start3A_1081 = tpu.memref_slice %arg12[%dma_start3A_1076, %dma_start3A_1080] : memref<4x400xi32, #tpu.memory_space<vmem>> -> memref<1x128xi32, #tpu.memory_space<vmem>>
        %dma_start3A_1082 = tpu.memref_squeeze %dma_start3A_1081 : memref<1x128xi32, #tpu.memory_space<vmem>> -> memref<128xi32, #tpu.memory_space<vmem>>
        %dma_start3A_1083 = arith.constant 0 : i32
        %dma_start3A_1084 = arith.constant 0 : i32
        %dma_start3A_1085 = tpu.memref_slice %arg3[%dma_start3A_1083, %dma_start3A_1084] : memref<1000000x32xf32, #tpu.memory_space<hbm>> -> memref<1000000x32xf32, #tpu.memory_space<hbm>>
        tpu.enqueue_indirect_dma source(%dma_start3A_1085 : memref<1000000x32xf32, #tpu.memory_space<hbm>>) target(%dma_start3A_1079 : memref<128x32xf32, #tpu.memory_space<vmem>>) offsets(%dma_start3A_1082 : memref<128xi32, #tpu.memory_space<vmem>>) semaphore(%arg18 : memref<!tpu.dma_semaphore, #tpu.memory_space<semaphore_mem>>)
        %dma_start3A_1086 = arith.constant 1 : i32
        %dma_start3A_1087 = arith.constant 708 : i32
        %dma_start3A_1088 = arith.constant 0 : i32
        %dma_start3A_1089 = tpu.memref_slice %arg14[%dma_start3A_1087, %dma_start3A_1088] : memref<1728x32xf32, #tpu.memory_space<vmem>> -> memref<128x32xf32, #tpu.memory_space<vmem>>
        %dma_start3A_1090 = arith.constant 256 : i32
        %dma_start3A_1091 = tpu.memref_slice %arg12[%dma_start3A_1086, %dma_start3A_1090] : memref<4x400xi32, #tpu.memory_space<vmem>> -> memref<1x128xi32, #tpu.memory_space<vmem>>
        %dma_start3A_1092 = tpu.memref_squeeze %dma_start3A_1091 : memref<1x128xi32, #tpu.memory_space<vmem>> -> memref<128xi32, #tpu.memory_space<vmem>>
        %dma_start3A_1093 = arith.constant 0 : i32
        %dma_start3A_1094 = arith.constant 0 : i32
        %dma_start3A_1095 = tpu.memref_slice %arg3[%dma_start3A_1093, %dma_start3A_1094] : memref<1000000x32xf32, #tpu.memory_space<hbm>> -> memref<1000000x32xf32, #tpu.memory_space<hbm>>
        tpu.enqueue_indirect_dma source(%dma_start3A_1095 : memref<1000000x32xf32, #tpu.memory_space<hbm>>) target(%dma_start3A_1089 : memref<128x32xf32, #tpu.memory_space<vmem>>) offsets(%dma_start3A_1092 : memref<128xi32, #tpu.memory_space<vmem>>) semaphore(%arg18 : memref<!tpu.dma_semaphore, #tpu.memory_space<semaphore_mem>>)
        %dma_start3A_1096 = arith.constant 1 : i32
        %dma_start3A_1097 = arith.constant 836 : i32
        %dma_start3A_1098 = arith.constant 0 : i32
        %dma_start3A_1099 = tpu.memref_slice %arg14[%dma_start3A_1097, %dma_start3A_1098] : memref<1728x32xf32, #tpu.memory_space<vmem>> -> memref<16x32xf32, #tpu.memory_space<vmem>>
        %dma_start3A_1100 = arith.constant 384 : i32
        %dma_start3A_1101 = tpu.memref_slice %arg12[%dma_start3A_1096, %dma_start3A_1100] : memref<4x400xi32, #tpu.memory_space<vmem>> -> memref<1x16xi32, #tpu.memory_space<vmem>>
        %dma_start3A_1102 = tpu.memref_squeeze %dma_start3A_1101 : memref<1x16xi32, #tpu.memory_space<vmem>> -> memref<16xi32, #tpu.memory_space<vmem>>
        %dma_start3A_1103 = arith.constant 0 : i32
        %dma_start3A_1104 = arith.constant 0 : i32
        %dma_start3A_1105 = tpu.memref_slice %arg3[%dma_start3A_1103, %dma_start3A_1104] : memref<1000000x32xf32, #tpu.memory_space<hbm>> -> memref<1000000x32xf32, #tpu.memory_space<hbm>>
        tpu.enqueue_indirect_dma source(%dma_start3A_1105 : memref<1000000x32xf32, #tpu.memory_space<hbm>>) target(%dma_start3A_1099 : memref<16x32xf32, #tpu.memory_space<vmem>>) offsets(%dma_start3A_1102 : memref<16xi32, #tpu.memory_space<vmem>>) semaphore(%arg18 : memref<!tpu.dma_semaphore, #tpu.memory_space<semaphore_mem>>)
        %dma_start3A_1106 = arith.constant 2 : i32
        %dma_start3A_1107 = arith.constant 864 : i32
        %dma_start3A_1108 = arith.constant 0 : i32
        %dma_start3A_1109 = tpu.memref_slice %arg14[%dma_start3A_1107, %dma_start3A_1108] : memref<1728x32xf32, #tpu.memory_space<vmem>> -> memref<20x32xf32, #tpu.memory_space<vmem>>
        %dma_start3A_1110 = arith.constant 0 : i32
        %dma_start3A_1111 = tpu.memref_slice %arg10[%dma_start3A_1106, %dma_start3A_1110] : memref<4x20xi32, #tpu.memory_space<vmem>> -> memref<1x20xi32, #tpu.memory_space<vmem>>
        %dma_start3A_1112 = tpu.memref_squeeze %dma_start3A_1111 : memref<1x20xi32, #tpu.memory_space<vmem>> -> memref<20xi32, #tpu.memory_space<vmem>>
        %dma_start3A_1113 = arith.constant 0 : i32
        %dma_start3A_1114 = arith.constant 0 : i32
        %dma_start3A_1115 = tpu.memref_slice %arg3[%dma_start3A_1113, %dma_start3A_1114] : memref<1000000x32xf32, #tpu.memory_space<hbm>> -> memref<1000000x32xf32, #tpu.memory_space<hbm>>
        tpu.enqueue_indirect_dma source(%dma_start3A_1115 : memref<1000000x32xf32, #tpu.memory_space<hbm>>) target(%dma_start3A_1109 : memref<20x32xf32, #tpu.memory_space<vmem>>) offsets(%dma_start3A_1112 : memref<20xi32, #tpu.memory_space<vmem>>) semaphore(%arg18 : memref<!tpu.dma_semaphore, #tpu.memory_space<semaphore_mem>>)
        %dma_start3A_1116 = arith.constant 2 : i32
        %dma_start3A_1117 = arith.constant 884 : i32
        %dma_start3A_1118 = arith.constant 0 : i32
        %dma_start3A_1119 = tpu.memref_slice %arg14[%dma_start3A_1117, %dma_start3A_1118] : memref<1728x32xf32, #tpu.memory_space<vmem>> -> memref<128x32xf32, #tpu.memory_space<vmem>>
        %dma_start3A_1120 = arith.constant 0 : i32
        %dma_start3A_1121 = tpu.memref_slice %arg12[%dma_start3A_1116, %dma_start3A_1120] : memref<4x400xi32, #tpu.memory_space<vmem>> -> memref<1x128xi32, #tpu.memory_space<vmem>>
        %dma_start3A_1122 = tpu.memref_squeeze %dma_start3A_1121 : memref<1x128xi32, #tpu.memory_space<vmem>> -> memref<128xi32, #tpu.memory_space<vmem>>
        %dma_start3A_1123 = arith.constant 0 : i32
        %dma_start3A_1124 = arith.constant 0 : i32
        %dma_start3A_1125 = tpu.memref_slice %arg3[%dma_start3A_1123, %dma_start3A_1124] : memref<1000000x32xf32, #tpu.memory_space<hbm>> -> memref<1000000x32xf32, #tpu.memory_space<hbm>>
        tpu.enqueue_indirect_dma source(%dma_start3A_1125 : memref<1000000x32xf32, #tpu.memory_space<hbm>>) target(%dma_start3A_1119 : memref<128x32xf32, #tpu.memory_space<vmem>>) offsets(%dma_start3A_1122 : memref<128xi32, #tpu.memory_space<vmem>>) semaphore(%arg18 : memref<!tpu.dma_semaphore, #tpu.memory_space<semaphore_mem>>)
        %dma_start3A_1126 = arith.constant 2 : i32
        %dma_start3A_1127 = arith.constant 1012 : i32
        %dma_start3A_1128 = arith.constant 0 : i32
        %dma_start3A_1129 = tpu.memref_slice %arg14[%dma_start3A_1127, %dma_start3A_1128] : memref<1728x32xf32, #tpu.memory_space<vmem>> -> memref<128x32xf32, #tpu.memory_space<vmem>>
        %dma_start3A_1130 = arith.constant 128 : i32
        %dma_start3A_1131 = tpu.memref_slice %arg12[%dma_start3A_1126, %dma_start3A_1130] : memref<4x400xi32, #tpu.memory_space<vmem>> -> memref<1x128xi32, #tpu.memory_space<vmem>>
        %dma_start3A_1132 = tpu.memref_squeeze %dma_start3A_1131 : memref<1x128xi32, #tpu.memory_space<vmem>> -> memref<128xi32, #tpu.memory_space<vmem>>
        %dma_start3A_1133 = arith.constant 0 : i32
        %dma_start3A_1134 = arith.constant 0 : i32
        %dma_start3A_1135 = tpu.memref_slice %arg3[%dma_start3A_1133, %dma_start3A_1134] : memref<1000000x32xf32, #tpu.memory_space<hbm>> -> memref<1000000x32xf32, #tpu.memory_space<hbm>>
        tpu.enqueue_indirect_dma source(%dma_start3A_1135 : memref<1000000x32xf32, #tpu.memory_space<hbm>>) target(%dma_start3A_1129 : memref<128x32xf32, #tpu.memory_space<vmem>>) offsets(%dma_start3A_1132 : memref<128xi32, #tpu.memory_space<vmem>>) semaphore(%arg18 : memref<!tpu.dma_semaphore, #tpu.memory_space<semaphore_mem>>)
        %dma_start3A_1136 = arith.constant 2 : i32
        %dma_start3A_1137 = arith.constant 1140 : i32
        %dma_start3A_1138 = arith.constant 0 : i32
        %dma_start3A_1139 = tpu.memref_slice %arg14[%dma_start3A_1137, %dma_start3A_1138] : memref<1728x32xf32, #tpu.memory_space<vmem>> -> memref<128x32xf32, #tpu.memory_space<vmem>>
        %dma_start3A_1140 = arith.constant 256 : i32
        %dma_start3A_1141 = tpu.memref_slice %arg12[%dma_start3A_1136, %dma_start3A_1140] : memref<4x400xi32, #tpu.memory_space<vmem>> -> memref<1x128xi32, #tpu.memory_space<vmem>>
        %dma_start3A_1142 = tpu.memref_squeeze %dma_start3A_1141 : memref<1x128xi32, #tpu.memory_space<vmem>> -> memref<128xi32, #tpu.memory_space<vmem>>
        %dma_start3A_1143 = arith.constant 0 : i32
        %dma_start3A_1144 = arith.constant 0 : i32
        %dma_start3A_1145 = tpu.memref_slice %arg3[%dma_start3A_1143, %dma_start3A_1144] : memref<1000000x32xf32, #tpu.memory_space<hbm>> -> memref<1000000x32xf32, #tpu.memory_space<hbm>>
        tpu.enqueue_indirect_dma source(%dma_start3A_1145 : memref<1000000x32xf32, #tpu.memory_space<hbm>>) target(%dma_start3A_1139 : memref<128x32xf32, #tpu.memory_space<vmem>>) offsets(%dma_start3A_1142 : memref<128xi32, #tpu.memory_space<vmem>>) semaphore(%arg18 : memref<!tpu.dma_semaphore, #tpu.memory_space<semaphore_mem>>)
        %dma_start3A_1146 = arith.constant 2 : i32
        %dma_start3A_1147 = arith.constant 1268 : i32
        %dma_start3A_1148 = arith.constant 0 : i32
        %dma_start3A_1149 = tpu.memref_slice %arg14[%dma_start3A_1147, %dma_start3A_1148] : memref<1728x32xf32, #tpu.memory_space<vmem>> -> memref<16x32xf32, #tpu.memory_space<vmem>>
        %dma_start3A_1150 = arith.constant 384 : i32
        %dma_start3A_1151 = tpu.memref_slice %arg12[%dma_start3A_1146, %dma_start3A_1150] : memref<4x400xi32, #tpu.memory_space<vmem>> -> memref<1x16xi32, #tpu.memory_space<vmem>>
        %dma_start3A_1152 = tpu.memref_squeeze %dma_start3A_1151 : memref<1x16xi32, #tpu.memory_space<vmem>> -> memref<16xi32, #tpu.memory_space<vmem>>
        %dma_start3A_1153 = arith.constant 0 : i32
        %dma_start3A_1154 = arith.constant 0 : i32
        %dma_start3A_1155 = tpu.memref_slice %arg3[%dma_start3A_1153, %dma_start3A_1154] : memref<1000000x32xf32, #tpu.memory_space<hbm>> -> memref<1000000x32xf32, #tpu.memory_space<hbm>>
        tpu.enqueue_indirect_dma source(%dma_start3A_1155 : memref<1000000x32xf32, #tpu.memory_space<hbm>>) target(%dma_start3A_1149 : memref<16x32xf32, #tpu.memory_space<vmem>>) offsets(%dma_start3A_1152 : memref<16xi32, #tpu.memory_space<vmem>>) semaphore(%arg18 : memref<!tpu.dma_semaphore, #tpu.memory_space<semaphore_mem>>)
        %dma_start3A_1156 = arith.constant 3 : i32
        %dma_start3A_1157 = arith.constant 1296 : i32
        %dma_start3A_1158 = arith.constant 0 : i32
        %dma_start3A_1159 = tpu.memref_slice %arg14[%dma_start3A_1157, %dma_start3A_1158] : memref<1728x32xf32, #tpu.memory_space<vmem>> -> memref<20x32xf32, #tpu.memory_space<vmem>>
        %dma_start3A_1160 = arith.constant 0 : i32
        %dma_start3A_1161 = tpu.memref_slice %arg10[%dma_start3A_1156, %dma_start3A_1160] : memref<4x20xi32, #tpu.memory_space<vmem>> -> memref<1x20xi32, #tpu.memory_space<vmem>>
        %dma_start3A_1162 = tpu.memref_squeeze %dma_start3A_1161 : memref<1x20xi32, #tpu.memory_space<vmem>> -> memref<20xi32, #tpu.memory_space<vmem>>
        %dma_start3A_1163 = arith.constant 0 : i32
        %dma_start3A_1164 = arith.constant 0 : i32
        %dma_start3A_1165 = tpu.memref_slice %arg3[%dma_start3A_1163, %dma_start3A_1164] : memref<1000000x32xf32, #tpu.memory_space<hbm>> -> memref<1000000x32xf32, #tpu.memory_space<hbm>>
        tpu.enqueue_indirect_dma source(%dma_start3A_1165 : memref<1000000x32xf32, #tpu.memory_space<hbm>>) target(%dma_start3A_1159 : memref<20x32xf32, #tpu.memory_space<vmem>>) offsets(%dma_start3A_1162 : memref<20xi32, #tpu.memory_space<vmem>>) semaphore(%arg18 : memref<!tpu.dma_semaphore, #tpu.memory_space<semaphore_mem>>)
        %dma_start3A_1166 = arith.constant 3 : i32
        %dma_start3A_1167 = arith.constant 1316 : i32
        %dma_start3A_1168 = arith.constant 0 : i32
        %dma_start3A_1169 = tpu.memref_slice %arg14[%dma_start3A_1167, %dma_start3A_1168] : memref<1728x32xf32, #tpu.memory_space<vmem>> -> memref<128x32xf32, #tpu.memory_space<vmem>>
        %dma_start3A_1170 = arith.constant 0 : i32
        %dma_start3A_1171 = tpu.memref_slice %arg12[%dma_start3A_1166, %dma_start3A_1170] : memref<4x400xi32, #tpu.memory_space<vmem>> -> memref<1x128xi32, #tpu.memory_space<vmem>>
        %dma_start3A_1172 = tpu.memref_squeeze %dma_start3A_1171 : memref<1x128xi32, #tpu.memory_space<vmem>> -> memref<128xi32, #tpu.memory_space<vmem>>
        %dma_start3A_1173 = arith.constant 0 : i32
        %dma_start3A_1174 = arith.constant 0 : i32
        %dma_start3A_1175 = tpu.memref_slice %arg3[%dma_start3A_1173, %dma_start3A_1174] : memref<1000000x32xf32, #tpu.memory_space<hbm>> -> memref<1000000x32xf32, #tpu.memory_space<hbm>>
        tpu.enqueue_indirect_dma source(%dma_start3A_1175 : memref<1000000x32xf32, #tpu.memory_space<hbm>>) target(%dma_start3A_1169 : memref<128x32xf32, #tpu.memory_space<vmem>>) offsets(%dma_start3A_1172 : memref<128xi32, #tpu.memory_space<vmem>>) semaphore(%arg18 : memref<!tpu.dma_semaphore, #tpu.memory_space<semaphore_mem>>)
        %dma_start3A_1176 = arith.constant 3 : i32
        %dma_start3A_1177 = arith.constant 1444 : i32
        %dma_start3A_1178 = arith.constant 0 : i32
        %dma_start3A_1179 = tpu.memref_slice %arg14[%dma_start3A_1177, %dma_start3A_1178] : memref<1728x32xf32, #tpu.memory_space<vmem>> -> memref<128x32xf32, #tpu.memory_space<vmem>>
        %dma_start3A_1180 = arith.constant 128 : i32
        %dma_start3A_1181 = tpu.memref_slice %arg12[%dma_start3A_1176, %dma_start3A_1180] : memref<4x400xi32, #tpu.memory_space<vmem>> -> memref<1x128xi32, #tpu.memory_space<vmem>>
        %dma_start3A_1182 = tpu.memref_squeeze %dma_start3A_1181 : memref<1x128xi32, #tpu.memory_space<vmem>> -> memref<128xi32, #tpu.memory_space<vmem>>
        %dma_start3A_1183 = arith.constant 0 : i32
        %dma_start3A_1184 = arith.constant 0 : i32
        %dma_start3A_1185 = tpu.memref_slice %arg3[%dma_start3A_1183, %dma_start3A_1184] : memref<1000000x32xf32, #tpu.memory_space<hbm>> -> memref<1000000x32xf32, #tpu.memory_space<hbm>>
        tpu.enqueue_indirect_dma source(%dma_start3A_1185 : memref<1000000x32xf32, #tpu.memory_space<hbm>>) target(%dma_start3A_1179 : memref<128x32xf32, #tpu.memory_space<vmem>>) offsets(%dma_start3A_1182 : memref<128xi32, #tpu.memory_space<vmem>>) semaphore(%arg18 : memref<!tpu.dma_semaphore, #tpu.memory_space<semaphore_mem>>)
        %dma_start3A_1186 = arith.constant 3 : i32
        %dma_start3A_1187 = arith.constant 1572 : i32
        %dma_start3A_1188 = arith.constant 0 : i32
        %dma_start3A_1189 = tpu.memref_slice %arg14[%dma_start3A_1187, %dma_start3A_1188] : memref<1728x32xf32, #tpu.memory_space<vmem>> -> memref<128x32xf32, #tpu.memory_space<vmem>>
        %dma_start3A_1190 = arith.constant 256 : i32
        %dma_start3A_1191 = tpu.memref_slice %arg12[%dma_start3A_1186, %dma_start3A_1190] : memref<4x400xi32, #tpu.memory_space<vmem>> -> memref<1x128xi32, #tpu.memory_space<vmem>>
        %dma_start3A_1192 = tpu.memref_squeeze %dma_start3A_1191 : memref<1x128xi32, #tpu.memory_space<vmem>> -> memref<128xi32, #tpu.memory_space<vmem>>
        %dma_start3A_1193 = arith.constant 0 : i32
        %dma_start3A_1194 = arith.constant 0 : i32
        %dma_start3A_1195 = tpu.memref_slice %arg3[%dma_start3A_1193, %dma_start3A_1194] : memref<1000000x32xf32, #tpu.memory_space<hbm>> -> memref<1000000x32xf32, #tpu.memory_space<hbm>>
        tpu.enqueue_indirect_dma source(%dma_start3A_1195 : memref<1000000x32xf32, #tpu.memory_space<hbm>>) target(%dma_start3A_1189 : memref<128x32xf32, #tpu.memory_space<vmem>>) offsets(%dma_start3A_1192 : memref<128xi32, #tpu.memory_space<vmem>>) semaphore(%arg18 : memref<!tpu.dma_semaphore, #tpu.memory_space<semaphore_mem>>)
        %dma_start3A_1196 = arith.constant 3 : i32
        %dma_start3A_1197 = arith.constant 1700 : i32
        %dma_start3A_1198 = arith.constant 0 : i32
        %dma_start3A_1199 = tpu.memref_slice %arg14[%dma_start3A_1197, %dma_start3A_1198] : memref<1728x32xf32, #tpu.memory_space<vmem>> -> memref<16x32xf32, #tpu.memory_space<vmem>>
        %dma_start3A_1200 = arith.constant 384 : i32
        %dma_start3A_1201 = tpu.memref_slice %arg12[%dma_start3A_1196, %dma_start3A_1200] : memref<4x400xi32, #tpu.memory_space<vmem>> -> memref<1x16xi32, #tpu.memory_space<vmem>>
        %dma_start3A_1202 = tpu.memref_squeeze %dma_start3A_1201 : memref<1x16xi32, #tpu.memory_space<vmem>> -> memref<16xi32, #tpu.memory_space<vmem>>
        %dma_start3A_1203 = arith.constant 0 : i32
        %dma_start3A_1204 = arith.constant 0 : i32
        %dma_start3A_1205 = tpu.memref_slice %arg3[%dma_start3A_1203, %dma_start3A_1204] : memref<1000000x32xf32, #tpu.memory_space<hbm>> -> memref<1000000x32xf32, #tpu.memory_space<hbm>>
        tpu.enqueue_indirect_dma source(%dma_start3A_1205 : memref<1000000x32xf32, #tpu.memory_space<hbm>>) target(%dma_start3A_1199 : memref<16x32xf32, #tpu.memory_space<vmem>>) offsets(%dma_start3A_1202 : memref<16xi32, #tpu.memory_space<vmem>>) semaphore(%arg18 : memref<!tpu.dma_semaphore, #tpu.memory_space<semaphore_mem>>)
      } else {
      }
      %dma_wait3A_713 = arith.constant 0 : i32
      %dma_wait3A_714 = arith.constant 0 : i32
      %dma_wait3A_715 = arith.constant 0 : i32
      %dma_wait3A_716 = tpu.memref_slice %arg15[%dma_wait3A_714, %dma_wait3A_715] : memref<1728x32xf32, #tpu.memory_space<vmem>> -> memref<20x32xf32, #tpu.memory_space<vmem>>
      %dma_wait3A_717 = arith.constant 0 : i32
      %dma_wait3A_718 = tpu.memref_slice %arg11[%dma_wait3A_713, %dma_wait3A_717] : memref<4x20xi32, #tpu.memory_space<vmem>> -> memref<1x20xi32, #tpu.memory_space<vmem>>
      %dma_wait3A_719 = tpu.memref_squeeze %dma_wait3A_718 : memref<1x20xi32, #tpu.memory_space<vmem>> -> memref<20xi32, #tpu.memory_space<vmem>>
      %dma_wait3A_720 = arith.constant 0 : i32
      %dma_wait3A_721 = arith.constant 0 : i32
      %dma_wait3A_722 = tpu.memref_slice %arg3[%dma_wait3A_720, %dma_wait3A_721] : memref<1000000x32xf32, #tpu.memory_space<hbm>> -> memref<1000000x32xf32, #tpu.memory_space<hbm>>
      tpu.wait_indirect_dma semaphore(%arg19 : memref<!tpu.dma_semaphore, #tpu.memory_space<semaphore_mem>>) src(%dma_wait3A_722 : memref<1000000x32xf32, #tpu.memory_space<hbm>>) dst(%dma_wait3A_716 : memref<20x32xf32, #tpu.memory_space<vmem>>)
      %dma_wait3A_723 = arith.constant 0 : i32
      %dma_wait3A_724 = arith.constant 20 : i32
      %dma_wait3A_725 = arith.constant 0 : i32
      %dma_wait3A_726 = tpu.memref_slice %arg15[%dma_wait3A_724, %dma_wait3A_725] : memref<1728x32xf32, #tpu.memory_space<vmem>> -> memref<128x32xf32, #tpu.memory_space<vmem>>
      %dma_wait3A_727 = arith.constant 0 : i32
      %dma_wait3A_728 = tpu.memref_slice %arg13[%dma_wait3A_723, %dma_wait3A_727] : memref<4x400xi32, #tpu.memory_space<vmem>> -> memref<1x128xi32, #tpu.memory_space<vmem>>
      %dma_wait3A_729 = tpu.memref_squeeze %dma_wait3A_728 : memref<1x128xi32, #tpu.memory_space<vmem>> -> memref<128xi32, #tpu.memory_space<vmem>>
      %dma_wait3A_730 = arith.constant 0 : i32
      %dma_wait3A_731 = arith.constant 0 : i32
      %dma_wait3A_732 = tpu.memref_slice %arg3[%dma_wait3A_730, %dma_wait3A_731] : memref<1000000x32xf32, #tpu.memory_space<hbm>> -> memref<1000000x32xf32, #tpu.memory_space<hbm>>
      tpu.wait_indirect_dma semaphore(%arg19 : memref<!tpu.dma_semaphore, #tpu.memory_space<semaphore_mem>>) src(%dma_wait3A_732 : memref<1000000x32xf32, #tpu.memory_space<hbm>>) dst(%dma_wait3A_726 : memref<128x32xf32, #tpu.memory_space<vmem>>)
      %dma_wait3A_733 = arith.constant 0 : i32
      %dma_wait3A_734 = arith.constant 148 : i32
      %dma_wait3A_735 = arith.constant 0 : i32
      %dma_wait3A_736 = tpu.memref_slice %arg15[%dma_wait3A_734, %dma_wait3A_735] : memref<1728x32xf32, #tpu.memory_space<vmem>> -> memref<128x32xf32, #tpu.memory_space<vmem>>
      %dma_wait3A_737 = arith.constant 128 : i32
      %dma_wait3A_738 = tpu.memref_slice %arg13[%dma_wait3A_733, %dma_wait3A_737] : memref<4x400xi32, #tpu.memory_space<vmem>> -> memref<1x128xi32, #tpu.memory_space<vmem>>
      %dma_wait3A_739 = tpu.memref_squeeze %dma_wait3A_738 : memref<1x128xi32, #tpu.memory_space<vmem>> -> memref<128xi32, #tpu.memory_space<vmem>>
      %dma_wait3A_740 = arith.constant 0 : i32
      %dma_wait3A_741 = arith.constant 0 : i32
      %dma_wait3A_742 = tpu.memref_slice %arg3[%dma_wait3A_740, %dma_wait3A_741] : memref<1000000x32xf32, #tpu.memory_space<hbm>> -> memref<1000000x32xf32, #tpu.memory_space<hbm>>
      tpu.wait_indirect_dma semaphore(%arg19 : memref<!tpu.dma_semaphore, #tpu.memory_space<semaphore_mem>>) src(%dma_wait3A_742 : memref<1000000x32xf32, #tpu.memory_space<hbm>>) dst(%dma_wait3A_736 : memref<128x32xf32, #tpu.memory_space<vmem>>)
      %dma_wait3A_743 = arith.constant 0 : i32
      %dma_wait3A_744 = arith.constant 276 : i32
      %dma_wait3A_745 = arith.constant 0 : i32
      %dma_wait3A_746 = tpu.memref_slice %arg15[%dma_wait3A_744, %dma_wait3A_745] : memref<1728x32xf32, #tpu.memory_space<vmem>> -> memref<128x32xf32, #tpu.memory_space<vmem>>
      %dma_wait3A_747 = arith.constant 256 : i32
      %dma_wait3A_748 = tpu.memref_slice %arg13[%dma_wait3A_743, %dma_wait3A_747] : memref<4x400xi32, #tpu.memory_space<vmem>> -> memref<1x128xi32, #tpu.memory_space<vmem>>
      %dma_wait3A_749 = tpu.memref_squeeze %dma_wait3A_748 : memref<1x128xi32, #tpu.memory_space<vmem>> -> memref<128xi32, #tpu.memory_space<vmem>>
      %dma_wait3A_750 = arith.constant 0 : i32
      %dma_wait3A_751 = arith.constant 0 : i32
      %dma_wait3A_752 = tpu.memref_slice %arg3[%dma_wait3A_750, %dma_wait3A_751] : memref<1000000x32xf32, #tpu.memory_space<hbm>> -> memref<1000000x32xf32, #tpu.memory_space<hbm>>
      tpu.wait_indirect_dma semaphore(%arg19 : memref<!tpu.dma_semaphore, #tpu.memory_space<semaphore_mem>>) src(%dma_wait3A_752 : memref<1000000x32xf32, #tpu.memory_space<hbm>>) dst(%dma_wait3A_746 : memref<128x32xf32, #tpu.memory_space<vmem>>)
      %dma_wait3A_753 = arith.constant 0 : i32
      %dma_wait3A_754 = arith.constant 404 : i32
      %dma_wait3A_755 = arith.constant 0 : i32
      %dma_wait3A_756 = tpu.memref_slice %arg15[%dma_wait3A_754, %dma_wait3A_755] : memref<1728x32xf32, #tpu.memory_space<vmem>> -> memref<16x32xf32, #tpu.memory_space<vmem>>
      %dma_wait3A_757 = arith.constant 384 : i32
      %dma_wait3A_758 = tpu.memref_slice %arg13[%dma_wait3A_753, %dma_wait3A_757] : memref<4x400xi32, #tpu.memory_space<vmem>> -> memref<1x16xi32, #tpu.memory_space<vmem>>
      %dma_wait3A_759 = tpu.memref_squeeze %dma_wait3A_758 : memref<1x16xi32, #tpu.memory_space<vmem>> -> memref<16xi32, #tpu.memory_space<vmem>>
      %dma_wait3A_760 = arith.constant 0 : i32
      %dma_wait3A_761 = arith.constant 0 : i32
      %dma_wait3A_762 = tpu.memref_slice %arg3[%dma_wait3A_760, %dma_wait3A_761] : memref<1000000x32xf32, #tpu.memory_space<hbm>> -> memref<1000000x32xf32, #tpu.memory_space<hbm>>
      tpu.wait_indirect_dma semaphore(%arg19 : memref<!tpu.dma_semaphore, #tpu.memory_space<semaphore_mem>>) src(%dma_wait3A_762 : memref<1000000x32xf32, #tpu.memory_space<hbm>>) dst(%dma_wait3A_756 : memref<16x32xf32, #tpu.memory_space<vmem>>)
      %dma_wait3A_763 = arith.constant 1 : i32
      %dma_wait3A_764 = arith.constant 432 : i32
      %dma_wait3A_765 = arith.constant 0 : i32
      %dma_wait3A_766 = tpu.memref_slice %arg15[%dma_wait3A_764, %dma_wait3A_765] : memref<1728x32xf32, #tpu.memory_space<vmem>> -> memref<20x32xf32, #tpu.memory_space<vmem>>
      %dma_wait3A_767 = arith.constant 0 : i32
      %dma_wait3A_768 = tpu.memref_slice %arg11[%dma_wait3A_763, %dma_wait3A_767] : memref<4x20xi32, #tpu.memory_space<vmem>> -> memref<1x20xi32, #tpu.memory_space<vmem>>
      %dma_wait3A_769 = tpu.memref_squeeze %dma_wait3A_768 : memref<1x20xi32, #tpu.memory_space<vmem>> -> memref<20xi32, #tpu.memory_space<vmem>>
      %dma_wait3A_770 = arith.constant 0 : i32
      %dma_wait3A_771 = arith.constant 0 : i32
      %dma_wait3A_772 = tpu.memref_slice %arg3[%dma_wait3A_770, %dma_wait3A_771] : memref<1000000x32xf32, #tpu.memory_space<hbm>> -> memref<1000000x32xf32, #tpu.memory_space<hbm>>
      tpu.wait_indirect_dma semaphore(%arg19 : memref<!tpu.dma_semaphore, #tpu.memory_space<semaphore_mem>>) src(%dma_wait3A_772 : memref<1000000x32xf32, #tpu.memory_space<hbm>>) dst(%dma_wait3A_766 : memref<20x32xf32, #tpu.memory_space<vmem>>)
      %dma_wait3A_773 = arith.constant 1 : i32
      %dma_wait3A_774 = arith.constant 452 : i32
      %dma_wait3A_775 = arith.constant 0 : i32
      %dma_wait3A_776 = tpu.memref_slice %arg15[%dma_wait3A_774, %dma_wait3A_775] : memref<1728x32xf32, #tpu.memory_space<vmem>> -> memref<128x32xf32, #tpu.memory_space<vmem>>
      %dma_wait3A_777 = arith.constant 0 : i32
      %dma_wait3A_778 = tpu.memref_slice %arg13[%dma_wait3A_773, %dma_wait3A_777] : memref<4x400xi32, #tpu.memory_space<vmem>> -> memref<1x128xi32, #tpu.memory_space<vmem>>
      %dma_wait3A_779 = tpu.memref_squeeze %dma_wait3A_778 : memref<1x128xi32, #tpu.memory_space<vmem>> -> memref<128xi32, #tpu.memory_space<vmem>>
      %dma_wait3A_780 = arith.constant 0 : i32
      %dma_wait3A_781 = arith.constant 0 : i32
      %dma_wait3A_782 = tpu.memref_slice %arg3[%dma_wait3A_780, %dma_wait3A_781] : memref<1000000x32xf32, #tpu.memory_space<hbm>> -> memref<1000000x32xf32, #tpu.memory_space<hbm>>
      tpu.wait_indirect_dma semaphore(%arg19 : memref<!tpu.dma_semaphore, #tpu.memory_space<semaphore_mem>>) src(%dma_wait3A_782 : memref<1000000x32xf32, #tpu.memory_space<hbm>>) dst(%dma_wait3A_776 : memref<128x32xf32, #tpu.memory_space<vmem>>)
      %dma_wait3A_783 = arith.constant 1 : i32
      %dma_wait3A_784 = arith.constant 580 : i32
      %dma_wait3A_785 = arith.constant 0 : i32
      %dma_wait3A_786 = tpu.memref_slice %arg15[%dma_wait3A_784, %dma_wait3A_785] : memref<1728x32xf32, #tpu.memory_space<vmem>> -> memref<128x32xf32, #tpu.memory_space<vmem>>
      %dma_wait3A_787 = arith.constant 128 : i32
      %dma_wait3A_788 = tpu.memref_slice %arg13[%dma_wait3A_783, %dma_wait3A_787] : memref<4x400xi32, #tpu.memory_space<vmem>> -> memref<1x128xi32, #tpu.memory_space<vmem>>
      %dma_wait3A_789 = tpu.memref_squeeze %dma_wait3A_788 : memref<1x128xi32, #tpu.memory_space<vmem>> -> memref<128xi32, #tpu.memory_space<vmem>>
      %dma_wait3A_790 = arith.constant 0 : i32
      %dma_wait3A_791 = arith.constant 0 : i32
      %dma_wait3A_792 = tpu.memref_slice %arg3[%dma_wait3A_790, %dma_wait3A_791] : memref<1000000x32xf32, #tpu.memory_space<hbm>> -> memref<1000000x32xf32, #tpu.memory_space<hbm>>
      tpu.wait_indirect_dma semaphore(%arg19 : memref<!tpu.dma_semaphore, #tpu.memory_space<semaphore_mem>>) src(%dma_wait3A_792 : memref<1000000x32xf32, #tpu.memory_space<hbm>>) dst(%dma_wait3A_786 : memref<128x32xf32, #tpu.memory_space<vmem>>)
      %dma_wait3A_793 = arith.constant 1 : i32
      %dma_wait3A_794 = arith.constant 708 : i32
      %dma_wait3A_795 = arith.constant 0 : i32
      %dma_wait3A_796 = tpu.memref_slice %arg15[%dma_wait3A_794, %dma_wait3A_795] : memref<1728x32xf32, #tpu.memory_space<vmem>> -> memref<128x32xf32, #tpu.memory_space<vmem>>
      %dma_wait3A_797 = arith.constant 256 : i32
      %dma_wait3A_798 = tpu.memref_slice %arg13[%dma_wait3A_793, %dma_wait3A_797] : memref<4x400xi32, #tpu.memory_space<vmem>> -> memref<1x128xi32, #tpu.memory_space<vmem>>
      %dma_wait3A_799 = tpu.memref_squeeze %dma_wait3A_798 : memref<1x128xi32, #tpu.memory_space<vmem>> -> memref<128xi32, #tpu.memory_space<vmem>>
      %dma_wait3A_800 = arith.constant 0 : i32
      %dma_wait3A_801 = arith.constant 0 : i32
      %dma_wait3A_802 = tpu.memref_slice %arg3[%dma_wait3A_800, %dma_wait3A_801] : memref<1000000x32xf32, #tpu.memory_space<hbm>> -> memref<1000000x32xf32, #tpu.memory_space<hbm>>
      tpu.wait_indirect_dma semaphore(%arg19 : memref<!tpu.dma_semaphore, #tpu.memory_space<semaphore_mem>>) src(%dma_wait3A_802 : memref<1000000x32xf32, #tpu.memory_space<hbm>>) dst(%dma_wait3A_796 : memref<128x32xf32, #tpu.memory_space<vmem>>)
      %dma_wait3A_803 = arith.constant 1 : i32
      %dma_wait3A_804 = arith.constant 836 : i32
      %dma_wait3A_805 = arith.constant 0 : i32
      %dma_wait3A_806 = tpu.memref_slice %arg15[%dma_wait3A_804, %dma_wait3A_805] : memref<1728x32xf32, #tpu.memory_space<vmem>> -> memref<16x32xf32, #tpu.memory_space<vmem>>
      %dma_wait3A_807 = arith.constant 384 : i32
      %dma_wait3A_808 = tpu.memref_slice %arg13[%dma_wait3A_803, %dma_wait3A_807] : memref<4x400xi32, #tpu.memory_space<vmem>> -> memref<1x16xi32, #tpu.memory_space<vmem>>
      %dma_wait3A_809 = tpu.memref_squeeze %dma_wait3A_808 : memref<1x16xi32, #tpu.memory_space<vmem>> -> memref<16xi32, #tpu.memory_space<vmem>>
      %dma_wait3A_810 = arith.constant 0 : i32
      %dma_wait3A_811 = arith.constant 0 : i32
      %dma_wait3A_812 = tpu.memref_slice %arg3[%dma_wait3A_810, %dma_wait3A_811] : memref<1000000x32xf32, #tpu.memory_space<hbm>> -> memref<1000000x32xf32, #tpu.memory_space<hbm>>
      tpu.wait_indirect_dma semaphore(%arg19 : memref<!tpu.dma_semaphore, #tpu.memory_space<semaphore_mem>>) src(%dma_wait3A_812 : memref<1000000x32xf32, #tpu.memory_space<hbm>>) dst(%dma_wait3A_806 : memref<16x32xf32, #tpu.memory_space<vmem>>)
      %dma_wait3A_813 = arith.constant 2 : i32
      %dma_wait3A_814 = arith.constant 864 : i32
      %dma_wait3A_815 = arith.constant 0 : i32
      %dma_wait3A_816 = tpu.memref_slice %arg15[%dma_wait3A_814, %dma_wait3A_815] : memref<1728x32xf32, #tpu.memory_space<vmem>> -> memref<20x32xf32, #tpu.memory_space<vmem>>
      %dma_wait3A_817 = arith.constant 0 : i32
      %dma_wait3A_818 = tpu.memref_slice %arg11[%dma_wait3A_813, %dma_wait3A_817] : memref<4x20xi32, #tpu.memory_space<vmem>> -> memref<1x20xi32, #tpu.memory_space<vmem>>
      %dma_wait3A_819 = tpu.memref_squeeze %dma_wait3A_818 : memref<1x20xi32, #tpu.memory_space<vmem>> -> memref<20xi32, #tpu.memory_space<vmem>>
      %dma_wait3A_820 = arith.constant 0 : i32
      %dma_wait3A_821 = arith.constant 0 : i32
      %dma_wait3A_822 = tpu.memref_slice %arg3[%dma_wait3A_820, %dma_wait3A_821] : memref<1000000x32xf32, #tpu.memory_space<hbm>> -> memref<1000000x32xf32, #tpu.memory_space<hbm>>
      tpu.wait_indirect_dma semaphore(%arg19 : memref<!tpu.dma_semaphore, #tpu.memory_space<semaphore_mem>>) src(%dma_wait3A_822 : memref<1000000x32xf32, #tpu.memory_space<hbm>>) dst(%dma_wait3A_816 : memref<20x32xf32, #tpu.memory_space<vmem>>)
      %dma_wait3A_823 = arith.constant 2 : i32
      %dma_wait3A_824 = arith.constant 884 : i32
      %dma_wait3A_825 = arith.constant 0 : i32
      %dma_wait3A_826 = tpu.memref_slice %arg15[%dma_wait3A_824, %dma_wait3A_825] : memref<1728x32xf32, #tpu.memory_space<vmem>> -> memref<128x32xf32, #tpu.memory_space<vmem>>
      %dma_wait3A_827 = arith.constant 0 : i32
      %dma_wait3A_828 = tpu.memref_slice %arg13[%dma_wait3A_823, %dma_wait3A_827] : memref<4x400xi32, #tpu.memory_space<vmem>> -> memref<1x128xi32, #tpu.memory_space<vmem>>
      %dma_wait3A_829 = tpu.memref_squeeze %dma_wait3A_828 : memref<1x128xi32, #tpu.memory_space<vmem>> -> memref<128xi32, #tpu.memory_space<vmem>>
      %dma_wait3A_830 = arith.constant 0 : i32
      %dma_wait3A_831 = arith.constant 0 : i32
      %dma_wait3A_832 = tpu.memref_slice %arg3[%dma_wait3A_830, %dma_wait3A_831] : memref<1000000x32xf32, #tpu.memory_space<hbm>> -> memref<1000000x32xf32, #tpu.memory_space<hbm>>
      tpu.wait_indirect_dma semaphore(%arg19 : memref<!tpu.dma_semaphore, #tpu.memory_space<semaphore_mem>>) src(%dma_wait3A_832 : memref<1000000x32xf32, #tpu.memory_space<hbm>>) dst(%dma_wait3A_826 : memref<128x32xf32, #tpu.memory_space<vmem>>)
      %dma_wait3A_833 = arith.constant 2 : i32
      %dma_wait3A_834 = arith.constant 1012 : i32
      %dma_wait3A_835 = arith.constant 0 : i32
      %dma_wait3A_836 = tpu.memref_slice %arg15[%dma_wait3A_834, %dma_wait3A_835] : memref<1728x32xf32, #tpu.memory_space<vmem>> -> memref<128x32xf32, #tpu.memory_space<vmem>>
      %dma_wait3A_837 = arith.constant 128 : i32
      %dma_wait3A_838 = tpu.memref_slice %arg13[%dma_wait3A_833, %dma_wait3A_837] : memref<4x400xi32, #tpu.memory_space<vmem>> -> memref<1x128xi32, #tpu.memory_space<vmem>>
      %dma_wait3A_839 = tpu.memref_squeeze %dma_wait3A_838 : memref<1x128xi32, #tpu.memory_space<vmem>> -> memref<128xi32, #tpu.memory_space<vmem>>
      %dma_wait3A_840 = arith.constant 0 : i32
      %dma_wait3A_841 = arith.constant 0 : i32
      %dma_wait3A_842 = tpu.memref_slice %arg3[%dma_wait3A_840, %dma_wait3A_841] : memref<1000000x32xf32, #tpu.memory_space<hbm>> -> memref<1000000x32xf32, #tpu.memory_space<hbm>>
      tpu.wait_indirect_dma semaphore(%arg19 : memref<!tpu.dma_semaphore, #tpu.memory_space<semaphore_mem>>) src(%dma_wait3A_842 : memref<1000000x32xf32, #tpu.memory_space<hbm>>) dst(%dma_wait3A_836 : memref<128x32xf32, #tpu.memory_space<vmem>>)
      %dma_wait3A_843 = arith.constant 2 : i32
      %dma_wait3A_844 = arith.constant 1140 : i32
      %dma_wait3A_845 = arith.constant 0 : i32
      %dma_wait3A_846 = tpu.memref_slice %arg15[%dma_wait3A_844, %dma_wait3A_845] : memref<1728x32xf32, #tpu.memory_space<vmem>> -> memref<128x32xf32, #tpu.memory_space<vmem>>
      %dma_wait3A_847 = arith.constant 256 : i32
      %dma_wait3A_848 = tpu.memref_slice %arg13[%dma_wait3A_843, %dma_wait3A_847] : memref<4x400xi32, #tpu.memory_space<vmem>> -> memref<1x128xi32, #tpu.memory_space<vmem>>
      %dma_wait3A_849 = tpu.memref_squeeze %dma_wait3A_848 : memref<1x128xi32, #tpu.memory_space<vmem>> -> memref<128xi32, #tpu.memory_space<vmem>>
      %dma_wait3A_850 = arith.constant 0 : i32
      %dma_wait3A_851 = arith.constant 0 : i32
      %dma_wait3A_852 = tpu.memref_slice %arg3[%dma_wait3A_850, %dma_wait3A_851] : memref<1000000x32xf32, #tpu.memory_space<hbm>> -> memref<1000000x32xf32, #tpu.memory_space<hbm>>
      tpu.wait_indirect_dma semaphore(%arg19 : memref<!tpu.dma_semaphore, #tpu.memory_space<semaphore_mem>>) src(%dma_wait3A_852 : memref<1000000x32xf32, #tpu.memory_space<hbm>>) dst(%dma_wait3A_846 : memref<128x32xf32, #tpu.memory_space<vmem>>)
      %dma_wait3A_853 = arith.constant 2 : i32
      %dma_wait3A_854 = arith.constant 1268 : i32
      %dma_wait3A_855 = arith.constant 0 : i32
      %dma_wait3A_856 = tpu.memref_slice %arg15[%dma_wait3A_854, %dma_wait3A_855] : memref<1728x32xf32, #tpu.memory_space<vmem>> -> memref<16x32xf32, #tpu.memory_space<vmem>>
      %dma_wait3A_857 = arith.constant 384 : i32
      %dma_wait3A_858 = tpu.memref_slice %arg13[%dma_wait3A_853, %dma_wait3A_857] : memref<4x400xi32, #tpu.memory_space<vmem>> -> memref<1x16xi32, #tpu.memory_space<vmem>>
      %dma_wait3A_859 = tpu.memref_squeeze %dma_wait3A_858 : memref<1x16xi32, #tpu.memory_space<vmem>> -> memref<16xi32, #tpu.memory_space<vmem>>
      %dma_wait3A_860 = arith.constant 0 : i32
      %dma_wait3A_861 = arith.constant 0 : i32
      %dma_wait3A_862 = tpu.memref_slice %arg3[%dma_wait3A_860, %dma_wait3A_861] : memref<1000000x32xf32, #tpu.memory_space<hbm>> -> memref<1000000x32xf32, #tpu.memory_space<hbm>>
      tpu.wait_indirect_dma semaphore(%arg19 : memref<!tpu.dma_semaphore, #tpu.memory_space<semaphore_mem>>) src(%dma_wait3A_862 : memref<1000000x32xf32, #tpu.memory_space<hbm>>) dst(%dma_wait3A_856 : memref<16x32xf32, #tpu.memory_space<vmem>>)
      %dma_wait3A_863 = arith.constant 3 : i32
      %dma_wait3A_864 = arith.constant 1296 : i32
      %dma_wait3A_865 = arith.constant 0 : i32
      %dma_wait3A_866 = tpu.memref_slice %arg15[%dma_wait3A_864, %dma_wait3A_865] : memref<1728x32xf32, #tpu.memory_space<vmem>> -> memref<20x32xf32, #tpu.memory_space<vmem>>
      %dma_wait3A_867 = arith.constant 0 : i32
      %dma_wait3A_868 = tpu.memref_slice %arg11[%dma_wait3A_863, %dma_wait3A_867] : memref<4x20xi32, #tpu.memory_space<vmem>> -> memref<1x20xi32, #tpu.memory_space<vmem>>
      %dma_wait3A_869 = tpu.memref_squeeze %dma_wait3A_868 : memref<1x20xi32, #tpu.memory_space<vmem>> -> memref<20xi32, #tpu.memory_space<vmem>>
      %dma_wait3A_870 = arith.constant 0 : i32
      %dma_wait3A_871 = arith.constant 0 : i32
      %dma_wait3A_872 = tpu.memref_slice %arg3[%dma_wait3A_870, %dma_wait3A_871] : memref<1000000x32xf32, #tpu.memory_space<hbm>> -> memref<1000000x32xf32, #tpu.memory_space<hbm>>
      tpu.wait_indirect_dma semaphore(%arg19 : memref<!tpu.dma_semaphore, #tpu.memory_space<semaphore_mem>>) src(%dma_wait3A_872 : memref<1000000x32xf32, #tpu.memory_space<hbm>>) dst(%dma_wait3A_866 : memref<20x32xf32, #tpu.memory_space<vmem>>)
      %dma_wait3A_873 = arith.constant 3 : i32
      %dma_wait3A_874 = arith.constant 1316 : i32
      %dma_wait3A_875 = arith.constant 0 : i32
      %dma_wait3A_876 = tpu.memref_slice %arg15[%dma_wait3A_874, %dma_wait3A_875] : memref<1728x32xf32, #tpu.memory_space<vmem>> -> memref<128x32xf32, #tpu.memory_space<vmem>>
      %dma_wait3A_877 = arith.constant 0 : i32
      %dma_wait3A_878 = tpu.memref_slice %arg13[%dma_wait3A_873, %dma_wait3A_877] : memref<4x400xi32, #tpu.memory_space<vmem>> -> memref<1x128xi32, #tpu.memory_space<vmem>>
      %dma_wait3A_879 = tpu.memref_squeeze %dma_wait3A_878 : memref<1x128xi32, #tpu.memory_space<vmem>> -> memref<128xi32, #tpu.memory_space<vmem>>
      %dma_wait3A_880 = arith.constant 0 : i32
      %dma_wait3A_881 = arith.constant 0 : i32
      %dma_wait3A_882 = tpu.memref_slice %arg3[%dma_wait3A_880, %dma_wait3A_881] : memref<1000000x32xf32, #tpu.memory_space<hbm>> -> memref<1000000x32xf32, #tpu.memory_space<hbm>>
      tpu.wait_indirect_dma semaphore(%arg19 : memref<!tpu.dma_semaphore, #tpu.memory_space<semaphore_mem>>) src(%dma_wait3A_882 : memref<1000000x32xf32, #tpu.memory_space<hbm>>) dst(%dma_wait3A_876 : memref<128x32xf32, #tpu.memory_space<vmem>>)
      %dma_wait3A_883 = arith.constant 3 : i32
      %dma_wait3A_884 = arith.constant 1444 : i32
      %dma_wait3A_885 = arith.constant 0 : i32
      %dma_wait3A_886 = tpu.memref_slice %arg15[%dma_wait3A_884, %dma_wait3A_885] : memref<1728x32xf32, #tpu.memory_space<vmem>> -> memref<128x32xf32, #tpu.memory_space<vmem>>
      %dma_wait3A_887 = arith.constant 128 : i32
      %dma_wait3A_888 = tpu.memref_slice %arg13[%dma_wait3A_883, %dma_wait3A_887] : memref<4x400xi32, #tpu.memory_space<vmem>> -> memref<1x128xi32, #tpu.memory_space<vmem>>
      %dma_wait3A_889 = tpu.memref_squeeze %dma_wait3A_888 : memref<1x128xi32, #tpu.memory_space<vmem>> -> memref<128xi32, #tpu.memory_space<vmem>>
      %dma_wait3A_890 = arith.constant 0 : i32
      %dma_wait3A_891 = arith.constant 0 : i32
      %dma_wait3A_892 = tpu.memref_slice %arg3[%dma_wait3A_890, %dma_wait3A_891] : memref<1000000x32xf32, #tpu.memory_space<hbm>> -> memref<1000000x32xf32, #tpu.memory_space<hbm>>
      tpu.wait_indirect_dma semaphore(%arg19 : memref<!tpu.dma_semaphore, #tpu.memory_space<semaphore_mem>>) src(%dma_wait3A_892 : memref<1000000x32xf32, #tpu.memory_space<hbm>>) dst(%dma_wait3A_886 : memref<128x32xf32, #tpu.memory_space<vmem>>)
      %dma_wait3A_893 = arith.constant 3 : i32
      %dma_wait3A_894 = arith.constant 1572 : i32
      %dma_wait3A_895 = arith.constant 0 : i32
      %dma_wait3A_896 = tpu.memref_slice %arg15[%dma_wait3A_894, %dma_wait3A_895] : memref<1728x32xf32, #tpu.memory_space<vmem>> -> memref<128x32xf32, #tpu.memory_space<vmem>>
      %dma_wait3A_897 = arith.constant 256 : i32
      %dma_wait3A_898 = tpu.memref_slice %arg13[%dma_wait3A_893, %dma_wait3A_897] : memref<4x400xi32, #tpu.memory_space<vmem>> -> memref<1x128xi32, #tpu.memory_space<vmem>>
      %dma_wait3A_899 = tpu.memref_squeeze %dma_wait3A_898 : memref<1x128xi32, #tpu.memory_space<vmem>> -> memref<128xi32, #tpu.memory_space<vmem>>
      %dma_wait3A_900 = arith.constant 0 : i32
      %dma_wait3A_901 = arith.constant 0 : i32
      %dma_wait3A_902 = tpu.memref_slice %arg3[%dma_wait3A_900, %dma_wait3A_901] : memref<1000000x32xf32, #tpu.memory_space<hbm>> -> memref<1000000x32xf32, #tpu.memory_space<hbm>>
      tpu.wait_indirect_dma semaphore(%arg19 : memref<!tpu.dma_semaphore, #tpu.memory_space<semaphore_mem>>) src(%dma_wait3A_902 : memref<1000000x32xf32, #tpu.memory_space<hbm>>) dst(%dma_wait3A_896 : memref<128x32xf32, #tpu.memory_space<vmem>>)
      %dma_wait3A_903 = arith.constant 3 : i32
      %dma_wait3A_904 = arith.constant 1700 : i32
      %dma_wait3A_905 = arith.constant 0 : i32
      %dma_wait3A_906 = tpu.memref_slice %arg15[%dma_wait3A_904, %dma_wait3A_905] : memref<1728x32xf32, #tpu.memory_space<vmem>> -> memref<16x32xf32, #tpu.memory_space<vmem>>
      %dma_wait3A_907 = arith.constant 384 : i32
      %dma_wait3A_908 = tpu.memref_slice %arg13[%dma_wait3A_903, %dma_wait3A_907] : memref<4x400xi32, #tpu.memory_space<vmem>> -> memref<1x16xi32, #tpu.memory_space<vmem>>
      %dma_wait3A_909 = tpu.memref_squeeze %dma_wait3A_908 : memref<1x16xi32, #tpu.memory_space<vmem>> -> memref<16xi32, #tpu.memory_space<vmem>>
      %dma_wait3A_910 = arith.constant 0 : i32
      %dma_wait3A_911 = arith.constant 0 : i32
      %dma_wait3A_912 = tpu.memref_slice %arg3[%dma_wait3A_910, %dma_wait3A_911] : memref<1000000x32xf32, #tpu.memory_space<hbm>> -> memref<1000000x32xf32, #tpu.memory_space<hbm>>
      tpu.wait_indirect_dma semaphore(%arg19 : memref<!tpu.dma_semaphore, #tpu.memory_space<semaphore_mem>>) src(%dma_wait3A_912 : memref<1000000x32xf32, #tpu.memory_space<hbm>>) dst(%dma_wait3A_906 : memref<16x32xf32, #tpu.memory_space<vmem>>)
      %add3A_913 = arith.constant 1 : i32
      %add3A_914 = arith.addi %mul3A_218, %add3A_913 : i32
      %mul3A_915 = arith.constant 4 : i32
      %mul3A_916 = arith.muli %add3A_914, %mul3A_915 : i32
      %add3A_917 = arith.constant 0 : i32
      %add3A_918 = arith.addi %mul3A_916, %add3A_917 : i32
      %get3A_919 = arith.index_cast %add3A_918 : i32 to index
      %get3A_920 = arith.constant 0 : index
      %get3A_921 = tpu.vector_load %arg9[%get3A_919, %get3A_920] {strides = array<i32>} : memref<128x32xf32, #tpu.memory_space<vmem>>, vector<16xf32>,
      %mul3A_922 = arith.constant 4 : i32
      %mul3A_923 = arith.muli %add3A_914, %mul3A_922 : i32
      %add3A_924 = arith.constant 0 : i32
      %add3A_925 = arith.addi %mul3A_923, %add3A_924 : i32
      %get3A_926 = arith.index_cast %add3A_925 : i32 to index
      %get3A_927 = arith.constant 16 : index
      %get3A_928 = tpu.vector_load %arg9[%get3A_926, %get3A_927] {strides = array<i32>} : memref<128x32xf32, #tpu.memory_space<vmem>>, vector<16xf32>,
      %scan3A_929 = arith.constant 0 : i32
      %scan3A_930 = arith.constant 0 : i32
      %scan3A_931 = arith.constant 27 : i32
      %scan3A_932 = arith.addi %scan3A_930, %scan3A_931 : i32
      %scan3A_933 = arith.constant 1 : i32
      scf.for %scan3A_998 = %scan3A_930 to %scan3A_932 step %scan3A_933  : i32 {
        %broadcast_in_dim3A = arith.constant 0.000000e+00 : f32
        %broadcast_in_dim3A_999 = vector.broadcast %broadcast_in_dim3A : f32 to vector<16xf32>
        %mul3A_1000 = arith.constant 16 : i32
        %mul3A_1001 = arith.muli %scan3A_998, %mul3A_1000 : i32
        %add3A_1002 = arith.constant 0 : i32
        %add3A_1003 = arith.addi %add3A_1002, %mul3A_1001 : i32
        %add3A_1004 = arith.constant 0 : i32
        %add3A_1005 = arith.addi %add3A_1003, %add3A_1004 : i32
        %get3A_1006 = arith.index_cast %add3A_1005 : i32 to index
        %get3A_1007 = arith.constant 0 : index
        %get3A_1008 = tpu.vector_load %arg15[%get3A_1006, %get3A_1007] {strides = array<i32>} : memref<1728x32xf32, #tpu.memory_space<vmem>>, vector<16xf32>,
        %get3A_1009 = arith.index_cast %add3A_1005 : i32 to index
        %get3A_1010 = arith.constant 16 : index
        %get3A_1011 = tpu.vector_load %arg15[%get3A_1009, %get3A_1010] {strides = array<i32>} : memref<1728x32xf32, #tpu.memory_space<vmem>>, vector<16xf32>,
        %mul3A_1012 = arith.mulf %get3A_1008, %get3A_921 : vector<16xf32>
        %mul3A_1013 = arith.mulf %get3A_1011, %get3A_928 : vector<16xf32>
        %add3A_1014 = arith.addf %mul3A_1012, %mul3A_1013 : vector<16xf32>
        %broadcast_in_dim3A_1015 = arith.constant true
        %broadcast_in_dim3A_1016 = vector.broadcast %broadcast_in_dim3A_1015 : i1 to vector<16xi1>
        %masked_cumsum3A = tpu.scan <sum>, %add3A_1014 masked %broadcast_in_dim3A_1016 : vector<16xf32>, vector<16xi1> -> vector<16xf32>
        %slice3A = vector.extract_strided_slice %masked_cumsum3A {offsets = [15], sizes = [1], strides = [1]} : vector<16xf32> to vector<1xf32>
        %squeeze3A = vector.extract %slice3A[0] : f32 from vector<1xf32>
        %eq3A = arith.constant 0 : i32
        %eq3A_1017 = vector.broadcast %eq3A : i32 to vector<16xi32>
        %eq3A_1018 = arith.cmpi eq, %iota3A, %eq3A_1017 : vector<16xi32>
        %broadcast_in_dim3A_1019 = vector.broadcast %squeeze3A : f32 to vector<16xf32>
        %select_n3A = arith.select %eq3A_1018, %broadcast_in_dim3A_1019, %broadcast_in_dim3A_999 : vector<16xi1>, vector<16xf32>
        %mul3A_1020 = arith.constant 16 : i32
        %mul3A_1021 = arith.muli %scan3A_998, %mul3A_1020 : i32
        %add3A_1022 = arith.constant 0 : i32
        %add3A_1023 = arith.addi %add3A_1022, %mul3A_1021 : i32
        %add3A_1024 = arith.constant 1 : i32
        %add3A_1025 = arith.addi %add3A_1023, %add3A_1024 : i32
        %get3A_1026 = arith.index_cast %add3A_1025 : i32 to index
        %get3A_1027 = arith.constant 0 : index
        %get3A_1028 = tpu.vector_load %arg15[%get3A_1026, %get3A_1027] {strides = array<i32>} : memref<1728x32xf32, #tpu.memory_space<vmem>>, vector<16xf32>,
        %get3A_1029 = arith.index_cast %add3A_1025 : i32 to index
        %get3A_1030 = arith.constant 16 : index
        %get3A_1031 = tpu.vector_load %arg15[%get3A_1029, %get3A_1030] {strides = array<i32>} : memref<1728x32xf32, #tpu.memory_space<vmem>>, vector<16xf32>,
        %mul3A_1032 = arith.mulf %get3A_1028, %get3A_921 : vector<16xf32>
        %mul3A_1033 = arith.mulf %get3A_1031, %get3A_928 : vector<16xf32>
        %add3A_1034 = arith.addf %mul3A_1032, %mul3A_1033 : vector<16xf32>
        %broadcast_in_dim3A_1035 = arith.constant true
        %broadcast_in_dim3A_1036 = vector.broadcast %broadcast_in_dim3A_1035 : i1 to vector<16xi1>
        %masked_cumsum3A_1037 = tpu.scan <sum>, %add3A_1034 masked %broadcast_in_dim3A_1036 : vector<16xf32>, vector<16xi1> -> vector<16xf32>
        %slice3A_1038 = vector.extract_strided_slice %masked_cumsum3A_1037 {offsets = [15], sizes = [1], strides = [1]} : vector<16xf32> to vector<1xf32>
        %squeeze3A_1039 = vector.extract %slice3A_1038[0] : f32 from vector<1xf32>
        %eq3A_1040 = arith.constant 1 : i32
        %eq3A_1041 = vector.broadcast %eq3A_1040 : i32 to vector<16xi32>
        %eq3A_1042 = arith.cmpi eq, %iota3A, %eq3A_1041 : vector<16xi32>
        %broadcast_in_dim3A_1043 = vector.broadcast %squeeze3A_1039 : f32 to vector<16xf32>
        %select_n3A_1044 = arith.select %eq3A_1042, %broadcast_in_dim3A_1043, %select_n3A : vector<16xi1>, vector<16xf32>
        %mul3A_1045 = arith.constant 16 : i32
        %mul3A_1046 = arith.muli %scan3A_998, %mul3A_1045 : i32
        %add3A_1047 = arith.constant 0 : i32
        %add3A_1048 = arith.addi %add3A_1047, %mul3A_1046 : i32
        %add3A_1049 = arith.constant 2 : i32
        %add3A_1050 = arith.addi %add3A_1048, %add3A_1049 : i32
        %get3A_1051 = arith.index_cast %add3A_1050 : i32 to index
        %get3A_1052 = arith.constant 0 : index
        %get3A_1053 = tpu.vector_load %arg15[%get3A_1051, %get3A_1052] {strides = array<i32>} : memref<1728x32xf32, #tpu.memory_space<vmem>>, vector<16xf32>,
        %get3A_1054 = arith.index_cast %add3A_1050 : i32 to index
        %get3A_1055 = arith.constant 16 : index
        %get3A_1056 = tpu.vector_load %arg15[%get3A_1054, %get3A_1055] {strides = array<i32>} : memref<1728x32xf32, #tpu.memory_space<vmem>>, vector<16xf32>,
        %mul3A_1057 = arith.mulf %get3A_1053, %get3A_921 : vector<16xf32>
        %mul3A_1058 = arith.mulf %get3A_1056, %get3A_928 : vector<16xf32>
        %add3A_1059 = arith.addf %mul3A_1057, %mul3A_1058 : vector<16xf32>
        %broadcast_in_dim3A_1060 = arith.constant true
        %broadcast_in_dim3A_1061 = vector.broadcast %broadcast_in_dim3A_1060 : i1 to vector<16xi1>
        %masked_cumsum3A_1062 = tpu.scan <sum>, %add3A_1059 masked %broadcast_in_dim3A_1061 : vector<16xf32>, vector<16xi1> -> vector<16xf32>
        %slice3A_1063 = vector.extract_strided_slice %masked_cumsum3A_1062 {offsets = [15], sizes = [1], strides = [1]} : vector<16xf32> to vector<1xf32>
        %squeeze3A_1064 = vector.extract %slice3A_1063[0] : f32 from vector<1xf32>
        %eq3A_1065 = arith.constant 2 : i32
        %eq3A_1066 = vector.broadcast %eq3A_1065 : i32 to vector<16xi32>
        %eq3A_1067 = arith.cmpi eq, %iota3A, %eq3A_1066 : vector<16xi32>
        %broadcast_in_dim3A_1068 = vector.broadcast %squeeze3A_1064 : f32 to vector<16xf32>
        %select_n3A_1069 = arith.select %eq3A_1067, %broadcast_in_dim3A_1068, %select_n3A_1044 : vector<16xi1>, vector<16xf32>
        %mul3A_1070 = arith.constant 16 : i32
        %mul3A_1071 = arith.muli %scan3A_998, %mul3A_1070 : i32
        %add3A_1072 = arith.constant 0 : i32
        %add3A_1073 = arith.addi %add3A_1072, %mul3A_1071 : i32
        %add3A_1074 = arith.constant 3 : i32
        %add3A_1075 = arith.addi %add3A_1073, %add3A_1074 : i32
        %get3A_1076 = arith.index_cast %add3A_1075 : i32 to index
        %get3A_1077 = arith.constant 0 : index
        %get3A_1078 = tpu.vector_load %arg15[%get3A_1076, %get3A_1077] {strides = array<i32>} : memref<1728x32xf32, #tpu.memory_space<vmem>>, vector<16xf32>,
        %get3A_1079 = arith.index_cast %add3A_1075 : i32 to index
        %get3A_1080 = arith.constant 16 : index
        %get3A_1081 = tpu.vector_load %arg15[%get3A_1079, %get3A_1080] {strides = array<i32>} : memref<1728x32xf32, #tpu.memory_space<vmem>>, vector<16xf32>,
        %mul3A_1082 = arith.mulf %get3A_1078, %get3A_921 : vector<16xf32>
        %mul3A_1083 = arith.mulf %get3A_1081, %get3A_928 : vector<16xf32>
        %add3A_1084 = arith.addf %mul3A_1082, %mul3A_1083 : vector<16xf32>
        %broadcast_in_dim3A_1085 = arith.constant true
        %broadcast_in_dim3A_1086 = vector.broadcast %broadcast_in_dim3A_1085 : i1 to vector<16xi1>
        %masked_cumsum3A_1087 = tpu.scan <sum>, %add3A_1084 masked %broadcast_in_dim3A_1086 : vector<16xf32>, vector<16xi1> -> vector<16xf32>
        %slice3A_1088 = vector.extract_strided_slice %masked_cumsum3A_1087 {offsets = [15], sizes = [1], strides = [1]} : vector<16xf32> to vector<1xf32>
        %squeeze3A_1089 = vector.extract %slice3A_1088[0] : f32 from vector<1xf32>
        %eq3A_1090 = arith.constant 3 : i32
        %eq3A_1091 = vector.broadcast %eq3A_1090 : i32 to vector<16xi32>
        %eq3A_1092 = arith.cmpi eq, %iota3A, %eq3A_1091 : vector<16xi32>
        %broadcast_in_dim3A_1093 = vector.broadcast %squeeze3A_1089 : f32 to vector<16xf32>
        %select_n3A_1094 = arith.select %eq3A_1092, %broadcast_in_dim3A_1093, %select_n3A_1069 : vector<16xi1>, vector<16xf32>
        %mul3A_1095 = arith.constant 16 : i32
        %mul3A_1096 = arith.muli %scan3A_998, %mul3A_1095 : i32
        %add3A_1097 = arith.constant 0 : i32
        %add3A_1098 = arith.addi %add3A_1097, %mul3A_1096 : i32
        %add3A_1099 = arith.constant 4 : i32
        %add3A_1100 = arith.addi %add3A_1098, %add3A_1099 : i32
        %get3A_1101 = arith.index_cast %add3A_1100 : i32 to index
        %get3A_1102 = arith.constant 0 : index
        %get3A_1103 = tpu.vector_load %arg15[%get3A_1101, %get3A_1102] {strides = array<i32>} : memref<1728x32xf32, #tpu.memory_space<vmem>>, vector<16xf32>,
        %get3A_1104 = arith.index_cast %add3A_1100 : i32 to index
        %get3A_1105 = arith.constant 16 : index
        %get3A_1106 = tpu.vector_load %arg15[%get3A_1104, %get3A_1105] {strides = array<i32>} : memref<1728x32xf32, #tpu.memory_space<vmem>>, vector<16xf32>,
        %mul3A_1107 = arith.mulf %get3A_1103, %get3A_921 : vector<16xf32>
        %mul3A_1108 = arith.mulf %get3A_1106, %get3A_928 : vector<16xf32>
        %add3A_1109 = arith.addf %mul3A_1107, %mul3A_1108 : vector<16xf32>
        %broadcast_in_dim3A_1110 = arith.constant true
        %broadcast_in_dim3A_1111 = vector.broadcast %broadcast_in_dim3A_1110 : i1 to vector<16xi1>
        %masked_cumsum3A_1112 = tpu.scan <sum>, %add3A_1109 masked %broadcast_in_dim3A_1111 : vector<16xf32>, vector<16xi1> -> vector<16xf32>
        %slice3A_1113 = vector.extract_strided_slice %masked_cumsum3A_1112 {offsets = [15], sizes = [1], strides = [1]} : vector<16xf32> to vector<1xf32>
        %squeeze3A_1114 = vector.extract %slice3A_1113[0] : f32 from vector<1xf32>
        %eq3A_1115 = arith.constant 4 : i32
        %eq3A_1116 = vector.broadcast %eq3A_1115 : i32 to vector<16xi32>
        %eq3A_1117 = arith.cmpi eq, %iota3A, %eq3A_1116 : vector<16xi32>
        %broadcast_in_dim3A_1118 = vector.broadcast %squeeze3A_1114 : f32 to vector<16xf32>
        %select_n3A_1119 = arith.select %eq3A_1117, %broadcast_in_dim3A_1118, %select_n3A_1094 : vector<16xi1>, vector<16xf32>
        %mul3A_1120 = arith.constant 16 : i32
        %mul3A_1121 = arith.muli %scan3A_998, %mul3A_1120 : i32
        %add3A_1122 = arith.constant 0 : i32
        %add3A_1123 = arith.addi %add3A_1122, %mul3A_1121 : i32
        %add3A_1124 = arith.constant 5 : i32
        %add3A_1125 = arith.addi %add3A_1123, %add3A_1124 : i32
        %get3A_1126 = arith.index_cast %add3A_1125 : i32 to index
        %get3A_1127 = arith.constant 0 : index
        %get3A_1128 = tpu.vector_load %arg15[%get3A_1126, %get3A_1127] {strides = array<i32>} : memref<1728x32xf32, #tpu.memory_space<vmem>>, vector<16xf32>,
        %get3A_1129 = arith.index_cast %add3A_1125 : i32 to index
        %get3A_1130 = arith.constant 16 : index
        %get3A_1131 = tpu.vector_load %arg15[%get3A_1129, %get3A_1130] {strides = array<i32>} : memref<1728x32xf32, #tpu.memory_space<vmem>>, vector<16xf32>,
        %mul3A_1132 = arith.mulf %get3A_1128, %get3A_921 : vector<16xf32>
        %mul3A_1133 = arith.mulf %get3A_1131, %get3A_928 : vector<16xf32>
        %add3A_1134 = arith.addf %mul3A_1132, %mul3A_1133 : vector<16xf32>
        %broadcast_in_dim3A_1135 = arith.constant true
        %broadcast_in_dim3A_1136 = vector.broadcast %broadcast_in_dim3A_1135 : i1 to vector<16xi1>
        %masked_cumsum3A_1137 = tpu.scan <sum>, %add3A_1134 masked %broadcast_in_dim3A_1136 : vector<16xf32>, vector<16xi1> -> vector<16xf32>
        %slice3A_1138 = vector.extract_strided_slice %masked_cumsum3A_1137 {offsets = [15], sizes = [1], strides = [1]} : vector<16xf32> to vector<1xf32>
        %squeeze3A_1139 = vector.extract %slice3A_1138[0] : f32 from vector<1xf32>
        %eq3A_1140 = arith.constant 5 : i32
        %eq3A_1141 = vector.broadcast %eq3A_1140 : i32 to vector<16xi32>
        %eq3A_1142 = arith.cmpi eq, %iota3A, %eq3A_1141 : vector<16xi32>
        %broadcast_in_dim3A_1143 = vector.broadcast %squeeze3A_1139 : f32 to vector<16xf32>
        %select_n3A_1144 = arith.select %eq3A_1142, %broadcast_in_dim3A_1143, %select_n3A_1119 : vector<16xi1>, vector<16xf32>
        %mul3A_1145 = arith.constant 16 : i32
        %mul3A_1146 = arith.muli %scan3A_998, %mul3A_1145 : i32
        %add3A_1147 = arith.constant 0 : i32
        %add3A_1148 = arith.addi %add3A_1147, %mul3A_1146 : i32
        %add3A_1149 = arith.constant 6 : i32
        %add3A_1150 = arith.addi %add3A_1148, %add3A_1149 : i32
        %get3A_1151 = arith.index_cast %add3A_1150 : i32 to index
        %get3A_1152 = arith.constant 0 : index
        %get3A_1153 = tpu.vector_load %arg15[%get3A_1151, %get3A_1152] {strides = array<i32>} : memref<1728x32xf32, #tpu.memory_space<vmem>>, vector<16xf32>,
        %get3A_1154 = arith.index_cast %add3A_1150 : i32 to index
        %get3A_1155 = arith.constant 16 : index
        %get3A_1156 = tpu.vector_load %arg15[%get3A_1154, %get3A_1155] {strides = array<i32>} : memref<1728x32xf32, #tpu.memory_space<vmem>>, vector<16xf32>,
        %mul3A_1157 = arith.mulf %get3A_1153, %get3A_921 : vector<16xf32>
        %mul3A_1158 = arith.mulf %get3A_1156, %get3A_928 : vector<16xf32>
        %add3A_1159 = arith.addf %mul3A_1157, %mul3A_1158 : vector<16xf32>
        %broadcast_in_dim3A_1160 = arith.constant true
        %broadcast_in_dim3A_1161 = vector.broadcast %broadcast_in_dim3A_1160 : i1 to vector<16xi1>
        %masked_cumsum3A_1162 = tpu.scan <sum>, %add3A_1159 masked %broadcast_in_dim3A_1161 : vector<16xf32>, vector<16xi1> -> vector<16xf32>
        %slice3A_1163 = vector.extract_strided_slice %masked_cumsum3A_1162 {offsets = [15], sizes = [1], strides = [1]} : vector<16xf32> to vector<1xf32>
        %squeeze3A_1164 = vector.extract %slice3A_1163[0] : f32 from vector<1xf32>
        %eq3A_1165 = arith.constant 6 : i32
        %eq3A_1166 = vector.broadcast %eq3A_1165 : i32 to vector<16xi32>
        %eq3A_1167 = arith.cmpi eq, %iota3A, %eq3A_1166 : vector<16xi32>
        %broadcast_in_dim3A_1168 = vector.broadcast %squeeze3A_1164 : f32 to vector<16xf32>
        %select_n3A_1169 = arith.select %eq3A_1167, %broadcast_in_dim3A_1168, %select_n3A_1144 : vector<16xi1>, vector<16xf32>
        %mul3A_1170 = arith.constant 16 : i32
        %mul3A_1171 = arith.muli %scan3A_998, %mul3A_1170 : i32
        %add3A_1172 = arith.constant 0 : i32
        %add3A_1173 = arith.addi %add3A_1172, %mul3A_1171 : i32
        %add3A_1174 = arith.constant 7 : i32
        %add3A_1175 = arith.addi %add3A_1173, %add3A_1174 : i32
        %get3A_1176 = arith.index_cast %add3A_1175 : i32 to index
        %get3A_1177 = arith.constant 0 : index
        %get3A_1178 = tpu.vector_load %arg15[%get3A_1176, %get3A_1177] {strides = array<i32>} : memref<1728x32xf32, #tpu.memory_space<vmem>>, vector<16xf32>,
        %get3A_1179 = arith.index_cast %add3A_1175 : i32 to index
        %get3A_1180 = arith.constant 16 : index
        %get3A_1181 = tpu.vector_load %arg15[%get3A_1179, %get3A_1180] {strides = array<i32>} : memref<1728x32xf32, #tpu.memory_space<vmem>>, vector<16xf32>,
        %mul3A_1182 = arith.mulf %get3A_1178, %get3A_921 : vector<16xf32>
        %mul3A_1183 = arith.mulf %get3A_1181, %get3A_928 : vector<16xf32>
        %add3A_1184 = arith.addf %mul3A_1182, %mul3A_1183 : vector<16xf32>
        %broadcast_in_dim3A_1185 = arith.constant true
        %broadcast_in_dim3A_1186 = vector.broadcast %broadcast_in_dim3A_1185 : i1 to vector<16xi1>
        %masked_cumsum3A_1187 = tpu.scan <sum>, %add3A_1184 masked %broadcast_in_dim3A_1186 : vector<16xf32>, vector<16xi1> -> vector<16xf32>
        %slice3A_1188 = vector.extract_strided_slice %masked_cumsum3A_1187 {offsets = [15], sizes = [1], strides = [1]} : vector<16xf32> to vector<1xf32>
        %squeeze3A_1189 = vector.extract %slice3A_1188[0] : f32 from vector<1xf32>
        %eq3A_1190 = arith.constant 7 : i32
        %eq3A_1191 = vector.broadcast %eq3A_1190 : i32 to vector<16xi32>
        %eq3A_1192 = arith.cmpi eq, %iota3A, %eq3A_1191 : vector<16xi32>
        %broadcast_in_dim3A_1193 = vector.broadcast %squeeze3A_1189 : f32 to vector<16xf32>
        %select_n3A_1194 = arith.select %eq3A_1192, %broadcast_in_dim3A_1193, %select_n3A_1169 : vector<16xi1>, vector<16xf32>
        %mul3A_1195 = arith.constant 16 : i32
        %mul3A_1196 = arith.muli %scan3A_998, %mul3A_1195 : i32
        %add3A_1197 = arith.constant 0 : i32
        %add3A_1198 = arith.addi %add3A_1197, %mul3A_1196 : i32
        %add3A_1199 = arith.constant 8 : i32
        %add3A_1200 = arith.addi %add3A_1198, %add3A_1199 : i32
        %get3A_1201 = arith.index_cast %add3A_1200 : i32 to index
        %get3A_1202 = arith.constant 0 : index
        %get3A_1203 = tpu.vector_load %arg15[%get3A_1201, %get3A_1202] {strides = array<i32>} : memref<1728x32xf32, #tpu.memory_space<vmem>>, vector<16xf32>,
        %get3A_1204 = arith.index_cast %add3A_1200 : i32 to index
        %get3A_1205 = arith.constant 16 : index
        %get3A_1206 = tpu.vector_load %arg15[%get3A_1204, %get3A_1205] {strides = array<i32>} : memref<1728x32xf32, #tpu.memory_space<vmem>>, vector<16xf32>,
        %mul3A_1207 = arith.mulf %get3A_1203, %get3A_921 : vector<16xf32>
        %mul3A_1208 = arith.mulf %get3A_1206, %get3A_928 : vector<16xf32>
        %add3A_1209 = arith.addf %mul3A_1207, %mul3A_1208 : vector<16xf32>
        %broadcast_in_dim3A_1210 = arith.constant true
        %broadcast_in_dim3A_1211 = vector.broadcast %broadcast_in_dim3A_1210 : i1 to vector<16xi1>
        %masked_cumsum3A_1212 = tpu.scan <sum>, %add3A_1209 masked %broadcast_in_dim3A_1211 : vector<16xf32>, vector<16xi1> -> vector<16xf32>
        %slice3A_1213 = vector.extract_strided_slice %masked_cumsum3A_1212 {offsets = [15], sizes = [1], strides = [1]} : vector<16xf32> to vector<1xf32>
        %squeeze3A_1214 = vector.extract %slice3A_1213[0] : f32 from vector<1xf32>
        %eq3A_1215 = arith.constant 8 : i32
        %eq3A_1216 = vector.broadcast %eq3A_1215 : i32 to vector<16xi32>
        %eq3A_1217 = arith.cmpi eq, %iota3A, %eq3A_1216 : vector<16xi32>
        %broadcast_in_dim3A_1218 = vector.broadcast %squeeze3A_1214 : f32 to vector<16xf32>
        %select_n3A_1219 = arith.select %eq3A_1217, %broadcast_in_dim3A_1218, %select_n3A_1194 : vector<16xi1>, vector<16xf32>
        %mul3A_1220 = arith.constant 16 : i32
        %mul3A_1221 = arith.muli %scan3A_998, %mul3A_1220 : i32
        %add3A_1222 = arith.constant 0 : i32
        %add3A_1223 = arith.addi %add3A_1222, %mul3A_1221 : i32
        %add3A_1224 = arith.constant 9 : i32
        %add3A_1225 = arith.addi %add3A_1223, %add3A_1224 : i32
        %get3A_1226 = arith.index_cast %add3A_1225 : i32 to index
        %get3A_1227 = arith.constant 0 : index
        %get3A_1228 = tpu.vector_load %arg15[%get3A_1226, %get3A_1227] {strides = array<i32>} : memref<1728x32xf32, #tpu.memory_space<vmem>>, vector<16xf32>,
        %get3A_1229 = arith.index_cast %add3A_1225 : i32 to index
        %get3A_1230 = arith.constant 16 : index
        %get3A_1231 = tpu.vector_load %arg15[%get3A_1229, %get3A_1230] {strides = array<i32>} : memref<1728x32xf32, #tpu.memory_space<vmem>>, vector<16xf32>,
        %mul3A_1232 = arith.mulf %get3A_1228, %get3A_921 : vector<16xf32>
        %mul3A_1233 = arith.mulf %get3A_1231, %get3A_928 : vector<16xf32>
        %add3A_1234 = arith.addf %mul3A_1232, %mul3A_1233 : vector<16xf32>
        %broadcast_in_dim3A_1235 = arith.constant true
        %broadcast_in_dim3A_1236 = vector.broadcast %broadcast_in_dim3A_1235 : i1 to vector<16xi1>
        %masked_cumsum3A_1237 = tpu.scan <sum>, %add3A_1234 masked %broadcast_in_dim3A_1236 : vector<16xf32>, vector<16xi1> -> vector<16xf32>
        %slice3A_1238 = vector.extract_strided_slice %masked_cumsum3A_1237 {offsets = [15], sizes = [1], strides = [1]} : vector<16xf32> to vector<1xf32>
        %squeeze3A_1239 = vector.extract %slice3A_1238[0] : f32 from vector<1xf32>
        %eq3A_1240 = arith.constant 9 : i32
        %eq3A_1241 = vector.broadcast %eq3A_1240 : i32 to vector<16xi32>
        %eq3A_1242 = arith.cmpi eq, %iota3A, %eq3A_1241 : vector<16xi32>
        %broadcast_in_dim3A_1243 = vector.broadcast %squeeze3A_1239 : f32 to vector<16xf32>
        %select_n3A_1244 = arith.select %eq3A_1242, %broadcast_in_dim3A_1243, %select_n3A_1219 : vector<16xi1>, vector<16xf32>
        %mul3A_1245 = arith.constant 16 : i32
        %mul3A_1246 = arith.muli %scan3A_998, %mul3A_1245 : i32
        %add3A_1247 = arith.constant 0 : i32
        %add3A_1248 = arith.addi %add3A_1247, %mul3A_1246 : i32
        %add3A_1249 = arith.constant 10 : i32
        %add3A_1250 = arith.addi %add3A_1248, %add3A_1249 : i32
        %get3A_1251 = arith.index_cast %add3A_1250 : i32 to index
        %get3A_1252 = arith.constant 0 : index
        %get3A_1253 = tpu.vector_load %arg15[%get3A_1251, %get3A_1252] {strides = array<i32>} : memref<1728x32xf32, #tpu.memory_space<vmem>>, vector<16xf32>,
        %get3A_1254 = arith.index_cast %add3A_1250 : i32 to index
        %get3A_1255 = arith.constant 16 : index
        %get3A_1256 = tpu.vector_load %arg15[%get3A_1254, %get3A_1255] {strides = array<i32>} : memref<1728x32xf32, #tpu.memory_space<vmem>>, vector<16xf32>,
        %mul3A_1257 = arith.mulf %get3A_1253, %get3A_921 : vector<16xf32>
        %mul3A_1258 = arith.mulf %get3A_1256, %get3A_928 : vector<16xf32>
        %add3A_1259 = arith.addf %mul3A_1257, %mul3A_1258 : vector<16xf32>
        %broadcast_in_dim3A_1260 = arith.constant true
        %broadcast_in_dim3A_1261 = vector.broadcast %broadcast_in_dim3A_1260 : i1 to vector<16xi1>
        %masked_cumsum3A_1262 = tpu.scan <sum>, %add3A_1259 masked %broadcast_in_dim3A_1261 : vector<16xf32>, vector<16xi1> -> vector<16xf32>
        %slice3A_1263 = vector.extract_strided_slice %masked_cumsum3A_1262 {offsets = [15], sizes = [1], strides = [1]} : vector<16xf32> to vector<1xf32>
        %squeeze3A_1264 = vector.extract %slice3A_1263[0] : f32 from vector<1xf32>
        %eq3A_1265 = arith.constant 10 : i32
        %eq3A_1266 = vector.broadcast %eq3A_1265 : i32 to vector<16xi32>
        %eq3A_1267 = arith.cmpi eq, %iota3A, %eq3A_1266 : vector<16xi32>
        %broadcast_in_dim3A_1268 = vector.broadcast %squeeze3A_1264 : f32 to vector<16xf32>
        %select_n3A_1269 = arith.select %eq3A_1267, %broadcast_in_dim3A_1268, %select_n3A_1244 : vector<16xi1>, vector<16xf32>
        %mul3A_1270 = arith.constant 16 : i32
        %mul3A_1271 = arith.muli %scan3A_998, %mul3A_1270 : i32
        %add3A_1272 = arith.constant 0 : i32
        %add3A_1273 = arith.addi %add3A_1272, %mul3A_1271 : i32
        %add3A_1274 = arith.constant 11 : i32
        %add3A_1275 = arith.addi %add3A_1273, %add3A_1274 : i32
        %get3A_1276 = arith.index_cast %add3A_1275 : i32 to index
        %get3A_1277 = arith.constant 0 : index
        %get3A_1278 = tpu.vector_load %arg15[%get3A_1276, %get3A_1277] {strides = array<i32>} : memref<1728x32xf32, #tpu.memory_space<vmem>>, vector<16xf32>,
        %get3A_1279 = arith.index_cast %add3A_1275 : i32 to index
        %get3A_1280 = arith.constant 16 : index
        %get3A_1281 = tpu.vector_load %arg15[%get3A_1279, %get3A_1280] {strides = array<i32>} : memref<1728x32xf32, #tpu.memory_space<vmem>>, vector<16xf32>,
        %mul3A_1282 = arith.mulf %get3A_1278, %get3A_921 : vector<16xf32>
        %mul3A_1283 = arith.mulf %get3A_1281, %get3A_928 : vector<16xf32>
        %add3A_1284 = arith.addf %mul3A_1282, %mul3A_1283 : vector<16xf32>
        %broadcast_in_dim3A_1285 = arith.constant true
        %broadcast_in_dim3A_1286 = vector.broadcast %broadcast_in_dim3A_1285 : i1 to vector<16xi1>
        %masked_cumsum3A_1287 = tpu.scan <sum>, %add3A_1284 masked %broadcast_in_dim3A_1286 : vector<16xf32>, vector<16xi1> -> vector<16xf32>
        %slice3A_1288 = vector.extract_strided_slice %masked_cumsum3A_1287 {offsets = [15], sizes = [1], strides = [1]} : vector<16xf32> to vector<1xf32>
        %squeeze3A_1289 = vector.extract %slice3A_1288[0] : f32 from vector<1xf32>
        %eq3A_1290 = arith.constant 11 : i32
        %eq3A_1291 = vector.broadcast %eq3A_1290 : i32 to vector<16xi32>
        %eq3A_1292 = arith.cmpi eq, %iota3A, %eq3A_1291 : vector<16xi32>
        %broadcast_in_dim3A_1293 = vector.broadcast %squeeze3A_1289 : f32 to vector<16xf32>
        %select_n3A_1294 = arith.select %eq3A_1292, %broadcast_in_dim3A_1293, %select_n3A_1269 : vector<16xi1>, vector<16xf32>
        %mul3A_1295 = arith.constant 16 : i32
        %mul3A_1296 = arith.muli %scan3A_998, %mul3A_1295 : i32
        %add3A_1297 = arith.constant 0 : i32
        %add3A_1298 = arith.addi %add3A_1297, %mul3A_1296 : i32
        %add3A_1299 = arith.constant 12 : i32
        %add3A_1300 = arith.addi %add3A_1298, %add3A_1299 : i32
        %get3A_1301 = arith.index_cast %add3A_1300 : i32 to index
        %get3A_1302 = arith.constant 0 : index
        %get3A_1303 = tpu.vector_load %arg15[%get3A_1301, %get3A_1302] {strides = array<i32>} : memref<1728x32xf32, #tpu.memory_space<vmem>>, vector<16xf32>,
        %get3A_1304 = arith.index_cast %add3A_1300 : i32 to index
        %get3A_1305 = arith.constant 16 : index
        %get3A_1306 = tpu.vector_load %arg15[%get3A_1304, %get3A_1305] {strides = array<i32>} : memref<1728x32xf32, #tpu.memory_space<vmem>>, vector<16xf32>,
        %mul3A_1307 = arith.mulf %get3A_1303, %get3A_921 : vector<16xf32>
        %mul3A_1308 = arith.mulf %get3A_1306, %get3A_928 : vector<16xf32>
        %add3A_1309 = arith.addf %mul3A_1307, %mul3A_1308 : vector<16xf32>
        %broadcast_in_dim3A_1310 = arith.constant true
        %broadcast_in_dim3A_1311 = vector.broadcast %broadcast_in_dim3A_1310 : i1 to vector<16xi1>
        %masked_cumsum3A_1312 = tpu.scan <sum>, %add3A_1309 masked %broadcast_in_dim3A_1311 : vector<16xf32>, vector<16xi1> -> vector<16xf32>
        %slice3A_1313 = vector.extract_strided_slice %masked_cumsum3A_1312 {offsets = [15], sizes = [1], strides = [1]} : vector<16xf32> to vector<1xf32>
        %squeeze3A_1314 = vector.extract %slice3A_1313[0] : f32 from vector<1xf32>
        %eq3A_1315 = arith.constant 12 : i32
        %eq3A_1316 = vector.broadcast %eq3A_1315 : i32 to vector<16xi32>
        %eq3A_1317 = arith.cmpi eq, %iota3A, %eq3A_1316 : vector<16xi32>
        %broadcast_in_dim3A_1318 = vector.broadcast %squeeze3A_1314 : f32 to vector<16xf32>
        %select_n3A_1319 = arith.select %eq3A_1317, %broadcast_in_dim3A_1318, %select_n3A_1294 : vector<16xi1>, vector<16xf32>
        %mul3A_1320 = arith.constant 16 : i32
        %mul3A_1321 = arith.muli %scan3A_998, %mul3A_1320 : i32
        %add3A_1322 = arith.constant 0 : i32
        %add3A_1323 = arith.addi %add3A_1322, %mul3A_1321 : i32
        %add3A_1324 = arith.constant 13 : i32
        %add3A_1325 = arith.addi %add3A_1323, %add3A_1324 : i32
        %get3A_1326 = arith.index_cast %add3A_1325 : i32 to index
        %get3A_1327 = arith.constant 0 : index
        %get3A_1328 = tpu.vector_load %arg15[%get3A_1326, %get3A_1327] {strides = array<i32>} : memref<1728x32xf32, #tpu.memory_space<vmem>>, vector<16xf32>,
        %get3A_1329 = arith.index_cast %add3A_1325 : i32 to index
        %get3A_1330 = arith.constant 16 : index
        %get3A_1331 = tpu.vector_load %arg15[%get3A_1329, %get3A_1330] {strides = array<i32>} : memref<1728x32xf32, #tpu.memory_space<vmem>>, vector<16xf32>,
        %mul3A_1332 = arith.mulf %get3A_1328, %get3A_921 : vector<16xf32>
        %mul3A_1333 = arith.mulf %get3A_1331, %get3A_928 : vector<16xf32>
        %add3A_1334 = arith.addf %mul3A_1332, %mul3A_1333 : vector<16xf32>
        %broadcast_in_dim3A_1335 = arith.constant true
        %broadcast_in_dim3A_1336 = vector.broadcast %broadcast_in_dim3A_1335 : i1 to vector<16xi1>
        %masked_cumsum3A_1337 = tpu.scan <sum>, %add3A_1334 masked %broadcast_in_dim3A_1336 : vector<16xf32>, vector<16xi1> -> vector<16xf32>
        %slice3A_1338 = vector.extract_strided_slice %masked_cumsum3A_1337 {offsets = [15], sizes = [1], strides = [1]} : vector<16xf32> to vector<1xf32>
        %squeeze3A_1339 = vector.extract %slice3A_1338[0] : f32 from vector<1xf32>
        %eq3A_1340 = arith.constant 13 : i32
        %eq3A_1341 = vector.broadcast %eq3A_1340 : i32 to vector<16xi32>
        %eq3A_1342 = arith.cmpi eq, %iota3A, %eq3A_1341 : vector<16xi32>
        %broadcast_in_dim3A_1343 = vector.broadcast %squeeze3A_1339 : f32 to vector<16xf32>
        %select_n3A_1344 = arith.select %eq3A_1342, %broadcast_in_dim3A_1343, %select_n3A_1319 : vector<16xi1>, vector<16xf32>
        %mul3A_1345 = arith.constant 16 : i32
        %mul3A_1346 = arith.muli %scan3A_998, %mul3A_1345 : i32
        %add3A_1347 = arith.constant 0 : i32
        %add3A_1348 = arith.addi %add3A_1347, %mul3A_1346 : i32
        %add3A_1349 = arith.constant 14 : i32
        %add3A_1350 = arith.addi %add3A_1348, %add3A_1349 : i32
        %get3A_1351 = arith.index_cast %add3A_1350 : i32 to index
        %get3A_1352 = arith.constant 0 : index
        %get3A_1353 = tpu.vector_load %arg15[%get3A_1351, %get3A_1352] {strides = array<i32>} : memref<1728x32xf32, #tpu.memory_space<vmem>>, vector<16xf32>,
        %get3A_1354 = arith.index_cast %add3A_1350 : i32 to index
        %get3A_1355 = arith.constant 16 : index
        %get3A_1356 = tpu.vector_load %arg15[%get3A_1354, %get3A_1355] {strides = array<i32>} : memref<1728x32xf32, #tpu.memory_space<vmem>>, vector<16xf32>,
        %mul3A_1357 = arith.mulf %get3A_1353, %get3A_921 : vector<16xf32>
        %mul3A_1358 = arith.mulf %get3A_1356, %get3A_928 : vector<16xf32>
        %add3A_1359 = arith.addf %mul3A_1357, %mul3A_1358 : vector<16xf32>
        %broadcast_in_dim3A_1360 = arith.constant true
        %broadcast_in_dim3A_1361 = vector.broadcast %broadcast_in_dim3A_1360 : i1 to vector<16xi1>
        %masked_cumsum3A_1362 = tpu.scan <sum>, %add3A_1359 masked %broadcast_in_dim3A_1361 : vector<16xf32>, vector<16xi1> -> vector<16xf32>
        %slice3A_1363 = vector.extract_strided_slice %masked_cumsum3A_1362 {offsets = [15], sizes = [1], strides = [1]} : vector<16xf32> to vector<1xf32>
        %squeeze3A_1364 = vector.extract %slice3A_1363[0] : f32 from vector<1xf32>
        %eq3A_1365 = arith.constant 14 : i32
        %eq3A_1366 = vector.broadcast %eq3A_1365 : i32 to vector<16xi32>
        %eq3A_1367 = arith.cmpi eq, %iota3A, %eq3A_1366 : vector<16xi32>
        %broadcast_in_dim3A_1368 = vector.broadcast %squeeze3A_1364 : f32 to vector<16xf32>
        %select_n3A_1369 = arith.select %eq3A_1367, %broadcast_in_dim3A_1368, %select_n3A_1344 : vector<16xi1>, vector<16xf32>
        %mul3A_1370 = arith.constant 16 : i32
        %mul3A_1371 = arith.muli %scan3A_998, %mul3A_1370 : i32
        %add3A_1372 = arith.constant 0 : i32
        %add3A_1373 = arith.addi %add3A_1372, %mul3A_1371 : i32
        %add3A_1374 = arith.constant 15 : i32
        %add3A_1375 = arith.addi %add3A_1373, %add3A_1374 : i32
        %get3A_1376 = arith.index_cast %add3A_1375 : i32 to index
        %get3A_1377 = arith.constant 0 : index
        %get3A_1378 = tpu.vector_load %arg15[%get3A_1376, %get3A_1377] {strides = array<i32>} : memref<1728x32xf32, #tpu.memory_space<vmem>>, vector<16xf32>,
        %get3A_1379 = arith.index_cast %add3A_1375 : i32 to index
        %get3A_1380 = arith.constant 16 : index
        %get3A_1381 = tpu.vector_load %arg15[%get3A_1379, %get3A_1380] {strides = array<i32>} : memref<1728x32xf32, #tpu.memory_space<vmem>>, vector<16xf32>,
        %mul3A_1382 = arith.mulf %get3A_1378, %get3A_921 : vector<16xf32>
        %mul3A_1383 = arith.mulf %get3A_1381, %get3A_928 : vector<16xf32>
        %add3A_1384 = arith.addf %mul3A_1382, %mul3A_1383 : vector<16xf32>
        %broadcast_in_dim3A_1385 = arith.constant true
        %broadcast_in_dim3A_1386 = vector.broadcast %broadcast_in_dim3A_1385 : i1 to vector<16xi1>
        %masked_cumsum3A_1387 = tpu.scan <sum>, %add3A_1384 masked %broadcast_in_dim3A_1386 : vector<16xf32>, vector<16xi1> -> vector<16xf32>
        %slice3A_1388 = vector.extract_strided_slice %masked_cumsum3A_1387 {offsets = [15], sizes = [1], strides = [1]} : vector<16xf32> to vector<1xf32>
        %squeeze3A_1389 = vector.extract %slice3A_1388[0] : f32 from vector<1xf32>
        %eq3A_1390 = arith.constant 15 : i32
        %eq3A_1391 = vector.broadcast %eq3A_1390 : i32 to vector<16xi32>
        %eq3A_1392 = arith.cmpi eq, %iota3A, %eq3A_1391 : vector<16xi32>
        %broadcast_in_dim3A_1393 = vector.broadcast %squeeze3A_1389 : f32 to vector<16xf32>
        %select_n3A_1394 = arith.select %eq3A_1392, %broadcast_in_dim3A_1393, %select_n3A_1369 : vector<16xi1>, vector<16xf32>
        %mul3A_1395 = arith.constant 16 : i32
        %mul3A_1396 = arith.muli %scan3A_998, %mul3A_1395 : i32
        %swap3A = arith.constant 0 : i32
        %swap3A_1397 = arith.index_cast %swap3A : i32 to index
        %swap3A_1398 = arith.index_cast %mul3A_1396 : i32 to index
        %swap3A_1399 = tpu.vector_load %arg17[%swap3A_1397, %swap3A_1398] {strides = array<i32>} : memref<4x432xf32, #tpu.memory_space<vmem>>, vector<16xf32>,
        tpu.vector_store %arg17[%swap3A_1397, %swap3A_1398], %select_n3A_1394 {strides = array<i32>} : memref<4x432xf32, #tpu.memory_space<vmem>>, vector<16xf32>,
      }
      %scan3A_934 = arith.constant 27 : i32
      %mul3A_935 = arith.constant 4 : i32
      %mul3A_936 = arith.muli %add3A_914, %mul3A_935 : i32
      %add3A_937 = arith.constant 1 : i32
      %add3A_938 = arith.addi %mul3A_936, %add3A_937 : i32
      %get3A_939 = arith.index_cast %add3A_938 : i32 to index
      %get3A_940 = arith.constant 0 : index
      %get3A_941 = tpu.vector_load %arg9[%get3A_939, %get3A_940] {strides = array<i32>} : memref<128x32xf32, #tpu.memory_space<vmem>>, vector<16xf32>,
      %mul3A_942 = arith.constant 4 : i32
      %mul3A_943 = arith.muli %add3A_914, %mul3A_942 : i32
      %add3A_944 = arith.constant 1 : i32
      %add3A_945 = arith.addi %mul3A_943, %add3A_944 : i32
      %get3A_946 = arith.index_cast %add3A_945 : i32 to index
      %get3A_947 = arith.constant 16 : index
      %get3A_948 = tpu.vector_load %arg9[%get3A_946, %get3A_947] {strides = array<i32>} : memref<128x32xf32, #tpu.memory_space<vmem>>, vector<16xf32>,
      %scan3A_949 = arith.constant 0 : i32
      %scan3A_950 = arith.constant 0 : i32
      %scan3A_951 = arith.constant 27 : i32
      %scan3A_952 = arith.addi %scan3A_950, %scan3A_951 : i32
      %scan3A_953 = arith.constant 1 : i32
      scf.for %scan3A_998 = %scan3A_950 to %scan3A_952 step %scan3A_953  : i32 {
        %broadcast_in_dim3A = arith.constant 0.000000e+00 : f32
        %broadcast_in_dim3A_999 = vector.broadcast %broadcast_in_dim3A : f32 to vector<16xf32>
        %mul3A_1000 = arith.constant 16 : i32
        %mul3A_1001 = arith.muli %scan3A_998, %mul3A_1000 : i32
        %add3A_1002 = arith.constant 432 : i32
        %add3A_1003 = arith.addi %add3A_1002, %mul3A_1001 : i32
        %add3A_1004 = arith.constant 0 : i32
        %add3A_1005 = arith.addi %add3A_1003, %add3A_1004 : i32
        %get3A_1006 = arith.index_cast %add3A_1005 : i32 to index
        %get3A_1007 = arith.constant 0 : index
        %get3A_1008 = tpu.vector_load %arg15[%get3A_1006, %get3A_1007] {strides = array<i32>} : memref<1728x32xf32, #tpu.memory_space<vmem>>, vector<16xf32>,
        %get3A_1009 = arith.index_cast %add3A_1005 : i32 to index
        %get3A_1010 = arith.constant 16 : index
        %get3A_1011 = tpu.vector_load %arg15[%get3A_1009, %get3A_1010] {strides = array<i32>} : memref<1728x32xf32, #tpu.memory_space<vmem>>, vector<16xf32>,
        %mul3A_1012 = arith.mulf %get3A_1008, %get3A_941 : vector<16xf32>
        %mul3A_1013 = arith.mulf %get3A_1011, %get3A_948 : vector<16xf32>
        %add3A_1014 = arith.addf %mul3A_1012, %mul3A_1013 : vector<16xf32>
        %broadcast_in_dim3A_1015 = arith.constant true
        %broadcast_in_dim3A_1016 = vector.broadcast %broadcast_in_dim3A_1015 : i1 to vector<16xi1>
        %masked_cumsum3A = tpu.scan <sum>, %add3A_1014 masked %broadcast_in_dim3A_1016 : vector<16xf32>, vector<16xi1> -> vector<16xf32>
        %slice3A = vector.extract_strided_slice %masked_cumsum3A {offsets = [15], sizes = [1], strides = [1]} : vector<16xf32> to vector<1xf32>
        %squeeze3A = vector.extract %slice3A[0] : f32 from vector<1xf32>
        %eq3A = arith.constant 0 : i32
        %eq3A_1017 = vector.broadcast %eq3A : i32 to vector<16xi32>
        %eq3A_1018 = arith.cmpi eq, %iota3A, %eq3A_1017 : vector<16xi32>
        %broadcast_in_dim3A_1019 = vector.broadcast %squeeze3A : f32 to vector<16xf32>
        %select_n3A = arith.select %eq3A_1018, %broadcast_in_dim3A_1019, %broadcast_in_dim3A_999 : vector<16xi1>, vector<16xf32>
        %mul3A_1020 = arith.constant 16 : i32
        %mul3A_1021 = arith.muli %scan3A_998, %mul3A_1020 : i32
        %add3A_1022 = arith.constant 432 : i32
        %add3A_1023 = arith.addi %add3A_1022, %mul3A_1021 : i32
        %add3A_1024 = arith.constant 1 : i32
        %add3A_1025 = arith.addi %add3A_1023, %add3A_1024 : i32
        %get3A_1026 = arith.index_cast %add3A_1025 : i32 to index
        %get3A_1027 = arith.constant 0 : index
        %get3A_1028 = tpu.vector_load %arg15[%get3A_1026, %get3A_1027] {strides = array<i32>} : memref<1728x32xf32, #tpu.memory_space<vmem>>, vector<16xf32>,
        %get3A_1029 = arith.index_cast %add3A_1025 : i32 to index
        %get3A_1030 = arith.constant 16 : index
        %get3A_1031 = tpu.vector_load %arg15[%get3A_1029, %get3A_1030] {strides = array<i32>} : memref<1728x32xf32, #tpu.memory_space<vmem>>, vector<16xf32>,
        %mul3A_1032 = arith.mulf %get3A_1028, %get3A_941 : vector<16xf32>
        %mul3A_1033 = arith.mulf %get3A_1031, %get3A_948 : vector<16xf32>
        %add3A_1034 = arith.addf %mul3A_1032, %mul3A_1033 : vector<16xf32>
        %broadcast_in_dim3A_1035 = arith.constant true
        %broadcast_in_dim3A_1036 = vector.broadcast %broadcast_in_dim3A_1035 : i1 to vector<16xi1>
        %masked_cumsum3A_1037 = tpu.scan <sum>, %add3A_1034 masked %broadcast_in_dim3A_1036 : vector<16xf32>, vector<16xi1> -> vector<16xf32>
        %slice3A_1038 = vector.extract_strided_slice %masked_cumsum3A_1037 {offsets = [15], sizes = [1], strides = [1]} : vector<16xf32> to vector<1xf32>
        %squeeze3A_1039 = vector.extract %slice3A_1038[0] : f32 from vector<1xf32>
        %eq3A_1040 = arith.constant 1 : i32
        %eq3A_1041 = vector.broadcast %eq3A_1040 : i32 to vector<16xi32>
        %eq3A_1042 = arith.cmpi eq, %iota3A, %eq3A_1041 : vector<16xi32>
        %broadcast_in_dim3A_1043 = vector.broadcast %squeeze3A_1039 : f32 to vector<16xf32>
        %select_n3A_1044 = arith.select %eq3A_1042, %broadcast_in_dim3A_1043, %select_n3A : vector<16xi1>, vector<16xf32>
        %mul3A_1045 = arith.constant 16 : i32
        %mul3A_1046 = arith.muli %scan3A_998, %mul3A_1045 : i32
        %add3A_1047 = arith.constant 432 : i32
        %add3A_1048 = arith.addi %add3A_1047, %mul3A_1046 : i32
        %add3A_1049 = arith.constant 2 : i32
        %add3A_1050 = arith.addi %add3A_1048, %add3A_1049 : i32
        %get3A_1051 = arith.index_cast %add3A_1050 : i32 to index
        %get3A_1052 = arith.constant 0 : index
        %get3A_1053 = tpu.vector_load %arg15[%get3A_1051, %get3A_1052] {strides = array<i32>} : memref<1728x32xf32, #tpu.memory_space<vmem>>, vector<16xf32>,
        %get3A_1054 = arith.index_cast %add3A_1050 : i32 to index
        %get3A_1055 = arith.constant 16 : index
        %get3A_1056 = tpu.vector_load %arg15[%get3A_1054, %get3A_1055] {strides = array<i32>} : memref<1728x32xf32, #tpu.memory_space<vmem>>, vector<16xf32>,
        %mul3A_1057 = arith.mulf %get3A_1053, %get3A_941 : vector<16xf32>
        %mul3A_1058 = arith.mulf %get3A_1056, %get3A_948 : vector<16xf32>
        %add3A_1059 = arith.addf %mul3A_1057, %mul3A_1058 : vector<16xf32>
        %broadcast_in_dim3A_1060 = arith.constant true
        %broadcast_in_dim3A_1061 = vector.broadcast %broadcast_in_dim3A_1060 : i1 to vector<16xi1>
        %masked_cumsum3A_1062 = tpu.scan <sum>, %add3A_1059 masked %broadcast_in_dim3A_1061 : vector<16xf32>, vector<16xi1> -> vector<16xf32>
        %slice3A_1063 = vector.extract_strided_slice %masked_cumsum3A_1062 {offsets = [15], sizes = [1], strides = [1]} : vector<16xf32> to vector<1xf32>
        %squeeze3A_1064 = vector.extract %slice3A_1063[0] : f32 from vector<1xf32>
        %eq3A_1065 = arith.constant 2 : i32
        %eq3A_1066 = vector.broadcast %eq3A_1065 : i32 to vector<16xi32>
        %eq3A_1067 = arith.cmpi eq, %iota3A, %eq3A_1066 : vector<16xi32>
        %broadcast_in_dim3A_1068 = vector.broadcast %squeeze3A_1064 : f32 to vector<16xf32>
        %select_n3A_1069 = arith.select %eq3A_1067, %broadcast_in_dim3A_1068, %select_n3A_1044 : vector<16xi1>, vector<16xf32>
        %mul3A_1070 = arith.constant 16 : i32
        %mul3A_1071 = arith.muli %scan3A_998, %mul3A_1070 : i32
        %add3A_1072 = arith.constant 432 : i32
        %add3A_1073 = arith.addi %add3A_1072, %mul3A_1071 : i32
        %add3A_1074 = arith.constant 3 : i32
        %add3A_1075 = arith.addi %add3A_1073, %add3A_1074 : i32
        %get3A_1076 = arith.index_cast %add3A_1075 : i32 to index
        %get3A_1077 = arith.constant 0 : index
        %get3A_1078 = tpu.vector_load %arg15[%get3A_1076, %get3A_1077] {strides = array<i32>} : memref<1728x32xf32, #tpu.memory_space<vmem>>, vector<16xf32>,
        %get3A_1079 = arith.index_cast %add3A_1075 : i32 to index
        %get3A_1080 = arith.constant 16 : index
        %get3A_1081 = tpu.vector_load %arg15[%get3A_1079, %get3A_1080] {strides = array<i32>} : memref<1728x32xf32, #tpu.memory_space<vmem>>, vector<16xf32>,
        %mul3A_1082 = arith.mulf %get3A_1078, %get3A_941 : vector<16xf32>
        %mul3A_1083 = arith.mulf %get3A_1081, %get3A_948 : vector<16xf32>
        %add3A_1084 = arith.addf %mul3A_1082, %mul3A_1083 : vector<16xf32>
        %broadcast_in_dim3A_1085 = arith.constant true
        %broadcast_in_dim3A_1086 = vector.broadcast %broadcast_in_dim3A_1085 : i1 to vector<16xi1>
        %masked_cumsum3A_1087 = tpu.scan <sum>, %add3A_1084 masked %broadcast_in_dim3A_1086 : vector<16xf32>, vector<16xi1> -> vector<16xf32>
        %slice3A_1088 = vector.extract_strided_slice %masked_cumsum3A_1087 {offsets = [15], sizes = [1], strides = [1]} : vector<16xf32> to vector<1xf32>
        %squeeze3A_1089 = vector.extract %slice3A_1088[0] : f32 from vector<1xf32>
        %eq3A_1090 = arith.constant 3 : i32
        %eq3A_1091 = vector.broadcast %eq3A_1090 : i32 to vector<16xi32>
        %eq3A_1092 = arith.cmpi eq, %iota3A, %eq3A_1091 : vector<16xi32>
        %broadcast_in_dim3A_1093 = vector.broadcast %squeeze3A_1089 : f32 to vector<16xf32>
        %select_n3A_1094 = arith.select %eq3A_1092, %broadcast_in_dim3A_1093, %select_n3A_1069 : vector<16xi1>, vector<16xf32>
        %mul3A_1095 = arith.constant 16 : i32
        %mul3A_1096 = arith.muli %scan3A_998, %mul3A_1095 : i32
        %add3A_1097 = arith.constant 432 : i32
        %add3A_1098 = arith.addi %add3A_1097, %mul3A_1096 : i32
        %add3A_1099 = arith.constant 4 : i32
        %add3A_1100 = arith.addi %add3A_1098, %add3A_1099 : i32
        %get3A_1101 = arith.index_cast %add3A_1100 : i32 to index
        %get3A_1102 = arith.constant 0 : index
        %get3A_1103 = tpu.vector_load %arg15[%get3A_1101, %get3A_1102] {strides = array<i32>} : memref<1728x32xf32, #tpu.memory_space<vmem>>, vector<16xf32>,
        %get3A_1104 = arith.index_cast %add3A_1100 : i32 to index
        %get3A_1105 = arith.constant 16 : index
        %get3A_1106 = tpu.vector_load %arg15[%get3A_1104, %get3A_1105] {strides = array<i32>} : memref<1728x32xf32, #tpu.memory_space<vmem>>, vector<16xf32>,
        %mul3A_1107 = arith.mulf %get3A_1103, %get3A_941 : vector<16xf32>
        %mul3A_1108 = arith.mulf %get3A_1106, %get3A_948 : vector<16xf32>
        %add3A_1109 = arith.addf %mul3A_1107, %mul3A_1108 : vector<16xf32>
        %broadcast_in_dim3A_1110 = arith.constant true
        %broadcast_in_dim3A_1111 = vector.broadcast %broadcast_in_dim3A_1110 : i1 to vector<16xi1>
        %masked_cumsum3A_1112 = tpu.scan <sum>, %add3A_1109 masked %broadcast_in_dim3A_1111 : vector<16xf32>, vector<16xi1> -> vector<16xf32>
        %slice3A_1113 = vector.extract_strided_slice %masked_cumsum3A_1112 {offsets = [15], sizes = [1], strides = [1]} : vector<16xf32> to vector<1xf32>
        %squeeze3A_1114 = vector.extract %slice3A_1113[0] : f32 from vector<1xf32>
        %eq3A_1115 = arith.constant 4 : i32
        %eq3A_1116 = vector.broadcast %eq3A_1115 : i32 to vector<16xi32>
        %eq3A_1117 = arith.cmpi eq, %iota3A, %eq3A_1116 : vector<16xi32>
        %broadcast_in_dim3A_1118 = vector.broadcast %squeeze3A_1114 : f32 to vector<16xf32>
        %select_n3A_1119 = arith.select %eq3A_1117, %broadcast_in_dim3A_1118, %select_n3A_1094 : vector<16xi1>, vector<16xf32>
        %mul3A_1120 = arith.constant 16 : i32
        %mul3A_1121 = arith.muli %scan3A_998, %mul3A_1120 : i32
        %add3A_1122 = arith.constant 432 : i32
        %add3A_1123 = arith.addi %add3A_1122, %mul3A_1121 : i32
        %add3A_1124 = arith.constant 5 : i32
        %add3A_1125 = arith.addi %add3A_1123, %add3A_1124 : i32
        %get3A_1126 = arith.index_cast %add3A_1125 : i32 to index
        %get3A_1127 = arith.constant 0 : index
        %get3A_1128 = tpu.vector_load %arg15[%get3A_1126, %get3A_1127] {strides = array<i32>} : memref<1728x32xf32, #tpu.memory_space<vmem>>, vector<16xf32>,
        %get3A_1129 = arith.index_cast %add3A_1125 : i32 to index
        %get3A_1130 = arith.constant 16 : index
        %get3A_1131 = tpu.vector_load %arg15[%get3A_1129, %get3A_1130] {strides = array<i32>} : memref<1728x32xf32, #tpu.memory_space<vmem>>, vector<16xf32>,
        %mul3A_1132 = arith.mulf %get3A_1128, %get3A_941 : vector<16xf32>
        %mul3A_1133 = arith.mulf %get3A_1131, %get3A_948 : vector<16xf32>
        %add3A_1134 = arith.addf %mul3A_1132, %mul3A_1133 : vector<16xf32>
        %broadcast_in_dim3A_1135 = arith.constant true
        %broadcast_in_dim3A_1136 = vector.broadcast %broadcast_in_dim3A_1135 : i1 to vector<16xi1>
        %masked_cumsum3A_1137 = tpu.scan <sum>, %add3A_1134 masked %broadcast_in_dim3A_1136 : vector<16xf32>, vector<16xi1> -> vector<16xf32>
        %slice3A_1138 = vector.extract_strided_slice %masked_cumsum3A_1137 {offsets = [15], sizes = [1], strides = [1]} : vector<16xf32> to vector<1xf32>
        %squeeze3A_1139 = vector.extract %slice3A_1138[0] : f32 from vector<1xf32>
        %eq3A_1140 = arith.constant 5 : i32
        %eq3A_1141 = vector.broadcast %eq3A_1140 : i32 to vector<16xi32>
        %eq3A_1142 = arith.cmpi eq, %iota3A, %eq3A_1141 : vector<16xi32>
        %broadcast_in_dim3A_1143 = vector.broadcast %squeeze3A_1139 : f32 to vector<16xf32>
        %select_n3A_1144 = arith.select %eq3A_1142, %broadcast_in_dim3A_1143, %select_n3A_1119 : vector<16xi1>, vector<16xf32>
        %mul3A_1145 = arith.constant 16 : i32
        %mul3A_1146 = arith.muli %scan3A_998, %mul3A_1145 : i32
        %add3A_1147 = arith.constant 432 : i32
        %add3A_1148 = arith.addi %add3A_1147, %mul3A_1146 : i32
        %add3A_1149 = arith.constant 6 : i32
        %add3A_1150 = arith.addi %add3A_1148, %add3A_1149 : i32
        %get3A_1151 = arith.index_cast %add3A_1150 : i32 to index
        %get3A_1152 = arith.constant 0 : index
        %get3A_1153 = tpu.vector_load %arg15[%get3A_1151, %get3A_1152] {strides = array<i32>} : memref<1728x32xf32, #tpu.memory_space<vmem>>, vector<16xf32>,
        %get3A_1154 = arith.index_cast %add3A_1150 : i32 to index
        %get3A_1155 = arith.constant 16 : index
        %get3A_1156 = tpu.vector_load %arg15[%get3A_1154, %get3A_1155] {strides = array<i32>} : memref<1728x32xf32, #tpu.memory_space<vmem>>, vector<16xf32>,
        %mul3A_1157 = arith.mulf %get3A_1153, %get3A_941 : vector<16xf32>
        %mul3A_1158 = arith.mulf %get3A_1156, %get3A_948 : vector<16xf32>
        %add3A_1159 = arith.addf %mul3A_1157, %mul3A_1158 : vector<16xf32>
        %broadcast_in_dim3A_1160 = arith.constant true
        %broadcast_in_dim3A_1161 = vector.broadcast %broadcast_in_dim3A_1160 : i1 to vector<16xi1>
        %masked_cumsum3A_1162 = tpu.scan <sum>, %add3A_1159 masked %broadcast_in_dim3A_1161 : vector<16xf32>, vector<16xi1> -> vector<16xf32>
        %slice3A_1163 = vector.extract_strided_slice %masked_cumsum3A_1162 {offsets = [15], sizes = [1], strides = [1]} : vector<16xf32> to vector<1xf32>
        %squeeze3A_1164 = vector.extract %slice3A_1163[0] : f32 from vector<1xf32>
        %eq3A_1165 = arith.constant 6 : i32
        %eq3A_1166 = vector.broadcast %eq3A_1165 : i32 to vector<16xi32>
        %eq3A_1167 = arith.cmpi eq, %iota3A, %eq3A_1166 : vector<16xi32>
        %broadcast_in_dim3A_1168 = vector.broadcast %squeeze3A_1164 : f32 to vector<16xf32>
        %select_n3A_1169 = arith.select %eq3A_1167, %broadcast_in_dim3A_1168, %select_n3A_1144 : vector<16xi1>, vector<16xf32>
        %mul3A_1170 = arith.constant 16 : i32
        %mul3A_1171 = arith.muli %scan3A_998, %mul3A_1170 : i32
        %add3A_1172 = arith.constant 432 : i32
        %add3A_1173 = arith.addi %add3A_1172, %mul3A_1171 : i32
        %add3A_1174 = arith.constant 7 : i32
        %add3A_1175 = arith.addi %add3A_1173, %add3A_1174 : i32
        %get3A_1176 = arith.index_cast %add3A_1175 : i32 to index
        %get3A_1177 = arith.constant 0 : index
        %get3A_1178 = tpu.vector_load %arg15[%get3A_1176, %get3A_1177] {strides = array<i32>} : memref<1728x32xf32, #tpu.memory_space<vmem>>, vector<16xf32>,
        %get3A_1179 = arith.index_cast %add3A_1175 : i32 to index
        %get3A_1180 = arith.constant 16 : index
        %get3A_1181 = tpu.vector_load %arg15[%get3A_1179, %get3A_1180] {strides = array<i32>} : memref<1728x32xf32, #tpu.memory_space<vmem>>, vector<16xf32>,
        %mul3A_1182 = arith.mulf %get3A_1178, %get3A_941 : vector<16xf32>
        %mul3A_1183 = arith.mulf %get3A_1181, %get3A_948 : vector<16xf32>
        %add3A_1184 = arith.addf %mul3A_1182, %mul3A_1183 : vector<16xf32>
        %broadcast_in_dim3A_1185 = arith.constant true
        %broadcast_in_dim3A_1186 = vector.broadcast %broadcast_in_dim3A_1185 : i1 to vector<16xi1>
        %masked_cumsum3A_1187 = tpu.scan <sum>, %add3A_1184 masked %broadcast_in_dim3A_1186 : vector<16xf32>, vector<16xi1> -> vector<16xf32>
        %slice3A_1188 = vector.extract_strided_slice %masked_cumsum3A_1187 {offsets = [15], sizes = [1], strides = [1]} : vector<16xf32> to vector<1xf32>
        %squeeze3A_1189 = vector.extract %slice3A_1188[0] : f32 from vector<1xf32>
        %eq3A_1190 = arith.constant 7 : i32
        %eq3A_1191 = vector.broadcast %eq3A_1190 : i32 to vector<16xi32>
        %eq3A_1192 = arith.cmpi eq, %iota3A, %eq3A_1191 : vector<16xi32>
        %broadcast_in_dim3A_1193 = vector.broadcast %squeeze3A_1189 : f32 to vector<16xf32>
        %select_n3A_1194 = arith.select %eq3A_1192, %broadcast_in_dim3A_1193, %select_n3A_1169 : vector<16xi1>, vector<16xf32>
        %mul3A_1195 = arith.constant 16 : i32
        %mul3A_1196 = arith.muli %scan3A_998, %mul3A_1195 : i32
        %add3A_1197 = arith.constant 432 : i32
        %add3A_1198 = arith.addi %add3A_1197, %mul3A_1196 : i32
        %add3A_1199 = arith.constant 8 : i32
        %add3A_1200 = arith.addi %add3A_1198, %add3A_1199 : i32
        %get3A_1201 = arith.index_cast %add3A_1200 : i32 to index
        %get3A_1202 = arith.constant 0 : index
        %get3A_1203 = tpu.vector_load %arg15[%get3A_1201, %get3A_1202] {strides = array<i32>} : memref<1728x32xf32, #tpu.memory_space<vmem>>, vector<16xf32>,
        %get3A_1204 = arith.index_cast %add3A_1200 : i32 to index
        %get3A_1205 = arith.constant 16 : index
        %get3A_1206 = tpu.vector_load %arg15[%get3A_1204, %get3A_1205] {strides = array<i32>} : memref<1728x32xf32, #tpu.memory_space<vmem>>, vector<16xf32>,
        %mul3A_1207 = arith.mulf %get3A_1203, %get3A_941 : vector<16xf32>
        %mul3A_1208 = arith.mulf %get3A_1206, %get3A_948 : vector<16xf32>
        %add3A_1209 = arith.addf %mul3A_1207, %mul3A_1208 : vector<16xf32>
        %broadcast_in_dim3A_1210 = arith.constant true
        %broadcast_in_dim3A_1211 = vector.broadcast %broadcast_in_dim3A_1210 : i1 to vector<16xi1>
        %masked_cumsum3A_1212 = tpu.scan <sum>, %add3A_1209 masked %broadcast_in_dim3A_1211 : vector<16xf32>, vector<16xi1> -> vector<16xf32>
        %slice3A_1213 = vector.extract_strided_slice %masked_cumsum3A_1212 {offsets = [15], sizes = [1], strides = [1]} : vector<16xf32> to vector<1xf32>
        %squeeze3A_1214 = vector.extract %slice3A_1213[0] : f32 from vector<1xf32>
        %eq3A_1215 = arith.constant 8 : i32
        %eq3A_1216 = vector.broadcast %eq3A_1215 : i32 to vector<16xi32>
        %eq3A_1217 = arith.cmpi eq, %iota3A, %eq3A_1216 : vector<16xi32>
        %broadcast_in_dim3A_1218 = vector.broadcast %squeeze3A_1214 : f32 to vector<16xf32>
        %select_n3A_1219 = arith.select %eq3A_1217, %broadcast_in_dim3A_1218, %select_n3A_1194 : vector<16xi1>, vector<16xf32>
        %mul3A_1220 = arith.constant 16 : i32
        %mul3A_1221 = arith.muli %scan3A_998, %mul3A_1220 : i32
        %add3A_1222 = arith.constant 432 : i32
        %add3A_1223 = arith.addi %add3A_1222, %mul3A_1221 : i32
        %add3A_1224 = arith.constant 9 : i32
        %add3A_1225 = arith.addi %add3A_1223, %add3A_1224 : i32
        %get3A_1226 = arith.index_cast %add3A_1225 : i32 to index
        %get3A_1227 = arith.constant 0 : index
        %get3A_1228 = tpu.vector_load %arg15[%get3A_1226, %get3A_1227] {strides = array<i32>} : memref<1728x32xf32, #tpu.memory_space<vmem>>, vector<16xf32>,
        %get3A_1229 = arith.index_cast %add3A_1225 : i32 to index
        %get3A_1230 = arith.constant 16 : index
        %get3A_1231 = tpu.vector_load %arg15[%get3A_1229, %get3A_1230] {strides = array<i32>} : memref<1728x32xf32, #tpu.memory_space<vmem>>, vector<16xf32>,
        %mul3A_1232 = arith.mulf %get3A_1228, %get3A_941 : vector<16xf32>
        %mul3A_1233 = arith.mulf %get3A_1231, %get3A_948 : vector<16xf32>
        %add3A_1234 = arith.addf %mul3A_1232, %mul3A_1233 : vector<16xf32>
        %broadcast_in_dim3A_1235 = arith.constant true
        %broadcast_in_dim3A_1236 = vector.broadcast %broadcast_in_dim3A_1235 : i1 to vector<16xi1>
        %masked_cumsum3A_1237 = tpu.scan <sum>, %add3A_1234 masked %broadcast_in_dim3A_1236 : vector<16xf32>, vector<16xi1> -> vector<16xf32>
        %slice3A_1238 = vector.extract_strided_slice %masked_cumsum3A_1237 {offsets = [15], sizes = [1], strides = [1]} : vector<16xf32> to vector<1xf32>
        %squeeze3A_1239 = vector.extract %slice3A_1238[0] : f32 from vector<1xf32>
        %eq3A_1240 = arith.constant 9 : i32
        %eq3A_1241 = vector.broadcast %eq3A_1240 : i32 to vector<16xi32>
        %eq3A_1242 = arith.cmpi eq, %iota3A, %eq3A_1241 : vector<16xi32>
        %broadcast_in_dim3A_1243 = vector.broadcast %squeeze3A_1239 : f32 to vector<16xf32>
        %select_n3A_1244 = arith.select %eq3A_1242, %broadcast_in_dim3A_1243, %select_n3A_1219 : vector<16xi1>, vector<16xf32>
        %mul3A_1245 = arith.constant 16 : i32
        %mul3A_1246 = arith.muli %scan3A_998, %mul3A_1245 : i32
        %add3A_1247 = arith.constant 432 : i32
        %add3A_1248 = arith.addi %add3A_1247, %mul3A_1246 : i32
        %add3A_1249 = arith.constant 10 : i32
        %add3A_1250 = arith.addi %add3A_1248, %add3A_1249 : i32
        %get3A_1251 = arith.index_cast %add3A_1250 : i32 to index
        %get3A_1252 = arith.constant 0 : index
        %get3A_1253 = tpu.vector_load %arg15[%get3A_1251, %get3A_1252] {strides = array<i32>} : memref<1728x32xf32, #tpu.memory_space<vmem>>, vector<16xf32>,
        %get3A_1254 = arith.index_cast %add3A_1250 : i32 to index
        %get3A_1255 = arith.constant 16 : index
        %get3A_1256 = tpu.vector_load %arg15[%get3A_1254, %get3A_1255] {strides = array<i32>} : memref<1728x32xf32, #tpu.memory_space<vmem>>, vector<16xf32>,
        %mul3A_1257 = arith.mulf %get3A_1253, %get3A_941 : vector<16xf32>
        %mul3A_1258 = arith.mulf %get3A_1256, %get3A_948 : vector<16xf32>
        %add3A_1259 = arith.addf %mul3A_1257, %mul3A_1258 : vector<16xf32>
        %broadcast_in_dim3A_1260 = arith.constant true
        %broadcast_in_dim3A_1261 = vector.broadcast %broadcast_in_dim3A_1260 : i1 to vector<16xi1>
        %masked_cumsum3A_1262 = tpu.scan <sum>, %add3A_1259 masked %broadcast_in_dim3A_1261 : vector<16xf32>, vector<16xi1> -> vector<16xf32>
        %slice3A_1263 = vector.extract_strided_slice %masked_cumsum3A_1262 {offsets = [15], sizes = [1], strides = [1]} : vector<16xf32> to vector<1xf32>
        %squeeze3A_1264 = vector.extract %slice3A_1263[0] : f32 from vector<1xf32>
        %eq3A_1265 = arith.constant 10 : i32
        %eq3A_1266 = vector.broadcast %eq3A_1265 : i32 to vector<16xi32>
        %eq3A_1267 = arith.cmpi eq, %iota3A, %eq3A_1266 : vector<16xi32>
        %broadcast_in_dim3A_1268 = vector.broadcast %squeeze3A_1264 : f32 to vector<16xf32>
        %select_n3A_1269 = arith.select %eq3A_1267, %broadcast_in_dim3A_1268, %select_n3A_1244 : vector<16xi1>, vector<16xf32>
        %mul3A_1270 = arith.constant 16 : i32
        %mul3A_1271 = arith.muli %scan3A_998, %mul3A_1270 : i32
        %add3A_1272 = arith.constant 432 : i32
        %add3A_1273 = arith.addi %add3A_1272, %mul3A_1271 : i32
        %add3A_1274 = arith.constant 11 : i32
        %add3A_1275 = arith.addi %add3A_1273, %add3A_1274 : i32
        %get3A_1276 = arith.index_cast %add3A_1275 : i32 to index
        %get3A_1277 = arith.constant 0 : index
        %get3A_1278 = tpu.vector_load %arg15[%get3A_1276, %get3A_1277] {strides = array<i32>} : memref<1728x32xf32, #tpu.memory_space<vmem>>, vector<16xf32>,
        %get3A_1279 = arith.index_cast %add3A_1275 : i32 to index
        %get3A_1280 = arith.constant 16 : index
        %get3A_1281 = tpu.vector_load %arg15[%get3A_1279, %get3A_1280] {strides = array<i32>} : memref<1728x32xf32, #tpu.memory_space<vmem>>, vector<16xf32>,
        %mul3A_1282 = arith.mulf %get3A_1278, %get3A_941 : vector<16xf32>
        %mul3A_1283 = arith.mulf %get3A_1281, %get3A_948 : vector<16xf32>
        %add3A_1284 = arith.addf %mul3A_1282, %mul3A_1283 : vector<16xf32>
        %broadcast_in_dim3A_1285 = arith.constant true
        %broadcast_in_dim3A_1286 = vector.broadcast %broadcast_in_dim3A_1285 : i1 to vector<16xi1>
        %masked_cumsum3A_1287 = tpu.scan <sum>, %add3A_1284 masked %broadcast_in_dim3A_1286 : vector<16xf32>, vector<16xi1> -> vector<16xf32>
        %slice3A_1288 = vector.extract_strided_slice %masked_cumsum3A_1287 {offsets = [15], sizes = [1], strides = [1]} : vector<16xf32> to vector<1xf32>
        %squeeze3A_1289 = vector.extract %slice3A_1288[0] : f32 from vector<1xf32>
        %eq3A_1290 = arith.constant 11 : i32
        %eq3A_1291 = vector.broadcast %eq3A_1290 : i32 to vector<16xi32>
        %eq3A_1292 = arith.cmpi eq, %iota3A, %eq3A_1291 : vector<16xi32>
        %broadcast_in_dim3A_1293 = vector.broadcast %squeeze3A_1289 : f32 to vector<16xf32>
        %select_n3A_1294 = arith.select %eq3A_1292, %broadcast_in_dim3A_1293, %select_n3A_1269 : vector<16xi1>, vector<16xf32>
        %mul3A_1295 = arith.constant 16 : i32
        %mul3A_1296 = arith.muli %scan3A_998, %mul3A_1295 : i32
        %add3A_1297 = arith.constant 432 : i32
        %add3A_1298 = arith.addi %add3A_1297, %mul3A_1296 : i32
        %add3A_1299 = arith.constant 12 : i32
        %add3A_1300 = arith.addi %add3A_1298, %add3A_1299 : i32
        %get3A_1301 = arith.index_cast %add3A_1300 : i32 to index
        %get3A_1302 = arith.constant 0 : index
        %get3A_1303 = tpu.vector_load %arg15[%get3A_1301, %get3A_1302] {strides = array<i32>} : memref<1728x32xf32, #tpu.memory_space<vmem>>, vector<16xf32>,
        %get3A_1304 = arith.index_cast %add3A_1300 : i32 to index
        %get3A_1305 = arith.constant 16 : index
        %get3A_1306 = tpu.vector_load %arg15[%get3A_1304, %get3A_1305] {strides = array<i32>} : memref<1728x32xf32, #tpu.memory_space<vmem>>, vector<16xf32>,
        %mul3A_1307 = arith.mulf %get3A_1303, %get3A_941 : vector<16xf32>
        %mul3A_1308 = arith.mulf %get3A_1306, %get3A_948 : vector<16xf32>
        %add3A_1309 = arith.addf %mul3A_1307, %mul3A_1308 : vector<16xf32>
        %broadcast_in_dim3A_1310 = arith.constant true
        %broadcast_in_dim3A_1311 = vector.broadcast %broadcast_in_dim3A_1310 : i1 to vector<16xi1>
        %masked_cumsum3A_1312 = tpu.scan <sum>, %add3A_1309 masked %broadcast_in_dim3A_1311 : vector<16xf32>, vector<16xi1> -> vector<16xf32>
        %slice3A_1313 = vector.extract_strided_slice %masked_cumsum3A_1312 {offsets = [15], sizes = [1], strides = [1]} : vector<16xf32> to vector<1xf32>
        %squeeze3A_1314 = vector.extract %slice3A_1313[0] : f32 from vector<1xf32>
        %eq3A_1315 = arith.constant 12 : i32
        %eq3A_1316 = vector.broadcast %eq3A_1315 : i32 to vector<16xi32>
        %eq3A_1317 = arith.cmpi eq, %iota3A, %eq3A_1316 : vector<16xi32>
        %broadcast_in_dim3A_1318 = vector.broadcast %squeeze3A_1314 : f32 to vector<16xf32>
        %select_n3A_1319 = arith.select %eq3A_1317, %broadcast_in_dim3A_1318, %select_n3A_1294 : vector<16xi1>, vector<16xf32>
        %mul3A_1320 = arith.constant 16 : i32
        %mul3A_1321 = arith.muli %scan3A_998, %mul3A_1320 : i32
        %add3A_1322 = arith.constant 432 : i32
        %add3A_1323 = arith.addi %add3A_1322, %mul3A_1321 : i32
        %add3A_1324 = arith.constant 13 : i32
        %add3A_1325 = arith.addi %add3A_1323, %add3A_1324 : i32
        %get3A_1326 = arith.index_cast %add3A_1325 : i32 to index
        %get3A_1327 = arith.constant 0 : index
        %get3A_1328 = tpu.vector_load %arg15[%get3A_1326, %get3A_1327] {strides = array<i32>} : memref<1728x32xf32, #tpu.memory_space<vmem>>, vector<16xf32>,
        %get3A_1329 = arith.index_cast %add3A_1325 : i32 to index
        %get3A_1330 = arith.constant 16 : index
        %get3A_1331 = tpu.vector_load %arg15[%get3A_1329, %get3A_1330] {strides = array<i32>} : memref<1728x32xf32, #tpu.memory_space<vmem>>, vector<16xf32>,
        %mul3A_1332 = arith.mulf %get3A_1328, %get3A_941 : vector<16xf32>
        %mul3A_1333 = arith.mulf %get3A_1331, %get3A_948 : vector<16xf32>
        %add3A_1334 = arith.addf %mul3A_1332, %mul3A_1333 : vector<16xf32>
        %broadcast_in_dim3A_1335 = arith.constant true
        %broadcast_in_dim3A_1336 = vector.broadcast %broadcast_in_dim3A_1335 : i1 to vector<16xi1>
        %masked_cumsum3A_1337 = tpu.scan <sum>, %add3A_1334 masked %broadcast_in_dim3A_1336 : vector<16xf32>, vector<16xi1> -> vector<16xf32>
        %slice3A_1338 = vector.extract_strided_slice %masked_cumsum3A_1337 {offsets = [15], sizes = [1], strides = [1]} : vector<16xf32> to vector<1xf32>
        %squeeze3A_1339 = vector.extract %slice3A_1338[0] : f32 from vector<1xf32>
        %eq3A_1340 = arith.constant 13 : i32
        %eq3A_1341 = vector.broadcast %eq3A_1340 : i32 to vector<16xi32>
        %eq3A_1342 = arith.cmpi eq, %iota3A, %eq3A_1341 : vector<16xi32>
        %broadcast_in_dim3A_1343 = vector.broadcast %squeeze3A_1339 : f32 to vector<16xf32>
        %select_n3A_1344 = arith.select %eq3A_1342, %broadcast_in_dim3A_1343, %select_n3A_1319 : vector<16xi1>, vector<16xf32>
        %mul3A_1345 = arith.constant 16 : i32
        %mul3A_1346 = arith.muli %scan3A_998, %mul3A_1345 : i32
        %add3A_1347 = arith.constant 432 : i32
        %add3A_1348 = arith.addi %add3A_1347, %mul3A_1346 : i32
        %add3A_1349 = arith.constant 14 : i32
        %add3A_1350 = arith.addi %add3A_1348, %add3A_1349 : i32
        %get3A_1351 = arith.index_cast %add3A_1350 : i32 to index
        %get3A_1352 = arith.constant 0 : index
        %get3A_1353 = tpu.vector_load %arg15[%get3A_1351, %get3A_1352] {strides = array<i32>} : memref<1728x32xf32, #tpu.memory_space<vmem>>, vector<16xf32>,
        %get3A_1354 = arith.index_cast %add3A_1350 : i32 to index
        %get3A_1355 = arith.constant 16 : index
        %get3A_1356 = tpu.vector_load %arg15[%get3A_1354, %get3A_1355] {strides = array<i32>} : memref<1728x32xf32, #tpu.memory_space<vmem>>, vector<16xf32>,
        %mul3A_1357 = arith.mulf %get3A_1353, %get3A_941 : vector<16xf32>
        %mul3A_1358 = arith.mulf %get3A_1356, %get3A_948 : vector<16xf32>
        %add3A_1359 = arith.addf %mul3A_1357, %mul3A_1358 : vector<16xf32>
        %broadcast_in_dim3A_1360 = arith.constant true
        %broadcast_in_dim3A_1361 = vector.broadcast %broadcast_in_dim3A_1360 : i1 to vector<16xi1>
        %masked_cumsum3A_1362 = tpu.scan <sum>, %add3A_1359 masked %broadcast_in_dim3A_1361 : vector<16xf32>, vector<16xi1> -> vector<16xf32>
        %slice3A_1363 = vector.extract_strided_slice %masked_cumsum3A_1362 {offsets = [15], sizes = [1], strides = [1]} : vector<16xf32> to vector<1xf32>
        %squeeze3A_1364 = vector.extract %slice3A_1363[0] : f32 from vector<1xf32>
        %eq3A_1365 = arith.constant 14 : i32
        %eq3A_1366 = vector.broadcast %eq3A_1365 : i32 to vector<16xi32>
        %eq3A_1367 = arith.cmpi eq, %iota3A, %eq3A_1366 : vector<16xi32>
        %broadcast_in_dim3A_1368 = vector.broadcast %squeeze3A_1364 : f32 to vector<16xf32>
        %select_n3A_1369 = arith.select %eq3A_1367, %broadcast_in_dim3A_1368, %select_n3A_1344 : vector<16xi1>, vector<16xf32>
        %mul3A_1370 = arith.constant 16 : i32
        %mul3A_1371 = arith.muli %scan3A_998, %mul3A_1370 : i32
        %add3A_1372 = arith.constant 432 : i32
        %add3A_1373 = arith.addi %add3A_1372, %mul3A_1371 : i32
        %add3A_1374 = arith.constant 15 : i32
        %add3A_1375 = arith.addi %add3A_1373, %add3A_1374 : i32
        %get3A_1376 = arith.index_cast %add3A_1375 : i32 to index
        %get3A_1377 = arith.constant 0 : index
        %get3A_1378 = tpu.vector_load %arg15[%get3A_1376, %get3A_1377] {strides = array<i32>} : memref<1728x32xf32, #tpu.memory_space<vmem>>, vector<16xf32>,
        %get3A_1379 = arith.index_cast %add3A_1375 : i32 to index
        %get3A_1380 = arith.constant 16 : index
        %get3A_1381 = tpu.vector_load %arg15[%get3A_1379, %get3A_1380] {strides = array<i32>} : memref<1728x32xf32, #tpu.memory_space<vmem>>, vector<16xf32>,
        %mul3A_1382 = arith.mulf %get3A_1378, %get3A_941 : vector<16xf32>
        %mul3A_1383 = arith.mulf %get3A_1381, %get3A_948 : vector<16xf32>
        %add3A_1384 = arith.addf %mul3A_1382, %mul3A_1383 : vector<16xf32>
        %broadcast_in_dim3A_1385 = arith.constant true
        %broadcast_in_dim3A_1386 = vector.broadcast %broadcast_in_dim3A_1385 : i1 to vector<16xi1>
        %masked_cumsum3A_1387 = tpu.scan <sum>, %add3A_1384 masked %broadcast_in_dim3A_1386 : vector<16xf32>, vector<16xi1> -> vector<16xf32>
        %slice3A_1388 = vector.extract_strided_slice %masked_cumsum3A_1387 {offsets = [15], sizes = [1], strides = [1]} : vector<16xf32> to vector<1xf32>
        %squeeze3A_1389 = vector.extract %slice3A_1388[0] : f32 from vector<1xf32>
        %eq3A_1390 = arith.constant 15 : i32
        %eq3A_1391 = vector.broadcast %eq3A_1390 : i32 to vector<16xi32>
        %eq3A_1392 = arith.cmpi eq, %iota3A, %eq3A_1391 : vector<16xi32>
        %broadcast_in_dim3A_1393 = vector.broadcast %squeeze3A_1389 : f32 to vector<16xf32>
        %select_n3A_1394 = arith.select %eq3A_1392, %broadcast_in_dim3A_1393, %select_n3A_1369 : vector<16xi1>, vector<16xf32>
        %mul3A_1395 = arith.constant 16 : i32
        %mul3A_1396 = arith.muli %scan3A_998, %mul3A_1395 : i32
        %swap3A = arith.constant 1 : i32
        %swap3A_1397 = arith.index_cast %swap3A : i32 to index
        %swap3A_1398 = arith.index_cast %mul3A_1396 : i32 to index
        %swap3A_1399 = tpu.vector_load %arg17[%swap3A_1397, %swap3A_1398] {strides = array<i32>} : memref<4x432xf32, #tpu.memory_space<vmem>>, vector<16xf32>,
        tpu.vector_store %arg17[%swap3A_1397, %swap3A_1398], %select_n3A_1394 {strides = array<i32>} : memref<4x432xf32, #tpu.memory_space<vmem>>, vector<16xf32>,
      }
      %scan3A_954 = arith.constant 27 : i32
      %mul3A_955 = arith.constant 4 : i32
      %mul3A_956 = arith.muli %add3A_914, %mul3A_955 : i32
      %add3A_957 = arith.constant 2 : i32
      %add3A_958 = arith.addi %mul3A_956, %add3A_957 : i32
      %get3A_959 = arith.index_cast %add3A_958 : i32 to index
      %get3A_960 = arith.constant 0 : index
      %get3A_961 = tpu.vector_load %arg9[%get3A_959, %get3A_960] {strides = array<i32>} : memref<128x32xf32, #tpu.memory_space<vmem>>, vector<16xf32>,
      %mul3A_962 = arith.constant 4 : i32
      %mul3A_963 = arith.muli %add3A_914, %mul3A_962 : i32
      %add3A_964 = arith.constant 2 : i32
      %add3A_965 = arith.addi %mul3A_963, %add3A_964 : i32
      %get3A_966 = arith.index_cast %add3A_965 : i32 to index
      %get3A_967 = arith.constant 16 : index
      %get3A_968 = tpu.vector_load %arg9[%get3A_966, %get3A_967] {strides = array<i32>} : memref<128x32xf32, #tpu.memory_space<vmem>>, vector<16xf32>,
      %scan3A_969 = arith.constant 0 : i32
      %scan3A_970 = arith.constant 0 : i32
      %scan3A_971 = arith.constant 27 : i32
      %scan3A_972 = arith.addi %scan3A_970, %scan3A_971 : i32
      %scan3A_973 = arith.constant 1 : i32
      scf.for %scan3A_998 = %scan3A_970 to %scan3A_972 step %scan3A_973  : i32 {
        %broadcast_in_dim3A = arith.constant 0.000000e+00 : f32
        %broadcast_in_dim3A_999 = vector.broadcast %broadcast_in_dim3A : f32 to vector<16xf32>
        %mul3A_1000 = arith.constant 16 : i32
        %mul3A_1001 = arith.muli %scan3A_998, %mul3A_1000 : i32
        %add3A_1002 = arith.constant 864 : i32
        %add3A_1003 = arith.addi %add3A_1002, %mul3A_1001 : i32
        %add3A_1004 = arith.constant 0 : i32
        %add3A_1005 = arith.addi %add3A_1003, %add3A_1004 : i32
        %get3A_1006 = arith.index_cast %add3A_1005 : i32 to index
        %get3A_1007 = arith.constant 0 : index
        %get3A_1008 = tpu.vector_load %arg15[%get3A_1006, %get3A_1007] {strides = array<i32>} : memref<1728x32xf32, #tpu.memory_space<vmem>>, vector<16xf32>,
        %get3A_1009 = arith.index_cast %add3A_1005 : i32 to index
        %get3A_1010 = arith.constant 16 : index
        %get3A_1011 = tpu.vector_load %arg15[%get3A_1009, %get3A_1010] {strides = array<i32>} : memref<1728x32xf32, #tpu.memory_space<vmem>>, vector<16xf32>,
        %mul3A_1012 = arith.mulf %get3A_1008, %get3A_961 : vector<16xf32>
        %mul3A_1013 = arith.mulf %get3A_1011, %get3A_968 : vector<16xf32>
        %add3A_1014 = arith.addf %mul3A_1012, %mul3A_1013 : vector<16xf32>
        %broadcast_in_dim3A_1015 = arith.constant true
        %broadcast_in_dim3A_1016 = vector.broadcast %broadcast_in_dim3A_1015 : i1 to vector<16xi1>
        %masked_cumsum3A = tpu.scan <sum>, %add3A_1014 masked %broadcast_in_dim3A_1016 : vector<16xf32>, vector<16xi1> -> vector<16xf32>
        %slice3A = vector.extract_strided_slice %masked_cumsum3A {offsets = [15], sizes = [1], strides = [1]} : vector<16xf32> to vector<1xf32>
        %squeeze3A = vector.extract %slice3A[0] : f32 from vector<1xf32>
        %eq3A = arith.constant 0 : i32
        %eq3A_1017 = vector.broadcast %eq3A : i32 to vector<16xi32>
        %eq3A_1018 = arith.cmpi eq, %iota3A, %eq3A_1017 : vector<16xi32>
        %broadcast_in_dim3A_1019 = vector.broadcast %squeeze3A : f32 to vector<16xf32>
        %select_n3A = arith.select %eq3A_1018, %broadcast_in_dim3A_1019, %broadcast_in_dim3A_999 : vector<16xi1>, vector<16xf32>
        %mul3A_1020 = arith.constant 16 : i32
        %mul3A_1021 = arith.muli %scan3A_998, %mul3A_1020 : i32
        %add3A_1022 = arith.constant 864 : i32
        %add3A_1023 = arith.addi %add3A_1022, %mul3A_1021 : i32
        %add3A_1024 = arith.constant 1 : i32
        %add3A_1025 = arith.addi %add3A_1023, %add3A_1024 : i32
        %get3A_1026 = arith.index_cast %add3A_1025 : i32 to index
        %get3A_1027 = arith.constant 0 : index
        %get3A_1028 = tpu.vector_load %arg15[%get3A_1026, %get3A_1027] {strides = array<i32>} : memref<1728x32xf32, #tpu.memory_space<vmem>>, vector<16xf32>,
        %get3A_1029 = arith.index_cast %add3A_1025 : i32 to index
        %get3A_1030 = arith.constant 16 : index
        %get3A_1031 = tpu.vector_load %arg15[%get3A_1029, %get3A_1030] {strides = array<i32>} : memref<1728x32xf32, #tpu.memory_space<vmem>>, vector<16xf32>,
        %mul3A_1032 = arith.mulf %get3A_1028, %get3A_961 : vector<16xf32>
        %mul3A_1033 = arith.mulf %get3A_1031, %get3A_968 : vector<16xf32>
        %add3A_1034 = arith.addf %mul3A_1032, %mul3A_1033 : vector<16xf32>
        %broadcast_in_dim3A_1035 = arith.constant true
        %broadcast_in_dim3A_1036 = vector.broadcast %broadcast_in_dim3A_1035 : i1 to vector<16xi1>
        %masked_cumsum3A_1037 = tpu.scan <sum>, %add3A_1034 masked %broadcast_in_dim3A_1036 : vector<16xf32>, vector<16xi1> -> vector<16xf32>
        %slice3A_1038 = vector.extract_strided_slice %masked_cumsum3A_1037 {offsets = [15], sizes = [1], strides = [1]} : vector<16xf32> to vector<1xf32>
        %squeeze3A_1039 = vector.extract %slice3A_1038[0] : f32 from vector<1xf32>
        %eq3A_1040 = arith.constant 1 : i32
        %eq3A_1041 = vector.broadcast %eq3A_1040 : i32 to vector<16xi32>
        %eq3A_1042 = arith.cmpi eq, %iota3A, %eq3A_1041 : vector<16xi32>
        %broadcast_in_dim3A_1043 = vector.broadcast %squeeze3A_1039 : f32 to vector<16xf32>
        %select_n3A_1044 = arith.select %eq3A_1042, %broadcast_in_dim3A_1043, %select_n3A : vector<16xi1>, vector<16xf32>
        %mul3A_1045 = arith.constant 16 : i32
        %mul3A_1046 = arith.muli %scan3A_998, %mul3A_1045 : i32
        %add3A_1047 = arith.constant 864 : i32
        %add3A_1048 = arith.addi %add3A_1047, %mul3A_1046 : i32
        %add3A_1049 = arith.constant 2 : i32
        %add3A_1050 = arith.addi %add3A_1048, %add3A_1049 : i32
        %get3A_1051 = arith.index_cast %add3A_1050 : i32 to index
        %get3A_1052 = arith.constant 0 : index
        %get3A_1053 = tpu.vector_load %arg15[%get3A_1051, %get3A_1052] {strides = array<i32>} : memref<1728x32xf32, #tpu.memory_space<vmem>>, vector<16xf32>,
        %get3A_1054 = arith.index_cast %add3A_1050 : i32 to index
        %get3A_1055 = arith.constant 16 : index
        %get3A_1056 = tpu.vector_load %arg15[%get3A_1054, %get3A_1055] {strides = array<i32>} : memref<1728x32xf32, #tpu.memory_space<vmem>>, vector<16xf32>,
        %mul3A_1057 = arith.mulf %get3A_1053, %get3A_961 : vector<16xf32>
        %mul3A_1058 = arith.mulf %get3A_1056, %get3A_968 : vector<16xf32>
        %add3A_1059 = arith.addf %mul3A_1057, %mul3A_1058 : vector<16xf32>
        %broadcast_in_dim3A_1060 = arith.constant true
        %broadcast_in_dim3A_1061 = vector.broadcast %broadcast_in_dim3A_1060 : i1 to vector<16xi1>
        %masked_cumsum3A_1062 = tpu.scan <sum>, %add3A_1059 masked %broadcast_in_dim3A_1061 : vector<16xf32>, vector<16xi1> -> vector<16xf32>
        %slice3A_1063 = vector.extract_strided_slice %masked_cumsum3A_1062 {offsets = [15], sizes = [1], strides = [1]} : vector<16xf32> to vector<1xf32>
        %squeeze3A_1064 = vector.extract %slice3A_1063[0] : f32 from vector<1xf32>
        %eq3A_1065 = arith.constant 2 : i32
        %eq3A_1066 = vector.broadcast %eq3A_1065 : i32 to vector<16xi32>
        %eq3A_1067 = arith.cmpi eq, %iota3A, %eq3A_1066 : vector<16xi32>
        %broadcast_in_dim3A_1068 = vector.broadcast %squeeze3A_1064 : f32 to vector<16xf32>
        %select_n3A_1069 = arith.select %eq3A_1067, %broadcast_in_dim3A_1068, %select_n3A_1044 : vector<16xi1>, vector<16xf32>
        %mul3A_1070 = arith.constant 16 : i32
        %mul3A_1071 = arith.muli %scan3A_998, %mul3A_1070 : i32
        %add3A_1072 = arith.constant 864 : i32
        %add3A_1073 = arith.addi %add3A_1072, %mul3A_1071 : i32
        %add3A_1074 = arith.constant 3 : i32
        %add3A_1075 = arith.addi %add3A_1073, %add3A_1074 : i32
        %get3A_1076 = arith.index_cast %add3A_1075 : i32 to index
        %get3A_1077 = arith.constant 0 : index
        %get3A_1078 = tpu.vector_load %arg15[%get3A_1076, %get3A_1077] {strides = array<i32>} : memref<1728x32xf32, #tpu.memory_space<vmem>>, vector<16xf32>,
        %get3A_1079 = arith.index_cast %add3A_1075 : i32 to index
        %get3A_1080 = arith.constant 16 : index
        %get3A_1081 = tpu.vector_load %arg15[%get3A_1079, %get3A_1080] {strides = array<i32>} : memref<1728x32xf32, #tpu.memory_space<vmem>>, vector<16xf32>,
        %mul3A_1082 = arith.mulf %get3A_1078, %get3A_961 : vector<16xf32>
        %mul3A_1083 = arith.mulf %get3A_1081, %get3A_968 : vector<16xf32>
        %add3A_1084 = arith.addf %mul3A_1082, %mul3A_1083 : vector<16xf32>
        %broadcast_in_dim3A_1085 = arith.constant true
        %broadcast_in_dim3A_1086 = vector.broadcast %broadcast_in_dim3A_1085 : i1 to vector<16xi1>
        %masked_cumsum3A_1087 = tpu.scan <sum>, %add3A_1084 masked %broadcast_in_dim3A_1086 : vector<16xf32>, vector<16xi1> -> vector<16xf32>
        %slice3A_1088 = vector.extract_strided_slice %masked_cumsum3A_1087 {offsets = [15], sizes = [1], strides = [1]} : vector<16xf32> to vector<1xf32>
        %squeeze3A_1089 = vector.extract %slice3A_1088[0] : f32 from vector<1xf32>
        %eq3A_1090 = arith.constant 3 : i32
        %eq3A_1091 = vector.broadcast %eq3A_1090 : i32 to vector<16xi32>
        %eq3A_1092 = arith.cmpi eq, %iota3A, %eq3A_1091 : vector<16xi32>
        %broadcast_in_dim3A_1093 = vector.broadcast %squeeze3A_1089 : f32 to vector<16xf32>
        %select_n3A_1094 = arith.select %eq3A_1092, %broadcast_in_dim3A_1093, %select_n3A_1069 : vector<16xi1>, vector<16xf32>
        %mul3A_1095 = arith.constant 16 : i32
        %mul3A_1096 = arith.muli %scan3A_998, %mul3A_1095 : i32
        %add3A_1097 = arith.constant 864 : i32
        %add3A_1098 = arith.addi %add3A_1097, %mul3A_1096 : i32
        %add3A_1099 = arith.constant 4 : i32
        %add3A_1100 = arith.addi %add3A_1098, %add3A_1099 : i32
        %get3A_1101 = arith.index_cast %add3A_1100 : i32 to index
        %get3A_1102 = arith.constant 0 : index
        %get3A_1103 = tpu.vector_load %arg15[%get3A_1101, %get3A_1102] {strides = array<i32>} : memref<1728x32xf32, #tpu.memory_space<vmem>>, vector<16xf32>,
        %get3A_1104 = arith.index_cast %add3A_1100 : i32 to index
        %get3A_1105 = arith.constant 16 : index
        %get3A_1106 = tpu.vector_load %arg15[%get3A_1104, %get3A_1105] {strides = array<i32>} : memref<1728x32xf32, #tpu.memory_space<vmem>>, vector<16xf32>,
        %mul3A_1107 = arith.mulf %get3A_1103, %get3A_961 : vector<16xf32>
        %mul3A_1108 = arith.mulf %get3A_1106, %get3A_968 : vector<16xf32>
        %add3A_1109 = arith.addf %mul3A_1107, %mul3A_1108 : vector<16xf32>
        %broadcast_in_dim3A_1110 = arith.constant true
        %broadcast_in_dim3A_1111 = vector.broadcast %broadcast_in_dim3A_1110 : i1 to vector<16xi1>
        %masked_cumsum3A_1112 = tpu.scan <sum>, %add3A_1109 masked %broadcast_in_dim3A_1111 : vector<16xf32>, vector<16xi1> -> vector<16xf32>
        %slice3A_1113 = vector.extract_strided_slice %masked_cumsum3A_1112 {offsets = [15], sizes = [1], strides = [1]} : vector<16xf32> to vector<1xf32>
        %squeeze3A_1114 = vector.extract %slice3A_1113[0] : f32 from vector<1xf32>
        %eq3A_1115 = arith.constant 4 : i32
        %eq3A_1116 = vector.broadcast %eq3A_1115 : i32 to vector<16xi32>
        %eq3A_1117 = arith.cmpi eq, %iota3A, %eq3A_1116 : vector<16xi32>
        %broadcast_in_dim3A_1118 = vector.broadcast %squeeze3A_1114 : f32 to vector<16xf32>
        %select_n3A_1119 = arith.select %eq3A_1117, %broadcast_in_dim3A_1118, %select_n3A_1094 : vector<16xi1>, vector<16xf32>
        %mul3A_1120 = arith.constant 16 : i32
        %mul3A_1121 = arith.muli %scan3A_998, %mul3A_1120 : i32
        %add3A_1122 = arith.constant 864 : i32
        %add3A_1123 = arith.addi %add3A_1122, %mul3A_1121 : i32
        %add3A_1124 = arith.constant 5 : i32
        %add3A_1125 = arith.addi %add3A_1123, %add3A_1124 : i32
        %get3A_1126 = arith.index_cast %add3A_1125 : i32 to index
        %get3A_1127 = arith.constant 0 : index
        %get3A_1128 = tpu.vector_load %arg15[%get3A_1126, %get3A_1127] {strides = array<i32>} : memref<1728x32xf32, #tpu.memory_space<vmem>>, vector<16xf32>,
        %get3A_1129 = arith.index_cast %add3A_1125 : i32 to index
        %get3A_1130 = arith.constant 16 : index
        %get3A_1131 = tpu.vector_load %arg15[%get3A_1129, %get3A_1130] {strides = array<i32>} : memref<1728x32xf32, #tpu.memory_space<vmem>>, vector<16xf32>,
        %mul3A_1132 = arith.mulf %get3A_1128, %get3A_961 : vector<16xf32>
        %mul3A_1133 = arith.mulf %get3A_1131, %get3A_968 : vector<16xf32>
        %add3A_1134 = arith.addf %mul3A_1132, %mul3A_1133 : vector<16xf32>
        %broadcast_in_dim3A_1135 = arith.constant true
        %broadcast_in_dim3A_1136 = vector.broadcast %broadcast_in_dim3A_1135 : i1 to vector<16xi1>
        %masked_cumsum3A_1137 = tpu.scan <sum>, %add3A_1134 masked %broadcast_in_dim3A_1136 : vector<16xf32>, vector<16xi1> -> vector<16xf32>
        %slice3A_1138 = vector.extract_strided_slice %masked_cumsum3A_1137 {offsets = [15], sizes = [1], strides = [1]} : vector<16xf32> to vector<1xf32>
        %squeeze3A_1139 = vector.extract %slice3A_1138[0] : f32 from vector<1xf32>
        %eq3A_1140 = arith.constant 5 : i32
        %eq3A_1141 = vector.broadcast %eq3A_1140 : i32 to vector<16xi32>
        %eq3A_1142 = arith.cmpi eq, %iota3A, %eq3A_1141 : vector<16xi32>
        %broadcast_in_dim3A_1143 = vector.broadcast %squeeze3A_1139 : f32 to vector<16xf32>
        %select_n3A_1144 = arith.select %eq3A_1142, %broadcast_in_dim3A_1143, %select_n3A_1119 : vector<16xi1>, vector<16xf32>
        %mul3A_1145 = arith.constant 16 : i32
        %mul3A_1146 = arith.muli %scan3A_998, %mul3A_1145 : i32
        %add3A_1147 = arith.constant 864 : i32
        %add3A_1148 = arith.addi %add3A_1147, %mul3A_1146 : i32
        %add3A_1149 = arith.constant 6 : i32
        %add3A_1150 = arith.addi %add3A_1148, %add3A_1149 : i32
        %get3A_1151 = arith.index_cast %add3A_1150 : i32 to index
        %get3A_1152 = arith.constant 0 : index
        %get3A_1153 = tpu.vector_load %arg15[%get3A_1151, %get3A_1152] {strides = array<i32>} : memref<1728x32xf32, #tpu.memory_space<vmem>>, vector<16xf32>,
        %get3A_1154 = arith.index_cast %add3A_1150 : i32 to index
        %get3A_1155 = arith.constant 16 : index
        %get3A_1156 = tpu.vector_load %arg15[%get3A_1154, %get3A_1155] {strides = array<i32>} : memref<1728x32xf32, #tpu.memory_space<vmem>>, vector<16xf32>,
        %mul3A_1157 = arith.mulf %get3A_1153, %get3A_961 : vector<16xf32>
        %mul3A_1158 = arith.mulf %get3A_1156, %get3A_968 : vector<16xf32>
        %add3A_1159 = arith.addf %mul3A_1157, %mul3A_1158 : vector<16xf32>
        %broadcast_in_dim3A_1160 = arith.constant true
        %broadcast_in_dim3A_1161 = vector.broadcast %broadcast_in_dim3A_1160 : i1 to vector<16xi1>
        %masked_cumsum3A_1162 = tpu.scan <sum>, %add3A_1159 masked %broadcast_in_dim3A_1161 : vector<16xf32>, vector<16xi1> -> vector<16xf32>
        %slice3A_1163 = vector.extract_strided_slice %masked_cumsum3A_1162 {offsets = [15], sizes = [1], strides = [1]} : vector<16xf32> to vector<1xf32>
        %squeeze3A_1164 = vector.extract %slice3A_1163[0] : f32 from vector<1xf32>
        %eq3A_1165 = arith.constant 6 : i32
        %eq3A_1166 = vector.broadcast %eq3A_1165 : i32 to vector<16xi32>
        %eq3A_1167 = arith.cmpi eq, %iota3A, %eq3A_1166 : vector<16xi32>
        %broadcast_in_dim3A_1168 = vector.broadcast %squeeze3A_1164 : f32 to vector<16xf32>
        %select_n3A_1169 = arith.select %eq3A_1167, %broadcast_in_dim3A_1168, %select_n3A_1144 : vector<16xi1>, vector<16xf32>
        %mul3A_1170 = arith.constant 16 : i32
        %mul3A_1171 = arith.muli %scan3A_998, %mul3A_1170 : i32
        %add3A_1172 = arith.constant 864 : i32
        %add3A_1173 = arith.addi %add3A_1172, %mul3A_1171 : i32
        %add3A_1174 = arith.constant 7 : i32
        %add3A_1175 = arith.addi %add3A_1173, %add3A_1174 : i32
        %get3A_1176 = arith.index_cast %add3A_1175 : i32 to index
        %get3A_1177 = arith.constant 0 : index
        %get3A_1178 = tpu.vector_load %arg15[%get3A_1176, %get3A_1177] {strides = array<i32>} : memref<1728x32xf32, #tpu.memory_space<vmem>>, vector<16xf32>,
        %get3A_1179 = arith.index_cast %add3A_1175 : i32 to index
        %get3A_1180 = arith.constant 16 : index
        %get3A_1181 = tpu.vector_load %arg15[%get3A_1179, %get3A_1180] {strides = array<i32>} : memref<1728x32xf32, #tpu.memory_space<vmem>>, vector<16xf32>,
        %mul3A_1182 = arith.mulf %get3A_1178, %get3A_961 : vector<16xf32>
        %mul3A_1183 = arith.mulf %get3A_1181, %get3A_968 : vector<16xf32>
        %add3A_1184 = arith.addf %mul3A_1182, %mul3A_1183 : vector<16xf32>
        %broadcast_in_dim3A_1185 = arith.constant true
        %broadcast_in_dim3A_1186 = vector.broadcast %broadcast_in_dim3A_1185 : i1 to vector<16xi1>
        %masked_cumsum3A_1187 = tpu.scan <sum>, %add3A_1184 masked %broadcast_in_dim3A_1186 : vector<16xf32>, vector<16xi1> -> vector<16xf32>
        %slice3A_1188 = vector.extract_strided_slice %masked_cumsum3A_1187 {offsets = [15], sizes = [1], strides = [1]} : vector<16xf32> to vector<1xf32>
        %squeeze3A_1189 = vector.extract %slice3A_1188[0] : f32 from vector<1xf32>
        %eq3A_1190 = arith.constant 7 : i32
        %eq3A_1191 = vector.broadcast %eq3A_1190 : i32 to vector<16xi32>
        %eq3A_1192 = arith.cmpi eq, %iota3A, %eq3A_1191 : vector<16xi32>
        %broadcast_in_dim3A_1193 = vector.broadcast %squeeze3A_1189 : f32 to vector<16xf32>
        %select_n3A_1194 = arith.select %eq3A_1192, %broadcast_in_dim3A_1193, %select_n3A_1169 : vector<16xi1>, vector<16xf32>
        %mul3A_1195 = arith.constant 16 : i32
        %mul3A_1196 = arith.muli %scan3A_998, %mul3A_1195 : i32
        %add3A_1197 = arith.constant 864 : i32
        %add3A_1198 = arith.addi %add3A_1197, %mul3A_1196 : i32
        %add3A_1199 = arith.constant 8 : i32
        %add3A_1200 = arith.addi %add3A_1198, %add3A_1199 : i32
        %get3A_1201 = arith.index_cast %add3A_1200 : i32 to index
        %get3A_1202 = arith.constant 0 : index
        %get3A_1203 = tpu.vector_load %arg15[%get3A_1201, %get3A_1202] {strides = array<i32>} : memref<1728x32xf32, #tpu.memory_space<vmem>>, vector<16xf32>,
        %get3A_1204 = arith.index_cast %add3A_1200 : i32 to index
        %get3A_1205 = arith.constant 16 : index
        %get3A_1206 = tpu.vector_load %arg15[%get3A_1204, %get3A_1205] {strides = array<i32>} : memref<1728x32xf32, #tpu.memory_space<vmem>>, vector<16xf32>,
        %mul3A_1207 = arith.mulf %get3A_1203, %get3A_961 : vector<16xf32>
        %mul3A_1208 = arith.mulf %get3A_1206, %get3A_968 : vector<16xf32>
        %add3A_1209 = arith.addf %mul3A_1207, %mul3A_1208 : vector<16xf32>
        %broadcast_in_dim3A_1210 = arith.constant true
        %broadcast_in_dim3A_1211 = vector.broadcast %broadcast_in_dim3A_1210 : i1 to vector<16xi1>
        %masked_cumsum3A_1212 = tpu.scan <sum>, %add3A_1209 masked %broadcast_in_dim3A_1211 : vector<16xf32>, vector<16xi1> -> vector<16xf32>
        %slice3A_1213 = vector.extract_strided_slice %masked_cumsum3A_1212 {offsets = [15], sizes = [1], strides = [1]} : vector<16xf32> to vector<1xf32>
        %squeeze3A_1214 = vector.extract %slice3A_1213[0] : f32 from vector<1xf32>
        %eq3A_1215 = arith.constant 8 : i32
        %eq3A_1216 = vector.broadcast %eq3A_1215 : i32 to vector<16xi32>
        %eq3A_1217 = arith.cmpi eq, %iota3A, %eq3A_1216 : vector<16xi32>
        %broadcast_in_dim3A_1218 = vector.broadcast %squeeze3A_1214 : f32 to vector<16xf32>
        %select_n3A_1219 = arith.select %eq3A_1217, %broadcast_in_dim3A_1218, %select_n3A_1194 : vector<16xi1>, vector<16xf32>
        %mul3A_1220 = arith.constant 16 : i32
        %mul3A_1221 = arith.muli %scan3A_998, %mul3A_1220 : i32
        %add3A_1222 = arith.constant 864 : i32
        %add3A_1223 = arith.addi %add3A_1222, %mul3A_1221 : i32
        %add3A_1224 = arith.constant 9 : i32
        %add3A_1225 = arith.addi %add3A_1223, %add3A_1224 : i32
        %get3A_1226 = arith.index_cast %add3A_1225 : i32 to index
        %get3A_1227 = arith.constant 0 : index
        %get3A_1228 = tpu.vector_load %arg15[%get3A_1226, %get3A_1227] {strides = array<i32>} : memref<1728x32xf32, #tpu.memory_space<vmem>>, vector<16xf32>,
        %get3A_1229 = arith.index_cast %add3A_1225 : i32 to index
        %get3A_1230 = arith.constant 16 : index
        %get3A_1231 = tpu.vector_load %arg15[%get3A_1229, %get3A_1230] {strides = array<i32>} : memref<1728x32xf32, #tpu.memory_space<vmem>>, vector<16xf32>,
        %mul3A_1232 = arith.mulf %get3A_1228, %get3A_961 : vector<16xf32>
        %mul3A_1233 = arith.mulf %get3A_1231, %get3A_968 : vector<16xf32>
        %add3A_1234 = arith.addf %mul3A_1232, %mul3A_1233 : vector<16xf32>
        %broadcast_in_dim3A_1235 = arith.constant true
        %broadcast_in_dim3A_1236 = vector.broadcast %broadcast_in_dim3A_1235 : i1 to vector<16xi1>
        %masked_cumsum3A_1237 = tpu.scan <sum>, %add3A_1234 masked %broadcast_in_dim3A_1236 : vector<16xf32>, vector<16xi1> -> vector<16xf32>
        %slice3A_1238 = vector.extract_strided_slice %masked_cumsum3A_1237 {offsets = [15], sizes = [1], strides = [1]} : vector<16xf32> to vector<1xf32>
        %squeeze3A_1239 = vector.extract %slice3A_1238[0] : f32 from vector<1xf32>
        %eq3A_1240 = arith.constant 9 : i32
        %eq3A_1241 = vector.broadcast %eq3A_1240 : i32 to vector<16xi32>
        %eq3A_1242 = arith.cmpi eq, %iota3A, %eq3A_1241 : vector<16xi32>
        %broadcast_in_dim3A_1243 = vector.broadcast %squeeze3A_1239 : f32 to vector<16xf32>
        %select_n3A_1244 = arith.select %eq3A_1242, %broadcast_in_dim3A_1243, %select_n3A_1219 : vector<16xi1>, vector<16xf32>
        %mul3A_1245 = arith.constant 16 : i32
        %mul3A_1246 = arith.muli %scan3A_998, %mul3A_1245 : i32
        %add3A_1247 = arith.constant 864 : i32
        %add3A_1248 = arith.addi %add3A_1247, %mul3A_1246 : i32
        %add3A_1249 = arith.constant 10 : i32
        %add3A_1250 = arith.addi %add3A_1248, %add3A_1249 : i32
        %get3A_1251 = arith.index_cast %add3A_1250 : i32 to index
        %get3A_1252 = arith.constant 0 : index
        %get3A_1253 = tpu.vector_load %arg15[%get3A_1251, %get3A_1252] {strides = array<i32>} : memref<1728x32xf32, #tpu.memory_space<vmem>>, vector<16xf32>,
        %get3A_1254 = arith.index_cast %add3A_1250 : i32 to index
        %get3A_1255 = arith.constant 16 : index
        %get3A_1256 = tpu.vector_load %arg15[%get3A_1254, %get3A_1255] {strides = array<i32>} : memref<1728x32xf32, #tpu.memory_space<vmem>>, vector<16xf32>,
        %mul3A_1257 = arith.mulf %get3A_1253, %get3A_961 : vector<16xf32>
        %mul3A_1258 = arith.mulf %get3A_1256, %get3A_968 : vector<16xf32>
        %add3A_1259 = arith.addf %mul3A_1257, %mul3A_1258 : vector<16xf32>
        %broadcast_in_dim3A_1260 = arith.constant true
        %broadcast_in_dim3A_1261 = vector.broadcast %broadcast_in_dim3A_1260 : i1 to vector<16xi1>
        %masked_cumsum3A_1262 = tpu.scan <sum>, %add3A_1259 masked %broadcast_in_dim3A_1261 : vector<16xf32>, vector<16xi1> -> vector<16xf32>
        %slice3A_1263 = vector.extract_strided_slice %masked_cumsum3A_1262 {offsets = [15], sizes = [1], strides = [1]} : vector<16xf32> to vector<1xf32>
        %squeeze3A_1264 = vector.extract %slice3A_1263[0] : f32 from vector<1xf32>
        %eq3A_1265 = arith.constant 10 : i32
        %eq3A_1266 = vector.broadcast %eq3A_1265 : i32 to vector<16xi32>
        %eq3A_1267 = arith.cmpi eq, %iota3A, %eq3A_1266 : vector<16xi32>
        %broadcast_in_dim3A_1268 = vector.broadcast %squeeze3A_1264 : f32 to vector<16xf32>
        %select_n3A_1269 = arith.select %eq3A_1267, %broadcast_in_dim3A_1268, %select_n3A_1244 : vector<16xi1>, vector<16xf32>
        %mul3A_1270 = arith.constant 16 : i32
        %mul3A_1271 = arith.muli %scan3A_998, %mul3A_1270 : i32
        %add3A_1272 = arith.constant 864 : i32
        %add3A_1273 = arith.addi %add3A_1272, %mul3A_1271 : i32
        %add3A_1274 = arith.constant 11 : i32
        %add3A_1275 = arith.addi %add3A_1273, %add3A_1274 : i32
        %get3A_1276 = arith.index_cast %add3A_1275 : i32 to index
        %get3A_1277 = arith.constant 0 : index
        %get3A_1278 = tpu.vector_load %arg15[%get3A_1276, %get3A_1277] {strides = array<i32>} : memref<1728x32xf32, #tpu.memory_space<vmem>>, vector<16xf32>,
        %get3A_1279 = arith.index_cast %add3A_1275 : i32 to index
        %get3A_1280 = arith.constant 16 : index
        %get3A_1281 = tpu.vector_load %arg15[%get3A_1279, %get3A_1280] {strides = array<i32>} : memref<1728x32xf32, #tpu.memory_space<vmem>>, vector<16xf32>,
        %mul3A_1282 = arith.mulf %get3A_1278, %get3A_961 : vector<16xf32>
        %mul3A_1283 = arith.mulf %get3A_1281, %get3A_968 : vector<16xf32>
        %add3A_1284 = arith.addf %mul3A_1282, %mul3A_1283 : vector<16xf32>
        %broadcast_in_dim3A_1285 = arith.constant true
        %broadcast_in_dim3A_1286 = vector.broadcast %broadcast_in_dim3A_1285 : i1 to vector<16xi1>
        %masked_cumsum3A_1287 = tpu.scan <sum>, %add3A_1284 masked %broadcast_in_dim3A_1286 : vector<16xf32>, vector<16xi1> -> vector<16xf32>
        %slice3A_1288 = vector.extract_strided_slice %masked_cumsum3A_1287 {offsets = [15], sizes = [1], strides = [1]} : vector<16xf32> to vector<1xf32>
        %squeeze3A_1289 = vector.extract %slice3A_1288[0] : f32 from vector<1xf32>
        %eq3A_1290 = arith.constant 11 : i32
        %eq3A_1291 = vector.broadcast %eq3A_1290 : i32 to vector<16xi32>
        %eq3A_1292 = arith.cmpi eq, %iota3A, %eq3A_1291 : vector<16xi32>
        %broadcast_in_dim3A_1293 = vector.broadcast %squeeze3A_1289 : f32 to vector<16xf32>
        %select_n3A_1294 = arith.select %eq3A_1292, %broadcast_in_dim3A_1293, %select_n3A_1269 : vector<16xi1>, vector<16xf32>
        %mul3A_1295 = arith.constant 16 : i32
        %mul3A_1296 = arith.muli %scan3A_998, %mul3A_1295 : i32
        %add3A_1297 = arith.constant 864 : i32
        %add3A_1298 = arith.addi %add3A_1297, %mul3A_1296 : i32
        %add3A_1299 = arith.constant 12 : i32
        %add3A_1300 = arith.addi %add3A_1298, %add3A_1299 : i32
        %get3A_1301 = arith.index_cast %add3A_1300 : i32 to index
        %get3A_1302 = arith.constant 0 : index
        %get3A_1303 = tpu.vector_load %arg15[%get3A_1301, %get3A_1302] {strides = array<i32>} : memref<1728x32xf32, #tpu.memory_space<vmem>>, vector<16xf32>,
        %get3A_1304 = arith.index_cast %add3A_1300 : i32 to index
        %get3A_1305 = arith.constant 16 : index
        %get3A_1306 = tpu.vector_load %arg15[%get3A_1304, %get3A_1305] {strides = array<i32>} : memref<1728x32xf32, #tpu.memory_space<vmem>>, vector<16xf32>,
        %mul3A_1307 = arith.mulf %get3A_1303, %get3A_961 : vector<16xf32>
        %mul3A_1308 = arith.mulf %get3A_1306, %get3A_968 : vector<16xf32>
        %add3A_1309 = arith.addf %mul3A_1307, %mul3A_1308 : vector<16xf32>
        %broadcast_in_dim3A_1310 = arith.constant true
        %broadcast_in_dim3A_1311 = vector.broadcast %broadcast_in_dim3A_1310 : i1 to vector<16xi1>
        %masked_cumsum3A_1312 = tpu.scan <sum>, %add3A_1309 masked %broadcast_in_dim3A_1311 : vector<16xf32>, vector<16xi1> -> vector<16xf32>
        %slice3A_1313 = vector.extract_strided_slice %masked_cumsum3A_1312 {offsets = [15], sizes = [1], strides = [1]} : vector<16xf32> to vector<1xf32>
        %squeeze3A_1314 = vector.extract %slice3A_1313[0] : f32 from vector<1xf32>
        %eq3A_1315 = arith.constant 12 : i32
        %eq3A_1316 = vector.broadcast %eq3A_1315 : i32 to vector<16xi32>
        %eq3A_1317 = arith.cmpi eq, %iota3A, %eq3A_1316 : vector<16xi32>
        %broadcast_in_dim3A_1318 = vector.broadcast %squeeze3A_1314 : f32 to vector<16xf32>
        %select_n3A_1319 = arith.select %eq3A_1317, %broadcast_in_dim3A_1318, %select_n3A_1294 : vector<16xi1>, vector<16xf32>
        %mul3A_1320 = arith.constant 16 : i32
        %mul3A_1321 = arith.muli %scan3A_998, %mul3A_1320 : i32
        %add3A_1322 = arith.constant 864 : i32
        %add3A_1323 = arith.addi %add3A_1322, %mul3A_1321 : i32
        %add3A_1324 = arith.constant 13 : i32
        %add3A_1325 = arith.addi %add3A_1323, %add3A_1324 : i32
        %get3A_1326 = arith.index_cast %add3A_1325 : i32 to index
        %get3A_1327 = arith.constant 0 : index
        %get3A_1328 = tpu.vector_load %arg15[%get3A_1326, %get3A_1327] {strides = array<i32>} : memref<1728x32xf32, #tpu.memory_space<vmem>>, vector<16xf32>,
        %get3A_1329 = arith.index_cast %add3A_1325 : i32 to index
        %get3A_1330 = arith.constant 16 : index
        %get3A_1331 = tpu.vector_load %arg15[%get3A_1329, %get3A_1330] {strides = array<i32>} : memref<1728x32xf32, #tpu.memory_space<vmem>>, vector<16xf32>,
        %mul3A_1332 = arith.mulf %get3A_1328, %get3A_961 : vector<16xf32>
        %mul3A_1333 = arith.mulf %get3A_1331, %get3A_968 : vector<16xf32>
        %add3A_1334 = arith.addf %mul3A_1332, %mul3A_1333 : vector<16xf32>
        %broadcast_in_dim3A_1335 = arith.constant true
        %broadcast_in_dim3A_1336 = vector.broadcast %broadcast_in_dim3A_1335 : i1 to vector<16xi1>
        %masked_cumsum3A_1337 = tpu.scan <sum>, %add3A_1334 masked %broadcast_in_dim3A_1336 : vector<16xf32>, vector<16xi1> -> vector<16xf32>
        %slice3A_1338 = vector.extract_strided_slice %masked_cumsum3A_1337 {offsets = [15], sizes = [1], strides = [1]} : vector<16xf32> to vector<1xf32>
        %squeeze3A_1339 = vector.extract %slice3A_1338[0] : f32 from vector<1xf32>
        %eq3A_1340 = arith.constant 13 : i32
        %eq3A_1341 = vector.broadcast %eq3A_1340 : i32 to vector<16xi32>
        %eq3A_1342 = arith.cmpi eq, %iota3A, %eq3A_1341 : vector<16xi32>
        %broadcast_in_dim3A_1343 = vector.broadcast %squeeze3A_1339 : f32 to vector<16xf32>
        %select_n3A_1344 = arith.select %eq3A_1342, %broadcast_in_dim3A_1343, %select_n3A_1319 : vector<16xi1>, vector<16xf32>
        %mul3A_1345 = arith.constant 16 : i32
        %mul3A_1346 = arith.muli %scan3A_998, %mul3A_1345 : i32
        %add3A_1347 = arith.constant 864 : i32
        %add3A_1348 = arith.addi %add3A_1347, %mul3A_1346 : i32
        %add3A_1349 = arith.constant 14 : i32
        %add3A_1350 = arith.addi %add3A_1348, %add3A_1349 : i32
        %get3A_1351 = arith.index_cast %add3A_1350 : i32 to index
        %get3A_1352 = arith.constant 0 : index
        %get3A_1353 = tpu.vector_load %arg15[%get3A_1351, %get3A_1352] {strides = array<i32>} : memref<1728x32xf32, #tpu.memory_space<vmem>>, vector<16xf32>,
        %get3A_1354 = arith.index_cast %add3A_1350 : i32 to index
        %get3A_1355 = arith.constant 16 : index
        %get3A_1356 = tpu.vector_load %arg15[%get3A_1354, %get3A_1355] {strides = array<i32>} : memref<1728x32xf32, #tpu.memory_space<vmem>>, vector<16xf32>,
        %mul3A_1357 = arith.mulf %get3A_1353, %get3A_961 : vector<16xf32>
        %mul3A_1358 = arith.mulf %get3A_1356, %get3A_968 : vector<16xf32>
        %add3A_1359 = arith.addf %mul3A_1357, %mul3A_1358 : vector<16xf32>
        %broadcast_in_dim3A_1360 = arith.constant true
        %broadcast_in_dim3A_1361 = vector.broadcast %broadcast_in_dim3A_1360 : i1 to vector<16xi1>
        %masked_cumsum3A_1362 = tpu.scan <sum>, %add3A_1359 masked %broadcast_in_dim3A_1361 : vector<16xf32>, vector<16xi1> -> vector<16xf32>
        %slice3A_1363 = vector.extract_strided_slice %masked_cumsum3A_1362 {offsets = [15], sizes = [1], strides = [1]} : vector<16xf32> to vector<1xf32>
        %squeeze3A_1364 = vector.extract %slice3A_1363[0] : f32 from vector<1xf32>
        %eq3A_1365 = arith.constant 14 : i32
        %eq3A_1366 = vector.broadcast %eq3A_1365 : i32 to vector<16xi32>
        %eq3A_1367 = arith.cmpi eq, %iota3A, %eq3A_1366 : vector<16xi32>
        %broadcast_in_dim3A_1368 = vector.broadcast %squeeze3A_1364 : f32 to vector<16xf32>
        %select_n3A_1369 = arith.select %eq3A_1367, %broadcast_in_dim3A_1368, %select_n3A_1344 : vector<16xi1>, vector<16xf32>
        %mul3A_1370 = arith.constant 16 : i32
        %mul3A_1371 = arith.muli %scan3A_998, %mul3A_1370 : i32
        %add3A_1372 = arith.constant 864 : i32
        %add3A_1373 = arith.addi %add3A_1372, %mul3A_1371 : i32
        %add3A_1374 = arith.constant 15 : i32
        %add3A_1375 = arith.addi %add3A_1373, %add3A_1374 : i32
        %get3A_1376 = arith.index_cast %add3A_1375 : i32 to index
        %get3A_1377 = arith.constant 0 : index
        %get3A_1378 = tpu.vector_load %arg15[%get3A_1376, %get3A_1377] {strides = array<i32>} : memref<1728x32xf32, #tpu.memory_space<vmem>>, vector<16xf32>,
        %get3A_1379 = arith.index_cast %add3A_1375 : i32 to index
        %get3A_1380 = arith.constant 16 : index
        %get3A_1381 = tpu.vector_load %arg15[%get3A_1379, %get3A_1380] {strides = array<i32>} : memref<1728x32xf32, #tpu.memory_space<vmem>>, vector<16xf32>,
        %mul3A_1382 = arith.mulf %get3A_1378, %get3A_961 : vector<16xf32>
        %mul3A_1383 = arith.mulf %get3A_1381, %get3A_968 : vector<16xf32>
        %add3A_1384 = arith.addf %mul3A_1382, %mul3A_1383 : vector<16xf32>
        %broadcast_in_dim3A_1385 = arith.constant true
        %broadcast_in_dim3A_1386 = vector.broadcast %broadcast_in_dim3A_1385 : i1 to vector<16xi1>
        %masked_cumsum3A_1387 = tpu.scan <sum>, %add3A_1384 masked %broadcast_in_dim3A_1386 : vector<16xf32>, vector<16xi1> -> vector<16xf32>
        %slice3A_1388 = vector.extract_strided_slice %masked_cumsum3A_1387 {offsets = [15], sizes = [1], strides = [1]} : vector<16xf32> to vector<1xf32>
        %squeeze3A_1389 = vector.extract %slice3A_1388[0] : f32 from vector<1xf32>
        %eq3A_1390 = arith.constant 15 : i32
        %eq3A_1391 = vector.broadcast %eq3A_1390 : i32 to vector<16xi32>
        %eq3A_1392 = arith.cmpi eq, %iota3A, %eq3A_1391 : vector<16xi32>
        %broadcast_in_dim3A_1393 = vector.broadcast %squeeze3A_1389 : f32 to vector<16xf32>
        %select_n3A_1394 = arith.select %eq3A_1392, %broadcast_in_dim3A_1393, %select_n3A_1369 : vector<16xi1>, vector<16xf32>
        %mul3A_1395 = arith.constant 16 : i32
        %mul3A_1396 = arith.muli %scan3A_998, %mul3A_1395 : i32
        %swap3A = arith.constant 2 : i32
        %swap3A_1397 = arith.index_cast %swap3A : i32 to index
        %swap3A_1398 = arith.index_cast %mul3A_1396 : i32 to index
        %swap3A_1399 = tpu.vector_load %arg17[%swap3A_1397, %swap3A_1398] {strides = array<i32>} : memref<4x432xf32, #tpu.memory_space<vmem>>, vector<16xf32>,
        tpu.vector_store %arg17[%swap3A_1397, %swap3A_1398], %select_n3A_1394 {strides = array<i32>} : memref<4x432xf32, #tpu.memory_space<vmem>>, vector<16xf32>,
      }
      %scan3A_974 = arith.constant 27 : i32
      %mul3A_975 = arith.constant 4 : i32
      %mul3A_976 = arith.muli %add3A_914, %mul3A_975 : i32
      %add3A_977 = arith.constant 3 : i32
      %add3A_978 = arith.addi %mul3A_976, %add3A_977 : i32
      %get3A_979 = arith.index_cast %add3A_978 : i32 to index
      %get3A_980 = arith.constant 0 : index
      %get3A_981 = tpu.vector_load %arg9[%get3A_979, %get3A_980] {strides = array<i32>} : memref<128x32xf32, #tpu.memory_space<vmem>>, vector<16xf32>,
      %mul3A_982 = arith.constant 4 : i32
      %mul3A_983 = arith.muli %add3A_914, %mul3A_982 : i32
      %add3A_984 = arith.constant 3 : i32
      %add3A_985 = arith.addi %mul3A_983, %add3A_984 : i32
      %get3A_986 = arith.index_cast %add3A_985 : i32 to index
      %get3A_987 = arith.constant 16 : index
      %get3A_988 = tpu.vector_load %arg9[%get3A_986, %get3A_987] {strides = array<i32>} : memref<128x32xf32, #tpu.memory_space<vmem>>, vector<16xf32>,
      %scan3A_989 = arith.constant 0 : i32
      %scan3A_990 = arith.constant 0 : i32
      %scan3A_991 = arith.constant 27 : i32
      %scan3A_992 = arith.addi %scan3A_990, %scan3A_991 : i32
      %scan3A_993 = arith.constant 1 : i32
      scf.for %scan3A_998 = %scan3A_990 to %scan3A_992 step %scan3A_993  : i32 {
        %broadcast_in_dim3A = arith.constant 0.000000e+00 : f32
        %broadcast_in_dim3A_999 = vector.broadcast %broadcast_in_dim3A : f32 to vector<16xf32>
        %mul3A_1000 = arith.constant 16 : i32
        %mul3A_1001 = arith.muli %scan3A_998, %mul3A_1000 : i32
        %add3A_1002 = arith.constant 1296 : i32
        %add3A_1003 = arith.addi %add3A_1002, %mul3A_1001 : i32
        %add3A_1004 = arith.constant 0 : i32
        %add3A_1005 = arith.addi %add3A_1003, %add3A_1004 : i32
        %get3A_1006 = arith.index_cast %add3A_1005 : i32 to index
        %get3A_1007 = arith.constant 0 : index
        %get3A_1008 = tpu.vector_load %arg15[%get3A_1006, %get3A_1007] {strides = array<i32>} : memref<1728x32xf32, #tpu.memory_space<vmem>>, vector<16xf32>,
        %get3A_1009 = arith.index_cast %add3A_1005 : i32 to index
        %get3A_1010 = arith.constant 16 : index
        %get3A_1011 = tpu.vector_load %arg15[%get3A_1009, %get3A_1010] {strides = array<i32>} : memref<1728x32xf32, #tpu.memory_space<vmem>>, vector<16xf32>,
        %mul3A_1012 = arith.mulf %get3A_1008, %get3A_981 : vector<16xf32>
        %mul3A_1013 = arith.mulf %get3A_1011, %get3A_988 : vector<16xf32>
        %add3A_1014 = arith.addf %mul3A_1012, %mul3A_1013 : vector<16xf32>
        %broadcast_in_dim3A_1015 = arith.constant true
        %broadcast_in_dim3A_1016 = vector.broadcast %broadcast_in_dim3A_1015 : i1 to vector<16xi1>
        %masked_cumsum3A = tpu.scan <sum>, %add3A_1014 masked %broadcast_in_dim3A_1016 : vector<16xf32>, vector<16xi1> -> vector<16xf32>
        %slice3A = vector.extract_strided_slice %masked_cumsum3A {offsets = [15], sizes = [1], strides = [1]} : vector<16xf32> to vector<1xf32>
        %squeeze3A = vector.extract %slice3A[0] : f32 from vector<1xf32>
        %eq3A = arith.constant 0 : i32
        %eq3A_1017 = vector.broadcast %eq3A : i32 to vector<16xi32>
        %eq3A_1018 = arith.cmpi eq, %iota3A, %eq3A_1017 : vector<16xi32>
        %broadcast_in_dim3A_1019 = vector.broadcast %squeeze3A : f32 to vector<16xf32>
        %select_n3A = arith.select %eq3A_1018, %broadcast_in_dim3A_1019, %broadcast_in_dim3A_999 : vector<16xi1>, vector<16xf32>
        %mul3A_1020 = arith.constant 16 : i32
        %mul3A_1021 = arith.muli %scan3A_998, %mul3A_1020 : i32
        %add3A_1022 = arith.constant 1296 : i32
        %add3A_1023 = arith.addi %add3A_1022, %mul3A_1021 : i32
        %add3A_1024 = arith.constant 1 : i32
        %add3A_1025 = arith.addi %add3A_1023, %add3A_1024 : i32
        %get3A_1026 = arith.index_cast %add3A_1025 : i32 to index
        %get3A_1027 = arith.constant 0 : index
        %get3A_1028 = tpu.vector_load %arg15[%get3A_1026, %get3A_1027] {strides = array<i32>} : memref<1728x32xf32, #tpu.memory_space<vmem>>, vector<16xf32>,
        %get3A_1029 = arith.index_cast %add3A_1025 : i32 to index
        %get3A_1030 = arith.constant 16 : index
        %get3A_1031 = tpu.vector_load %arg15[%get3A_1029, %get3A_1030] {strides = array<i32>} : memref<1728x32xf32, #tpu.memory_space<vmem>>, vector<16xf32>,
        %mul3A_1032 = arith.mulf %get3A_1028, %get3A_981 : vector<16xf32>
        %mul3A_1033 = arith.mulf %get3A_1031, %get3A_988 : vector<16xf32>
        %add3A_1034 = arith.addf %mul3A_1032, %mul3A_1033 : vector<16xf32>
        %broadcast_in_dim3A_1035 = arith.constant true
        %broadcast_in_dim3A_1036 = vector.broadcast %broadcast_in_dim3A_1035 : i1 to vector<16xi1>
        %masked_cumsum3A_1037 = tpu.scan <sum>, %add3A_1034 masked %broadcast_in_dim3A_1036 : vector<16xf32>, vector<16xi1> -> vector<16xf32>
        %slice3A_1038 = vector.extract_strided_slice %masked_cumsum3A_1037 {offsets = [15], sizes = [1], strides = [1]} : vector<16xf32> to vector<1xf32>
        %squeeze3A_1039 = vector.extract %slice3A_1038[0] : f32 from vector<1xf32>
        %eq3A_1040 = arith.constant 1 : i32
        %eq3A_1041 = vector.broadcast %eq3A_1040 : i32 to vector<16xi32>
        %eq3A_1042 = arith.cmpi eq, %iota3A, %eq3A_1041 : vector<16xi32>
        %broadcast_in_dim3A_1043 = vector.broadcast %squeeze3A_1039 : f32 to vector<16xf32>
        %select_n3A_1044 = arith.select %eq3A_1042, %broadcast_in_dim3A_1043, %select_n3A : vector<16xi1>, vector<16xf32>
        %mul3A_1045 = arith.constant 16 : i32
        %mul3A_1046 = arith.muli %scan3A_998, %mul3A_1045 : i32
        %add3A_1047 = arith.constant 1296 : i32
        %add3A_1048 = arith.addi %add3A_1047, %mul3A_1046 : i32
        %add3A_1049 = arith.constant 2 : i32
        %add3A_1050 = arith.addi %add3A_1048, %add3A_1049 : i32
        %get3A_1051 = arith.index_cast %add3A_1050 : i32 to index
        %get3A_1052 = arith.constant 0 : index
        %get3A_1053 = tpu.vector_load %arg15[%get3A_1051, %get3A_1052] {strides = array<i32>} : memref<1728x32xf32, #tpu.memory_space<vmem>>, vector<16xf32>,
        %get3A_1054 = arith.index_cast %add3A_1050 : i32 to index
        %get3A_1055 = arith.constant 16 : index
        %get3A_1056 = tpu.vector_load %arg15[%get3A_1054, %get3A_1055] {strides = array<i32>} : memref<1728x32xf32, #tpu.memory_space<vmem>>, vector<16xf32>,
        %mul3A_1057 = arith.mulf %get3A_1053, %get3A_981 : vector<16xf32>
        %mul3A_1058 = arith.mulf %get3A_1056, %get3A_988 : vector<16xf32>
        %add3A_1059 = arith.addf %mul3A_1057, %mul3A_1058 : vector<16xf32>
        %broadcast_in_dim3A_1060 = arith.constant true
        %broadcast_in_dim3A_1061 = vector.broadcast %broadcast_in_dim3A_1060 : i1 to vector<16xi1>
        %masked_cumsum3A_1062 = tpu.scan <sum>, %add3A_1059 masked %broadcast_in_dim3A_1061 : vector<16xf32>, vector<16xi1> -> vector<16xf32>
        %slice3A_1063 = vector.extract_strided_slice %masked_cumsum3A_1062 {offsets = [15], sizes = [1], strides = [1]} : vector<16xf32> to vector<1xf32>
        %squeeze3A_1064 = vector.extract %slice3A_1063[0] : f32 from vector<1xf32>
        %eq3A_1065 = arith.constant 2 : i32
        %eq3A_1066 = vector.broadcast %eq3A_1065 : i32 to vector<16xi32>
        %eq3A_1067 = arith.cmpi eq, %iota3A, %eq3A_1066 : vector<16xi32>
        %broadcast_in_dim3A_1068 = vector.broadcast %squeeze3A_1064 : f32 to vector<16xf32>
        %select_n3A_1069 = arith.select %eq3A_1067, %broadcast_in_dim3A_1068, %select_n3A_1044 : vector<16xi1>, vector<16xf32>
        %mul3A_1070 = arith.constant 16 : i32
        %mul3A_1071 = arith.muli %scan3A_998, %mul3A_1070 : i32
        %add3A_1072 = arith.constant 1296 : i32
        %add3A_1073 = arith.addi %add3A_1072, %mul3A_1071 : i32
        %add3A_1074 = arith.constant 3 : i32
        %add3A_1075 = arith.addi %add3A_1073, %add3A_1074 : i32
        %get3A_1076 = arith.index_cast %add3A_1075 : i32 to index
        %get3A_1077 = arith.constant 0 : index
        %get3A_1078 = tpu.vector_load %arg15[%get3A_1076, %get3A_1077] {strides = array<i32>} : memref<1728x32xf32, #tpu.memory_space<vmem>>, vector<16xf32>,
        %get3A_1079 = arith.index_cast %add3A_1075 : i32 to index
        %get3A_1080 = arith.constant 16 : index
        %get3A_1081 = tpu.vector_load %arg15[%get3A_1079, %get3A_1080] {strides = array<i32>} : memref<1728x32xf32, #tpu.memory_space<vmem>>, vector<16xf32>,
        %mul3A_1082 = arith.mulf %get3A_1078, %get3A_981 : vector<16xf32>
        %mul3A_1083 = arith.mulf %get3A_1081, %get3A_988 : vector<16xf32>
        %add3A_1084 = arith.addf %mul3A_1082, %mul3A_1083 : vector<16xf32>
        %broadcast_in_dim3A_1085 = arith.constant true
        %broadcast_in_dim3A_1086 = vector.broadcast %broadcast_in_dim3A_1085 : i1 to vector<16xi1>
        %masked_cumsum3A_1087 = tpu.scan <sum>, %add3A_1084 masked %broadcast_in_dim3A_1086 : vector<16xf32>, vector<16xi1> -> vector<16xf32>
        %slice3A_1088 = vector.extract_strided_slice %masked_cumsum3A_1087 {offsets = [15], sizes = [1], strides = [1]} : vector<16xf32> to vector<1xf32>
        %squeeze3A_1089 = vector.extract %slice3A_1088[0] : f32 from vector<1xf32>
        %eq3A_1090 = arith.constant 3 : i32
        %eq3A_1091 = vector.broadcast %eq3A_1090 : i32 to vector<16xi32>
        %eq3A_1092 = arith.cmpi eq, %iota3A, %eq3A_1091 : vector<16xi32>
        %broadcast_in_dim3A_1093 = vector.broadcast %squeeze3A_1089 : f32 to vector<16xf32>
        %select_n3A_1094 = arith.select %eq3A_1092, %broadcast_in_dim3A_1093, %select_n3A_1069 : vector<16xi1>, vector<16xf32>
        %mul3A_1095 = arith.constant 16 : i32
        %mul3A_1096 = arith.muli %scan3A_998, %mul3A_1095 : i32
        %add3A_1097 = arith.constant 1296 : i32
        %add3A_1098 = arith.addi %add3A_1097, %mul3A_1096 : i32
        %add3A_1099 = arith.constant 4 : i32
        %add3A_1100 = arith.addi %add3A_1098, %add3A_1099 : i32
        %get3A_1101 = arith.index_cast %add3A_1100 : i32 to index
        %get3A_1102 = arith.constant 0 : index
        %get3A_1103 = tpu.vector_load %arg15[%get3A_1101, %get3A_1102] {strides = array<i32>} : memref<1728x32xf32, #tpu.memory_space<vmem>>, vector<16xf32>,
        %get3A_1104 = arith.index_cast %add3A_1100 : i32 to index
        %get3A_1105 = arith.constant 16 : index
        %get3A_1106 = tpu.vector_load %arg15[%get3A_1104, %get3A_1105] {strides = array<i32>} : memref<1728x32xf32, #tpu.memory_space<vmem>>, vector<16xf32>,
        %mul3A_1107 = arith.mulf %get3A_1103, %get3A_981 : vector<16xf32>
        %mul3A_1108 = arith.mulf %get3A_1106, %get3A_988 : vector<16xf32>
        %add3A_1109 = arith.addf %mul3A_1107, %mul3A_1108 : vector<16xf32>
        %broadcast_in_dim3A_1110 = arith.constant true
        %broadcast_in_dim3A_1111 = vector.broadcast %broadcast_in_dim3A_1110 : i1 to vector<16xi1>
        %masked_cumsum3A_1112 = tpu.scan <sum>, %add3A_1109 masked %broadcast_in_dim3A_1111 : vector<16xf32>, vector<16xi1> -> vector<16xf32>
        %slice3A_1113 = vector.extract_strided_slice %masked_cumsum3A_1112 {offsets = [15], sizes = [1], strides = [1]} : vector<16xf32> to vector<1xf32>
        %squeeze3A_1114 = vector.extract %slice3A_1113[0] : f32 from vector<1xf32>
        %eq3A_1115 = arith.constant 4 : i32
        %eq3A_1116 = vector.broadcast %eq3A_1115 : i32 to vector<16xi32>
        %eq3A_1117 = arith.cmpi eq, %iota3A, %eq3A_1116 : vector<16xi32>
        %broadcast_in_dim3A_1118 = vector.broadcast %squeeze3A_1114 : f32 to vector<16xf32>
        %select_n3A_1119 = arith.select %eq3A_1117, %broadcast_in_dim3A_1118, %select_n3A_1094 : vector<16xi1>, vector<16xf32>
        %mul3A_1120 = arith.constant 16 : i32
        %mul3A_1121 = arith.muli %scan3A_998, %mul3A_1120 : i32
        %add3A_1122 = arith.constant 1296 : i32
        %add3A_1123 = arith.addi %add3A_1122, %mul3A_1121 : i32
        %add3A_1124 = arith.constant 5 : i32
        %add3A_1125 = arith.addi %add3A_1123, %add3A_1124 : i32
        %get3A_1126 = arith.index_cast %add3A_1125 : i32 to index
        %get3A_1127 = arith.constant 0 : index
        %get3A_1128 = tpu.vector_load %arg15[%get3A_1126, %get3A_1127] {strides = array<i32>} : memref<1728x32xf32, #tpu.memory_space<vmem>>, vector<16xf32>,
        %get3A_1129 = arith.index_cast %add3A_1125 : i32 to index
        %get3A_1130 = arith.constant 16 : index
        %get3A_1131 = tpu.vector_load %arg15[%get3A_1129, %get3A_1130] {strides = array<i32>} : memref<1728x32xf32, #tpu.memory_space<vmem>>, vector<16xf32>,
        %mul3A_1132 = arith.mulf %get3A_1128, %get3A_981 : vector<16xf32>
        %mul3A_1133 = arith.mulf %get3A_1131, %get3A_988 : vector<16xf32>
        %add3A_1134 = arith.addf %mul3A_1132, %mul3A_1133 : vector<16xf32>
        %broadcast_in_dim3A_1135 = arith.constant true
        %broadcast_in_dim3A_1136 = vector.broadcast %broadcast_in_dim3A_1135 : i1 to vector<16xi1>
        %masked_cumsum3A_1137 = tpu.scan <sum>, %add3A_1134 masked %broadcast_in_dim3A_1136 : vector<16xf32>, vector<16xi1> -> vector<16xf32>
        %slice3A_1138 = vector.extract_strided_slice %masked_cumsum3A_1137 {offsets = [15], sizes = [1], strides = [1]} : vector<16xf32> to vector<1xf32>
        %squeeze3A_1139 = vector.extract %slice3A_1138[0] : f32 from vector<1xf32>
        %eq3A_1140 = arith.constant 5 : i32
        %eq3A_1141 = vector.broadcast %eq3A_1140 : i32 to vector<16xi32>
        %eq3A_1142 = arith.cmpi eq, %iota3A, %eq3A_1141 : vector<16xi32>
        %broadcast_in_dim3A_1143 = vector.broadcast %squeeze3A_1139 : f32 to vector<16xf32>
        %select_n3A_1144 = arith.select %eq3A_1142, %broadcast_in_dim3A_1143, %select_n3A_1119 : vector<16xi1>, vector<16xf32>
        %mul3A_1145 = arith.constant 16 : i32
        %mul3A_1146 = arith.muli %scan3A_998, %mul3A_1145 : i32
        %add3A_1147 = arith.constant 1296 : i32
        %add3A_1148 = arith.addi %add3A_1147, %mul3A_1146 : i32
        %add3A_1149 = arith.constant 6 : i32
        %add3A_1150 = arith.addi %add3A_1148, %add3A_1149 : i32
        %get3A_1151 = arith.index_cast %add3A_1150 : i32 to index
        %get3A_1152 = arith.constant 0 : index
        %get3A_1153 = tpu.vector_load %arg15[%get3A_1151, %get3A_1152] {strides = array<i32>} : memref<1728x32xf32, #tpu.memory_space<vmem>>, vector<16xf32>,
        %get3A_1154 = arith.index_cast %add3A_1150 : i32 to index
        %get3A_1155 = arith.constant 16 : index
        %get3A_1156 = tpu.vector_load %arg15[%get3A_1154, %get3A_1155] {strides = array<i32>} : memref<1728x32xf32, #tpu.memory_space<vmem>>, vector<16xf32>,
        %mul3A_1157 = arith.mulf %get3A_1153, %get3A_981 : vector<16xf32>
        %mul3A_1158 = arith.mulf %get3A_1156, %get3A_988 : vector<16xf32>
        %add3A_1159 = arith.addf %mul3A_1157, %mul3A_1158 : vector<16xf32>
        %broadcast_in_dim3A_1160 = arith.constant true
        %broadcast_in_dim3A_1161 = vector.broadcast %broadcast_in_dim3A_1160 : i1 to vector<16xi1>
        %masked_cumsum3A_1162 = tpu.scan <sum>, %add3A_1159 masked %broadcast_in_dim3A_1161 : vector<16xf32>, vector<16xi1> -> vector<16xf32>
        %slice3A_1163 = vector.extract_strided_slice %masked_cumsum3A_1162 {offsets = [15], sizes = [1], strides = [1]} : vector<16xf32> to vector<1xf32>
        %squeeze3A_1164 = vector.extract %slice3A_1163[0] : f32 from vector<1xf32>
        %eq3A_1165 = arith.constant 6 : i32
        %eq3A_1166 = vector.broadcast %eq3A_1165 : i32 to vector<16xi32>
        %eq3A_1167 = arith.cmpi eq, %iota3A, %eq3A_1166 : vector<16xi32>
        %broadcast_in_dim3A_1168 = vector.broadcast %squeeze3A_1164 : f32 to vector<16xf32>
        %select_n3A_1169 = arith.select %eq3A_1167, %broadcast_in_dim3A_1168, %select_n3A_1144 : vector<16xi1>, vector<16xf32>
        %mul3A_1170 = arith.constant 16 : i32
        %mul3A_1171 = arith.muli %scan3A_998, %mul3A_1170 : i32
        %add3A_1172 = arith.constant 1296 : i32
        %add3A_1173 = arith.addi %add3A_1172, %mul3A_1171 : i32
        %add3A_1174 = arith.constant 7 : i32
        %add3A_1175 = arith.addi %add3A_1173, %add3A_1174 : i32
        %get3A_1176 = arith.index_cast %add3A_1175 : i32 to index
        %get3A_1177 = arith.constant 0 : index
        %get3A_1178 = tpu.vector_load %arg15[%get3A_1176, %get3A_1177] {strides = array<i32>} : memref<1728x32xf32, #tpu.memory_space<vmem>>, vector<16xf32>,
        %get3A_1179 = arith.index_cast %add3A_1175 : i32 to index
        %get3A_1180 = arith.constant 16 : index
        %get3A_1181 = tpu.vector_load %arg15[%get3A_1179, %get3A_1180] {strides = array<i32>} : memref<1728x32xf32, #tpu.memory_space<vmem>>, vector<16xf32>,
        %mul3A_1182 = arith.mulf %get3A_1178, %get3A_981 : vector<16xf32>
        %mul3A_1183 = arith.mulf %get3A_1181, %get3A_988 : vector<16xf32>
        %add3A_1184 = arith.addf %mul3A_1182, %mul3A_1183 : vector<16xf32>
        %broadcast_in_dim3A_1185 = arith.constant true
        %broadcast_in_dim3A_1186 = vector.broadcast %broadcast_in_dim3A_1185 : i1 to vector<16xi1>
        %masked_cumsum3A_1187 = tpu.scan <sum>, %add3A_1184 masked %broadcast_in_dim3A_1186 : vector<16xf32>, vector<16xi1> -> vector<16xf32>
        %slice3A_1188 = vector.extract_strided_slice %masked_cumsum3A_1187 {offsets = [15], sizes = [1], strides = [1]} : vector<16xf32> to vector<1xf32>
        %squeeze3A_1189 = vector.extract %slice3A_1188[0] : f32 from vector<1xf32>
        %eq3A_1190 = arith.constant 7 : i32
        %eq3A_1191 = vector.broadcast %eq3A_1190 : i32 to vector<16xi32>
        %eq3A_1192 = arith.cmpi eq, %iota3A, %eq3A_1191 : vector<16xi32>
        %broadcast_in_dim3A_1193 = vector.broadcast %squeeze3A_1189 : f32 to vector<16xf32>
        %select_n3A_1194 = arith.select %eq3A_1192, %broadcast_in_dim3A_1193, %select_n3A_1169 : vector<16xi1>, vector<16xf32>
        %mul3A_1195 = arith.constant 16 : i32
        %mul3A_1196 = arith.muli %scan3A_998, %mul3A_1195 : i32
        %add3A_1197 = arith.constant 1296 : i32
        %add3A_1198 = arith.addi %add3A_1197, %mul3A_1196 : i32
        %add3A_1199 = arith.constant 8 : i32
        %add3A_1200 = arith.addi %add3A_1198, %add3A_1199 : i32
        %get3A_1201 = arith.index_cast %add3A_1200 : i32 to index
        %get3A_1202 = arith.constant 0 : index
        %get3A_1203 = tpu.vector_load %arg15[%get3A_1201, %get3A_1202] {strides = array<i32>} : memref<1728x32xf32, #tpu.memory_space<vmem>>, vector<16xf32>,
        %get3A_1204 = arith.index_cast %add3A_1200 : i32 to index
        %get3A_1205 = arith.constant 16 : index
        %get3A_1206 = tpu.vector_load %arg15[%get3A_1204, %get3A_1205] {strides = array<i32>} : memref<1728x32xf32, #tpu.memory_space<vmem>>, vector<16xf32>,
        %mul3A_1207 = arith.mulf %get3A_1203, %get3A_981 : vector<16xf32>
        %mul3A_1208 = arith.mulf %get3A_1206, %get3A_988 : vector<16xf32>
        %add3A_1209 = arith.addf %mul3A_1207, %mul3A_1208 : vector<16xf32>
        %broadcast_in_dim3A_1210 = arith.constant true
        %broadcast_in_dim3A_1211 = vector.broadcast %broadcast_in_dim3A_1210 : i1 to vector<16xi1>
        %masked_cumsum3A_1212 = tpu.scan <sum>, %add3A_1209 masked %broadcast_in_dim3A_1211 : vector<16xf32>, vector<16xi1> -> vector<16xf32>
        %slice3A_1213 = vector.extract_strided_slice %masked_cumsum3A_1212 {offsets = [15], sizes = [1], strides = [1]} : vector<16xf32> to vector<1xf32>
        %squeeze3A_1214 = vector.extract %slice3A_1213[0] : f32 from vector<1xf32>
        %eq3A_1215 = arith.constant 8 : i32
        %eq3A_1216 = vector.broadcast %eq3A_1215 : i32 to vector<16xi32>
        %eq3A_1217 = arith.cmpi eq, %iota3A, %eq3A_1216 : vector<16xi32>
        %broadcast_in_dim3A_1218 = vector.broadcast %squeeze3A_1214 : f32 to vector<16xf32>
        %select_n3A_1219 = arith.select %eq3A_1217, %broadcast_in_dim3A_1218, %select_n3A_1194 : vector<16xi1>, vector<16xf32>
        %mul3A_1220 = arith.constant 16 : i32
        %mul3A_1221 = arith.muli %scan3A_998, %mul3A_1220 : i32
        %add3A_1222 = arith.constant 1296 : i32
        %add3A_1223 = arith.addi %add3A_1222, %mul3A_1221 : i32
        %add3A_1224 = arith.constant 9 : i32
        %add3A_1225 = arith.addi %add3A_1223, %add3A_1224 : i32
        %get3A_1226 = arith.index_cast %add3A_1225 : i32 to index
        %get3A_1227 = arith.constant 0 : index
        %get3A_1228 = tpu.vector_load %arg15[%get3A_1226, %get3A_1227] {strides = array<i32>} : memref<1728x32xf32, #tpu.memory_space<vmem>>, vector<16xf32>,
        %get3A_1229 = arith.index_cast %add3A_1225 : i32 to index
        %get3A_1230 = arith.constant 16 : index
        %get3A_1231 = tpu.vector_load %arg15[%get3A_1229, %get3A_1230] {strides = array<i32>} : memref<1728x32xf32, #tpu.memory_space<vmem>>, vector<16xf32>,
        %mul3A_1232 = arith.mulf %get3A_1228, %get3A_981 : vector<16xf32>
        %mul3A_1233 = arith.mulf %get3A_1231, %get3A_988 : vector<16xf32>
        %add3A_1234 = arith.addf %mul3A_1232, %mul3A_1233 : vector<16xf32>
        %broadcast_in_dim3A_1235 = arith.constant true
        %broadcast_in_dim3A_1236 = vector.broadcast %broadcast_in_dim3A_1235 : i1 to vector<16xi1>
        %masked_cumsum3A_1237 = tpu.scan <sum>, %add3A_1234 masked %broadcast_in_dim3A_1236 : vector<16xf32>, vector<16xi1> -> vector<16xf32>
        %slice3A_1238 = vector.extract_strided_slice %masked_cumsum3A_1237 {offsets = [15], sizes = [1], strides = [1]} : vector<16xf32> to vector<1xf32>
        %squeeze3A_1239 = vector.extract %slice3A_1238[0] : f32 from vector<1xf32>
        %eq3A_1240 = arith.constant 9 : i32
        %eq3A_1241 = vector.broadcast %eq3A_1240 : i32 to vector<16xi32>
        %eq3A_1242 = arith.cmpi eq, %iota3A, %eq3A_1241 : vector<16xi32>
        %broadcast_in_dim3A_1243 = vector.broadcast %squeeze3A_1239 : f32 to vector<16xf32>
        %select_n3A_1244 = arith.select %eq3A_1242, %broadcast_in_dim3A_1243, %select_n3A_1219 : vector<16xi1>, vector<16xf32>
        %mul3A_1245 = arith.constant 16 : i32
        %mul3A_1246 = arith.muli %scan3A_998, %mul3A_1245 : i32
        %add3A_1247 = arith.constant 1296 : i32
        %add3A_1248 = arith.addi %add3A_1247, %mul3A_1246 : i32
        %add3A_1249 = arith.constant 10 : i32
        %add3A_1250 = arith.addi %add3A_1248, %add3A_1249 : i32
        %get3A_1251 = arith.index_cast %add3A_1250 : i32 to index
        %get3A_1252 = arith.constant 0 : index
        %get3A_1253 = tpu.vector_load %arg15[%get3A_1251, %get3A_1252] {strides = array<i32>} : memref<1728x32xf32, #tpu.memory_space<vmem>>, vector<16xf32>,
        %get3A_1254 = arith.index_cast %add3A_1250 : i32 to index
        %get3A_1255 = arith.constant 16 : index
        %get3A_1256 = tpu.vector_load %arg15[%get3A_1254, %get3A_1255] {strides = array<i32>} : memref<1728x32xf32, #tpu.memory_space<vmem>>, vector<16xf32>,
        %mul3A_1257 = arith.mulf %get3A_1253, %get3A_981 : vector<16xf32>
        %mul3A_1258 = arith.mulf %get3A_1256, %get3A_988 : vector<16xf32>
        %add3A_1259 = arith.addf %mul3A_1257, %mul3A_1258 : vector<16xf32>
        %broadcast_in_dim3A_1260 = arith.constant true
        %broadcast_in_dim3A_1261 = vector.broadcast %broadcast_in_dim3A_1260 : i1 to vector<16xi1>
        %masked_cumsum3A_1262 = tpu.scan <sum>, %add3A_1259 masked %broadcast_in_dim3A_1261 : vector<16xf32>, vector<16xi1> -> vector<16xf32>
        %slice3A_1263 = vector.extract_strided_slice %masked_cumsum3A_1262 {offsets = [15], sizes = [1], strides = [1]} : vector<16xf32> to vector<1xf32>
        %squeeze3A_1264 = vector.extract %slice3A_1263[0] : f32 from vector<1xf32>
        %eq3A_1265 = arith.constant 10 : i32
        %eq3A_1266 = vector.broadcast %eq3A_1265 : i32 to vector<16xi32>
        %eq3A_1267 = arith.cmpi eq, %iota3A, %eq3A_1266 : vector<16xi32>
        %broadcast_in_dim3A_1268 = vector.broadcast %squeeze3A_1264 : f32 to vector<16xf32>
        %select_n3A_1269 = arith.select %eq3A_1267, %broadcast_in_dim3A_1268, %select_n3A_1244 : vector<16xi1>, vector<16xf32>
        %mul3A_1270 = arith.constant 16 : i32
        %mul3A_1271 = arith.muli %scan3A_998, %mul3A_1270 : i32
        %add3A_1272 = arith.constant 1296 : i32
        %add3A_1273 = arith.addi %add3A_1272, %mul3A_1271 : i32
        %add3A_1274 = arith.constant 11 : i32
        %add3A_1275 = arith.addi %add3A_1273, %add3A_1274 : i32
        %get3A_1276 = arith.index_cast %add3A_1275 : i32 to index
        %get3A_1277 = arith.constant 0 : index
        %get3A_1278 = tpu.vector_load %arg15[%get3A_1276, %get3A_1277] {strides = array<i32>} : memref<1728x32xf32, #tpu.memory_space<vmem>>, vector<16xf32>,
        %get3A_1279 = arith.index_cast %add3A_1275 : i32 to index
        %get3A_1280 = arith.constant 16 : index
        %get3A_1281 = tpu.vector_load %arg15[%get3A_1279, %get3A_1280] {strides = array<i32>} : memref<1728x32xf32, #tpu.memory_space<vmem>>, vector<16xf32>,
        %mul3A_1282 = arith.mulf %get3A_1278, %get3A_981 : vector<16xf32>
        %mul3A_1283 = arith.mulf %get3A_1281, %get3A_988 : vector<16xf32>
        %add3A_1284 = arith.addf %mul3A_1282, %mul3A_1283 : vector<16xf32>
        %broadcast_in_dim3A_1285 = arith.constant true
        %broadcast_in_dim3A_1286 = vector.broadcast %broadcast_in_dim3A_1285 : i1 to vector<16xi1>
        %masked_cumsum3A_1287 = tpu.scan <sum>, %add3A_1284 masked %broadcast_in_dim3A_1286 : vector<16xf32>, vector<16xi1> -> vector<16xf32>
        %slice3A_1288 = vector.extract_strided_slice %masked_cumsum3A_1287 {offsets = [15], sizes = [1], strides = [1]} : vector<16xf32> to vector<1xf32>
        %squeeze3A_1289 = vector.extract %slice3A_1288[0] : f32 from vector<1xf32>
        %eq3A_1290 = arith.constant 11 : i32
        %eq3A_1291 = vector.broadcast %eq3A_1290 : i32 to vector<16xi32>
        %eq3A_1292 = arith.cmpi eq, %iota3A, %eq3A_1291 : vector<16xi32>
        %broadcast_in_dim3A_1293 = vector.broadcast %squeeze3A_1289 : f32 to vector<16xf32>
        %select_n3A_1294 = arith.select %eq3A_1292, %broadcast_in_dim3A_1293, %select_n3A_1269 : vector<16xi1>, vector<16xf32>
        %mul3A_1295 = arith.constant 16 : i32
        %mul3A_1296 = arith.muli %scan3A_998, %mul3A_1295 : i32
        %add3A_1297 = arith.constant 1296 : i32
        %add3A_1298 = arith.addi %add3A_1297, %mul3A_1296 : i32
        %add3A_1299 = arith.constant 12 : i32
        %add3A_1300 = arith.addi %add3A_1298, %add3A_1299 : i32
        %get3A_1301 = arith.index_cast %add3A_1300 : i32 to index
        %get3A_1302 = arith.constant 0 : index
        %get3A_1303 = tpu.vector_load %arg15[%get3A_1301, %get3A_1302] {strides = array<i32>} : memref<1728x32xf32, #tpu.memory_space<vmem>>, vector<16xf32>,
        %get3A_1304 = arith.index_cast %add3A_1300 : i32 to index
        %get3A_1305 = arith.constant 16 : index
        %get3A_1306 = tpu.vector_load %arg15[%get3A_1304, %get3A_1305] {strides = array<i32>} : memref<1728x32xf32, #tpu.memory_space<vmem>>, vector<16xf32>,
        %mul3A_1307 = arith.mulf %get3A_1303, %get3A_981 : vector<16xf32>
        %mul3A_1308 = arith.mulf %get3A_1306, %get3A_988 : vector<16xf32>
        %add3A_1309 = arith.addf %mul3A_1307, %mul3A_1308 : vector<16xf32>
        %broadcast_in_dim3A_1310 = arith.constant true
        %broadcast_in_dim3A_1311 = vector.broadcast %broadcast_in_dim3A_1310 : i1 to vector<16xi1>
        %masked_cumsum3A_1312 = tpu.scan <sum>, %add3A_1309 masked %broadcast_in_dim3A_1311 : vector<16xf32>, vector<16xi1> -> vector<16xf32>
        %slice3A_1313 = vector.extract_strided_slice %masked_cumsum3A_1312 {offsets = [15], sizes = [1], strides = [1]} : vector<16xf32> to vector<1xf32>
        %squeeze3A_1314 = vector.extract %slice3A_1313[0] : f32 from vector<1xf32>
        %eq3A_1315 = arith.constant 12 : i32
        %eq3A_1316 = vector.broadcast %eq3A_1315 : i32 to vector<16xi32>
        %eq3A_1317 = arith.cmpi eq, %iota3A, %eq3A_1316 : vector<16xi32>
        %broadcast_in_dim3A_1318 = vector.broadcast %squeeze3A_1314 : f32 to vector<16xf32>
        %select_n3A_1319 = arith.select %eq3A_1317, %broadcast_in_dim3A_1318, %select_n3A_1294 : vector<16xi1>, vector<16xf32>
        %mul3A_1320 = arith.constant 16 : i32
        %mul3A_1321 = arith.muli %scan3A_998, %mul3A_1320 : i32
        %add3A_1322 = arith.constant 1296 : i32
        %add3A_1323 = arith.addi %add3A_1322, %mul3A_1321 : i32
        %add3A_1324 = arith.constant 13 : i32
        %add3A_1325 = arith.addi %add3A_1323, %add3A_1324 : i32
        %get3A_1326 = arith.index_cast %add3A_1325 : i32 to index
        %get3A_1327 = arith.constant 0 : index
        %get3A_1328 = tpu.vector_load %arg15[%get3A_1326, %get3A_1327] {strides = array<i32>} : memref<1728x32xf32, #tpu.memory_space<vmem>>, vector<16xf32>,
        %get3A_1329 = arith.index_cast %add3A_1325 : i32 to index
        %get3A_1330 = arith.constant 16 : index
        %get3A_1331 = tpu.vector_load %arg15[%get3A_1329, %get3A_1330] {strides = array<i32>} : memref<1728x32xf32, #tpu.memory_space<vmem>>, vector<16xf32>,
        %mul3A_1332 = arith.mulf %get3A_1328, %get3A_981 : vector<16xf32>
        %mul3A_1333 = arith.mulf %get3A_1331, %get3A_988 : vector<16xf32>
        %add3A_1334 = arith.addf %mul3A_1332, %mul3A_1333 : vector<16xf32>
        %broadcast_in_dim3A_1335 = arith.constant true
        %broadcast_in_dim3A_1336 = vector.broadcast %broadcast_in_dim3A_1335 : i1 to vector<16xi1>
        %masked_cumsum3A_1337 = tpu.scan <sum>, %add3A_1334 masked %broadcast_in_dim3A_1336 : vector<16xf32>, vector<16xi1> -> vector<16xf32>
        %slice3A_1338 = vector.extract_strided_slice %masked_cumsum3A_1337 {offsets = [15], sizes = [1], strides = [1]} : vector<16xf32> to vector<1xf32>
        %squeeze3A_1339 = vector.extract %slice3A_1338[0] : f32 from vector<1xf32>
        %eq3A_1340 = arith.constant 13 : i32
        %eq3A_1341 = vector.broadcast %eq3A_1340 : i32 to vector<16xi32>
        %eq3A_1342 = arith.cmpi eq, %iota3A, %eq3A_1341 : vector<16xi32>
        %broadcast_in_dim3A_1343 = vector.broadcast %squeeze3A_1339 : f32 to vector<16xf32>
        %select_n3A_1344 = arith.select %eq3A_1342, %broadcast_in_dim3A_1343, %select_n3A_1319 : vector<16xi1>, vector<16xf32>
        %mul3A_1345 = arith.constant 16 : i32
        %mul3A_1346 = arith.muli %scan3A_998, %mul3A_1345 : i32
        %add3A_1347 = arith.constant 1296 : i32
        %add3A_1348 = arith.addi %add3A_1347, %mul3A_1346 : i32
        %add3A_1349 = arith.constant 14 : i32
        %add3A_1350 = arith.addi %add3A_1348, %add3A_1349 : i32
        %get3A_1351 = arith.index_cast %add3A_1350 : i32 to index
        %get3A_1352 = arith.constant 0 : index
        %get3A_1353 = tpu.vector_load %arg15[%get3A_1351, %get3A_1352] {strides = array<i32>} : memref<1728x32xf32, #tpu.memory_space<vmem>>, vector<16xf32>,
        %get3A_1354 = arith.index_cast %add3A_1350 : i32 to index
        %get3A_1355 = arith.constant 16 : index
        %get3A_1356 = tpu.vector_load %arg15[%get3A_1354, %get3A_1355] {strides = array<i32>} : memref<1728x32xf32, #tpu.memory_space<vmem>>, vector<16xf32>,
        %mul3A_1357 = arith.mulf %get3A_1353, %get3A_981 : vector<16xf32>
        %mul3A_1358 = arith.mulf %get3A_1356, %get3A_988 : vector<16xf32>
        %add3A_1359 = arith.addf %mul3A_1357, %mul3A_1358 : vector<16xf32>
        %broadcast_in_dim3A_1360 = arith.constant true
        %broadcast_in_dim3A_1361 = vector.broadcast %broadcast_in_dim3A_1360 : i1 to vector<16xi1>
        %masked_cumsum3A_1362 = tpu.scan <sum>, %add3A_1359 masked %broadcast_in_dim3A_1361 : vector<16xf32>, vector<16xi1> -> vector<16xf32>
        %slice3A_1363 = vector.extract_strided_slice %masked_cumsum3A_1362 {offsets = [15], sizes = [1], strides = [1]} : vector<16xf32> to vector<1xf32>
        %squeeze3A_1364 = vector.extract %slice3A_1363[0] : f32 from vector<1xf32>
        %eq3A_1365 = arith.constant 14 : i32
        %eq3A_1366 = vector.broadcast %eq3A_1365 : i32 to vector<16xi32>
        %eq3A_1367 = arith.cmpi eq, %iota3A, %eq3A_1366 : vector<16xi32>
        %broadcast_in_dim3A_1368 = vector.broadcast %squeeze3A_1364 : f32 to vector<16xf32>
        %select_n3A_1369 = arith.select %eq3A_1367, %broadcast_in_dim3A_1368, %select_n3A_1344 : vector<16xi1>, vector<16xf32>
        %mul3A_1370 = arith.constant 16 : i32
        %mul3A_1371 = arith.muli %scan3A_998, %mul3A_1370 : i32
        %add3A_1372 = arith.constant 1296 : i32
        %add3A_1373 = arith.addi %add3A_1372, %mul3A_1371 : i32
        %add3A_1374 = arith.constant 15 : i32
        %add3A_1375 = arith.addi %add3A_1373, %add3A_1374 : i32
        %get3A_1376 = arith.index_cast %add3A_1375 : i32 to index
        %get3A_1377 = arith.constant 0 : index
        %get3A_1378 = tpu.vector_load %arg15[%get3A_1376, %get3A_1377] {strides = array<i32>} : memref<1728x32xf32, #tpu.memory_space<vmem>>, vector<16xf32>,
        %get3A_1379 = arith.index_cast %add3A_1375 : i32 to index
        %get3A_1380 = arith.constant 16 : index
        %get3A_1381 = tpu.vector_load %arg15[%get3A_1379, %get3A_1380] {strides = array<i32>} : memref<1728x32xf32, #tpu.memory_space<vmem>>, vector<16xf32>,
        %mul3A_1382 = arith.mulf %get3A_1378, %get3A_981 : vector<16xf32>
        %mul3A_1383 = arith.mulf %get3A_1381, %get3A_988 : vector<16xf32>
        %add3A_1384 = arith.addf %mul3A_1382, %mul3A_1383 : vector<16xf32>
        %broadcast_in_dim3A_1385 = arith.constant true
        %broadcast_in_dim3A_1386 = vector.broadcast %broadcast_in_dim3A_1385 : i1 to vector<16xi1>
        %masked_cumsum3A_1387 = tpu.scan <sum>, %add3A_1384 masked %broadcast_in_dim3A_1386 : vector<16xf32>, vector<16xi1> -> vector<16xf32>
        %slice3A_1388 = vector.extract_strided_slice %masked_cumsum3A_1387 {offsets = [15], sizes = [1], strides = [1]} : vector<16xf32> to vector<1xf32>
        %squeeze3A_1389 = vector.extract %slice3A_1388[0] : f32 from vector<1xf32>
        %eq3A_1390 = arith.constant 15 : i32
        %eq3A_1391 = vector.broadcast %eq3A_1390 : i32 to vector<16xi32>
        %eq3A_1392 = arith.cmpi eq, %iota3A, %eq3A_1391 : vector<16xi32>
        %broadcast_in_dim3A_1393 = vector.broadcast %squeeze3A_1389 : f32 to vector<16xf32>
        %select_n3A_1394 = arith.select %eq3A_1392, %broadcast_in_dim3A_1393, %select_n3A_1369 : vector<16xi1>, vector<16xf32>
        %mul3A_1395 = arith.constant 16 : i32
        %mul3A_1396 = arith.muli %scan3A_998, %mul3A_1395 : i32
        %swap3A = arith.constant 3 : i32
        %swap3A_1397 = arith.index_cast %swap3A : i32 to index
        %swap3A_1398 = arith.index_cast %mul3A_1396 : i32 to index
        %swap3A_1399 = tpu.vector_load %arg17[%swap3A_1397, %swap3A_1398] {strides = array<i32>} : memref<4x432xf32, #tpu.memory_space<vmem>>, vector<16xf32>,
        tpu.vector_store %arg17[%swap3A_1397, %swap3A_1398], %select_n3A_1394 {strides = array<i32>} : memref<4x432xf32, #tpu.memory_space<vmem>>, vector<16xf32>,
      }
      %scan3A_994 = arith.constant 27 : i32
      %mul3A_995 = arith.constant 4 : i32
      %mul3A_996 = arith.muli %add3A_914, %mul3A_995 : i32
      %add3A_997 = arith.addi %mul3A_2, %mul3A_996 : i32
      "tpu.region"() ({
        %run_scoped3A = tpu.sem_alloc : memref<!tpu.dma_semaphore, #tpu.memory_space<semaphore_mem>>
        %dma_start3A_998 = arith.constant 0 : i32
        %dma_start3A_999 = tpu.memref_slice %arg7[%add3A_997, %dma_start3A_998] : memref<4096x432xf32, #tpu.memory_space<hbm>> -> memref<4x432xf32, #tpu.memory_space<hbm>>
        %dma_start3A_1000 = arith.constant 0 : i32
        %dma_start3A_1001 = tpu.memref_slice %arg7[%add3A_997, %dma_start3A_1000] : memref<4096x432xf32, #tpu.memory_space<hbm>> -> memref<4x432xf32, #tpu.memory_space<hbm>>
        tpu.enqueue_dma source(%arg17 : memref<4x432xf32, #tpu.memory_space<vmem>>) target(%dma_start3A_1001 : memref<4x432xf32, #tpu.memory_space<hbm>>) target_semaphore(%run_scoped3A : memref<!tpu.dma_semaphore, #tpu.memory_space<semaphore_mem>>)
        %dma_wait3A_1002 = arith.constant 0 : i32
        %dma_wait3A_1003 = tpu.memref_slice %arg7[%add3A_997, %dma_wait3A_1002] : memref<4096x432xf32, #tpu.memory_space<hbm>> -> memref<4x432xf32, #tpu.memory_space<hbm>>
        %dma_wait3A_1004 = arith.constant 0 : i32
        %dma_wait3A_1005 = tpu.memref_slice %arg7[%add3A_997, %dma_wait3A_1004] : memref<4096x432xf32, #tpu.memory_space<hbm>> -> memref<4x432xf32, #tpu.memory_space<hbm>>
        tpu.wait_dma2 semaphore(%run_scoped3A : memref<!tpu.dma_semaphore, #tpu.memory_space<semaphore_mem>>) src(%arg17 : memref<4x432xf32, #tpu.memory_space<vmem>>) dst(%dma_wait3A_1005 : memref<4x432xf32, #tpu.memory_space<hbm>>)
        tpu.yield
      }) : () -> ()
    }
    %scan3A_215 = arith.constant 16 : i32
    return
  }
}

module attributes {stable_mosaic.version = 14 : i64} {
  func.func @body(%arg0: memref<4096x432xf32, #tpu.memory_space<vmem>>, %arg1: memref<1x1xf32, #tpu.memory_space<vmem>>) attributes {dimension_semantics = [], scalar_prefetch = 0 : i64, scratch_operands = 0 : i64, tpu.core_type = #tpu.core_type<tc>} {
    %get3A = arith.constant 0 : index
    %get3A_0 = arith.constant 0 : index
    %get3A_1 = vector.load %arg0[%get3A, %get3A_0] : memref<4096x432xf32, #tpu.memory_space<vmem>>, vector<4096x432xf32>
    %iota3A = tpu.iota {dimensions = array<i32: 1>} : vector<4096x432xi32>
    %lt3A = arith.constant 20 : i32
    %lt3A_2 = vector.broadcast %lt3A : i32 to vector<4096x432xi32>
    %lt3A_3 = arith.cmpi slt, %iota3A, %lt3A_2 : vector<4096x432xi32>
    %neg3A = arith.constant 0.000000e+00 : f32
    %neg3A_4 = vector.broadcast %neg3A : f32 to vector<4096x432xf32>
    %neg3A_5 = arith.subf %neg3A_4, %get3A_1 : vector<4096x432xf32>
    %select_n3A = arith.select %lt3A_3, %get3A_1, %neg3A_5 : vector<4096x432xi1>, vector<4096x432xf32>
    %min3A = arith.constant 0.000000e+00 : f32
    %min3A_6 = vector.broadcast %min3A : f32 to vector<4096x432xf32>
    %min3A_7 = arith.minimumf %select_n3A, %min3A_6 : vector<4096x432xf32>
    %abs3A = math.absf %select_n3A : vector<4096x432xf32>
    %neg3A_8 = arith.constant 0.000000e+00 : f32
    %neg3A_9 = vector.broadcast %neg3A_8 : f32 to vector<4096x432xf32>
    %neg3A_10 = arith.subf %neg3A_9, %abs3A : vector<4096x432xf32>
    %exp3A = math.exp %neg3A_10 : vector<4096x432xf32>
    %add3A = arith.constant 1.000000e+00 : f32
    %add3A_11 = vector.broadcast %add3A : f32 to vector<4096x432xf32>
    %add3A_12 = arith.addf %add3A_11, %exp3A : vector<4096x432xf32>
    %log3A = math.log %add3A_12 : vector<4096x432xf32>
    %sub3A = arith.subf %min3A_7, %log3A : vector<4096x432xf32>
    %lt3A_13 = arith.constant 420 : i32
    %lt3A_14 = vector.broadcast %lt3A_13 : i32 to vector<4096x432xi32>
    %lt3A_15 = arith.cmpi slt, %iota3A, %lt3A_14 : vector<4096x432xi32>
    %jit3A = arith.constant 0.000000e+00 : f32
    %broadcast_in_dim3A = vector.broadcast %jit3A : f32 to vector<4096x432xf32>
    %select_n3A_16 = arith.select %lt3A_15, %sub3A, %broadcast_in_dim3A : vector<4096x432xi1>, vector<4096x432xf32>
    %reduce_sum3A = vector.shape_cast %select_n3A_16 : vector<4096x432xf32> to vector<1x4096x432xf32>
    %reduce_sum3A_17 = arith.constant dense<0.000000e+00> : vector<1xf32>
    %reduce_sum3A_18 = vector.multi_reduction <add>, %reduce_sum3A, %reduce_sum3A_17 [1, 2] : vector<1x4096x432xf32> to vector<1xf32>
    %reduce_sum3A_19 = vector.shape_cast %reduce_sum3A_18 : vector<1xf32> to vector<1x1x1xf32>
    %reduce_sum3A_20 = vector.extract %reduce_sum3A_19[0, 0, 0] : f32 from vector<1x1x1xf32>
    %broadcast_in_dim3A_21 = vector.broadcast %reduce_sum3A_20 : f32 to vector<1x1xf32>
    %swap3A = arith.constant 0 : index
    %swap3A_22 = arith.constant 0 : index
    %swap3A_23 = vector.load %arg1[%swap3A, %swap3A_22] : memref<1x1xf32, #tpu.memory_space<vmem>>, vector<1x1xf32>
    tpu.vector_store %arg1[%swap3A, %swap3A_22], %broadcast_in_dim3A_21 {strides = array<i32>} : memref<1x1xf32, #tpu.memory_space<vmem>>, vector<1x1xf32>,
    return
  }
}

</mosaic_0001>

<sc_bundles>
// kernel: kernel.4.cloned.1.call-start
scs
__scs_entry_jumppad:
0x0: {  	(pc) =	sbr.rel $0x88, $3  }
0x1: {  	(tag) =	ssettag $0x0;
	lr =	simm.s32 $0x1  }
0x2: {  	[smem:$0x3F9D] =	sst lr;
	_ =	strace $0xD0000000  }
0x3: {  	_ = 	snop  }
0x4: {  	_ = 	snop  }
0x5: {  	_ = 	snop  }
0x6: {  	_ = 	snop  }
0x7: {  	_ = 	snop  }
__scs_overlays_trampoline_lowered:
0x8: {  	[smem:$0x3FAC] =	sst s0  }
0x9: {  	[smem:$0x3FAD] =	sst s1  }
0xa: {  	[smem:$0x3FAE] =	sst s2  }
0xb: {  	[smem:$0x3FAF] =	sst s3  }
0xc: {  	[smem:$0x3FB0] =	sst s4  }
0xd: {  	[smem:$0x3FB1] =	sst s5  }
0xe: {  	[smem:$0x3FB2] =	sst s6  }
0xf: {  	[smem:$0x3FB3] =	sst s7  }
0x10: {  	[smem:$0x3FB4] =	sst s8  }
0x11: {  	[smem:$0x3FB5] =	sst s9;
	s0 =	simm.s32 @!p0 $0x0  }
0x12: {  	s1 =	sld [smem:$0x3F9B];
	s0 =	simm.s32 @p0 $0x1  }
0x13: {  	[smem:$0x3FB6] =	sst s0;
	s0 =	simm.s32 @!p1 $0x0  }
0x14: {  	s2 =	sld [smem:$0x3F9A];
	s0 =	simm.s32 @p1 $0x1  }
0x15: {  	[smem:$0x3FB7] =	sst s0;
	s0 =	simm.s32 @!p2 $0x0  }
0x16: {  	s3 =	sld [smem:$0x3FDB];
	s0 =	simm.s32 @p2 $0x1  }
0x17: {  	s4 =	simm.s32 $0x1BF5;
	[smem:$0x3FB9] =	sst s0  }
0x18: {  	s0 =	sld [smem:$0x3F9C];
	_ =	swait.ge [sflag:s4], $0x0  }
0x19: {  	s7 =	sld [smem:$0x3F9D]  }
0x1a: {  	s8 =	sadd.s32 $0xFFFFE003, lr  }
0x1b: {  	s9 =	sadd.s32 $0xFFFFFEF7, lr;
	s5 =	simm.s32 $0xFFFFFFFF;
	p2 =	slt.u32 s8, $0xFFFFF086  }
0x1c: {  	p1 =	slt.u32 s9, $0xF7A;
	s5 =	simm.s32 @!p2 $0x0  }
0x1d: {  	s5 =	simm.s32 @p1 $0x1;
	p0 =	seq.s32 s7, s2  }
0x1e: {  	s7 =	smul.u32 @!p0 $0xF7A, s2;
	p2 =	seq.s32 @!p0 s5, $0x0  }
0x1f: {  	s9 =	smul.u32 $0xF7A, s1;
	s8 =	simm.s32 @!p0 $0x1BF5;
	p2 =	por !p2, p0  }
0x20: {  	[sflag:s8] =	ssyncset.s32 @!p0 $0xFFFFF086;
	s6 =	sadd.s32 @!p0 s3, s7;
	s7 =	simm.s32 @!p0 $0x108  }
0x21: {  	s3 =	sadd.s32 s3, s9;
	s6 =	sadd.s32 @!p0 $0x88, s6;
	s7 =	simm.s32 @p2 $0x1082  }
0x22: {  	[simem:s7], [sflag:s8] =	dma.local @!p0 [hbm:s6], $0xF7A  }
0x23: {  	s9 =	sor.u32 $0xD0000000, s2;
	s6 =	simm.s32 $0x108;
	_ =	swait.ge @!p0 [sflag:s8], $0x0  }
0x24: {  	s3 =	sadd.s32 $0x88, s3;
	s6 =	simm.s32 @!p1 $0x1082;
	[sflag:s4] =	ssyncset.s32 $0xFFFFF086  }
0x25: {  	[simem:s6], [sflag:s4] =	dma.local [hbm:s3], $0xF7A  }
0x26: {  	[smem:$0x3F9D] =	sst s1;
	(tag) =	ssettag s2;
	_ =	strace s9  }
0x27: {  	s1 =	sld [smem:$0x3FAD]  }
0x28: {  	s2 =	sld [smem:$0x3FAE]  }
0x29: {  	s4 =	sld [smem:$0x3FB0]  }
0x2a: {  	p0 =	seq.s32 s5, $0x0;
	s5 =	sld [smem:$0x3FB1]  }
0x2b: {  	s6 =	sld [smem:$0x3FB2]  }
0x2c: {  	s7 =	sld [smem:$0x3FB3]  }
0x2d: {  	s3 =	simm.s32 $0x108;
	s8 =	sld [smem:$0x3FB4]  }
0x2e: {  	s3 =	simm.s32 @!p0 $0x1082;
	s9 =	sld [smem:$0x3FB5]  }
0x2f: {  	lr =	sadd.s32 s0, s3;
	s0 =	sld [smem:$0x3FAC]  }
0x30: {  	s3 =	sld [smem:$0x3FAF]  }
0x31: {  	[smem:$0x3FB8] =	sst s10  }
0x32: {  	s10 =	sld [smem:$0x3FB6];
	_ =	sdelay $0x3  }
0x33: {  	p0 =	seq.s32 s10, $0x1;
	s10 =	sld [smem:$0x3FB8];
	_ =	sdelay $0x3  }
0x34: {  	[smem:$0x3FB8] =	sst s10  }
0x35: {  	s10 =	sld [smem:$0x3FB7];
	_ =	sdelay $0x3  }
0x36: {  	p1 =	seq.s32 s10, $0x1;
	s10 =	sld [smem:$0x3FB8];
	_ =	sdelay $0x3  }
0x37: {  	[smem:$0x3FB8] =	sst s10  }
0x38: {  	s10 =	sld [smem:$0x3FB9]  }
0x39: {  	_ = 	snop;
	(pc) =	sbr.ind lr, $3  }
0x3a: {  	_ = 	snop  }
0x3b: {  	_ = 	snop  }
0x3c: {  	p2 =	seq.s32 s10, $0x1;
	s10 =	sld [smem:$0x3FB8]  }
0x3d: {  	_ =	shalt  }
0x3e: {  	_ =	shalt  }
0x3f: {  	_ =	shalt  }
0x40: {  	_ =	shalt  }
0x41: {  	_ =	shalt  }
0x42: {  	_ =	shalt  }
0x43: {  	_ =	shalt  }
0x44: {  	_ =	shalt  }
0x45: {  	_ =	shalt  }
0x46: {  	_ =	shalt  }
0x47: {  	_ =	shalt  }
0x48: {  	_ =	shalt  }
0x49: {  	_ =	shalt  }
0x4a: {  	_ =	shalt  }
0x4b: {  	_ =	shalt  }
0x4c: {  	_ =	shalt  }
0x4d: {  	_ =	shalt  }
0x4e: {  	_ =	shalt  }
0x4f: {  	_ =	shalt  }
0x50: {  	_ =	shalt  }
0x51: {  	_ =	shalt  }
0x52: {  	_ =	shalt  }
0x53: {  	_ =	shalt  }
0x54: {  	_ =	shalt  }
0x55: {  	_ =	shalt  }
0x56: {  	_ =	shalt  }
0x57: {  	_ =	shalt  }
0x58: {  	_ =	shalt  }
0x59: {  	_ =	shalt  }
0x5a: {  	_ =	shalt  }
0x5b: {  	_ =	shalt  }
0x5c: {  	_ =	shalt  }
0x5d: {  	_ =	shalt  }
0x5e: {  	_ =	shalt  }
0x5f: {  	_ =	shalt  }
0x60: {  	_ =	shalt  }
0x61: {  	_ =	shalt  }
0x62: {  	_ =	shalt  }
0x63: {  	_ =	shalt  }
0x64: {  	_ =	shalt  }
0x65: {  	_ =	shalt  }
0x66: {  	_ =	shalt  }
0x67: {  	_ =	shalt  }
0x68: {  	_ =	shalt  }
0x69: {  	_ =	shalt  }
0x6a: {  	_ =	shalt  }
0x6b: {  	_ =	shalt  }
0x6c: {  	_ =	shalt  }
0x6d: {  	_ =	shalt  }
0x6e: {  	_ =	shalt  }
0x6f: {  	_ =	shalt  }
0x70: {  	_ =	shalt  }
0x71: {  	_ =	shalt  }
0x72: {  	_ =	shalt  }
0x73: {  	_ =	shalt  }
0x74: {  	_ =	shalt  }
0x75: {  	_ =	shalt  }
0x76: {  	_ =	shalt  }
0x77: {  	_ =	shalt  }
0x78: {  	_ =	shalt  }
0x79: {  	_ =	shalt  }
0x7a: {  	_ =	shalt  }
0x7b: {  	_ =	shalt  }
0x7c: {  	_ =	shalt  }
0x7d: {  	_ =	shalt  }
0x7e: {  	_ =	shalt  }
0x7f: {  	_ =	shalt  }
0x80: {  	_ =	shalt  }
0x81: {  	_ =	shalt  }
0x82: {  	_ =	shalt  }
0x83: {  	_ =	shalt  }
0x84: {  	_ =	shalt  }
0x85: {  	_ =	shalt  }
0x86: {  	_ =	shalt  }
0x87: {  	_ =	shalt  }
.Lfunc_end0:
.L_simem_size_0:
called_computation_lowered:
.L_overlay_start_0:
0x88: {  	s2 =	sld [smem:$0x3FD9]  }
0x89: {  	s3 =	sld [smem:$0x3FFE];
	_ =	sdelay $0x1  }
0x8a: {  	s1 =	srdreg.scid  }
0x8b: {  	s0 =	sand.u32 $0x1, s1  }
0x8c: {  	s17 =	sshll.u32 s0, $0xA;
	s2 =	sadd.s32 s3, s2  }
0x8d: {  	s2 =	sadd.s32 s2, s17  }
0x8e: {  	[smem:$0x3FC4] =	sst s2  }
0x8f: {  	_ = 	snop  }
0x90: {  	s2 =	sld [smem:$0x3FC9];
	(tm) =	ssettm $0x1  }
0x91: {  	s18 =	sld [smem:$0x3FFB];
	_ =	sdelay $0x3  }
0x92: {  	_ =	strace s18  }
0x93: {  	s3 =	sld [smem:$0x3FFC];
	_ =	sdelay $0x3  }
0x94: {  	_ =	strace s3  }
0x95: {  	s3 =	sld [smem:$0x3FFD];
	_ =	sdelay $0x3  }
0x96: {  	_ =	strace s3  }
0x97: {  	_ =	strace $0x8FFFFFFF  }
0x98: {  	s19 =	sld [smem:$0x3FDB];
	_ =	sdelay $0x1  }
0x99: {  	s4 =	simm.s32 $_scs_section_size  }
0x9a: {  	s5 =	simm.s32 $_size__tile_overlayer_lowered;
	s6 =	simm.s32 $_tile_overlayer_lowered  }
0x9b: {  	s22 =	simm.s32 $0x1BFF;
	s21 =	sshll.u32 s6, $0x1;
	s3 =	sadd.s32 s4, s19  }
0x9c: {  	s7 =	simm.s32 $0x0;
	s20 =	sshll.u32 s5, $0x1;
	s5 =	sadd.s32 s21, s3  }
0x9d: {  	[timem:s7], [sflag:s22] =	dma.local [hbm:s5], s20  }
0x9e: {  	_ =	swait.ge [sflag:s22], s20  }
0x9f: {  	s4 =	ssub.s32 $0x0, s20;
	[sflag:s22] =	ssyncset.done $0x0  }
0xa0: {  	[sflag:s22] =	ssyncadd.s32 s4;
	_ =	sdelay $0x1  }
0xa1: {  	s23 =	simm.s32 $0x1B8B  }
0xa2: {  	_ =	swait.ge [sflag:s23], $0x1  }
0xa3: {  	[sflag:s23] =	ssyncset.done $0x0  }
0xa4: {  	s25 =	simm.s32 $0x1B8E;
	s24 =	sld [smem:$0x3FFE];
	[sflag:s23] =	ssyncadd.s32 $0xFFFFFFFF  }
0xa5: {  	s26 =	simm.s32 $execute0_lowered;
	[smem:$0x3FD2] =	sst s25  }
0xa6: {  	s5 =	sshll.u32 s26, $0x1;
	_ =	strace $0x80000046;
	[dreg:$0x1] =	wrdreg $0xFFFFFFFF  }
0xa7: {  	s28 =	simm.s32 $_size_execute0_lowered;
	s3 =	sadd.s32 s3, s5;
	[dreg:$0x0] =	wrdreg $0x0  }
0xa8: {  	s5 =	sshll.u32 s28, $0x1;
	[dreg:$0x2] =	wrdreg s3  }
0xa9: {  	[dreg:$0x3] =	wrdreg s5  }
0xaa: {  	[dreg:$0x4] =	wrdreg $0xC0  }
0xab: {  	_ =	task [dreg:s7], $0x5FFFF  }
0xac: {  	[dreg:$0x1] =	wrdreg $0xFFFFFFFF  }
0xad: {  	[dreg:$0x0] =	wrdreg $0x60  }
0xae: {  	[dreg:$0x2] =	wrdreg s24  }
0xaf: {  	[dreg:$0x3] =	wrdreg s2  }
0xb0: {  	[dreg:$0x4] =	wrdreg $0x9  }
0xb1: {  	_ =	task.clear_ibuf [dreg:s7], $0x5FFFF;
	_ =	strace $0x90000046  }
0xb2: {  	s29 =	simm.s32 $0x9;
	_ =	strace $0x80000048  }
0xb3: {  	_ =	swait.ge [sflag:s29], $0x1  }
0xb4: {  	[sflag:s29] =	ssyncadd.s32 $0xFFFFFFFF  }
0xb5: {  	_ =	strace $0x90000048  }
0xb6: {  	_ =	sfence  }
0xb7: {  	s30 =	sld [smem:$0x0];
	_ =	sdelay $0x2  }
0xb8: {  	s31 =	sshll.u32 s1, $0xD;
	s1 =	sshrl.u32 s1, $0x2  }
0xb9: {  	s3 =	sand.u32 $0x4000, s31;
	s1 =	sadd.s32 s1, s30  }
0xba: {  	s0 =	sor.u32 s3, s0;
	s1 =	sshll.u32 s1, $0x11  }
0xbb: {  	s0 =	sor.u32 s1, s0  }
0xbc: {  	s0 =	sadd.s32 $0x8F2B, s0  }
0xbd: {  	[sflag:s0] =	ssyncadd.remote.s32 $0x1  }
0xbe: {  	_ =	sfence.sel $0xFFFF  }
0xbf: {  	[dreg:$0x0] =	wrdreg $0xFFFFFFFF;
	(pc) =	sbr.abs _section_cstart, $3  }
0xc0: {  	[dreg:$0x1] =	wrdreg $0xFFFFFFFF  }
0xc1: {  	_ =	task.clear_ibuf [dreg:s7], $0x2FFFF;
	_ =	strace $0x9FFFFFFF  }
0xc2: {  	(tm) =	ssettm $0x7FFFFFFF  }
0xc3: {  	_ =	shalt  }
tec
execute0_lowered:
.L_overlay_start_1:
0x0: {  	(tag) =	ssettag $0x1  }
0x1: {  	s0 =	rddreg [dreg:$0x0]  }
0x2: {  	s1 =	rddreg [dreg:$0x1];
	s2 =	simm.s32 $0x0  }
0x3: {  	s3 =	srdreg.scid;
	s4 =	stileid.u32;
	s14 =	simm.s32 $0x3  }
0x4: {  	s15 =	simm.s32 $0x80;
	s16 =	simm.s32 $0x1;
	s17 =	simm.s32 $0x1080  }
0x5: {  	s18 =	simm.s32 $0x1140;
	s19 =	simm.s32 $0x14;
	s29 =	simm.s32 $0x1AA40  }
0x6: {  	s30 =	simm.s32 $0x1D30;
	s31 =	simm.s32 $0x1BA40;
	[smem:$0x7FF] =	sst s2  }
0x7: {  	s5 =	sadd.s32 $0xF44200, s0;
	s6 =	sshll.u32 s4, $0x8;
	s4 =	sadd.s32 $0x1314C00, s0  }
0x8: {  	s3 =	sand.u32 $0x1, s3;
	s8 =	sadd.s32 $0x36E00, s0;
	_ =	strace $0x80000047  }
0x9: {  	[dreg:$0x3] =	wrdreg s5;
	s7 =	sshll.u32 s3, $0x7;
	s5 =	sadd.s32 $0x1E00, s0  }
0xa: {  	s3 =	ssub.s32 $0x2, s3;
	s6 =	sor.u32 s7, s6;
	s7 =	sadd.s32 $0x4E00, s0  }
0xb: {  	s10 =	sshrl.u32 s3, $0x1;
	s9 =	smul.u32 $0x3, s6;
	s11 =	sshrl.u32 s6, $0x3  }
0xc: {  	s12 =	smul.u32 $0x32, s6;
	s24 =	ssub.s32 s3, s10;
	s28 =	sor.u32 $0x8, s6  }
0xd: {  	s3 =	simm.s32 $0x1CDC0;
	s10 =	simm.s32 $0x1D480;
	s1 =	sadd.s32 s1, s11  }
0xe: {  	vm0 =	vmmov $0x1;
	vm1 =	vmmov $0x3;
	vm2 =	vmmov $0x7;
	[dreg:$0x7] =	wrdreg s28;
	s0 =	smax.u32 s24, $0x1;
	s24 =	simm.s32 $0x10E0  }
0xf: {  	vm3 =	vmmov $0xf;
	vm4 =	vmmov $0x1f;
	vm5 =	vmmov $0x3f;
	[dreg:$0x4] =	wrdreg s1;
	s25 =	sadd.s32 s5, s9;
	s26 =	sadd.s32 s7, s12  }
0x10: {  	vm6 =	vmmov $0x7f;
	vm7 =	vmmov $0xff;
	vm8 =	vmmov $0x1ff;
	[dreg:$0x8] =	wrdreg s0;
	s0 =	simm.s32 $0x1DB0;
	s1 =	simm.s32 $0x1CA40  }
0x11: {  	vm9 =	vmmov $0x3ff;
	vm10 =	vmmov $0x7ff;
	vm11 =	vmmov $0xfff;
	s9 =	simm.s32 $0x2;
	s12 =	simm.s32 $0x0;
	[dreg:$0x5] =	wrdreg s25  }
0x12: {  	vm12 =	vmmov $0x1fff;
	vm13 =	vmmov $0x3fff;
	vm14 =	vmmov $0x7fff;
	[dreg:$0x6] =	wrdreg s26;
	s26 =	simm.s32 $0x10;
	s25 =	simm.s32 $0x1780  }
.LBB2_1:
0x13: {  	[dreg:$0x9] =	wrdreg s12  }
0x14: {  	s11 =	rddreg [dreg:$0x4]  }
0x15: {  	[tilespmem:s2], [sflag:$0x3] =	stream.linear.gather [hbm4b:s11+s2], $0x80, $0x38;
	[tilespmem:$0x1DB40] =	vst v63  }
0x16: {  	_ =	swait.ge [sflag:s14], $0x80  }
0x17: {  	[sflag:s14] =	ssyncset.done $0x0  }
0x18: {  	s21 =	rddreg [dreg:$0x3];
	[sflag:s14] =	ssyncadd.s32 $0xFFFFFF80  }
0x19: {  	[tilespmem:s15], [sflag:$0x1] =	stream.indirect.gather [hbm4b:s21+s15], $0x20, s2, s15, $0xb8;
	[tilespmem:$0x1DB40] =	vst v63  }
0x1a: {  	_ =	swait.ge [sflag:s16], $0x1000  }
0x1b: {  	[sflag:s16] =	ssyncset.done $0x0  }
0x1c: {  	s22 =	rddreg [dreg:$0x5];
	[sflag:s16] =	ssyncadd.s32 $0xFFFFF000  }
0x1d: {  	[tilespmem:s17], [sflag:$0x3] =	stream.linear.gather [hbm4b:s22+s2], $0x60, $0x38;
	[tilespmem:$0x1DB40] =	vst v63  }
0x1e: {  	_ =	swait.ge [sflag:s14], $0x60  }
0x1f: {  	[sflag:s14] =	ssyncset.done $0x0  }
0x20: {  	s23 =	rddreg [dreg:$0x6];
	[sflag:s14] =	ssyncadd.s32 $0xFFFFFFA0  }
0x21: {  	[tilespmem:s18], [sflag:$0x3] =	stream.linear.gather [hbm4b:s23+s2], $0x640, $0x38;
	[tilespmem:$0x1DB40] =	vst v63  }
0x22: {  	_ =	swait.ge [sflag:s14], $0x640  }
0x23: {  	[sflag:s14] =	ssyncset.done $0x0  }
0x24: {  	s28 =	simm.s32 $0x1DC0;
	[sflag:s14] =	ssyncadd.s32 $0xFFFFF9C0  }
0x25: {  	[tilespmem:s28], [sflag:$0x1] =	stream.indirect.gather [hbm4b:s4+s19], $0x20, s17, s19, $0xb8;
	[tilespmem:$0x1DB40] =	vst v63  }
0x26: {  	s12 =	simm.s32 $0x2040  }
0x27: {  	[tilespmem:s12], [sflag:$0x1] =	stream.indirect.gather [hbm4b:s4+s15], $0x20, s18, s15, $0xb8;
	[tilespmem:$0x1DB40] =	vst v63  }
0x28: {  	s13 =	simm.s32 $0x11C0;
	s20 =	simm.s32 $0x3040  }
0x29: {  	[tilespmem:s20], [sflag:$0x1] =	stream.indirect.gather [hbm4b:s4+s15], $0x20, s13, s15, $0xb8;
	[tilespmem:$0x1DB40] =	vst v63  }
0x2a: {  	s21 =	simm.s32 $0x1240;
	s22 =	simm.s32 $0x4040  }
0x2b: {  	[tilespmem:s22], [sflag:$0x1] =	stream.indirect.gather [hbm4b:s4+s15], $0x20, s21, s15, $0xb8;
	[tilespmem:$0x1DB40] =	vst v63  }
0x2c: {  	s23 =	simm.s32 $0x12C0;
	s28 =	simm.s32 $0x5040  }
0x2d: {  	[tilespmem:s28], [sflag:$0x1] =	stream.indirect.gather [hbm4b:s4+s26], $0x20, s23, s26, $0xb8;
	[tilespmem:$0x1DB40] =	vst v63  }
0x2e: {  	s13 =	simm.s32 $0x1098;
	s20 =	simm.s32 $0x53C0  }
0x2f: {  	[tilespmem:s20], [sflag:$0x1] =	stream.indirect.gather [hbm4b:s4+s19], $0x20, s13, s19, $0xb8;
	[tilespmem:$0x1DB40] =	vst v63  }
0x30: {  	s21 =	simm.s32 $0x12D0;
	s22 =	simm.s32 $0x5640  }
0x31: {  	[tilespmem:s22], [sflag:$0x1] =	stream.indirect.gather [hbm4b:s4+s15], $0x20, s21, s15, $0xb8;
	[tilespmem:$0x1DB40] =	vst v63  }
0x32: {  	s23 =	simm.s32 $0x1350;
	s28 =	simm.s32 $0x6640  }
0x33: {  	[tilespmem:s28], [sflag:$0x1] =	stream.indirect.gather [hbm4b:s4+s15], $0x20, s23, s15, $0xb8;
	[tilespmem:$0x1DB40] =	vst v63  }
0x34: {  	s13 =	simm.s32 $0x13D0;
	s20 =	simm.s32 $0x7640  }
0x35: {  	[tilespmem:s20], [sflag:$0x1] =	stream.indirect.gather [hbm4b:s4+s15], $0x20, s13, s15, $0xb8;
	[tilespmem:$0x1DB40] =	vst v63  }
0x36: {  	s21 =	simm.s32 $0x1450;
	s22 =	simm.s32 $0x8640  }
0x37: {  	[tilespmem:s22], [sflag:$0x1] =	stream.indirect.gather [hbm4b:s4+s26], $0x20, s21, s26, $0xb8;
	[tilespmem:$0x1DB40] =	vst v63  }
0x38: {  	s23 =	simm.s32 $0x10B0;
	s28 =	simm.s32 $0x89C0  }
0x39: {  	[tilespmem:s28], [sflag:$0x1] =	stream.indirect.gather [hbm4b:s4+s19], $0x20, s23, s19, $0xb8;
	[tilespmem:$0x1DB40] =	vst v63  }
0x3a: {  	s13 =	simm.s32 $0x1460;
	s20 =	simm.s32 $0x8C40  }
0x3b: {  	[tilespmem:s20], [sflag:$0x1] =	stream.indirect.gather [hbm4b:s4+s15], $0x20, s13, s15, $0xb8;
	[tilespmem:$0x1DB40] =	vst v63  }
0x3c: {  	s21 =	simm.s32 $0x14E0;
	s22 =	simm.s32 $0x9C40  }
0x3d: {  	[tilespmem:s22], [sflag:$0x1] =	stream.indirect.gather [hbm4b:s4+s15], $0x20, s21, s15, $0xb8;
	[tilespmem:$0x1DB40] =	vst v63  }
0x3e: {  	s23 =	simm.s32 $0x1560;
	s28 =	simm.s32 $0xAC40  }
0x3f: {  	[tilespmem:s28], [sflag:$0x1] =	stream.indirect.gather [hbm4b:s4+s15], $0x20, s23, s15, $0xb8;
	[tilespmem:$0x1DB40] =	vst v63  }
0x40: {  	s13 =	simm.s32 $0x15E0;
	s20 =	simm.s32 $0xBC40  }
0x41: {  	[tilespmem:s20], [sflag:$0x1] =	stream.indirect.gather [hbm4b:s4+s26], $0x20, s13, s26, $0xb8;
	[tilespmem:$0x1DB40] =	vst v63  }
0x42: {  	s21 =	simm.s32 $0x10C8;
	s22 =	simm.s32 $0xBFC0  }
0x43: {  	[tilespmem:s22], [sflag:$0x1] =	stream.indirect.gather [hbm4b:s4+s19], $0x20, s21, s19, $0xb8;
	[tilespmem:$0x1DB40] =	vst v63  }
0x44: {  	s23 =	simm.s32 $0x15F0;
	s28 =	simm.s32 $0xC240  }
0x45: {  	[tilespmem:s28], [sflag:$0x1] =	stream.indirect.gather [hbm4b:s4+s15], $0x20, s23, s15, $0xb8;
	[tilespmem:$0x1DB40] =	vst v63  }
0x46: {  	s13 =	simm.s32 $0x1670;
	s20 =	simm.s32 $0xD240  }
0x47: {  	[tilespmem:s20], [sflag:$0x1] =	stream.indirect.gather [hbm4b:s4+s15], $0x20, s13, s15, $0xb8;
	[tilespmem:$0x1DB40] =	vst v63  }
0x48: {  	s21 =	simm.s32 $0x16F0;
	s22 =	simm.s32 $0xE240  }
0x49: {  	[tilespmem:s22], [sflag:$0x1] =	stream.indirect.gather [hbm4b:s4+s15], $0x20, s21, s15, $0xb8;
	[tilespmem:$0x1DB40] =	vst v63  }
0x4a: {  	s11 =	simm.s32 $0x0;
	s23 =	simm.s32 $0x1770;
	s28 =	simm.s32 $0xF240  }
0x4b: {  	[tilespmem:s28], [sflag:$0x1] =	stream.indirect.gather [hbm4b:s4+s26], $0x20, s23, s26, $0xb8;
	[tilespmem:$0x1DB40] =	vst v63  }
.LBB2_2:
0x4c: {  	s22 =	sshll.u32 s11, $0x3  }
0x4d: {  	s21 =	sor.u32 $0x4, s22  }
0x4e: {  	s13 =	sor.u32 s6, s21  }
0x4f: {  	s12 =	smul.u32 $0x3, s13;
	_ =	sdelay $0x1  }
0x50: {  	s23 =	simm.s32 $0x0;
	s12 =	sadd.s32 s5, s12  }
0x51: {  	[tilespmem:s24], [sflag:$0x3] =	stream.linear.gather [hbm4b:s12+s23], $0x60, $0x38;
	[tilespmem:$0x1DB40] =	vst v63  }
0x52: {  	s20 =	smul.u32 $0x32, s13;
	_ =	swait.ge [sflag:s14], $0x60  }
0x53: {  	[sflag:s14] =	ssyncset.done $0x0  }
0x54: {  	s12 =	sadd.s32 s7, s20;
	[sflag:s14] =	ssyncadd.s32 $0xFFFFFFA0  }
0x55: {  	[tilespmem:s25], [sflag:$0x3] =	stream.linear.gather [hbm4b:s12+s23], $0x640, $0x38;
	[tilespmem:$0x1DB40] =	vst v63  }
0x56: {  	_ =	swait.ge [sflag:s14], $0x640  }
0x57: {  	[sflag:s14] =	ssyncset.done $0x0  }
0x58: {  	s28 =	simm.s32 $0xF5C0;
	[sflag:s14] =	ssyncadd.s32 $0xFFFFF9C0  }
0x59: {  	[tilespmem:s28], [sflag:$0x2] =	stream.indirect.gather [hbm4b:s4+s19], $0x20, s24, s19, $0xb8;
	[tilespmem:$0x1DB40] =	vst v63  }
0x5a: {  	s20 =	simm.s32 $0xF840  }
0x5b: {  	[tilespmem:s20], [sflag:$0x2] =	stream.indirect.gather [hbm4b:s4+s15], $0x20, s25, s15, $0xb8;
	[tilespmem:$0x1DB40] =	vst v63  }
0x5c: {  	s28 =	simm.s32 $0x1800;
	s20 =	simm.s32 $0x10840  }
0x5d: {  	[tilespmem:s20], [sflag:$0x2] =	stream.indirect.gather [hbm4b:s4+s15], $0x20, s28, s15, $0xb8;
	[tilespmem:$0x1DB40] =	vst v63  }
0x5e: {  	s20 =	simm.s32 $0x1880;
	s28 =	simm.s32 $0x11840  }
0x5f: {  	[tilespmem:s28], [sflag:$0x2] =	stream.indirect.gather [hbm4b:s4+s15], $0x20, s20, s15, $0xb8;
	[tilespmem:$0x1DB40] =	vst v63  }
0x60: {  	s20 =	simm.s32 $0x1900;
	s28 =	simm.s32 $0x12840  }
0x61: {  	[tilespmem:s28], [sflag:$0x2] =	stream.indirect.gather [hbm4b:s4+s26], $0x20, s20, s26, $0xb8;
	[tilespmem:$0x1DB40] =	vst v63  }
0x62: {  	s20 =	simm.s32 $0x10F8;
	s28 =	simm.s32 $0x12BC0  }
0x63: {  	[tilespmem:s28], [sflag:$0x2] =	stream.indirect.gather [hbm4b:s4+s19], $0x20, s20, s19, $0xb8;
	[tilespmem:$0x1DB40] =	vst v63  }
0x64: {  	s20 =	simm.s32 $0x1910;
	s28 =	simm.s32 $0x12E40  }
0x65: {  	[tilespmem:s28], [sflag:$0x2] =	stream.indirect.gather [hbm4b:s4+s15], $0x20, s20, s15, $0xb8;
	[tilespmem:$0x1DB40] =	vst v63  }
0x66: {  	s20 =	simm.s32 $0x1990;
	s28 =	simm.s32 $0x13E40  }
0x67: {  	[tilespmem:s28], [sflag:$0x2] =	stream.indirect.gather [hbm4b:s4+s15], $0x20, s20, s15, $0xb8;
	[tilespmem:$0x1DB40] =	vst v63  }
0x68: {  	s20 =	simm.s32 $0x1A10;
	s28 =	simm.s32 $0x14E40  }
0x69: {  	[tilespmem:s28], [sflag:$0x2] =	stream.indirect.gather [hbm4b:s4+s15], $0x20, s20, s15, $0xb8;
	[tilespmem:$0x1DB40] =	vst v63  }
0x6a: {  	s20 =	simm.s32 $0x1A90;
	s28 =	simm.s32 $0x15E40  }
0x6b: {  	[tilespmem:s28], [sflag:$0x2] =	stream.indirect.gather [hbm4b:s4+s26], $0x20, s20, s26, $0xb8;
	[tilespmem:$0x1DB40] =	vst v63  }
0x6c: {  	s20 =	simm.s32 $0x1110;
	s28 =	simm.s32 $0x161C0  }
0x6d: {  	[tilespmem:s28], [sflag:$0x2] =	stream.indirect.gather [hbm4b:s4+s19], $0x20, s20, s19, $0xb8;
	[tilespmem:$0x1DB40] =	vst v63  }
0x6e: {  	s20 =	simm.s32 $0x1AA0;
	s28 =	simm.s32 $0x16440  }
0x6f: {  	[tilespmem:s28], [sflag:$0x2] =	stream.indirect.gather [hbm4b:s4+s15], $0x20, s20, s15, $0xb8;
	[tilespmem:$0x1DB40] =	vst v63  }
0x70: {  	s20 =	simm.s32 $0x1B20;
	s28 =	simm.s32 $0x17440  }
0x71: {  	[tilespmem:s28], [sflag:$0x2] =	stream.indirect.gather [hbm4b:s4+s15], $0x20, s20, s15, $0xb8;
	[tilespmem:$0x1DB40] =	vst v63  }
0x72: {  	s20 =	simm.s32 $0x1BA0;
	s28 =	simm.s32 $0x18440  }
0x73: {  	[tilespmem:s28], [sflag:$0x2] =	stream.indirect.gather [hbm4b:s4+s15], $0x20, s20, s15, $0xb8;
	[tilespmem:$0x1DB40] =	vst v63  }
0x74: {  	s20 =	simm.s32 $0x1C20;
	s28 =	simm.s32 $0x19440  }
0x75: {  	[tilespmem:s28], [sflag:$0x2] =	stream.indirect.gather [hbm4b:s4+s26], $0x20, s20, s26, $0xb8;
	[tilespmem:$0x1DB40] =	vst v63  }
0x76: {  	s20 =	simm.s32 $0x1128;
	s28 =	simm.s32 $0x197C0  }
0x77: {  	[tilespmem:s28], [sflag:$0x2] =	stream.indirect.gather [hbm4b:s4+s19], $0x20, s20, s19, $0xb8;
	[tilespmem:$0x1DB40] =	vst v63  }
0x78: {  	s20 =	simm.s32 $0x1C30;
	s28 =	simm.s32 $0x19A40  }
0x79: {  	[tilespmem:s28], [sflag:$0x2] =	stream.indirect.gather [hbm4b:s4+s15], $0x20, s20, s15, $0xb8;
	[tilespmem:$0x1DB40] =	vst v63  }
0x7a: {  	s20 =	simm.s32 $0x1CB0  }
0x7b: {  	[tilespmem:s29], [sflag:$0x2] =	stream.indirect.gather [hbm4b:s4+s15], $0x20, s20, s15, $0xb8;
	[tilespmem:$0x1DB40] =	vst v63  }
0x7c: {  	_ = 	snop  }
0x7d: {  	[tilespmem:s31], [sflag:$0x2] =	stream.indirect.gather [hbm4b:s4+s15], $0x20, s30, s15, $0xb8;
	[tilespmem:$0x1DB40] =	vst v63  }
0x7e: {  	_ = 	snop  }
0x7f: {  	[tilespmem:s1], [sflag:$0x2] =	stream.indirect.gather [hbm4b:s4+s26], $0x20, s0, s26, $0xb8;
	[tilespmem:$0x1DB40] =	vst v63  }
0x80: {  	_ =	swait.ge [sflag:s16], $0x280  }
0x81: {  	[sflag:s16] =	ssyncset.done $0x0  }
0x82: {  	[sflag:s16] =	ssyncadd.s32 $0xFFFFFD80  }
0x83: {  	_ =	swait.ge [sflag:s16], $0x1000  }
0x84: {  	[sflag:s16] =	ssyncset.done $0x0  }
0x85: {  	[sflag:s16] =	ssyncadd.s32 $0xFFFFF000  }
0x86: {  	_ =	swait.ge [sflag:s16], $0x1000  }
0x87: {  	[sflag:s16] =	ssyncset.done $0x0  }
0x88: {  	[sflag:s16] =	ssyncadd.s32 $0xFFFFF000  }
0x89: {  	_ =	swait.ge [sflag:s16], $0x1000  }
0x8a: {  	[sflag:s16] =	ssyncset.done $0x0  }
0x8b: {  	[sflag:s16] =	ssyncadd.s32 $0xFFFFF000  }
0x8c: {  	_ =	swait.ge [sflag:s16], $0x200  }
0x8d: {  	[sflag:s16] =	ssyncset.done $0x0  }
0x8e: {  	[sflag:s16] =	ssyncadd.s32 $0xFFFFFE00  }
0x8f: {  	_ =	swait.ge [sflag:s16], $0x280  }
0x90: {  	[sflag:s16] =	ssyncset.done $0x0  }
0x91: {  	[sflag:s16] =	ssyncadd.s32 $0xFFFFFD80  }
0x92: {  	_ =	swait.ge [sflag:s16], $0x1000  }
0x93: {  	[sflag:s16] =	ssyncset.done $0x0  }
0x94: {  	[sflag:s16] =	ssyncadd.s32 $0xFFFFF000  }
0x95: {  	_ =	swait.ge [sflag:s16], $0x1000  }
0x96: {  	[sflag:s16] =	ssyncset.done $0x0  }
0x97: {  	[sflag:s16] =	ssyncadd.s32 $0xFFFFF000  }
0x98: {  	_ =	swait.ge [sflag:s16], $0x1000  }
0x99: {  	[sflag:s16] =	ssyncset.done $0x0  }
0x9a: {  	[sflag:s16] =	ssyncadd.s32 $0xFFFFF000  }
0x9b: {  	_ =	swait.ge [sflag:s16], $0x200  }
0x9c: {  	[sflag:s16] =	ssyncset.done $0x0  }
0x9d: {  	[sflag:s16] =	ssyncadd.s32 $0xFFFFFE00  }
0x9e: {  	_ =	swait.ge [sflag:s16], $0x280  }
0x9f: {  	[sflag:s16] =	ssyncset.done $0x0  }
0xa0: {  	[sflag:s16] =	ssyncadd.s32 $0xFFFFFD80  }
0xa1: {  	_ =	swait.ge [sflag:s16], $0x1000  }
0xa2: {  	[sflag:s16] =	ssyncset.done $0x0  }
0xa3: {  	[sflag:s16] =	ssyncadd.s32 $0xFFFFF000  }
0xa4: {  	_ =	swait.ge [sflag:s16], $0x1000  }
0xa5: {  	[sflag:s16] =	ssyncset.done $0x0  }
0xa6: {  	[sflag:s16] =	ssyncadd.s32 $0xFFFFF000  }
0xa7: {  	_ =	swait.ge [sflag:s16], $0x1000  }
0xa8: {  	[sflag:s16] =	ssyncset.done $0x0  }
0xa9: {  	[sflag:s16] =	ssyncadd.s32 $0xFFFFF000  }
0xaa: {  	_ =	swait.ge [sflag:s16], $0x200  }
0xab: {  	[sflag:s16] =	ssyncset.done $0x0  }
0xac: {  	[sflag:s16] =	ssyncadd.s32 $0xFFFFFE00  }
0xad: {  	_ =	swait.ge [sflag:s16], $0x280  }
0xae: {  	[sflag:s16] =	ssyncset.done $0x0  }
0xaf: {  	[sflag:s16] =	ssyncadd.s32 $0xFFFFFD80  }
0xb0: {  	_ =	swait.ge [sflag:s16], $0x1000  }
0xb1: {  	[sflag:s16] =	ssyncset.done $0x0  }
0xb2: {  	[sflag:s16] =	ssyncadd.s32 $0xFFFFF000  }
0xb3: {  	_ =	swait.ge [sflag:s16], $0x1000  }
0xb4: {  	[sflag:s16] =	ssyncset.done $0x0  }
0xb5: {  	[sflag:s16] =	ssyncadd.s32 $0xFFFFF000  }
0xb6: {  	_ =	swait.ge [sflag:s16], $0x1000  }
0xb7: {  	[sflag:s16] =	ssyncset.done $0x0  }
0xb8: {  	[sflag:s16] =	ssyncadd.s32 $0xFFFFF000  }
0xb9: {  	_ =	swait.ge [sflag:s16], $0x200  }
0xba: {  	s28 =	sshll.u32 s11, $0x8;
	[sflag:s16] =	ssyncset.done $0x0  }
0xbb: {  	s20 =	sand.u32 $0x3FFFFF00, s28;
	[sflag:s16] =	ssyncadd.s32 $0xFFFFFE00  }
0xbc: {  	v0 =	vld [tilespmem:s20+$0x80]  }
0xbd: {  	s12 =	simm.s32 $0x1EC0;
	v1 =	vld [tilespmem:s20+$0x90]  }
.LBB2_3:
0xbe: {  	v2 =	vld [tilespmem:s12+$0xFFFFFF00]  }
0xbf: {  	v3 =	vld [tilespmem:s12+$0xFFFFFF10]  }
0xc0: {  	v4 =	vld [tilespmem:s12+$0xFFFFFF20]  }
0xc1: {  	v5 =	vld [tilespmem:s12+$0xFFFFFF30]  }
0xc2: {  	v6 =	vld [tilespmem:s12+$0xFFFFFF40]  }
0xc3: {  	v7 =	vld [tilespmem:s12+$0xFFFFFF50]  }
0xc4: {  	v8 =	vld [tilespmem:s12+$0xFFFFFF60]  }
0xc5: {  	v9 =	vld [tilespmem:s12+$0xFFFFFF70]  }
0xc6: {  	v10 =	vld [tilespmem:s12+$0xFFFFFF80]  }
0xc7: {  	v11 =	vld [tilespmem:s12+$0xFFFFFF90]  }
0xc8: {  	v12 =	vld [tilespmem:s12+$0xFFFFFFA0]  }
0xc9: {  	v13 =	vld [tilespmem:s12+$0xFFFFFFB0]  }
0xca: {  	v14 =	vld [tilespmem:s12+$0xFFFFFFC0]  }
0xcb: {  	v15 =	vld [tilespmem:s12+$0xFFFFFFD0]  }
0xcc: {  	v16 =	vld [tilespmem:s12+$0xFFFFFFE0]  }
0xcd: {  	v17 =	vld [tilespmem:s12+$0xFFFFFFF0]  }
0xce: {  	v18 =	vld [tilespmem:s12+$0x0]  }
0xcf: {  	v19 =	vld [tilespmem:s12+$0x10];
	v2 =	vmul.f32 v2, v0;
	v3 =	vmul.f32 v3, v1  }
0xd0: {  	v20 =	vld [tilespmem:s12+$0x20];
	v4 =	vmul.f32 v4, v0;
	v5 =	vmul.f32 v5, v1  }
0xd1: {  	v21 =	vld [tilespmem:s12+$0x30];
	v47 =	vmul.f32 v7, v1;
	v2 =	vadd.f32 v3, v2;
	v3 =	vmul.f32 v6, v0  }
0xd2: {  	v22 =	vld [tilespmem:s12+$0x40];
	v4 =	vadd.f32 v5, v4  }
0xd3: {  	v48 =	vld [tilespmem:s12+$0x50];
	v50 =	vmul.f32 v9, v1;
	(xrf2) =	vadd.scan.msk.f32 $0xffff, v2;
	v2 =	vadd.f32 v47, v3;
	v3 =	vmul.f32 v8, v0  }
0xd4: {  	v49 =	vld [tilespmem:s12+$0x60];
	v52 =	vmul.f32 v10, v0;
	v53 =	vmul.f32 v11, v1;
	(xrf2) =	vadd.scan.msk.f32 $0xffff, v4  }
0xd5: {  	v51 =	vld [tilespmem:s12+$0x70];
	v55 =	vmul.f32 v13, v1;
	(xrf2) =	vadd.scan.msk.f32 $0xffff, v2;
	v2 =	vadd.f32 v50, v3;
	v3 =	vmul.f32 v12, v0  }
0xd6: {  	v54 =	vld [tilespmem:s12+$0x80];
	v57 =	vmul.f32 v14, v0;
	v58 =	vmul.f32 v15, v1;
	v4 =	vadd.f32 v53, v52  }
0xd7: {  	v56 =	vld [tilespmem:s12+$0x90];
	v60 =	vmul.f32 v17, v1;
	(xrf2) =	vadd.scan.msk.f32 $0xffff, v2;
	v2 =	vadd.f32 v55, v3;
	v3 =	vmul.f32 v16, v0  }
0xd8: {  	v59 =	vld [tilespmem:s12+$0xA0];
	v63 =	vmul.f32 v18, v0;
	v23 =	vmul.f32 v19, v1;
	v62 =	vadd.f32 v58, v57;
	(xrf2) =	vadd.scan.msk.f32 $0xffff, v4  }
0xd9: {  	v61 =	vld [tilespmem:s12+$0xB0];
	v25 =	vmul.f32 v21, v1;
	(xrf2) =	vadd.scan.msk.f32 $0xffff, v2;
	v2 =	vadd.f32 v60, v3;
	v3 =	vmul.f32 v20, v0  }
0xda: {  	v24 =	vld [tilespmem:s12+$0xC0];
	v28 =	vmul.f32 v22, v0;
	v7 =	vmul.f32 v48, v1;
	(xrf2) =	vadd.scan.msk.f32 $0xffff, v62  }
0xdb: {  	v26 =	vld [tilespmem:s12+$0xD0];
	v27 =	vadd.f32 v23, v63;
	(xrf2) =	vadd.scan.msk.f32 $0xffff, v2;
	v2 =	vadd.f32 v25, v3;
	v3 =	vmul.f32 v49, v0  }
0xdc: {  	v34 =	vld [tilespmem:s12+$0xF0];
	v29 =	vmul.f32 v51, v1  }
0xdd: {  	v30 =	vld [tilespmem:s12+$0xE0];
	v32 =	vmul.f32 v54, v0;
	v33 =	vmul.f32 v56, v1;
	v31 =	vadd.f32 v7, v28;
	(xrf2) =	vadd.scan.msk.f32 $0xffff, v27  }
0xde: {  	v35 =	vmul.f32 v59, v0;
	v36 =	vmul.f32 v61, v1;
	(xrf2) =	vadd.scan.msk.f32 $0xffff, v2;
	v2 =	vadd.f32 v29, v3  }
0xdf: {  	v39 =	vmul.f32 v24, v0;
	v37 =	vadd.f32 v33, v32;
	v3, _, _ =	vpop (xrf2);
	(xrf2) =	vadd.scan.msk.f32 $0xffff, v31  }
0xe0: {  	v40 =	vmul.f32 v26, v1;
	v38, _, _ =	vpop (xrf2);
	(xrf2) =	vadd.scan.msk.f32 $0xffff, v2;
	v2 =	vbroadcast v3, $0xF;
	v3 =	vadd.f32 v36, v35  }
0xe1: {  	v45 =	vmul.f32 v34, v1;
	v41, _, _ =	vpop (xrf2);
	(xrf2) =	vadd.scan.msk.f32 $0xffff, v37  }
0xe2: {  	v43 =	vadd.f32 v40, v39;
	v42 =	vbroadcast v38, $0xF;
	v44, _, _ =	vpop (xrf2);
	(xrf2) =	vadd.scan.msk.f32 $0xffff, v3;
	v3 =	vmul.f32 v30, v0  }
0xe3: {  	v5 =	vbroadcast v41, $0xF  }
0xe4: {  	v2 =	vsel vm0, v2, v42;
	v46 =	vbroadcast v44, $0xF;
	v47, _, _ =	vpop (xrf2);
	(xrf2) =	vadd.scan.msk.f32 $0xffff, v43;
	v3 =	vadd.f32 v45, v3  }
0xe5: {  	v48, _, _ =	vpop (xrf2);
	v2 =	vsel vm1, v2, v5;
	v49 =	vbroadcast v47, $0xF  }
0xe6: {  	v50, _, _ =	vpop (xrf2);
	v2 =	vsel vm2, v2, v46;
	v51 =	vbroadcast v48, $0xF  }
0xe7: {  	v2 =	vsel vm3, v2, v49;
	v52 =	vbroadcast v50, $0xF;
	v53, _, _ =	vpop (xrf2)  }
0xe8: {  	(xrf2) =	vadd.scan.msk.f32 $0xffff, v3;
	v2 =	vsel vm4, v2, v51;
	v54 =	vbroadcast v53, $0xF;
	v3, _, _ =	vpop (xrf2)  }
0xe9: {  	v2 =	vsel vm5, v2, v52;
	v55, _, _ =	vpop (xrf2);
	v3 =	vbroadcast v3, $0xF  }
0xea: {  	v2 =	vsel vm6, v2, v54;
	v56, _, _ =	vpop (xrf2);
	v57 =	vbroadcast v55, $0xF  }
0xeb: {  	v58, _, _ =	vpop (xrf2);
	v2 =	vsel vm7, v2, v3;
	v3 =	vbroadcast v56, $0xF  }
0xec: {  	v59, _, _ =	vpop (xrf2);
	v2 =	vsel vm8, v2, v57;
	v60 =	vbroadcast v58, $0xF  }
0xed: {  	v61, _, _ =	vpop (xrf2);
	v2 =	vsel vm9, v2, v3;
	v3 =	vbroadcast v59, $0xF  }
0xee: {  	v62, _, _ =	vpop (xrf2);
	v2 =	vsel vm10, v2, v60  }
0xef: {  	v2 =	vsel vm11, v2, v3;
	v3 =	vbroadcast v62, $0xF  }
0xf0: {  	p0 =	sne.s32 s23, $0x680;
	v63 =	vbroadcast v61, $0xF  }
.Ltmp0:
0xf1: {  	_ = 	snop;
	(pc) =	sbr.rel @p0 .LBB2_3-.Ltmp0, $4  }
0xf2: {  	v2 =	vsel vm12, v2, v63  }
0xf3: {  	v2 =	vsel vm13, v2, v3;
	v3, _, _ =	vpop (xrf2)  }
0xf4: {  	s28 =	sshra.s32 s23, $0x2;
	v2 =	vsel vm14, v2, v3  }
0xf5: {  	s12 =	sadd.s32 $0x200, s12;
	s23 =	sadd.s32 $0x40, s23;
	[tilespmem:s28+$0x1CDC0] =	vst v2  }
0xf6: {  	v0 =	vld [tilespmem:s20+$0xA0]  }
0xf7: {  	v1 =	vld [tilespmem:s20+$0xB0];
	s23 =	simm.s32 $0x0;
	s12 =	simm.s32 $0x55B0  }
.LBB2_5:
0xf8: {  	v2 =	vld [tilespmem:s12+$0xFFFFFE10]  }
0xf9: {  	v3 =	vld [tilespmem:s12+$0xFFFFFE20]  }
0xfa: {  	v4 =	vld [tilespmem:s12+$0xFFFFFE30]  }
0xfb: {  	v5 =	vld [tilespmem:s12+$0xFFFFFE40]  }
0xfc: {  	v6 =	vld [tilespmem:s12+$0xFFFFFE50]  }
0xfd: {  	v7 =	vld [tilespmem:s12+$0xFFFFFE60]  }
0xfe: {  	v8 =	vld [tilespmem:s12+$0xFFFFFE70]  }
0xff: {  	v9 =	vld [tilespmem:s12+$0xFFFFFE80]  }
0x100: {  	v10 =	vld [tilespmem:s12+$0xFFFFFE90]  }
0x101: {  	v11 =	vld [tilespmem:s12+$0xFFFFFEA0]  }
0x102: {  	v12 =	vld [tilespmem:s12+$0xFFFFFEB0]  }
0x103: {  	v13 =	vld [tilespmem:s12+$0xFFFFFEC0]  }
0x104: {  	v14 =	vld [tilespmem:s12+$0xFFFFFED0]  }
0x105: {  	v15 =	vld [tilespmem:s12+$0xFFFFFEE0]  }
0x106: {  	v16 =	vld [tilespmem:s12+$0xFFFFFEF0]  }
0x107: {  	v17 =	vld [tilespmem:s12+$0xFFFFFF00]  }
0x108: {  	v18 =	vld [tilespmem:s12+$0xFFFFFF10]  }
0x109: {  	v19 =	vld [tilespmem:s12+$0xFFFFFF20];
	v2 =	vmul.f32 v2, v0;
	v3 =	vmul.f32 v3, v1  }
0x10a: {  	v20 =	vld [tilespmem:s12+$0xFFFFFF30];
	v4 =	vmul.f32 v4, v0;
	v5 =	vmul.f32 v5, v1  }
0x10b: {  	v21 =	vld [tilespmem:s12+$0xFFFFFF40];
	v47 =	vmul.f32 v7, v1;
	v2 =	vadd.f32 v3, v2;
	v3 =	vmul.f32 v6, v0  }
0x10c: {  	v22 =	vld [tilespmem:s12+$0xFFFFFF50];
	v4 =	vadd.f32 v5, v4  }
0x10d: {  	v48 =	vld [tilespmem:s12+$0xFFFFFF60];
	v50 =	vmul.f32 v9, v1;
	(xrf2) =	vadd.scan.msk.f32 $0xffff, v2;
	v2 =	vadd.f32 v47, v3;
	v3 =	vmul.f32 v8, v0  }
0x10e: {  	v49 =	vld [tilespmem:s12+$0xFFFFFF70];
	v52 =	vmul.f32 v10, v0;
	v53 =	vmul.f32 v11, v1;
	(xrf2) =	vadd.scan.msk.f32 $0xffff, v4  }
0x10f: {  	v51 =	vld [tilespmem:s12+$0xFFFFFF80];
	v55 =	vmul.f32 v13, v1;
	(xrf2) =	vadd.scan.msk.f32 $0xffff, v2;
	v2 =	vadd.f32 v50, v3;
	v3 =	vmul.f32 v12, v0  }
0x110: {  	v54 =	vld [tilespmem:s12+$0xFFFFFF90];
	v57 =	vmul.f32 v14, v0;
	v58 =	vmul.f32 v15, v1;
	v4 =	vadd.f32 v53, v52  }
0x111: {  	v56 =	vld [tilespmem:s12+$0xFFFFFFA0];
	v60 =	vmul.f32 v17, v1;
	(xrf2) =	vadd.scan.msk.f32 $0xffff, v2;
	v2 =	vadd.f32 v55, v3;
	v3 =	vmul.f32 v16, v0  }
0x112: {  	v59 =	vld [tilespmem:s12+$0xFFFFFFB0];
	v63 =	vmul.f32 v18, v0;
	v23 =	vmul.f32 v19, v1;
	v62 =	vadd.f32 v58, v57;
	(xrf2) =	vadd.scan.msk.f32 $0xffff, v4  }
0x113: {  	v61 =	vld [tilespmem:s12+$0xFFFFFFC0];
	v25 =	vmul.f32 v21, v1;
	(xrf2) =	vadd.scan.msk.f32 $0xffff, v2;
	v2 =	vadd.f32 v60, v3;
	v3 =	vmul.f32 v20, v0  }
0x114: {  	v24 =	vld [tilespmem:s12+$0xFFFFFFD0];
	v28 =	vmul.f32 v22, v0;
	v7 =	vmul.f32 v48, v1;
	(xrf2) =	vadd.scan.msk.f32 $0xffff, v62  }
0x115: {  	v26 =	vld [tilespmem:s12+$0xFFFFFFE0];
	v27 =	vadd.f32 v23, v63;
	(xrf2) =	vadd.scan.msk.f32 $0xffff, v2;
	v2 =	vadd.f32 v25, v3;
	v3 =	vmul.f32 v49, v0  }
0x116: {  	v34 =	vld [tilespmem:s12+$0x0];
	v29 =	vmul.f32 v51, v1  }
0x117: {  	v30 =	vld [tilespmem:s12+$0xFFFFFFF0];
	v32 =	vmul.f32 v54, v0;
	v33 =	vmul.f32 v56, v1;
	v31 =	vadd.f32 v7, v28;
	(xrf2) =	vadd.scan.msk.f32 $0xffff, v27  }
0x118: {  	v35 =	vmul.f32 v59, v0;
	v36 =	vmul.f32 v61, v1;
	(xrf2) =	vadd.scan.msk.f32 $0xffff, v2;
	v2 =	vadd.f32 v29, v3  }
0x119: {  	v39 =	vmul.f32 v24, v0;
	v37 =	vadd.f32 v33, v32;
	v3, _, _ =	vpop (xrf2);
	(xrf2) =	vadd.scan.msk.f32 $0xffff, v31  }
0x11a: {  	v40 =	vmul.f32 v26, v1;
	v38, _, _ =	vpop (xrf2);
	(xrf2) =	vadd.scan.msk.f32 $0xffff, v2;
	v2 =	vbroadcast v3, $0xF;
	v3 =	vadd.f32 v36, v35  }
0x11b: {  	v45 =	vmul.f32 v34, v1;
	v41, _, _ =	vpop (xrf2);
	(xrf2) =	vadd.scan.msk.f32 $0xffff, v37  }
0x11c: {  	v43 =	vadd.f32 v40, v39;
	v42 =	vbroadcast v38, $0xF;
	v44, _, _ =	vpop (xrf2);
	(xrf2) =	vadd.scan.msk.f32 $0xffff, v3;
	v3 =	vmul.f32 v30, v0  }
0x11d: {  	v5 =	vbroadcast v41, $0xF  }
0x11e: {  	v2 =	vsel vm0, v2, v42;
	v46 =	vbroadcast v44, $0xF;
	v47, _, _ =	vpop (xrf2);
	(xrf2) =	vadd.scan.msk.f32 $0xffff, v43;
	v3 =	vadd.f32 v45, v3  }
0x11f: {  	v48, _, _ =	vpop (xrf2);
	v2 =	vsel vm1, v2, v5;
	v49 =	vbroadcast v47, $0xF  }
0x120: {  	v50, _, _ =	vpop (xrf2);
	v2 =	vsel vm2, v2, v46;
	v51 =	vbroadcast v48, $0xF  }
0x121: {  	v2 =	vsel vm3, v2, v49;
	v52 =	vbroadcast v50, $0xF;
	v53, _, _ =	vpop (xrf2)  }
0x122: {  	(xrf2) =	vadd.scan.msk.f32 $0xffff, v3;
	v2 =	vsel vm4, v2, v51;
	v54 =	vbroadcast v53, $0xF;
	v3, _, _ =	vpop (xrf2)  }
0x123: {  	v2 =	vsel vm5, v2, v52;
	v55, _, _ =	vpop (xrf2);
	v3 =	vbroadcast v3, $0xF  }
0x124: {  	v2 =	vsel vm6, v2, v54;
	v56, _, _ =	vpop (xrf2);
	v57 =	vbroadcast v55, $0xF  }
0x125: {  	v58, _, _ =	vpop (xrf2);
	v2 =	vsel vm7, v2, v3;
	v3 =	vbroadcast v56, $0xF  }
0x126: {  	v59, _, _ =	vpop (xrf2);
	v2 =	vsel vm8, v2, v57;
	v60 =	vbroadcast v58, $0xF  }
0x127: {  	v61, _, _ =	vpop (xrf2);
	v2 =	vsel vm9, v2, v3;
	v3 =	vbroadcast v59, $0xF  }
0x128: {  	v62, _, _ =	vpop (xrf2);
	v2 =	vsel vm10, v2, v60  }
0x129: {  	v2 =	vsel vm11, v2, v3;
	v3 =	vbroadcast v62, $0xF  }
0x12a: {  	p0 =	sne.s32 s23, $0x680;
	v63 =	vbroadcast v61, $0xF  }
.Ltmp1:
0x12b: {  	_ = 	snop;
	(pc) =	sbr.rel @p0 .LBB2_5-.Ltmp1, $4  }
0x12c: {  	v2 =	vsel vm12, v2, v63  }
0x12d: {  	v2 =	vsel vm13, v2, v3;
	v3, _, _ =	vpop (xrf2)  }
0x12e: {  	s28 =	sshra.s32 s23, $0x2;
	v2 =	vsel vm14, v2, v3  }
0x12f: {  	s12 =	sadd.s32 $0x200, s12;
	s23 =	sadd.s32 $0x40, s23;
	[tilespmem:s28+$0x1CF70] =	vst v2  }
0x130: {  	v0 =	vld [tilespmem:s20+$0xC0]  }
0x131: {  	v1 =	vld [tilespmem:s20+$0xD0];
	s23 =	simm.s32 $0x0;
	s12 =	simm.s32 $0x1D120  }
.LBB2_7:
0x132: {  	s28 =	sshra.s32 s23, $0x2  }
0x133: {  	v2 =	vld [tilespmem:s28+$0x89C0]  }
0x134: {  	v3 =	vld [tilespmem:s28+$0x89D0]  }
0x135: {  	v4 =	vld [tilespmem:s28+$0x89E0]  }
0x136: {  	v5 =	vld [tilespmem:s28+$0x89F0]  }
0x137: {  	v6 =	vld [tilespmem:s28+$0x8A00]  }
0x138: {  	v7 =	vld [tilespmem:s28+$0x8A10]  }
0x139: {  	v8 =	vld [tilespmem:s28+$0x8A20]  }
0x13a: {  	v9 =	vld [tilespmem:s28+$0x8A30]  }
0x13b: {  	v10 =	vld [tilespmem:s28+$0x8A40]  }
0x13c: {  	v11 =	vld [tilespmem:s28+$0x8A50]  }
0x13d: {  	v12 =	vld [tilespmem:s28+$0x8A60]  }
0x13e: {  	v13 =	vld [tilespmem:s28+$0x8A70]  }
0x13f: {  	v14 =	vld [tilespmem:s28+$0x8A80]  }
0x140: {  	v15 =	vld [tilespmem:s28+$0x8A90]  }
0x141: {  	v16 =	vld [tilespmem:s28+$0x8AA0]  }
0x142: {  	v17 =	vld [tilespmem:s28+$0x8AB0]  }
0x143: {  	v18 =	vld [tilespmem:s28+$0x8AC0]  }
0x144: {  	v19 =	vld [tilespmem:s28+$0x8AD0];
	v2 =	vmul.f32 v2, v0;
	v3 =	vmul.f32 v3, v1  }
0x145: {  	v20 =	vld [tilespmem:s28+$0x8AE0];
	v4 =	vmul.f32 v4, v0;
	v5 =	vmul.f32 v5, v1  }
0x146: {  	v21 =	vld [tilespmem:s28+$0x8AF0];
	v47 =	vmul.f32 v7, v1;
	v2 =	vadd.f32 v3, v2;
	v3 =	vmul.f32 v6, v0  }
0x147: {  	v22 =	vld [tilespmem:s28+$0x8B00];
	v4 =	vadd.f32 v5, v4  }
0x148: {  	v48 =	vld [tilespmem:s28+$0x8B10];
	v50 =	vmul.f32 v9, v1;
	(xrf2) =	vadd.scan.msk.f32 $0xffff, v2;
	v2 =	vadd.f32 v47, v3;
	v3 =	vmul.f32 v8, v0  }
0x149: {  	v49 =	vld [tilespmem:s28+$0x8B20];
	v52 =	vmul.f32 v10, v0;
	v53 =	vmul.f32 v11, v1;
	(xrf2) =	vadd.scan.msk.f32 $0xffff, v4  }
0x14a: {  	v51 =	vld [tilespmem:s28+$0x8B30];
	v55 =	vmul.f32 v13, v1;
	(xrf2) =	vadd.scan.msk.f32 $0xffff, v2;
	v2 =	vadd.f32 v50, v3;
	v3 =	vmul.f32 v12, v0  }
0x14b: {  	v54 =	vld [tilespmem:s28+$0x8B40];
	v57 =	vmul.f32 v14, v0;
	v58 =	vmul.f32 v15, v1;
	v4 =	vadd.f32 v53, v52  }
0x14c: {  	v56 =	vld [tilespmem:s28+$0x8B50];
	v60 =	vmul.f32 v17, v1;
	(xrf2) =	vadd.scan.msk.f32 $0xffff, v2;
	v2 =	vadd.f32 v55, v3;
	v3 =	vmul.f32 v16, v0  }
0x14d: {  	v59 =	vld [tilespmem:s28+$0x8B60];
	v63 =	vmul.f32 v18, v0;
	v23 =	vmul.f32 v19, v1;
	v62 =	vadd.f32 v58, v57;
	(xrf2) =	vadd.scan.msk.f32 $0xffff, v4  }
0x14e: {  	v61 =	vld [tilespmem:s28+$0x8B70];
	v25 =	vmul.f32 v21, v1;
	(xrf2) =	vadd.scan.msk.f32 $0xffff, v2;
	v2 =	vadd.f32 v60, v3;
	v3 =	vmul.f32 v20, v0  }
0x14f: {  	v24 =	vld [tilespmem:s28+$0x8B80];
	v28 =	vmul.f32 v22, v0;
	v7 =	vmul.f32 v48, v1;
	(xrf2) =	vadd.scan.msk.f32 $0xffff, v62  }
0x150: {  	v26 =	vld [tilespmem:s28+$0x8B90];
	v27 =	vadd.f32 v23, v63;
	(xrf2) =	vadd.scan.msk.f32 $0xffff, v2;
	v2 =	vadd.f32 v25, v3;
	v3 =	vmul.f32 v49, v0  }
0x151: {  	v34 =	vld [tilespmem:s28+$0x8BB0];
	v29 =	vmul.f32 v51, v1  }
0x152: {  	v30 =	vld [tilespmem:s28+$0x8BA0];
	v32 =	vmul.f32 v54, v0;
	v33 =	vmul.f32 v56, v1;
	v31 =	vadd.f32 v7, v28;
	(xrf2) =	vadd.scan.msk.f32 $0xffff, v27  }
0x153: {  	v35 =	vmul.f32 v59, v0;
	v36 =	vmul.f32 v61, v1;
	(xrf2) =	vadd.scan.msk.f32 $0xffff, v2;
	v2 =	vadd.f32 v29, v3  }
0x154: {  	v39 =	vmul.f32 v24, v0;
	v37 =	vadd.f32 v33, v32;
	v3, _, _ =	vpop (xrf2);
	(xrf2) =	vadd.scan.msk.f32 $0xffff, v31  }
0x155: {  	v40 =	vmul.f32 v26, v1;
	v38, _, _ =	vpop (xrf2);
	(xrf2) =	vadd.scan.msk.f32 $0xffff, v2;
	v2 =	vbroadcast v3, $0xF;
	v3 =	vadd.f32 v36, v35  }
0x156: {  	v45 =	vmul.f32 v34, v1;
	v41, _, _ =	vpop (xrf2);
	(xrf2) =	vadd.scan.msk.f32 $0xffff, v37  }
0x157: {  	v43 =	vadd.f32 v40, v39;
	v42 =	vbroadcast v38, $0xF;
	v44, _, _ =	vpop (xrf2);
	(xrf2) =	vadd.scan.msk.f32 $0xffff, v3;
	v3 =	vmul.f32 v30, v0  }
0x158: {  	v5 =	vbroadcast v41, $0xF  }
0x159: {  	v2 =	vsel vm0, v2, v42;
	v46 =	vbroadcast v44, $0xF;
	v47, _, _ =	vpop (xrf2);
	(xrf2) =	vadd.scan.msk.f32 $0xffff, v43;
	v3 =	vadd.f32 v45, v3  }
0x15a: {  	v48, _, _ =	vpop (xrf2);
	v2 =	vsel vm1, v2, v5;
	v49 =	vbroadcast v47, $0xF  }
0x15b: {  	v50, _, _ =	vpop (xrf2);
	v2 =	vsel vm2, v2, v46;
	v51 =	vbroadcast v48, $0xF  }
0x15c: {  	v2 =	vsel vm3, v2, v49;
	v52 =	vbroadcast v50, $0xF;
	v53, _, _ =	vpop (xrf2)  }
0x15d: {  	(xrf2) =	vadd.scan.msk.f32 $0xffff, v3;
	v2 =	vsel vm4, v2, v51;
	v54 =	vbroadcast v53, $0xF;
	v3, _, _ =	vpop (xrf2)  }
0x15e: {  	v2 =	vsel vm5, v2, v52;
	v55, _, _ =	vpop (xrf2);
	v3 =	vbroadcast v3, $0xF  }
0x15f: {  	v2 =	vsel vm6, v2, v54;
	v56, _, _ =	vpop (xrf2);
	v57 =	vbroadcast v55, $0xF  }
0x160: {  	v58, _, _ =	vpop (xrf2);
	v2 =	vsel vm7, v2, v3;
	v3 =	vbroadcast v56, $0xF  }
0x161: {  	v59, _, _ =	vpop (xrf2);
	v2 =	vsel vm8, v2, v57;
	v60 =	vbroadcast v58, $0xF  }
0x162: {  	v61, _, _ =	vpop (xrf2);
	v2 =	vsel vm9, v2, v3;
	v3 =	vbroadcast v59, $0xF  }
0x163: {  	v62, _, _ =	vpop (xrf2);
	v2 =	vsel vm10, v2, v60  }
0x164: {  	v2 =	vsel vm11, v2, v3;
	v3 =	vbroadcast v62, $0xF  }
0x165: {  	p0 =	sne.s32 s23, $0xD000;
	v63 =	vbroadcast v61, $0xF  }
.Ltmp2:
0x166: {  	_ = 	snop;
	(pc) =	sbr.rel @p0 .LBB2_7-.Ltmp2, $4  }
0x167: {  	v2 =	vsel vm12, v2, v63  }
0x168: {  	v2 =	vsel vm13, v2, v3;
	v3, _, _ =	vpop (xrf2)  }
0x169: {  	v2 =	vsel vm14, v2, v3  }
0x16a: {  	s23 =	sadd.s32 $0x800, s23;
	[tilespmem:s12+$0x0] =	vst v2;
	s12 =	sadd.s32 $0x10, s12  }
0x16b: {  	v0 =	vld [tilespmem:s20+$0xE0]  }
0x16c: {  	v1 =	vld [tilespmem:s20+$0xF0];
	s23 =	simm.s32 $0x0;
	s12 =	simm.s32 $0x1D2D0  }
.LBB2_9:
0x16d: {  	s28 =	sshra.s32 s23, $0x2  }
0x16e: {  	v2 =	vld [tilespmem:s28+$0xBFC0]  }
0x16f: {  	v3 =	vld [tilespmem:s28+$0xBFD0]  }
0x170: {  	v4 =	vld [tilespmem:s28+$0xBFE0]  }
0x171: {  	v5 =	vld [tilespmem:s28+$0xBFF0]  }
0x172: {  	v6 =	vld [tilespmem:s28+$0xC000]  }
0x173: {  	v7 =	vld [tilespmem:s28+$0xC010]  }
0x174: {  	v8 =	vld [tilespmem:s28+$0xC020]  }
0x175: {  	v9 =	vld [tilespmem:s28+$0xC030]  }
0x176: {  	v10 =	vld [tilespmem:s28+$0xC040]  }
0x177: {  	v11 =	vld [tilespmem:s28+$0xC050]  }
0x178: {  	v12 =	vld [tilespmem:s28+$0xC060]  }
0x179: {  	v13 =	vld [tilespmem:s28+$0xC070]  }
0x17a: {  	v14 =	vld [tilespmem:s28+$0xC080]  }
0x17b: {  	v15 =	vld [tilespmem:s28+$0xC090]  }
0x17c: {  	v16 =	vld [tilespmem:s28+$0xC0A0]  }
0x17d: {  	v17 =	vld [tilespmem:s28+$0xC0B0]  }
0x17e: {  	v18 =	vld [tilespmem:s28+$0xC0C0]  }
0x17f: {  	v19 =	vld [tilespmem:s28+$0xC0D0];
	v2 =	vmul.f32 v2, v0;
	v3 =	vmul.f32 v3, v1  }
0x180: {  	v20 =	vld [tilespmem:s28+$0xC0E0];
	v4 =	vmul.f32 v4, v0;
	v5 =	vmul.f32 v5, v1  }
0x181: {  	v21 =	vld [tilespmem:s28+$0xC0F0];
	v47 =	vmul.f32 v7, v1;
	v2 =	vadd.f32 v3, v2;
	v3 =	vmul.f32 v6, v0  }
0x182: {  	v22 =	vld [tilespmem:s28+$0xC100];
	v4 =	vadd.f32 v5, v4  }
0x183: {  	v48 =	vld [tilespmem:s28+$0xC110];
	v50 =	vmul.f32 v9, v1;
	(xrf2) =	vadd.scan.msk.f32 $0xffff, v2;
	v2 =	vadd.f32 v47, v3;
	v3 =	vmul.f32 v8, v0  }
0x184: {  	v49 =	vld [tilespmem:s28+$0xC120];
	v52 =	vmul.f32 v10, v0;
	v53 =	vmul.f32 v11, v1;
	(xrf2) =	vadd.scan.msk.f32 $0xffff, v4  }
0x185: {  	v51 =	vld [tilespmem:s28+$0xC130];
	v55 =	vmul.f32 v13, v1;
	(xrf2) =	vadd.scan.msk.f32 $0xffff, v2;
	v2 =	vadd.f32 v50, v3;
	v3 =	vmul.f32 v12, v0  }
0x186: {  	v54 =	vld [tilespmem:s28+$0xC140];
	v57 =	vmul.f32 v14, v0;
	v58 =	vmul.f32 v15, v1;
	v4 =	vadd.f32 v53, v52  }
0x187: {  	v56 =	vld [tilespmem:s28+$0xC150];
	v60 =	vmul.f32 v17, v1;
	(xrf2) =	vadd.scan.msk.f32 $0xffff, v2;
	v2 =	vadd.f32 v55, v3;
	v3 =	vmul.f32 v16, v0  }
0x188: {  	v59 =	vld [tilespmem:s28+$0xC160];
	v63 =	vmul.f32 v18, v0;
	v23 =	vmul.f32 v19, v1;
	v62 =	vadd.f32 v58, v57;
	(xrf2) =	vadd.scan.msk.f32 $0xffff, v4  }
0x189: {  	v61 =	vld [tilespmem:s28+$0xC170];
	v25 =	vmul.f32 v21, v1;
	(xrf2) =	vadd.scan.msk.f32 $0xffff, v2;
	v2 =	vadd.f32 v60, v3;
	v3 =	vmul.f32 v20, v0  }
0x18a: {  	v24 =	vld [tilespmem:s28+$0xC180];
	v28 =	vmul.f32 v22, v0;
	v7 =	vmul.f32 v48, v1;
	(xrf2) =	vadd.scan.msk.f32 $0xffff, v62  }
0x18b: {  	v26 =	vld [tilespmem:s28+$0xC190];
	v27 =	vadd.f32 v23, v63;
	(xrf2) =	vadd.scan.msk.f32 $0xffff, v2;
	v2 =	vadd.f32 v25, v3;
	v3 =	vmul.f32 v49, v0  }
0x18c: {  	v34 =	vld [tilespmem:s28+$0xC1B0];
	v29 =	vmul.f32 v51, v1  }
0x18d: {  	v30 =	vld [tilespmem:s28+$0xC1A0];
	v32 =	vmul.f32 v54, v0;
	v33 =	vmul.f32 v56, v1;
	v31 =	vadd.f32 v7, v28;
	(xrf2) =	vadd.scan.msk.f32 $0xffff, v27  }
0x18e: {  	v35 =	vmul.f32 v59, v0;
	v36 =	vmul.f32 v61, v1;
	(xrf2) =	vadd.scan.msk.f32 $0xffff, v2;
	v2 =	vadd.f32 v29, v3  }
0x18f: {  	v39 =	vmul.f32 v24, v0;
	v37 =	vadd.f32 v33, v32;
	v3, _, _ =	vpop (xrf2);
	(xrf2) =	vadd.scan.msk.f32 $0xffff, v31  }
0x190: {  	v40 =	vmul.f32 v26, v1;
	v38, _, _ =	vpop (xrf2);
	(xrf2) =	vadd.scan.msk.f32 $0xffff, v2;
	v2 =	vbroadcast v3, $0xF;
	v3 =	vadd.f32 v36, v35  }
0x191: {  	v45 =	vmul.f32 v34, v1;
	v41, _, _ =	vpop (xrf2);
	(xrf2) =	vadd.scan.msk.f32 $0xffff, v37  }
0x192: {  	v43 =	vadd.f32 v40, v39;
	v42 =	vbroadcast v38, $0xF;
	v44, _, _ =	vpop (xrf2);
	(xrf2) =	vadd.scan.msk.f32 $0xffff, v3;
	v3 =	vmul.f32 v30, v0  }
0x193: {  	v5 =	vbroadcast v41, $0xF  }
0x194: {  	v2 =	vsel vm0, v2, v42;
	v46 =	vbroadcast v44, $0xF;
	v47, _, _ =	vpop (xrf2);
	(xrf2) =	vadd.scan.msk.f32 $0xffff, v43;
	v3 =	vadd.f32 v45, v3  }
0x195: {  	v48, _, _ =	vpop (xrf2);
	v2 =	vsel vm1, v2, v5;
	v49 =	vbroadcast v47, $0xF  }
0x196: {  	v50, _, _ =	vpop (xrf2);
	v2 =	vsel vm2, v2, v46;
	v51 =	vbroadcast v48, $0xF  }
0x197: {  	v2 =	vsel vm3, v2, v49;
	v52 =	vbroadcast v50, $0xF;
	v53, _, _ =	vpop (xrf2)  }
0x198: {  	(xrf2) =	vadd.scan.msk.f32 $0xffff, v3;
	v2 =	vsel vm4, v2, v51;
	v54 =	vbroadcast v53, $0xF;
	v3, _, _ =	vpop (xrf2)  }
0x199: {  	v2 =	vsel vm5, v2, v52;
	v55, _, _ =	vpop (xrf2);
	v3 =	vbroadcast v3, $0xF  }
0x19a: {  	v2 =	vsel vm6, v2, v54;
	v56, _, _ =	vpop (xrf2);
	v57 =	vbroadcast v55, $0xF  }
0x19b: {  	v58, _, _ =	vpop (xrf2);
	v2 =	vsel vm7, v2, v3;
	v3 =	vbroadcast v56, $0xF  }
0x19c: {  	v59, _, _ =	vpop (xrf2);
	v2 =	vsel vm8, v2, v57;
	v60 =	vbroadcast v58, $0xF  }
0x19d: {  	v61, _, _ =	vpop (xrf2);
	v2 =	vsel vm9, v2, v3;
	v3 =	vbroadcast v59, $0xF  }
0x19e: {  	v62, _, _ =	vpop (xrf2);
	v2 =	vsel vm10, v2, v60  }
0x19f: {  	v2 =	vsel vm11, v2, v3;
	v3 =	vbroadcast v62, $0xF  }
0x1a0: {  	p0 =	sne.s32 s23, $0xD000;
	v63 =	vbroadcast v61, $0xF  }
.Ltmp3:
0x1a1: {  	_ = 	snop;
	(pc) =	sbr.rel @p0 .LBB2_9-.Ltmp3, $4  }
0x1a2: {  	v2 =	vsel vm12, v2, v63  }
0x1a3: {  	v2 =	vsel vm13, v2, v3;
	v3, _, _ =	vpop (xrf2)  }
0x1a4: {  	v2 =	vsel vm14, v2, v3  }
0x1a5: {  	s23 =	sadd.s32 $0x800, s23;
	[tilespmem:s12+$0x0] =	vst v2;
	s12 =	sadd.s32 $0x10, s12  }
0x1a6: {  	s12 =	sadd.s32 s6, s22  }
0x1a7: {  	s12 =	smul.u32 $0x36, s12  }
0x1a8: {  	p0 =	seq.s32 s11, $0xF  }
.Ltmp4:
0x1a9: {  	s12 =	sadd.s32 s8, s12;
	(pc) =	sbr.rel @p0 .LBB2_12-.Ltmp4, $4  }
0x1aa: {  	[hbm4b:s12+s2] =	stream.linear.scatter [tilespmem:s3], [sflag:$0x3], $0x6C0, $0x38;
	[tilespmem:$0x1DB40] =	vst v63  }
0x1ab: {  	_ =	swait.ge [sflag:s14], $0x6C0  }
0x1ac: {  	[sflag:s14] =	ssyncset.done $0x0  }
0x1ad: {  	[sflag:s14] =	ssyncadd.s32 $0xFFFFF940  }
0x1ae: {  	s12 =	rddreg [dreg:$0x7]  }
0x1af: {  	s12 =	sadd.s32 s22, s12  }
0x1b0: {  	s22 =	smul.u32 $0x3, s12;
	_ =	sdelay $0x1  }
0x1b1: {  	s22 =	sadd.s32 s5, s22  }
0x1b2: {  	[tilespmem:s17], [sflag:$0x3] =	stream.linear.gather [hbm4b:s22+s2], $0x60, $0x38;
	[tilespmem:$0x1DB40] =	vst v63  }
0x1b3: {  	s12 =	smul.u32 $0x32, s12;
	_ =	swait.ge [sflag:s14], $0x60  }
0x1b4: {  	[sflag:s14] =	ssyncset.done $0x0  }
0x1b5: {  	s12 =	sadd.s32 s7, s12;
	[sflag:s14] =	ssyncadd.s32 $0xFFFFFFA0  }
0x1b6: {  	[tilespmem:s18], [sflag:$0x3] =	stream.linear.gather [hbm4b:s12+s2], $0x640, $0x38;
	[tilespmem:$0x1DB40] =	vst v63  }
0x1b7: {  	_ =	swait.ge [sflag:s14], $0x640  }
0x1b8: {  	[sflag:s14] =	ssyncset.done $0x0  }
0x1b9: {  	s28 =	simm.s32 $0x1DC0;
	[sflag:s14] =	ssyncadd.s32 $0xFFFFF9C0  }
0x1ba: {  	[tilespmem:s28], [sflag:$0x1] =	stream.indirect.gather [hbm4b:s4+s19], $0x20, s17, s19, $0xb8;
	[tilespmem:$0x1DB40] =	vst v63  }
0x1bb: {  	s22 =	simm.s32 $0x2040  }
0x1bc: {  	[tilespmem:s22], [sflag:$0x1] =	stream.indirect.gather [hbm4b:s4+s15], $0x20, s18, s15, $0xb8;
	[tilespmem:$0x1DB40] =	vst v63  }
0x1bd: {  	s23 =	simm.s32 $0x11C0;
	s28 =	simm.s32 $0x3040  }
0x1be: {  	[tilespmem:s28], [sflag:$0x1] =	stream.indirect.gather [hbm4b:s4+s15], $0x20, s23, s15, $0xb8;
	[tilespmem:$0x1DB40] =	vst v63  }
0x1bf: {  	s23 =	simm.s32 $0x1240;
	s28 =	simm.s32 $0x4040  }
0x1c0: {  	[tilespmem:s28], [sflag:$0x1] =	stream.indirect.gather [hbm4b:s4+s15], $0x20, s23, s15, $0xb8;
	[tilespmem:$0x1DB40] =	vst v63  }
0x1c1: {  	s23 =	simm.s32 $0x12C0;
	s28 =	simm.s32 $0x5040  }
0x1c2: {  	[tilespmem:s28], [sflag:$0x1] =	stream.indirect.gather [hbm4b:s4+s26], $0x20, s23, s26, $0xb8;
	[tilespmem:$0x1DB40] =	vst v63  }
0x1c3: {  	s23 =	simm.s32 $0x1098;
	s28 =	simm.s32 $0x53C0  }
0x1c4: {  	[tilespmem:s28], [sflag:$0x1] =	stream.indirect.gather [hbm4b:s4+s19], $0x20, s23, s19, $0xb8;
	[tilespmem:$0x1DB40] =	vst v63  }
0x1c5: {  	s23 =	simm.s32 $0x12D0;
	s28 =	simm.s32 $0x5640  }
0x1c6: {  	[tilespmem:s28], [sflag:$0x1] =	stream.indirect.gather [hbm4b:s4+s15], $0x20, s23, s15, $0xb8;
	[tilespmem:$0x1DB40] =	vst v63  }
0x1c7: {  	s23 =	simm.s32 $0x1350;
	s28 =	simm.s32 $0x6640  }
0x1c8: {  	[tilespmem:s28], [sflag:$0x1] =	stream.indirect.gather [hbm4b:s4+s15], $0x20, s23, s15, $0xb8;
	[tilespmem:$0x1DB40] =	vst v63  }
0x1c9: {  	s23 =	simm.s32 $0x13D0;
	s28 =	simm.s32 $0x7640  }
0x1ca: {  	[tilespmem:s28], [sflag:$0x1] =	stream.indirect.gather [hbm4b:s4+s15], $0x20, s23, s15, $0xb8;
	[tilespmem:$0x1DB40] =	vst v63  }
0x1cb: {  	s23 =	simm.s32 $0x1450;
	s28 =	simm.s32 $0x8640  }
0x1cc: {  	[tilespmem:s28], [sflag:$0x1] =	stream.indirect.gather [hbm4b:s4+s26], $0x20, s23, s26, $0xb8;
	[tilespmem:$0x1DB40] =	vst v63  }
0x1cd: {  	s23 =	simm.s32 $0x10B0;
	s28 =	simm.s32 $0x89C0  }
0x1ce: {  	[tilespmem:s28], [sflag:$0x1] =	stream.indirect.gather [hbm4b:s4+s19], $0x20, s23, s19, $0xb8;
	[tilespmem:$0x1DB40] =	vst v63  }
0x1cf: {  	s23 =	simm.s32 $0x1460;
	s28 =	simm.s32 $0x8C40  }
0x1d0: {  	[tilespmem:s28], [sflag:$0x1] =	stream.indirect.gather [hbm4b:s4+s15], $0x20, s23, s15, $0xb8;
	[tilespmem:$0x1DB40] =	vst v63  }
0x1d1: {  	s23 =	simm.s32 $0x14E0;
	s28 =	simm.s32 $0x9C40  }
0x1d2: {  	[tilespmem:s28], [sflag:$0x1] =	stream.indirect.gather [hbm4b:s4+s15], $0x20, s23, s15, $0xb8;
	[tilespmem:$0x1DB40] =	vst v63  }
0x1d3: {  	s23 =	simm.s32 $0x1560;
	s28 =	simm.s32 $0xAC40  }
0x1d4: {  	[tilespmem:s28], [sflag:$0x1] =	stream.indirect.gather [hbm4b:s4+s15], $0x20, s23, s15, $0xb8;
	[tilespmem:$0x1DB40] =	vst v63  }
0x1d5: {  	s23 =	simm.s32 $0x15E0;
	s28 =	simm.s32 $0xBC40  }
0x1d6: {  	[tilespmem:s28], [sflag:$0x1] =	stream.indirect.gather [hbm4b:s4+s26], $0x20, s23, s26, $0xb8;
	[tilespmem:$0x1DB40] =	vst v63  }
0x1d7: {  	s23 =	simm.s32 $0x10C8;
	s28 =	simm.s32 $0xBFC0  }
0x1d8: {  	[tilespmem:s28], [sflag:$0x1] =	stream.indirect.gather [hbm4b:s4+s19], $0x20, s23, s19, $0xb8;
	[tilespmem:$0x1DB40] =	vst v63  }
0x1d9: {  	s23 =	simm.s32 $0x15F0;
	s28 =	simm.s32 $0xC240  }
0x1da: {  	[tilespmem:s28], [sflag:$0x1] =	stream.indirect.gather [hbm4b:s4+s15], $0x20, s23, s15, $0xb8;
	[tilespmem:$0x1DB40] =	vst v63  }
0x1db: {  	s23 =	simm.s32 $0x1670;
	s28 =	simm.s32 $0xD240  }
0x1dc: {  	[tilespmem:s28], [sflag:$0x1] =	stream.indirect.gather [hbm4b:s4+s15], $0x20, s23, s15, $0xb8;
	[tilespmem:$0x1DB40] =	vst v63  }
0x1dd: {  	s23 =	simm.s32 $0x16F0;
	s28 =	simm.s32 $0xE240  }
0x1de: {  	[tilespmem:s28], [sflag:$0x1] =	stream.indirect.gather [hbm4b:s4+s15], $0x20, s23, s15, $0xb8;
	[tilespmem:$0x1DB40] =	vst v63  }
0x1df: {  	s23 =	simm.s32 $0x1770;
	s28 =	simm.s32 $0xF240  }
0x1e0: {  	[tilespmem:s28], [sflag:$0x1] =	stream.indirect.gather [hbm4b:s4+s26], $0x20, s23, s26, $0xb8;
	[tilespmem:$0x1DB40] =	vst v63  }
.LBB2_12:
0x1e1: {  	_ =	swait.ge [sflag:s9], $0x280  }
0x1e2: {  	[sflag:s9] =	ssyncset.done $0x0  }
0x1e3: {  	[sflag:s9] =	ssyncadd.s32 $0xFFFFFD80  }
0x1e4: {  	_ =	swait.ge [sflag:s9], $0x1000  }
0x1e5: {  	[sflag:s9] =	ssyncset.done $0x0  }
0x1e6: {  	[sflag:s9] =	ssyncadd.s32 $0xFFFFF000  }
0x1e7: {  	_ =	swait.ge [sflag:s9], $0x1000  }
0x1e8: {  	[sflag:s9] =	ssyncset.done $0x0  }
0x1e9: {  	[sflag:s9] =	ssyncadd.s32 $0xFFFFF000  }
0x1ea: {  	_ =	swait.ge [sflag:s9], $0x1000  }
0x1eb: {  	[sflag:s9] =	ssyncset.done $0x0  }
0x1ec: {  	[sflag:s9] =	ssyncadd.s32 $0xFFFFF000  }
0x1ed: {  	_ =	swait.ge [sflag:s9], $0x200  }
0x1ee: {  	[sflag:s9] =	ssyncset.done $0x0  }
0x1ef: {  	[sflag:s9] =	ssyncadd.s32 $0xFFFFFE00  }
0x1f0: {  	_ =	swait.ge [sflag:s9], $0x280  }
0x1f1: {  	[sflag:s9] =	ssyncset.done $0x0  }
0x1f2: {  	[sflag:s9] =	ssyncadd.s32 $0xFFFFFD80  }
0x1f3: {  	_ =	swait.ge [sflag:s9], $0x1000  }
0x1f4: {  	[sflag:s9] =	ssyncset.done $0x0  }
0x1f5: {  	[sflag:s9] =	ssyncadd.s32 $0xFFFFF000  }
0x1f6: {  	_ =	swait.ge [sflag:s9], $0x1000  }
0x1f7: {  	[sflag:s9] =	ssyncset.done $0x0  }
0x1f8: {  	[sflag:s9] =	ssyncadd.s32 $0xFFFFF000  }
0x1f9: {  	_ =	swait.ge [sflag:s9], $0x1000  }
0x1fa: {  	[sflag:s9] =	ssyncset.done $0x0  }
0x1fb: {  	[sflag:s9] =	ssyncadd.s32 $0xFFFFF000  }
0x1fc: {  	_ =	swait.ge [sflag:s9], $0x200  }
0x1fd: {  	[sflag:s9] =	ssyncset.done $0x0  }
0x1fe: {  	[sflag:s9] =	ssyncadd.s32 $0xFFFFFE00  }
0x1ff: {  	_ =	swait.ge [sflag:s9], $0x280  }
0x200: {  	[sflag:s9] =	ssyncset.done $0x0  }
0x201: {  	[sflag:s9] =	ssyncadd.s32 $0xFFFFFD80  }
0x202: {  	_ =	swait.ge [sflag:s9], $0x1000  }
0x203: {  	[sflag:s9] =	ssyncset.done $0x0  }
0x204: {  	[sflag:s9] =	ssyncadd.s32 $0xFFFFF000  }
0x205: {  	_ =	swait.ge [sflag:s9], $0x1000  }
0x206: {  	[sflag:s9] =	ssyncset.done $0x0  }
0x207: {  	[sflag:s9] =	ssyncadd.s32 $0xFFFFF000  }
0x208: {  	_ =	swait.ge [sflag:s9], $0x1000  }
0x209: {  	[sflag:s9] =	ssyncset.done $0x0  }
0x20a: {  	[sflag:s9] =	ssyncadd.s32 $0xFFFFF000  }
0x20b: {  	_ =	swait.ge [sflag:s9], $0x200  }
0x20c: {  	[sflag:s9] =	ssyncset.done $0x0  }
0x20d: {  	[sflag:s9] =	ssyncadd.s32 $0xFFFFFE00  }
0x20e: {  	_ =	swait.ge [sflag:s9], $0x280  }
0x20f: {  	[sflag:s9] =	ssyncset.done $0x0  }
0x210: {  	[sflag:s9] =	ssyncadd.s32 $0xFFFFFD80  }
0x211: {  	_ =	swait.ge [sflag:s9], $0x1000  }
0x212: {  	[sflag:s9] =	ssyncset.done $0x0  }
0x213: {  	[sflag:s9] =	ssyncadd.s32 $0xFFFFF000  }
0x214: {  	_ =	swait.ge [sflag:s9], $0x1000  }
0x215: {  	[sflag:s9] =	ssyncset.done $0x0  }
0x216: {  	[sflag:s9] =	ssyncadd.s32 $0xFFFFF000  }
0x217: {  	_ =	swait.ge [sflag:s9], $0x1000  }
0x218: {  	[sflag:s9] =	ssyncset.done $0x0  }
0x219: {  	[sflag:s9] =	ssyncadd.s32 $0xFFFFF000  }
0x21a: {  	_ =	swait.ge [sflag:s9], $0x200  }
0x21b: {  	s12 =	sshll.u32 s21, $0x5;
	[sflag:s9] =	ssyncset.done $0x0  }
0x21c: {  	s12 =	sand.u32 $0x3FFFFFE0, s12;
	[sflag:s9] =	ssyncadd.s32 $0xFFFFFE00  }
0x21d: {  	v0 =	vld [tilespmem:s12+$0x80]  }
0x21e: {  	s21 =	simm.s32 $0x0;
	v1 =	vld [tilespmem:s12+$0x90];
	s12 =	simm.s32 $0xF6C0  }
.LBB2_13:
0x21f: {  	v2 =	vld [tilespmem:s12+$0xFFFFFF00]  }
0x220: {  	v3 =	vld [tilespmem:s12+$0xFFFFFF10]  }
0x221: {  	v4 =	vld [tilespmem:s12+$0xFFFFFF20]  }
0x222: {  	v5 =	vld [tilespmem:s12+$0xFFFFFF30]  }
0x223: {  	v6 =	vld [tilespmem:s12+$0xFFFFFF40]  }
0x224: {  	v7 =	vld [tilespmem:s12+$0xFFFFFF50]  }
0x225: {  	v8 =	vld [tilespmem:s12+$0xFFFFFF60]  }
0x226: {  	v9 =	vld [tilespmem:s12+$0xFFFFFF70]  }
0x227: {  	v10 =	vld [tilespmem:s12+$0xFFFFFF80]  }
0x228: {  	v11 =	vld [tilespmem:s12+$0xFFFFFF90]  }
0x229: {  	v12 =	vld [tilespmem:s12+$0xFFFFFFA0]  }
0x22a: {  	v13 =	vld [tilespmem:s12+$0xFFFFFFB0]  }
0x22b: {  	v14 =	vld [tilespmem:s12+$0xFFFFFFC0]  }
0x22c: {  	v15 =	vld [tilespmem:s12+$0xFFFFFFD0]  }
0x22d: {  	v16 =	vld [tilespmem:s12+$0xFFFFFFE0]  }
0x22e: {  	v17 =	vld [tilespmem:s12+$0xFFFFFFF0]  }
0x22f: {  	v18 =	vld [tilespmem:s12+$0x0]  }
0x230: {  	v19 =	vld [tilespmem:s12+$0x10];
	v2 =	vmul.f32 v2, v0;
	v3 =	vmul.f32 v3, v1  }
0x231: {  	v20 =	vld [tilespmem:s12+$0x20];
	v4 =	vmul.f32 v4, v0;
	v5 =	vmul.f32 v5, v1  }
0x232: {  	v21 =	vld [tilespmem:s12+$0x30];
	v47 =	vmul.f32 v7, v1;
	v2 =	vadd.f32 v3, v2;
	v3 =	vmul.f32 v6, v0  }
0x233: {  	v22 =	vld [tilespmem:s12+$0x40];
	v4 =	vadd.f32 v5, v4  }
0x234: {  	v48 =	vld [tilespmem:s12+$0x50];
	v50 =	vmul.f32 v9, v1;
	(xrf2) =	vadd.scan.msk.f32 $0xffff, v2;
	v2 =	vadd.f32 v47, v3;
	v3 =	vmul.f32 v8, v0  }
0x235: {  	v49 =	vld [tilespmem:s12+$0x60];
	v52 =	vmul.f32 v10, v0;
	v53 =	vmul.f32 v11, v1;
	(xrf2) =	vadd.scan.msk.f32 $0xffff, v4  }
0x236: {  	v51 =	vld [tilespmem:s12+$0x70];
	v55 =	vmul.f32 v13, v1;
	(xrf2) =	vadd.scan.msk.f32 $0xffff, v2;
	v2 =	vadd.f32 v50, v3;
	v3 =	vmul.f32 v12, v0  }
0x237: {  	v54 =	vld [tilespmem:s12+$0x80];
	v57 =	vmul.f32 v14, v0;
	v58 =	vmul.f32 v15, v1;
	v4 =	vadd.f32 v53, v52  }
0x238: {  	v56 =	vld [tilespmem:s12+$0x90];
	v60 =	vmul.f32 v17, v1;
	(xrf2) =	vadd.scan.msk.f32 $0xffff, v2;
	v2 =	vadd.f32 v55, v3;
	v3 =	vmul.f32 v16, v0  }
0x239: {  	v59 =	vld [tilespmem:s12+$0xA0];
	v63 =	vmul.f32 v18, v0;
	v23 =	vmul.f32 v19, v1;
	v62 =	vadd.f32 v58, v57;
	(xrf2) =	vadd.scan.msk.f32 $0xffff, v4  }
0x23a: {  	v61 =	vld [tilespmem:s12+$0xB0];
	v25 =	vmul.f32 v21, v1;
	(xrf2) =	vadd.scan.msk.f32 $0xffff, v2;
	v2 =	vadd.f32 v60, v3;
	v3 =	vmul.f32 v20, v0  }
0x23b: {  	v24 =	vld [tilespmem:s12+$0xC0];
	v28 =	vmul.f32 v22, v0;
	v7 =	vmul.f32 v48, v1;
	(xrf2) =	vadd.scan.msk.f32 $0xffff, v62  }
0x23c: {  	v26 =	vld [tilespmem:s12+$0xD0];
	v27 =	vadd.f32 v23, v63;
	(xrf2) =	vadd.scan.msk.f32 $0xffff, v2;
	v2 =	vadd.f32 v25, v3;
	v3 =	vmul.f32 v49, v0  }
0x23d: {  	v34 =	vld [tilespmem:s12+$0xF0];
	v29 =	vmul.f32 v51, v1  }
0x23e: {  	v30 =	vld [tilespmem:s12+$0xE0];
	v32 =	vmul.f32 v54, v0;
	v33 =	vmul.f32 v56, v1;
	v31 =	vadd.f32 v7, v28;
	(xrf2) =	vadd.scan.msk.f32 $0xffff, v27  }
0x23f: {  	v35 =	vmul.f32 v59, v0;
	v36 =	vmul.f32 v61, v1;
	(xrf2) =	vadd.scan.msk.f32 $0xffff, v2;
	v2 =	vadd.f32 v29, v3  }
0x240: {  	v39 =	vmul.f32 v24, v0;
	v37 =	vadd.f32 v33, v32;
	v3, _, _ =	vpop (xrf2);
	(xrf2) =	vadd.scan.msk.f32 $0xffff, v31  }
0x241: {  	v40 =	vmul.f32 v26, v1;
	v38, _, _ =	vpop (xrf2);
	(xrf2) =	vadd.scan.msk.f32 $0xffff, v2;
	v2 =	vbroadcast v3, $0xF;
	v3 =	vadd.f32 v36, v35  }
0x242: {  	v45 =	vmul.f32 v34, v1;
	v41, _, _ =	vpop (xrf2);
	(xrf2) =	vadd.scan.msk.f32 $0xffff, v37  }
0x243: {  	v43 =	vadd.f32 v40, v39;
	v42 =	vbroadcast v38, $0xF;
	v44, _, _ =	vpop (xrf2);
	(xrf2) =	vadd.scan.msk.f32 $0xffff, v3;
	v3 =	vmul.f32 v30, v0  }
0x244: {  	v5 =	vbroadcast v41, $0xF  }
0x245: {  	v2 =	vsel vm0, v2, v42;
	v46 =	vbroadcast v44, $0xF;
	v47, _, _ =	vpop (xrf2);
	(xrf2) =	vadd.scan.msk.f32 $0xffff, v43;
	v3 =	vadd.f32 v45, v3  }
0x246: {  	v48, _, _ =	vpop (xrf2);
	v2 =	vsel vm1, v2, v5;
	v49 =	vbroadcast v47, $0xF  }
0x247: {  	v50, _, _ =	vpop (xrf2);
	v2 =	vsel vm2, v2, v46;
	v51 =	vbroadcast v48, $0xF  }
0x248: {  	v2 =	vsel vm3, v2, v49;
	v52 =	vbroadcast v50, $0xF;
	v53, _, _ =	vpop (xrf2)  }
0x249: {  	(xrf2) =	vadd.scan.msk.f32 $0xffff, v3;
	v2 =	vsel vm4, v2, v51;
	v54 =	vbroadcast v53, $0xF;
	v3, _, _ =	vpop (xrf2)  }
0x24a: {  	v2 =	vsel vm5, v2, v52;
	v55, _, _ =	vpop (xrf2);
	v3 =	vbroadcast v3, $0xF  }
0x24b: {  	v2 =	vsel vm6, v2, v54;
	v56, _, _ =	vpop (xrf2);
	v57 =	vbroadcast v55, $0xF  }
0x24c: {  	v58, _, _ =	vpop (xrf2);
	v2 =	vsel vm7, v2, v3;
	v3 =	vbroadcast v56, $0xF  }
0x24d: {  	v59, _, _ =	vpop (xrf2);
	v2 =	vsel vm8, v2, v57;
	v60 =	vbroadcast v58, $0xF  }
0x24e: {  	v61, _, _ =	vpop (xrf2);
	v2 =	vsel vm9, v2, v3;
	v3 =	vbroadcast v59, $0xF  }
0x24f: {  	v62, _, _ =	vpop (xrf2);
	v2 =	vsel vm10, v2, v60  }
0x250: {  	v2 =	vsel vm11, v2, v3;
	v3 =	vbroadcast v62, $0xF  }
0x251: {  	p0 =	sne.s32 s21, $0x680;
	v63 =	vbroadcast v61, $0xF  }
.Ltmp5:
0x252: {  	_ = 	snop;
	(pc) =	sbr.rel @p0 .LBB2_13-.Ltmp5, $4  }
0x253: {  	v2 =	vsel vm12, v2, v63  }
0x254: {  	v2 =	vsel vm13, v2, v3;
	v3, _, _ =	vpop (xrf2)  }
0x255: {  	s22 =	sshra.s32 s21, $0x2;
	v2 =	vsel vm14, v2, v3  }
0x256: {  	s12 =	sadd.s32 $0x200, s12;
	s21 =	sadd.s32 $0x40, s21;
	[tilespmem:s22+$0x1D480] =	vst v2  }
0x257: {  	v0 =	vld [tilespmem:s20+$0x120]  }
0x258: {  	v1 =	vld [tilespmem:s20+$0x130];
	s21 =	simm.s32 $0x0;
	s12 =	simm.s32 $0x12DB0  }
.LBB2_15:
0x259: {  	v2 =	vld [tilespmem:s12+$0xFFFFFE10]  }
0x25a: {  	v3 =	vld [tilespmem:s12+$0xFFFFFE20]  }
0x25b: {  	v4 =	vld [tilespmem:s12+$0xFFFFFE30]  }
0x25c: {  	v5 =	vld [tilespmem:s12+$0xFFFFFE40]  }
0x25d: {  	v6 =	vld [tilespmem:s12+$0xFFFFFE50]  }
0x25e: {  	v7 =	vld [tilespmem:s12+$0xFFFFFE60]  }
0x25f: {  	v8 =	vld [tilespmem:s12+$0xFFFFFE70]  }
0x260: {  	v9 =	vld [tilespmem:s12+$0xFFFFFE80]  }
0x261: {  	v10 =	vld [tilespmem:s12+$0xFFFFFE90]  }
0x262: {  	v11 =	vld [tilespmem:s12+$0xFFFFFEA0]  }
0x263: {  	v12 =	vld [tilespmem:s12+$0xFFFFFEB0]  }
0x264: {  	v13 =	vld [tilespmem:s12+$0xFFFFFEC0]  }
0x265: {  	v14 =	vld [tilespmem:s12+$0xFFFFFED0]  }
0x266: {  	v15 =	vld [tilespmem:s12+$0xFFFFFEE0]  }
0x267: {  	v16 =	vld [tilespmem:s12+$0xFFFFFEF0]  }
0x268: {  	v17 =	vld [tilespmem:s12+$0xFFFFFF00]  }
0x269: {  	v18 =	vld [tilespmem:s12+$0xFFFFFF10]  }
0x26a: {  	v19 =	vld [tilespmem:s12+$0xFFFFFF20];
	v2 =	vmul.f32 v2, v0;
	v3 =	vmul.f32 v3, v1  }
0x26b: {  	v20 =	vld [tilespmem:s12+$0xFFFFFF30];
	v4 =	vmul.f32 v4, v0;
	v5 =	vmul.f32 v5, v1  }
0x26c: {  	v21 =	vld [tilespmem:s12+$0xFFFFFF40];
	v47 =	vmul.f32 v7, v1;
	v2 =	vadd.f32 v3, v2;
	v3 =	vmul.f32 v6, v0  }
0x26d: {  	v22 =	vld [tilespmem:s12+$0xFFFFFF50];
	v4 =	vadd.f32 v5, v4  }
0x26e: {  	v48 =	vld [tilespmem:s12+$0xFFFFFF60];
	v50 =	vmul.f32 v9, v1;
	(xrf2) =	vadd.scan.msk.f32 $0xffff, v2;
	v2 =	vadd.f32 v47, v3;
	v3 =	vmul.f32 v8, v0  }
0x26f: {  	v49 =	vld [tilespmem:s12+$0xFFFFFF70];
	v52 =	vmul.f32 v10, v0;
	v53 =	vmul.f32 v11, v1;
	(xrf2) =	vadd.scan.msk.f32 $0xffff, v4  }
0x270: {  	v51 =	vld [tilespmem:s12+$0xFFFFFF80];
	v55 =	vmul.f32 v13, v1;
	(xrf2) =	vadd.scan.msk.f32 $0xffff, v2;
	v2 =	vadd.f32 v50, v3;
	v3 =	vmul.f32 v12, v0  }
0x271: {  	v54 =	vld [tilespmem:s12+$0xFFFFFF90];
	v57 =	vmul.f32 v14, v0;
	v58 =	vmul.f32 v15, v1;
	v4 =	vadd.f32 v53, v52  }
0x272: {  	v56 =	vld [tilespmem:s12+$0xFFFFFFA0];
	v60 =	vmul.f32 v17, v1;
	(xrf2) =	vadd.scan.msk.f32 $0xffff, v2;
	v2 =	vadd.f32 v55, v3;
	v3 =	vmul.f32 v16, v0  }
0x273: {  	v59 =	vld [tilespmem:s12+$0xFFFFFFB0];
	v63 =	vmul.f32 v18, v0;
	v23 =	vmul.f32 v19, v1;
	v62 =	vadd.f32 v58, v57;
	(xrf2) =	vadd.scan.msk.f32 $0xffff, v4  }
0x274: {  	v61 =	vld [tilespmem:s12+$0xFFFFFFC0];
	v25 =	vmul.f32 v21, v1;
	(xrf2) =	vadd.scan.msk.f32 $0xffff, v2;
	v2 =	vadd.f32 v60, v3;
	v3 =	vmul.f32 v20, v0  }
0x275: {  	v24 =	vld [tilespmem:s12+$0xFFFFFFD0];
	v28 =	vmul.f32 v22, v0;
	v7 =	vmul.f32 v48, v1;
	(xrf2) =	vadd.scan.msk.f32 $0xffff, v62  }
0x276: {  	v26 =	vld [tilespmem:s12+$0xFFFFFFE0];
	v27 =	vadd.f32 v23, v63;
	(xrf2) =	vadd.scan.msk.f32 $0xffff, v2;
	v2 =	vadd.f32 v25, v3;
	v3 =	vmul.f32 v49, v0  }
0x277: {  	v34 =	vld [tilespmem:s12+$0x0];
	v29 =	vmul.f32 v51, v1  }
0x278: {  	v30 =	vld [tilespmem:s12+$0xFFFFFFF0];
	v32 =	vmul.f32 v54, v0;
	v33 =	vmul.f32 v56, v1;
	v31 =	vadd.f32 v7, v28;
	(xrf2) =	vadd.scan.msk.f32 $0xffff, v27  }
0x279: {  	v35 =	vmul.f32 v59, v0;
	v36 =	vmul.f32 v61, v1;
	(xrf2) =	vadd.scan.msk.f32 $0xffff, v2;
	v2 =	vadd.f32 v29, v3  }
0x27a: {  	v39 =	vmul.f32 v24, v0;
	v37 =	vadd.f32 v33, v32;
	v3, _, _ =	vpop (xrf2);
	(xrf2) =	vadd.scan.msk.f32 $0xffff, v31  }
0x27b: {  	v40 =	vmul.f32 v26, v1;
	v38, _, _ =	vpop (xrf2);
	(xrf2) =	vadd.scan.msk.f32 $0xffff, v2;
	v2 =	vbroadcast v3, $0xF;
	v3 =	vadd.f32 v36, v35  }
0x27c: {  	v45 =	vmul.f32 v34, v1;
	v41, _, _ =	vpop (xrf2);
	(xrf2) =	vadd.scan.msk.f32 $0xffff, v37  }
0x27d: {  	v43 =	vadd.f32 v40, v39;
	v42 =	vbroadcast v38, $0xF;
	v44, _, _ =	vpop (xrf2);
	(xrf2) =	vadd.scan.msk.f32 $0xffff, v3;
	v3 =	vmul.f32 v30, v0  }
0x27e: {  	v5 =	vbroadcast v41, $0xF  }
0x27f: {  	v2 =	vsel vm0, v2, v42;
	v46 =	vbroadcast v44, $0xF;
	v47, _, _ =	vpop (xrf2);
	(xrf2) =	vadd.scan.msk.f32 $0xffff, v43;
	v3 =	vadd.f32 v45, v3  }
0x280: {  	v48, _, _ =	vpop (xrf2);
	v2 =	vsel vm1, v2, v5;
	v49 =	vbroadcast v47, $0xF  }
0x281: {  	v50, _, _ =	vpop (xrf2);
	v2 =	vsel vm2, v2, v46;
	v51 =	vbroadcast v48, $0xF  }
0x282: {  	v2 =	vsel vm3, v2, v49;
	v52 =	vbroadcast v50, $0xF;
	v53, _, _ =	vpop (xrf2)  }
0x283: {  	(xrf2) =	vadd.scan.msk.f32 $0xffff, v3;
	v2 =	vsel vm4, v2, v51;
	v54 =	vbroadcast v53, $0xF;
	v3, _, _ =	vpop (xrf2)  }
0x284: {  	v2 =	vsel vm5, v2, v52;
	v55, _, _ =	vpop (xrf2);
	v3 =	vbroadcast v3, $0xF  }
0x285: {  	v2 =	vsel vm6, v2, v54;
	v56, _, _ =	vpop (xrf2);
	v57 =	vbroadcast v55, $0xF  }
0x286: {  	v58, _, _ =	vpop (xrf2);
	v2 =	vsel vm7, v2, v3;
	v3 =	vbroadcast v56, $0xF  }
0x287: {  	v59, _, _ =	vpop (xrf2);
	v2 =	vsel vm8, v2, v57;
	v60 =	vbroadcast v58, $0xF  }
0x288: {  	v61, _, _ =	vpop (xrf2);
	v2 =	vsel vm9, v2, v3;
	v3 =	vbroadcast v59, $0xF  }
0x289: {  	v62, _, _ =	vpop (xrf2);
	v2 =	vsel vm10, v2, v60  }
0x28a: {  	v2 =	vsel vm11, v2, v3;
	v3 =	vbroadcast v62, $0xF  }
0x28b: {  	p0 =	sne.s32 s21, $0x680;
	v63 =	vbroadcast v61, $0xF  }
.Ltmp6:
0x28c: {  	_ = 	snop;
	(pc) =	sbr.rel @p0 .LBB2_15-.Ltmp6, $4  }
0x28d: {  	v2 =	vsel vm12, v2, v63  }
0x28e: {  	v2 =	vsel vm13, v2, v3;
	v3, _, _ =	vpop (xrf2)  }
0x28f: {  	s22 =	sshra.s32 s21, $0x2;
	v2 =	vsel vm14, v2, v3  }
0x290: {  	s12 =	sadd.s32 $0x200, s12;
	s21 =	sadd.s32 $0x40, s21;
	[tilespmem:s22+$0x1D630] =	vst v2  }
0x291: {  	v0 =	vld [tilespmem:s20+$0x140]  }
0x292: {  	v1 =	vld [tilespmem:s20+$0x150];
	s21 =	simm.s32 $0x0;
	s12 =	simm.s32 $0x1D7E0  }
.LBB2_17:
0x293: {  	s22 =	sshra.s32 s21, $0x2  }
0x294: {  	v2 =	vld [tilespmem:s22+$0x161C0]  }
0x295: {  	v3 =	vld [tilespmem:s22+$0x161D0]  }
0x296: {  	v4 =	vld [tilespmem:s22+$0x161E0]  }
0x297: {  	v5 =	vld [tilespmem:s22+$0x161F0]  }
0x298: {  	v6 =	vld [tilespmem:s22+$0x16200]  }
0x299: {  	v7 =	vld [tilespmem:s22+$0x16210]  }
0x29a: {  	v8 =	vld [tilespmem:s22+$0x16220]  }
0x29b: {  	v9 =	vld [tilespmem:s22+$0x16230]  }
0x29c: {  	v10 =	vld [tilespmem:s22+$0x16240]  }
0x29d: {  	v11 =	vld [tilespmem:s22+$0x16250]  }
0x29e: {  	v12 =	vld [tilespmem:s22+$0x16260]  }
0x29f: {  	v13 =	vld [tilespmem:s22+$0x16270]  }
0x2a0: {  	v14 =	vld [tilespmem:s22+$0x16280]  }
0x2a1: {  	v15 =	vld [tilespmem:s22+$0x16290]  }
0x2a2: {  	v16 =	vld [tilespmem:s22+$0x162A0]  }
0x2a3: {  	v17 =	vld [tilespmem:s22+$0x162B0]  }
0x2a4: {  	v18 =	vld [tilespmem:s22+$0x162C0]  }
0x2a5: {  	v19 =	vld [tilespmem:s22+$0x162D0];
	v2 =	vmul.f32 v2, v0;
	v3 =	vmul.f32 v3, v1  }
0x2a6: {  	v20 =	vld [tilespmem:s22+$0x162E0];
	v4 =	vmul.f32 v4, v0;
	v5 =	vmul.f32 v5, v1  }
0x2a7: {  	v21 =	vld [tilespmem:s22+$0x162F0];
	v47 =	vmul.f32 v7, v1;
	v2 =	vadd.f32 v3, v2;
	v3 =	vmul.f32 v6, v0  }
0x2a8: {  	v22 =	vld [tilespmem:s22+$0x16300];
	v4 =	vadd.f32 v5, v4  }
0x2a9: {  	v48 =	vld [tilespmem:s22+$0x16310];
	v50 =	vmul.f32 v9, v1;
	(xrf2) =	vadd.scan.msk.f32 $0xffff, v2;
	v2 =	vadd.f32 v47, v3;
	v3 =	vmul.f32 v8, v0  }
0x2aa: {  	v49 =	vld [tilespmem:s22+$0x16320];
	v52 =	vmul.f32 v10, v0;
	v53 =	vmul.f32 v11, v1;
	(xrf2) =	vadd.scan.msk.f32 $0xffff, v4  }
0x2ab: {  	v51 =	vld [tilespmem:s22+$0x16330];
	v55 =	vmul.f32 v13, v1;
	(xrf2) =	vadd.scan.msk.f32 $0xffff, v2;
	v2 =	vadd.f32 v50, v3;
	v3 =	vmul.f32 v12, v0  }
0x2ac: {  	v54 =	vld [tilespmem:s22+$0x16340];
	v57 =	vmul.f32 v14, v0;
	v58 =	vmul.f32 v15, v1;
	v4 =	vadd.f32 v53, v52  }
0x2ad: {  	v56 =	vld [tilespmem:s22+$0x16350];
	v60 =	vmul.f32 v17, v1;
	(xrf2) =	vadd.scan.msk.f32 $0xffff, v2;
	v2 =	vadd.f32 v55, v3;
	v3 =	vmul.f32 v16, v0  }
0x2ae: {  	v59 =	vld [tilespmem:s22+$0x16360];
	v63 =	vmul.f32 v18, v0;
	v23 =	vmul.f32 v19, v1;
	v62 =	vadd.f32 v58, v57;
	(xrf2) =	vadd.scan.msk.f32 $0xffff, v4  }
0x2af: {  	v61 =	vld [tilespmem:s22+$0x16370];
	v25 =	vmul.f32 v21, v1;
	(xrf2) =	vadd.scan.msk.f32 $0xffff, v2;
	v2 =	vadd.f32 v60, v3;
	v3 =	vmul.f32 v20, v0  }
0x2b0: {  	v24 =	vld [tilespmem:s22+$0x16380];
	v28 =	vmul.f32 v22, v0;
	v7 =	vmul.f32 v48, v1;
	(xrf2) =	vadd.scan.msk.f32 $0xffff, v62  }
0x2b1: {  	v26 =	vld [tilespmem:s22+$0x16390];
	v27 =	vadd.f32 v23, v63;
	(xrf2) =	vadd.scan.msk.f32 $0xffff, v2;
	v2 =	vadd.f32 v25, v3;
	v3 =	vmul.f32 v49, v0  }
0x2b2: {  	v34 =	vld [tilespmem:s22+$0x163B0];
	v29 =	vmul.f32 v51, v1  }
0x2b3: {  	v30 =	vld [tilespmem:s22+$0x163A0];
	v32 =	vmul.f32 v54, v0;
	v33 =	vmul.f32 v56, v1;
	v31 =	vadd.f32 v7, v28;
	(xrf2) =	vadd.scan.msk.f32 $0xffff, v27  }
0x2b4: {  	v35 =	vmul.f32 v59, v0;
	v36 =	vmul.f32 v61, v1;
	(xrf2) =	vadd.scan.msk.f32 $0xffff, v2;
	v2 =	vadd.f32 v29, v3  }
0x2b5: {  	v39 =	vmul.f32 v24, v0;
	v37 =	vadd.f32 v33, v32;
	v3, _, _ =	vpop (xrf2);
	(xrf2) =	vadd.scan.msk.f32 $0xffff, v31  }
0x2b6: {  	v40 =	vmul.f32 v26, v1;
	v38, _, _ =	vpop (xrf2);
	(xrf2) =	vadd.scan.msk.f32 $0xffff, v2;
	v2 =	vbroadcast v3, $0xF;
	v3 =	vadd.f32 v36, v35  }
0x2b7: {  	v45 =	vmul.f32 v34, v1;
	v41, _, _ =	vpop (xrf2);
	(xrf2) =	vadd.scan.msk.f32 $0xffff, v37  }
0x2b8: {  	v43 =	vadd.f32 v40, v39;
	v42 =	vbroadcast v38, $0xF;
	v44, _, _ =	vpop (xrf2);
	(xrf2) =	vadd.scan.msk.f32 $0xffff, v3;
	v3 =	vmul.f32 v30, v0  }
0x2b9: {  	v5 =	vbroadcast v41, $0xF  }
0x2ba: {  	v2 =	vsel vm0, v2, v42;
	v46 =	vbroadcast v44, $0xF;
	v47, _, _ =	vpop (xrf2);
	(xrf2) =	vadd.scan.msk.f32 $0xffff, v43;
	v3 =	vadd.f32 v45, v3  }
0x2bb: {  	v48, _, _ =	vpop (xrf2);
	v2 =	vsel vm1, v2, v5;
	v49 =	vbroadcast v47, $0xF  }
0x2bc: {  	v50, _, _ =	vpop (xrf2);
	v2 =	vsel vm2, v2, v46;
	v51 =	vbroadcast v48, $0xF  }
0x2bd: {  	v2 =	vsel vm3, v2, v49;
	v52 =	vbroadcast v50, $0xF;
	v53, _, _ =	vpop (xrf2)  }
0x2be: {  	(xrf2) =	vadd.scan.msk.f32 $0xffff, v3;
	v2 =	vsel vm4, v2, v51;
	v54 =	vbroadcast v53, $0xF;
	v3, _, _ =	vpop (xrf2)  }
0x2bf: {  	v2 =	vsel vm5, v2, v52;
	v55, _, _ =	vpop (xrf2);
	v3 =	vbroadcast v3, $0xF  }
0x2c0: {  	v2 =	vsel vm6, v2, v54;
	v56, _, _ =	vpop (xrf2);
	v57 =	vbroadcast v55, $0xF  }
0x2c1: {  	v58, _, _ =	vpop (xrf2);
	v2 =	vsel vm7, v2, v3;
	v3 =	vbroadcast v56, $0xF  }
0x2c2: {  	v59, _, _ =	vpop (xrf2);
	v2 =	vsel vm8, v2, v57;
	v60 =	vbroadcast v58, $0xF  }
0x2c3: {  	v61, _, _ =	vpop (xrf2);
	v2 =	vsel vm9, v2, v3;
	v3 =	vbroadcast v59, $0xF  }
0x2c4: {  	v62, _, _ =	vpop (xrf2);
	v2 =	vsel vm10, v2, v60  }
0x2c5: {  	v2 =	vsel vm11, v2, v3;
	v3 =	vbroadcast v62, $0xF  }
0x2c6: {  	p0 =	sne.s32 s21, $0xD000;
	v63 =	vbroadcast v61, $0xF  }
.Ltmp7:
0x2c7: {  	_ = 	snop;
	(pc) =	sbr.rel @p0 .LBB2_17-.Ltmp7, $4  }
0x2c8: {  	v2 =	vsel vm12, v2, v63  }
0x2c9: {  	v2 =	vsel vm13, v2, v3;
	v3, _, _ =	vpop (xrf2)  }
0x2ca: {  	v2 =	vsel vm14, v2, v3  }
0x2cb: {  	s21 =	sadd.s32 $0x800, s21;
	[tilespmem:s12+$0x0] =	vst v2;
	s12 =	sadd.s32 $0x10, s12  }
0x2cc: {  	v0 =	vld [tilespmem:s20+$0x160]  }
0x2cd: {  	v1 =	vld [tilespmem:s20+$0x170];
	s20 =	simm.s32 $0x0;
	s12 =	simm.s32 $0x1D990  }
.LBB2_19:
0x2ce: {  	s21 =	sshra.s32 s20, $0x2  }
0x2cf: {  	v2 =	vld [tilespmem:s21+$0x197C0]  }
0x2d0: {  	v3 =	vld [tilespmem:s21+$0x197D0]  }
0x2d1: {  	v4 =	vld [tilespmem:s21+$0x197E0]  }
0x2d2: {  	v5 =	vld [tilespmem:s21+$0x197F0]  }
0x2d3: {  	v6 =	vld [tilespmem:s21+$0x19800]  }
0x2d4: {  	v7 =	vld [tilespmem:s21+$0x19810]  }
0x2d5: {  	v8 =	vld [tilespmem:s21+$0x19820]  }
0x2d6: {  	v9 =	vld [tilespmem:s21+$0x19830]  }
0x2d7: {  	v10 =	vld [tilespmem:s21+$0x19840]  }
0x2d8: {  	v11 =	vld [tilespmem:s21+$0x19850]  }
0x2d9: {  	v12 =	vld [tilespmem:s21+$0x19860]  }
0x2da: {  	v13 =	vld [tilespmem:s21+$0x19870]  }
0x2db: {  	v14 =	vld [tilespmem:s21+$0x19880]  }
0x2dc: {  	v15 =	vld [tilespmem:s21+$0x19890]  }
0x2dd: {  	v16 =	vld [tilespmem:s21+$0x198A0]  }
0x2de: {  	v17 =	vld [tilespmem:s21+$0x198B0]  }
0x2df: {  	v18 =	vld [tilespmem:s21+$0x198C0]  }
0x2e0: {  	v19 =	vld [tilespmem:s21+$0x198D0];
	v2 =	vmul.f32 v2, v0;
	v3 =	vmul.f32 v3, v1  }
0x2e1: {  	v20 =	vld [tilespmem:s21+$0x198E0];
	v4 =	vmul.f32 v4, v0;
	v5 =	vmul.f32 v5, v1  }
0x2e2: {  	v21 =	vld [tilespmem:s21+$0x198F0];
	v47 =	vmul.f32 v7, v1;
	v2 =	vadd.f32 v3, v2;
	v3 =	vmul.f32 v6, v0  }
0x2e3: {  	v22 =	vld [tilespmem:s21+$0x19900];
	v4 =	vadd.f32 v5, v4  }
0x2e4: {  	v48 =	vld [tilespmem:s21+$0x19910];
	v50 =	vmul.f32 v9, v1;
	(xrf2) =	vadd.scan.msk.f32 $0xffff, v2;
	v2 =	vadd.f32 v47, v3;
	v3 =	vmul.f32 v8, v0  }
0x2e5: {  	v49 =	vld [tilespmem:s21+$0x19920];
	v52 =	vmul.f32 v10, v0;
	v53 =	vmul.f32 v11, v1;
	(xrf2) =	vadd.scan.msk.f32 $0xffff, v4  }
0x2e6: {  	v51 =	vld [tilespmem:s21+$0x19930];
	v55 =	vmul.f32 v13, v1;
	(xrf2) =	vadd.scan.msk.f32 $0xffff, v2;
	v2 =	vadd.f32 v50, v3;
	v3 =	vmul.f32 v12, v0  }
0x2e7: {  	v54 =	vld [tilespmem:s21+$0x19940];
	v57 =	vmul.f32 v14, v0;
	v58 =	vmul.f32 v15, v1;
	v4 =	vadd.f32 v53, v52  }
0x2e8: {  	v56 =	vld [tilespmem:s21+$0x19950];
	v60 =	vmul.f32 v17, v1;
	(xrf2) =	vadd.scan.msk.f32 $0xffff, v2;
	v2 =	vadd.f32 v55, v3;
	v3 =	vmul.f32 v16, v0  }
0x2e9: {  	v59 =	vld [tilespmem:s21+$0x19960];
	v63 =	vmul.f32 v18, v0;
	v23 =	vmul.f32 v19, v1;
	v62 =	vadd.f32 v58, v57;
	(xrf2) =	vadd.scan.msk.f32 $0xffff, v4  }
0x2ea: {  	v61 =	vld [tilespmem:s21+$0x19970];
	v25 =	vmul.f32 v21, v1;
	(xrf2) =	vadd.scan.msk.f32 $0xffff, v2;
	v2 =	vadd.f32 v60, v3;
	v3 =	vmul.f32 v20, v0  }
0x2eb: {  	v24 =	vld [tilespmem:s21+$0x19980];
	v28 =	vmul.f32 v22, v0;
	v7 =	vmul.f32 v48, v1;
	(xrf2) =	vadd.scan.msk.f32 $0xffff, v62  }
0x2ec: {  	v26 =	vld [tilespmem:s21+$0x19990];
	v27 =	vadd.f32 v23, v63;
	(xrf2) =	vadd.scan.msk.f32 $0xffff, v2;
	v2 =	vadd.f32 v25, v3;
	v3 =	vmul.f32 v49, v0  }
0x2ed: {  	v34 =	vld [tilespmem:s21+$0x199B0];
	v29 =	vmul.f32 v51, v1  }
0x2ee: {  	v30 =	vld [tilespmem:s21+$0x199A0];
	v32 =	vmul.f32 v54, v0;
	v33 =	vmul.f32 v56, v1;
	v31 =	vadd.f32 v7, v28;
	(xrf2) =	vadd.scan.msk.f32 $0xffff, v27  }
0x2ef: {  	v35 =	vmul.f32 v59, v0;
	v36 =	vmul.f32 v61, v1;
	(xrf2) =	vadd.scan.msk.f32 $0xffff, v2;
	v2 =	vadd.f32 v29, v3  }
0x2f0: {  	v39 =	vmul.f32 v24, v0;
	v37 =	vadd.f32 v33, v32;
	v3, _, _ =	vpop (xrf2);
	(xrf2) =	vadd.scan.msk.f32 $0xffff, v31  }
0x2f1: {  	v40 =	vmul.f32 v26, v1;
	v38, _, _ =	vpop (xrf2);
	(xrf2) =	vadd.scan.msk.f32 $0xffff, v2;
	v2 =	vbroadcast v3, $0xF;
	v3 =	vadd.f32 v36, v35  }
0x2f2: {  	v45 =	vmul.f32 v34, v1;
	v41, _, _ =	vpop (xrf2);
	(xrf2) =	vadd.scan.msk.f32 $0xffff, v37  }
0x2f3: {  	v43 =	vadd.f32 v40, v39;
	v42 =	vbroadcast v38, $0xF;
	v44, _, _ =	vpop (xrf2);
	(xrf2) =	vadd.scan.msk.f32 $0xffff, v3;
	v3 =	vmul.f32 v30, v0  }
0x2f4: {  	v5 =	vbroadcast v41, $0xF  }
0x2f5: {  	v2 =	vsel vm0, v2, v42;
	v46 =	vbroadcast v44, $0xF;
	v47, _, _ =	vpop (xrf2);
	(xrf2) =	vadd.scan.msk.f32 $0xffff, v43;
	v3 =	vadd.f32 v45, v3  }
0x2f6: {  	v48, _, _ =	vpop (xrf2);
	v2 =	vsel vm1, v2, v5;
	v49 =	vbroadcast v47, $0xF  }
0x2f7: {  	v50, _, _ =	vpop (xrf2);
	v2 =	vsel vm2, v2, v46;
	v51 =	vbroadcast v48, $0xF  }
0x2f8: {  	v2 =	vsel vm3, v2, v49;
	v52 =	vbroadcast v50, $0xF;
	v53, _, _ =	vpop (xrf2)  }
0x2f9: {  	(xrf2) =	vadd.scan.msk.f32 $0xffff, v3;
	v2 =	vsel vm4, v2, v51;
	v54 =	vbroadcast v53, $0xF;
	v3, _, _ =	vpop (xrf2)  }
0x2fa: {  	v2 =	vsel vm5, v2, v52;
	v55, _, _ =	vpop (xrf2);
	v3 =	vbroadcast v3, $0xF  }
0x2fb: {  	v2 =	vsel vm6, v2, v54;
	v56, _, _ =	vpop (xrf2);
	v57 =	vbroadcast v55, $0xF  }
0x2fc: {  	v58, _, _ =	vpop (xrf2);
	v2 =	vsel vm7, v2, v3;
	v3 =	vbroadcast v56, $0xF  }
0x2fd: {  	v59, _, _ =	vpop (xrf2);
	v2 =	vsel vm8, v2, v57;
	v60 =	vbroadcast v58, $0xF  }
0x2fe: {  	v61, _, _ =	vpop (xrf2);
	v2 =	vsel vm9, v2, v3;
	v3 =	vbroadcast v59, $0xF  }
0x2ff: {  	v62, _, _ =	vpop (xrf2);
	v2 =	vsel vm10, v2, v60  }
0x300: {  	v2 =	vsel vm11, v2, v3;
	v3 =	vbroadcast v62, $0xF  }
0x301: {  	p0 =	sne.s32 s20, $0xD000;
	v63 =	vbroadcast v61, $0xF  }
.Ltmp8:
0x302: {  	_ = 	snop;
	(pc) =	sbr.rel @p0 .LBB2_19-.Ltmp8, $4  }
0x303: {  	v2 =	vsel vm12, v2, v63  }
0x304: {  	v2 =	vsel vm13, v2, v3;
	v3, _, _ =	vpop (xrf2)  }
0x305: {  	v2 =	vsel vm14, v2, v3  }
0x306: {  	s20 =	sadd.s32 $0x800, s20;
	[tilespmem:s12+$0x0] =	vst v2;
	s12 =	sadd.s32 $0x10, s12  }
0x307: {  	s12 =	smul.u32 $0x36, s13;
	s11 =	sadd.s32 $0x1, s11  }
0x308: {  	p0 =	sne.s32 s11, $0x10  }
.Ltmp9:
0x309: {  	s12 =	sadd.s32 s8, s12;
	(pc) =	sbr.rel @p0 .LBB2_2-.Ltmp9, $4  }
0x30a: {  	[hbm4b:s12+s2] =	stream.linear.scatter [tilespmem:s10], [sflag:$0x3], $0x6C0, $0x38;
	[tilespmem:$0x1DB40] =	vst v63  }
0x30b: {  	_ =	swait.ge [sflag:s14], $0x6C0  }
0x30c: {  	[sflag:s14] =	ssyncset.done $0x0  }
0x30d: {  	[sflag:s14] =	ssyncadd.s32 $0xFFFFF940  }
0x30e: {  	s12 =	rddreg [dreg:$0x9]  }
0x30f: {  	s11 =	rddreg [dreg:$0x8];
	s12 =	sadd.s32 $0x1, s12  }
0x310: {  	p0 =	sne.s32 s12, s11  }
.Ltmp10:
0x311: {  	_ = 	snop;
	(pc) =	sbr.rel @p0 .LBB2_1-.Ltmp10, $1  }
0x312: {  	_ =	sdelay $0x3  }
0x313: {  	_ =	sfence.sel $0x180000  }
0x314: {  	[bflag:$0x0] =	sbarrier.arrive $0xFFFF  }
0x315: {  	_ =	strace $0x90000047  }
0x316: {  	s0 =	stileid.u32;
	[bflag:$0x2] =	sbarrier.arrive $0xFFFF  }
0x317: {  	p0 =	sne.s32 s0, $0x0;
	s0 =	rddreg [dreg:$0x2]  }
0x318: {  	s0 =	sadd.s32 @!p0 $0x100000, s0  }
0x319: {  	[sflag:s0] =	ssyncadd.tile.s32 @!p0 $0x1;
	_ =	shalt  }
.Lfunc_end2:
_tile_overlayer_lowered:
.L_overlay_start_2:
0x31a: {  	(tag) =	ssettag $0x2  }
0x31b: {  	s0 =	rddreg [dreg:$0x0];
	s2 =	stileid.u32  }
0x31c: {  	s1 =	rddreg [dreg:$0x1];
	p0 =	sne.s32 s2, $0x0  }
0x31d: {  	s3 =	rddreg [dreg:$0x2];
	[bflag:$0x3] =	sbarrier.arrive $0xFFFF;
	s2 =	simm.s32 @!p0 $0x1C03  }
0x31e: {  	[timem:s3], [sflag:s2] =	dma.local @!p0 [hbm:s0], s1  }
0x31f: {  	s0 =	simm.s32 @!p0 $0x3  }
0x320: {  	_ =	swait.ge @!p0 [sflag:s0], s1  }
0x321: {  	s1 =	ssub.s32 @!p0 $0x0, s1;
	[sflag:s0] =	ssyncset.done @!p0 $0x0  }
0x322: {  	[sflag:s0] =	ssyncadd.s32 @!p0 s1  }
0x323: {  	[bflag:$0x3] =	sbarrier.arrive $0xFFFF  }
0x324: {  	_ =	shalt  }

</sc_bundles>
